<compile_context>
chip_gen: v7x
topology: tpu7x:2x2x1
jax: 0.10.2.dev20260603
libtpu: 0.0.44.dev20260713+nightly
codegen_flags: <defaults>
</compile_context>

<pallas_src>
import functools

import jax
import jax.numpy as jnp
from jax import lax
from jax.experimental import pallas as pl
from jax.experimental.pallas import tpu as pltpu
from jax.experimental.pallas import tpu_sc as plsc

ALPHA = -50.0


def _blend(v, b0, b1, b2, b3):
    c1 = v < b1
    c2 = v < b2
    lo = jnp.where(c1, b0, jnp.where(c2, b1, b2))
    hi = jnp.where(c1, b1, jnp.where(c2, b2, b3))
    z = ALPHA * (lo + hi - (v + v))
    w = 1.0 / (1.0 + jnp.exp(-z))
    return lo + (hi - lo) * w


def _tc_body(x_ref, bins_ref, o_ref):
    v = x_ref[...]
    b0, b1, b2, b3 = bins_ref[0], bins_ref[1], bins_ref[2], bins_ref[3]
    m01, m12, m23 = 0.5 * (b0 + b1), 0.5 * (b1 + b2), 0.5 * (b2 + b3)
    h01, h12, h23 = 0.5 * (b1 - b0), 0.5 * (b2 - b1), 0.5 * (b3 - b2)
    c1 = v < b1
    c2 = v < b2
    mid = jnp.where(c1, m01, jnp.where(c2, m12, m23))
    h = jnp.where(c1, h01, jnp.where(c2, h12, h23))
    o_ref[...] = mid + h * jnp.tanh((-ALPHA) * (v - mid))


def _tc_kernel(x, bins):
    B, F, C = x.shape
    xt = jnp.transpose(x, (1, 0, 2))
    blk = 512
    out = pl.pallas_call(
        _tc_body,
        grid=(B // blk,),
        in_specs=[
            pl.BlockSpec((F, blk, C), lambda i: (0, i, 0)),
            pl.BlockSpec(memory_space=pltpu.SMEM),
        ],
        out_specs=pl.BlockSpec((F, blk, C), lambda i: (0, i, 0)),
        out_shape=jax.ShapeDtypeStruct((F, B, C), x.dtype),
    )(xt, bins)
    return jnp.transpose(out, (1, 0, 2))


_NC, _NS, _L = 2, 16, 16
_NW = _NC * _NS
_CH = 64


def _sc_body(x_hbm, bins_hbm, out_hbm, inb, outb, binsv):
    F, B, C = x_hbm.shape
    wid = lax.axis_index("s") * _NC + lax.axis_index("c")
    rows_per_tile = B // _NW
    n_chunks = rows_per_tile // _CH
    pltpu.sync_copy(bins_hbm, binsv.at[pl.ds(0, 4)])
    bvec = binsv[...]
    b0 = bvec[0]
    b1 = bvec[1]
    b2 = bvec[2]
    b3 = bvec[3]

    def fstep(f, carry):
        def chunk_step(ci, carry2):
            base = wid * rows_per_tile + ci * _CH
            pltpu.sync_copy(x_hbm.at[f, pl.ds(base, _CH), :], inb)

            def row(r, carry3):
                for j in range(C // _L):
                    v = inb[r, pl.ds(j * _L, _L)]
                    outb[r, pl.ds(j * _L, _L)] = _blend(v, b0, b1, b2, b3)
                return carry3

            lax.fori_loop(0, _CH, row, 0)
            pltpu.sync_copy(outb, out_hbm.at[f, pl.ds(base, _CH), :])
            return carry2

        lax.fori_loop(0, n_chunks, chunk_step, 0)
        return carry

    lax.fori_loop(0, F, fstep, 0)


def _sc_body2(x_hbm, bins_hbm, out_hbm, inb0, inb1, outb0, outb1, binsv,
              isem0, isem1, osem0, osem1):
    F, B, C = x_hbm.shape
    wid = lax.axis_index("s") * _NC + lax.axis_index("c")
    rows_per_tile = B // _NW
    npf = rows_per_tile // _CH
    nk = F * npf
    inb = (inb0, inb1)
    outb = (outb0, outb1)
    isem = (isem0, isem1)
    osem = (osem0, osem1)
    pltpu.sync_copy(bins_hbm, binsv.at[pl.ds(0, 4)])
    bvec = binsv[...]
    b0, b1, b2, b3 = bvec[0], bvec[1], bvec[2], bvec[3]

    def refs(k):
        f = k // npf
        c = k % npf
        base = wid * rows_per_tile + c * _CH
        return (x_hbm.at[f, pl.ds(base, _CH), :],
                out_hbm.at[f, pl.ds(base, _CH), :])

    for b in range(2):
        sin, _ = refs(b)
        pltpu.async_copy(sin, inb[b], isem[b])

    def step(i, carry):
        k0 = i * 2
        for b in range(2):
            k = k0 + b
            sin, sout = refs(k)
            pltpu.make_async_copy(sin, inb[b], isem[b]).wait()

            @pl.when(k >= 2)
            def _():
                _, pout = refs(k - 2)
                pltpu.make_async_copy(outb[b], pout, osem[b]).wait()

            def row(r, carry3):
                for j in range(C // _L):
                    v = inb[b][r, pl.ds(j * _L, _L)]
                    outb[b][r, pl.ds(j * _L, _L)] = _blend(v, b0, b1, b2, b3)
                return carry3

            lax.fori_loop(0, _CH, row, 0)
            pltpu.async_copy(outb[b], sout, osem[b])

            @pl.when(k + 2 < nk)
            def _():
                snext, _ = refs(k + 2)
                pltpu.async_copy(snext, inb[b], isem[b])
        return carry

    lax.fori_loop(0, nk // 2, step, 0)
    for b in range(2):
        _, pout = refs(nk - 2 + b)
        pltpu.make_async_copy(outb[b], pout, osem[b]).wait()


def _sc_kernel2(x, bins):
    B, F, C = x.shape
    xt = jnp.transpose(x, (1, 0, 2))
    run = functools.partial(
        pl.kernel,
        mesh=plsc.VectorSubcoreMesh(core_axis_name="c", subcore_axis_name="s"),
        out_type=jax.ShapeDtypeStruct((F, B, C), jnp.float32),
        scratch_types=[
            pltpu.VMEM((_CH, C), jnp.float32),
            pltpu.VMEM((_CH, C), jnp.float32),
            pltpu.VMEM((_CH, C), jnp.float32),
            pltpu.VMEM((_CH, C), jnp.float32),
            pltpu.VMEM((16,), jnp.float32),
            pltpu.SemaphoreType.DMA,
            pltpu.SemaphoreType.DMA,
            pltpu.SemaphoreType.DMA,
            pltpu.SemaphoreType.DMA,
        ],
    )(_sc_body2)
    out = run(xt, bins)
    return jnp.transpose(out, (1, 0, 2))


def _sc_kernel(x, bins):
    B, F, C = x.shape
    xt = jnp.transpose(x, (1, 0, 2))
    run = functools.partial(
        pl.kernel,
        mesh=plsc.VectorSubcoreMesh(core_axis_name="c", subcore_axis_name="s"),
        out_type=jax.ShapeDtypeStruct((F, B, C), jnp.float32),
        scratch_types=[
            pltpu.VMEM((_CH, C), jnp.float32),
            pltpu.VMEM((_CH, C), jnp.float32),
            pltpu.VMEM((16,), jnp.float32),
        ],
    )(_sc_body)
    out = run(xt, bins)
    return jnp.transpose(out, (1, 0, 2))


def kernel(x, bins):
    return _sc_kernel2(x, bins)

# --- scband reference (transcript-rebuilt; emitter-appended) ---
"""Pipeline reference for scband-scalar-softmax-quantization-55834574848320 (READ-ONLY COPY).

The authoritative reference and input builder live on the scoring server;
editing this copy changes nothing except your own understanding.
"""

import jax, jax.numpy as jnp
import numpy as np

BATCH = 4096
FEAT_MAPS = 21
CODE_LENGTH = 256
NUM_KERNELS = 4


def setup_inputs(seed: int = 0) -> dict:
    key = jax.random.key(seed)
    x = jax.random.normal(jax.random.fold_in(key, 0), (BATCH, FEAT_MAPS, CODE_LENGTH), dtype=jnp.float32)
    # learned codebook parameter 'bins' (num_kmean_kernels scalar centroids)
    bins = jnp.array([-1.0, -0.3333333, 0.3333333, 1.0], dtype=jnp.float32)
    return {"x": x, "bins": bins}


def reference(x, bins):
    # Faithful translation of ScalarSoftmaxQuantization.forward in training mode
    # (nn.Module defaults to training=True, so soft assignment branch is used).
    alpha = -50.0  # __init__ hard-codes self.alpha = -50 regardless of the arg
    input_size = x.shape  # [B, feat_maps, code_length]
    # torch: unsqueeze last dim then expand to [B, F, C, K]; broadcasting is equivalent
    floating_code = x[..., None]  # [B, F, C, 1]
    bins_expand = jnp.reshape(bins, (1, 1, 1, -1))  # [1, 1, 1, K]
    dist = jnp.abs(floating_code - bins_expand)  # [B, F, C, K]
    soft_assignment = jax.nn.softmax(alpha * dist, axis=-1)  # softmax over bins axis
    # bit_code = assignment @ bins -> [B, F, C]
    bit_code = jnp.matmul(soft_assignment, bins)
    return bit_code

if __name__ == "__main__":
    import jax
    _d = setup_inputs()
    print(jax.jit(kernel)(*tuple(_d.values())))

</pallas_src>

<mosaic_0001>
#map = affine_map<(d0, d1) -> (0, 0, 0)>
#map1 = affine_map<(d0, d1) -> (0)>
module attributes {stable_mosaic.version = 14 : i64} {
  func.func @_sc_body2(%arg0: i32, %arg1: i32, %arg2: memref<21x4096x256xf32, #tpu.memory_space<hbm>>, %arg3: memref<4xf32, #tpu.memory_space<hbm>>, %arg4: memref<21x4096x256xf32, #tpu.memory_space<hbm>>, %arg5: memref<64x256xf32, #tpu.memory_space<vmem>>, %arg6: memref<64x256xf32, #tpu.memory_space<vmem>>, %arg7: memref<64x256xf32, #tpu.memory_space<vmem>>, %arg8: memref<64x256xf32, #tpu.memory_space<vmem>>, %arg9: memref<16xf32, #tpu.memory_space<vmem>>, %arg10: memref<!tpu.dma_semaphore, #tpu.memory_space<semaphore_mem>>, %arg11: memref<!tpu.dma_semaphore, #tpu.memory_space<semaphore_mem>>, %arg12: memref<!tpu.dma_semaphore, #tpu.memory_space<semaphore_mem>>, %arg13: memref<!tpu.dma_semaphore, #tpu.memory_space<semaphore_mem>>) attributes {dimension_semantics = [#tpu.dimension_semantics<core_parallel>, #tpu.dimension_semantics<subcore_parallel>], iteration_bounds = array<i64: 2, 16>, scalar_prefetch = 0 : i64, scratch_operands = 9 : i64, tpu.core_type = #tpu.core_type<sc_vector_subcore>, window_params = [{transform_indices = #map}, {transform_indices = #map1}, {transform_indices = #map}]} {
    %mul3A = arith.constant 2 : i32
    %mul3A_0 = arith.muli %arg1, %mul3A : i32
    %add3A = arith.addi %mul3A_0, %arg0 : i32
    "tpu.region"() ({
      %run_scoped3A = tpu.sem_alloc : memref<!tpu.dma_semaphore, #tpu.memory_space<semaphore_mem>>
      %dma_start3A_56 = arith.constant 0 : i32
      %dma_start3A_57 = tpu.memref_slice %arg9[%dma_start3A_56] : memref<16xf32, #tpu.memory_space<vmem>> -> memref<4xf32, #tpu.memory_space<vmem>>
      %dma_start3A_58 = arith.constant 0 : i32
      %dma_start3A_59 = tpu.memref_slice %arg9[%dma_start3A_58] : memref<16xf32, #tpu.memory_space<vmem>> -> memref<4xf32, #tpu.memory_space<vmem>>
      tpu.enqueue_dma source(%arg3 : memref<4xf32, #tpu.memory_space<hbm>>) target(%dma_start3A_59 : memref<4xf32, #tpu.memory_space<vmem>>) target_semaphore(%run_scoped3A : memref<!tpu.dma_semaphore, #tpu.memory_space<semaphore_mem>>)
      %dma_wait3A_60 = arith.constant 0 : i32
      %dma_wait3A_61 = tpu.memref_slice %arg9[%dma_wait3A_60] : memref<16xf32, #tpu.memory_space<vmem>> -> memref<4xf32, #tpu.memory_space<vmem>>
      %dma_wait3A_62 = arith.constant 0 : i32
      %dma_wait3A_63 = tpu.memref_slice %arg9[%dma_wait3A_62] : memref<16xf32, #tpu.memory_space<vmem>> -> memref<4xf32, #tpu.memory_space<vmem>>
      tpu.wait_dma2 semaphore(%run_scoped3A : memref<!tpu.dma_semaphore, #tpu.memory_space<semaphore_mem>>) src(%arg3 : memref<4xf32, #tpu.memory_space<hbm>>) dst(%dma_wait3A_63 : memref<4xf32, #tpu.memory_space<vmem>>)
      tpu.yield
    }) : () -> ()
    %get3A = arith.constant 0 : index
    %get3A_1 = tpu.vector_load %arg9[%get3A] {strides = array<i32>} : memref<16xf32, #tpu.memory_space<vmem>>, vector<16xf32>,
    %get3A_2 = vector.shape_cast %get3A_1 : vector<16xf32> to vector<16xf32>
    %slice3A = vector.extract_strided_slice %get3A_2 {offsets = [0], sizes = [1], strides = [1]} : vector<16xf32> to vector<1xf32>
    %squeeze3A = vector.extract %slice3A[0] : f32 from vector<1xf32>
    %slice3A_3 = vector.extract_strided_slice %get3A_2 {offsets = [1], sizes = [1], strides = [1]} : vector<16xf32> to vector<1xf32>
    %squeeze3A_4 = vector.extract %slice3A_3[0] : f32 from vector<1xf32>
    %slice3A_5 = vector.extract_strided_slice %get3A_2 {offsets = [2], sizes = [1], strides = [1]} : vector<16xf32> to vector<1xf32>
    %squeeze3A_6 = vector.extract %slice3A_5[0] : f32 from vector<1xf32>
    %slice3A_7 = vector.extract_strided_slice %get3A_2 {offsets = [3], sizes = [1], strides = [1]} : vector<16xf32> to vector<1xf32>
    %squeeze3A_8 = vector.extract %slice3A_7[0] : f32 from vector<1xf32>
    %mul3A_9 = arith.constant 128 : i32
    %mul3A_10 = arith.muli %add3A, %mul3A_9 : i32
    %add3A_11 = arith.constant 0 : i32
    %add3A_12 = arith.addi %mul3A_10, %add3A_11 : i32
    %dma_start3A = arith.constant 0 : i32
    %dma_start3A_13 = arith.constant 0 : i32
    %dma_start3A_14 = tpu.memref_slice %arg2[%dma_start3A, %add3A_12, %dma_start3A_13] : memref<21x4096x256xf32, #tpu.memory_space<hbm>> -> memref<1x64x256xf32, #tpu.memory_space<hbm>>
    %dma_start3A_15 = tpu.memref_squeeze %dma_start3A_14 : memref<1x64x256xf32, #tpu.memory_space<hbm>> -> memref<64x256xf32, #tpu.memory_space<hbm>>
    %dma_start3A_16 = arith.constant 0 : i32
    %dma_start3A_17 = tpu.memref_slice %arg2[%dma_start3A, %add3A_12, %dma_start3A_16] : memref<21x4096x256xf32, #tpu.memory_space<hbm>> -> memref<1x64x256xf32, #tpu.memory_space<hbm>>
    %dma_start3A_18 = tpu.memref_squeeze %dma_start3A_17 : memref<1x64x256xf32, #tpu.memory_space<hbm>> -> memref<64x256xf32, #tpu.memory_space<hbm>>
    tpu.enqueue_dma source(%dma_start3A_18 : memref<64x256xf32, #tpu.memory_space<hbm>>) target(%arg5 : memref<64x256xf32, #tpu.memory_space<vmem>>) target_semaphore(%arg10 : memref<!tpu.dma_semaphore, #tpu.memory_space<semaphore_mem>>)
    %mul3A_19 = arith.constant 128 : i32
    %mul3A_20 = arith.muli %add3A, %mul3A_19 : i32
    %add3A_21 = arith.constant 64 : i32
    %add3A_22 = arith.addi %mul3A_20, %add3A_21 : i32
    %dma_start3A_23 = arith.constant 0 : i32
    %dma_start3A_24 = arith.constant 0 : i32
    %dma_start3A_25 = tpu.memref_slice %arg2[%dma_start3A_23, %add3A_22, %dma_start3A_24] : memref<21x4096x256xf32, #tpu.memory_space<hbm>> -> memref<1x64x256xf32, #tpu.memory_space<hbm>>
    %dma_start3A_26 = tpu.memref_squeeze %dma_start3A_25 : memref<1x64x256xf32, #tpu.memory_space<hbm>> -> memref<64x256xf32, #tpu.memory_space<hbm>>
    %dma_start3A_27 = arith.constant 0 : i32
    %dma_start3A_28 = tpu.memref_slice %arg2[%dma_start3A_23, %add3A_22, %dma_start3A_27] : memref<21x4096x256xf32, #tpu.memory_space<hbm>> -> memref<1x64x256xf32, #tpu.memory_space<hbm>>
    %dma_start3A_29 = tpu.memref_squeeze %dma_start3A_28 : memref<1x64x256xf32, #tpu.memory_space<hbm>> -> memref<64x256xf32, #tpu.memory_space<hbm>>
    tpu.enqueue_dma source(%dma_start3A_29 : memref<64x256xf32, #tpu.memory_space<hbm>>) target(%arg6 : memref<64x256xf32, #tpu.memory_space<vmem>>) target_semaphore(%arg11 : memref<!tpu.dma_semaphore, #tpu.memory_space<semaphore_mem>>)
    %scan3A = arith.constant 0 : i32
    %scan3A_30 = arith.constant 0 : i32
    %scan3A_31 = arith.constant 21 : i32
    %scan3A_32 = arith.addi %scan3A_30, %scan3A_31 : i32
    %scan3A_33 = arith.constant 1 : i32
    scf.for %scan3A_56 = %scan3A_30 to %scan3A_32 step %scan3A_33  : i32 {
      %mul3A_57 = arith.constant 2 : i32
      %mul3A_58 = arith.muli %scan3A_56, %mul3A_57 : i32
      %add3A_59 = arith.constant 0 : i32
      %add3A_60 = arith.addi %mul3A_58, %add3A_59 : i32
      %jit3A = arith.constant 2 : i32
      %div3A = arith.divsi %add3A_60, %jit3A : i32
      %sign3A = arith.constant 0 : i32
      %sign3A_61 = arith.cmpi sgt, %add3A_60, %sign3A : i32
      %sign3A_62 = arith.extui %sign3A_61 : i1 to i32
      %sign3A_63 = arith.constant 0 : i32
      %sign3A_64 = arith.cmpi slt, %add3A_60, %sign3A_63 : i32
      %sign3A_65 = arith.extui %sign3A_64 : i1 to i32
      %sign3A_66 = arith.subi %sign3A_62, %sign3A_65 : i32
      %sign3A_67 = arith.constant 0 : i32
      %sign3A_68 = arith.cmpi sgt, %jit3A, %sign3A_67 : i32
      %sign3A_69 = arith.extui %sign3A_68 : i1 to i32
      %sign3A_70 = arith.constant 0 : i32
      %sign3A_71 = arith.cmpi slt, %jit3A, %sign3A_70 : i32
      %sign3A_72 = arith.extui %sign3A_71 : i1 to i32
      %sign3A_73 = arith.subi %sign3A_69, %sign3A_72 : i32
      %ne3A = arith.cmpi ne, %sign3A_66, %sign3A_73 : i32
      %rem3A = arith.remsi %add3A_60, %jit3A : i32
      %ne3A_74 = arith.constant 0 : i32
      %ne3A_75 = arith.cmpi ne, %rem3A, %ne3A_74 : i32
      %and3A = arith.andi %ne3A, %ne3A_75 : i1
      %sub3A = arith.constant 1 : i32
      %sub3A_76 = arith.subi %div3A, %sub3A : i32
      %select_n3A = arith.select %and3A, %sub3A_76, %div3A : i32
      %jit3A_77 = arith.constant 2 : i32
      %eq3A = arith.constant 0 : i32
      %eq3A_78 = arith.cmpi eq, %jit3A_77, %eq3A : i32
      %jit3A_79 = arith.constant 1 : i32
      %select_n3A_80 = arith.select %eq3A_78, %jit3A_79, %jit3A_77 : i32
      %rem3A_81 = arith.remsi %add3A_60, %select_n3A_80 : i32
      %ne3A_82 = arith.constant 0 : i32
      %ne3A_83 = arith.cmpi ne, %rem3A_81, %ne3A_82 : i32
      %lt3A = arith.constant 0 : i32
      %lt3A_84 = arith.cmpi slt, %rem3A_81, %lt3A : i32
      %lt3A_85 = arith.constant 0 : i32
      %lt3A_86 = arith.cmpi slt, %select_n3A_80, %lt3A_85 : i32
      %ne3A_87 = arith.xori %lt3A_84, %lt3A_86 : i1
      %and3A_88 = arith.andi %ne3A_87, %ne3A_83 : i1
      %add3A_89 = arith.addi %rem3A_81, %select_n3A_80 : i32
      %select_n3A_90 = arith.select %and3A_88, %add3A_89, %rem3A_81 : i32
      %mul3A_91 = arith.constant 128 : i32
      %mul3A_92 = arith.muli %add3A, %mul3A_91 : i32
      %mul3A_93 = arith.constant 64 : i32
      %mul3A_94 = arith.muli %select_n3A_90, %mul3A_93 : i32
      %add3A_95 = arith.addi %mul3A_92, %mul3A_94 : i32
      %dma_wait3A_96 = arith.constant 0 : i32
      %dma_wait3A_97 = tpu.memref_slice %arg2[%select_n3A, %add3A_95, %dma_wait3A_96] : memref<21x4096x256xf32, #tpu.memory_space<hbm>> -> memref<1x64x256xf32, #tpu.memory_space<hbm>>
      %dma_wait3A_98 = tpu.memref_squeeze %dma_wait3A_97 : memref<1x64x256xf32, #tpu.memory_space<hbm>> -> memref<64x256xf32, #tpu.memory_space<hbm>>
      %dma_wait3A_99 = arith.constant 0 : i32
      %dma_wait3A_100 = tpu.memref_slice %arg2[%select_n3A, %add3A_95, %dma_wait3A_99] : memref<21x4096x256xf32, #tpu.memory_space<hbm>> -> memref<1x64x256xf32, #tpu.memory_space<hbm>>
      %dma_wait3A_101 = tpu.memref_squeeze %dma_wait3A_100 : memref<1x64x256xf32, #tpu.memory_space<hbm>> -> memref<64x256xf32, #tpu.memory_space<hbm>>
      tpu.wait_dma2 semaphore(%arg10 : memref<!tpu.dma_semaphore, #tpu.memory_space<semaphore_mem>>) src(%dma_wait3A_101 : memref<64x256xf32, #tpu.memory_space<hbm>>) dst(%arg5 : memref<64x256xf32, #tpu.memory_space<vmem>>)
      %ge3A = arith.constant 2 : i32
      %ge3A_102 = arith.cmpi sge, %add3A_60, %ge3A : i32
      %convert_element_type3A = arith.extui %ge3A_102 : i1 to i32
      %cond3A = arith.constant 0 : i32
      %cond3A_103 = arith.cmpi ne, %convert_element_type3A, %cond3A : i32
      scf.if %cond3A_103 {
        %sub3A_200 = arith.constant 2 : i32
        %sub3A_201 = arith.subi %add3A_60, %sub3A_200 : i32
        %jit3A_202 = arith.constant 2 : i32
        %div3A_203 = arith.divsi %sub3A_201, %jit3A_202 : i32
        %sign3A_204 = arith.constant 0 : i32
        %sign3A_205 = arith.cmpi sgt, %sub3A_201, %sign3A_204 : i32
        %sign3A_206 = arith.extui %sign3A_205 : i1 to i32
        %sign3A_207 = arith.constant 0 : i32
        %sign3A_208 = arith.cmpi slt, %sub3A_201, %sign3A_207 : i32
        %sign3A_209 = arith.extui %sign3A_208 : i1 to i32
        %sign3A_210 = arith.subi %sign3A_206, %sign3A_209 : i32
        %sign3A_211 = arith.constant 0 : i32
        %sign3A_212 = arith.cmpi sgt, %jit3A_202, %sign3A_211 : i32
        %sign3A_213 = arith.extui %sign3A_212 : i1 to i32
        %sign3A_214 = arith.constant 0 : i32
        %sign3A_215 = arith.cmpi slt, %jit3A_202, %sign3A_214 : i32
        %sign3A_216 = arith.extui %sign3A_215 : i1 to i32
        %sign3A_217 = arith.subi %sign3A_213, %sign3A_216 : i32
        %ne3A_218 = arith.cmpi ne, %sign3A_210, %sign3A_217 : i32
        %rem3A_219 = arith.remsi %sub3A_201, %jit3A_202 : i32
        %ne3A_220 = arith.constant 0 : i32
        %ne3A_221 = arith.cmpi ne, %rem3A_219, %ne3A_220 : i32
        %and3A_222 = arith.andi %ne3A_218, %ne3A_221 : i1
        %sub3A_223 = arith.constant 1 : i32
        %sub3A_224 = arith.subi %div3A_203, %sub3A_223 : i32
        %select_n3A_225 = arith.select %and3A_222, %sub3A_224, %div3A_203 : i32
        %jit3A_226 = arith.constant 2 : i32
        %eq3A_227 = arith.constant 0 : i32
        %eq3A_228 = arith.cmpi eq, %jit3A_226, %eq3A_227 : i32
        %jit3A_229 = arith.constant 1 : i32
        %select_n3A_230 = arith.select %eq3A_228, %jit3A_229, %jit3A_226 : i32
        %rem3A_231 = arith.remsi %sub3A_201, %select_n3A_230 : i32
        %ne3A_232 = arith.constant 0 : i32
        %ne3A_233 = arith.cmpi ne, %rem3A_231, %ne3A_232 : i32
        %lt3A_234 = arith.constant 0 : i32
        %lt3A_235 = arith.cmpi slt, %rem3A_231, %lt3A_234 : i32
        %lt3A_236 = arith.constant 0 : i32
        %lt3A_237 = arith.cmpi slt, %select_n3A_230, %lt3A_236 : i32
        %ne3A_238 = arith.xori %lt3A_235, %lt3A_237 : i1
        %and3A_239 = arith.andi %ne3A_238, %ne3A_233 : i1
        %add3A_240 = arith.addi %rem3A_231, %select_n3A_230 : i32
        %select_n3A_241 = arith.select %and3A_239, %add3A_240, %rem3A_231 : i32
        %mul3A_242 = arith.constant 128 : i32
        %mul3A_243 = arith.muli %add3A, %mul3A_242 : i32
        %mul3A_244 = arith.constant 64 : i32
        %mul3A_245 = arith.muli %select_n3A_241, %mul3A_244 : i32
        %add3A_246 = arith.addi %mul3A_243, %mul3A_245 : i32
        %dma_wait3A_247 = arith.constant 0 : i32
        %dma_wait3A_248 = tpu.memref_slice %arg4[%select_n3A_225, %add3A_246, %dma_wait3A_247] : memref<21x4096x256xf32, #tpu.memory_space<hbm>> -> memref<1x64x256xf32, #tpu.memory_space<hbm>>
        %dma_wait3A_249 = tpu.memref_squeeze %dma_wait3A_248 : memref<1x64x256xf32, #tpu.memory_space<hbm>> -> memref<64x256xf32, #tpu.memory_space<hbm>>
        %dma_wait3A_250 = arith.constant 0 : i32
        %dma_wait3A_251 = tpu.memref_slice %arg4[%select_n3A_225, %add3A_246, %dma_wait3A_250] : memref<21x4096x256xf32, #tpu.memory_space<hbm>> -> memref<1x64x256xf32, #tpu.memory_space<hbm>>
        %dma_wait3A_252 = tpu.memref_squeeze %dma_wait3A_251 : memref<1x64x256xf32, #tpu.memory_space<hbm>> -> memref<64x256xf32, #tpu.memory_space<hbm>>
        tpu.wait_dma2 semaphore(%arg12 : memref<!tpu.dma_semaphore, #tpu.memory_space<semaphore_mem>>) src(%arg7 : memref<64x256xf32, #tpu.memory_space<vmem>>) dst(%dma_wait3A_252 : memref<64x256xf32, #tpu.memory_space<hbm>>)
      } else {
      }
      %scan3A_104 = arith.constant 0 : i32
      %scan3A_105 = arith.constant 0 : i32
      %scan3A_106 = arith.constant 64 : i32
      %scan3A_107 = arith.addi %scan3A_105, %scan3A_106 : i32
      %scan3A_108 = arith.constant 1 : i32
      scf.for %scan3A_200 = %scan3A_105 to %scan3A_107 step %scan3A_108  : i32 {
        %get3A_201 = arith.index_cast %scan3A_200 : i32 to index
        %get3A_202 = arith.constant 0 : index
        %get3A_203 = tpu.vector_load %arg5[%get3A_201, %get3A_202] {strides = array<i32>} : memref<64x256xf32, #tpu.memory_space<vmem>>, vector<1x16xf32>,
        %get3A_204 = vector.shape_cast %get3A_203 : vector<1x16xf32> to vector<16xf32>
        %lt3A_205 = vector.broadcast %squeeze3A_4 : f32 to vector<16xf32>
        %lt3A_206 = arith.cmpf olt, %get3A_204, %lt3A_205 : vector<16xf32>
        %lt3A_207 = vector.broadcast %squeeze3A_6 : f32 to vector<16xf32>
        %lt3A_208 = arith.cmpf olt, %get3A_204, %lt3A_207 : vector<16xf32>
        %broadcast_in_dim3A = vector.broadcast %squeeze3A_4 : f32 to vector<16xf32>
        %broadcast_in_dim3A_209 = vector.broadcast %squeeze3A_6 : f32 to vector<16xf32>
        %select_n3A_210 = arith.select %lt3A_208, %broadcast_in_dim3A, %broadcast_in_dim3A_209 : vector<16xi1>, vector<16xf32>
        %broadcast_in_dim3A_211 = vector.broadcast %squeeze3A : f32 to vector<16xf32>
        %select_n3A_212 = arith.select %lt3A_206, %broadcast_in_dim3A_211, %select_n3A_210 : vector<16xi1>, vector<16xf32>
        %broadcast_in_dim3A_213 = vector.broadcast %squeeze3A_6 : f32 to vector<16xf32>
        %broadcast_in_dim3A_214 = vector.broadcast %squeeze3A_8 : f32 to vector<16xf32>
        %select_n3A_215 = arith.select %lt3A_208, %broadcast_in_dim3A_213, %broadcast_in_dim3A_214 : vector<16xi1>, vector<16xf32>
        %broadcast_in_dim3A_216 = vector.broadcast %squeeze3A_4 : f32 to vector<16xf32>
        %select_n3A_217 = arith.select %lt3A_206, %broadcast_in_dim3A_216, %select_n3A_215 : vector<16xi1>, vector<16xf32>
        %add3A_218 = arith.addf %select_n3A_212, %select_n3A_217 : vector<16xf32>
        %add3A_219 = arith.addf %get3A_204, %get3A_204 : vector<16xf32>
        %sub3A_220 = arith.subf %add3A_218, %add3A_219 : vector<16xf32>
        %mul3A_221 = arith.constant -5.000000e+01 : f32
        %mul3A_222 = vector.broadcast %mul3A_221 : f32 to vector<16xf32>
        %mul3A_223 = arith.mulf %mul3A_222, %sub3A_220 : vector<16xf32>
        %neg3A = arith.constant 0.000000e+00 : f32
        %neg3A_224 = vector.broadcast %neg3A : f32 to vector<16xf32>
        %neg3A_225 = arith.subf %neg3A_224, %mul3A_223 : vector<16xf32>
        %exp3A = math.exp %neg3A_225 : vector<16xf32>
        %add3A_226 = arith.constant 1.000000e+00 : f32
        %add3A_227 = vector.broadcast %add3A_226 : f32 to vector<16xf32>
        %add3A_228 = arith.addf %add3A_227, %exp3A : vector<16xf32>
        %div3A_229 = arith.constant 1.000000e+00 : f32
        %div3A_230 = vector.broadcast %div3A_229 : f32 to vector<16xf32>
        %div3A_231 = arith.divf %div3A_230, %add3A_228 : vector<16xf32>
        %sub3A_232 = arith.subf %select_n3A_217, %select_n3A_212 : vector<16xf32>
        %mul3A_233 = arith.mulf %sub3A_232, %div3A_231 : vector<16xf32>
        %add3A_234 = arith.addf %select_n3A_212, %mul3A_233 : vector<16xf32>
        %swap3A = arith.index_cast %scan3A_200 : i32 to index
        %swap3A_235 = arith.constant 0 : index
        %swap3A_236 = tpu.vector_load %arg7[%swap3A, %swap3A_235] {strides = array<i32>} : memref<64x256xf32, #tpu.memory_space<vmem>>, vector<1x16xf32>,
        %swap3A_237 = vector.shape_cast %swap3A_236 : vector<1x16xf32> to vector<16xf32>
        %swap3A_238 = vector.shape_cast %add3A_234 : vector<16xf32> to vector<1x16xf32>
        tpu.vector_store %arg7[%swap3A, %swap3A_235], %swap3A_238 {strides = array<i32>} : memref<64x256xf32, #tpu.memory_space<vmem>>, vector<1x16xf32>,
        %get3A_239 = arith.index_cast %scan3A_200 : i32 to index
        %get3A_240 = arith.constant 16 : index
        %get3A_241 = tpu.vector_load %arg5[%get3A_239, %get3A_240] {strides = array<i32>} : memref<64x256xf32, #tpu.memory_space<vmem>>, vector<1x16xf32>,
        %get3A_242 = vector.shape_cast %get3A_241 : vector<1x16xf32> to vector<16xf32>
        %lt3A_243 = vector.broadcast %squeeze3A_4 : f32 to vector<16xf32>
        %lt3A_244 = arith.cmpf olt, %get3A_242, %lt3A_243 : vector<16xf32>
        %lt3A_245 = vector.broadcast %squeeze3A_6 : f32 to vector<16xf32>
        %lt3A_246 = arith.cmpf olt, %get3A_242, %lt3A_245 : vector<16xf32>
        %broadcast_in_dim3A_247 = vector.broadcast %squeeze3A_4 : f32 to vector<16xf32>
        %broadcast_in_dim3A_248 = vector.broadcast %squeeze3A_6 : f32 to vector<16xf32>
        %select_n3A_249 = arith.select %lt3A_246, %broadcast_in_dim3A_247, %broadcast_in_dim3A_248 : vector<16xi1>, vector<16xf32>
        %broadcast_in_dim3A_250 = vector.broadcast %squeeze3A : f32 to vector<16xf32>
        %select_n3A_251 = arith.select %lt3A_244, %broadcast_in_dim3A_250, %select_n3A_249 : vector<16xi1>, vector<16xf32>
        %broadcast_in_dim3A_252 = vector.broadcast %squeeze3A_6 : f32 to vector<16xf32>
        %broadcast_in_dim3A_253 = vector.broadcast %squeeze3A_8 : f32 to vector<16xf32>
        %select_n3A_254 = arith.select %lt3A_246, %broadcast_in_dim3A_252, %broadcast_in_dim3A_253 : vector<16xi1>, vector<16xf32>
        %broadcast_in_dim3A_255 = vector.broadcast %squeeze3A_4 : f32 to vector<16xf32>
        %select_n3A_256 = arith.select %lt3A_244, %broadcast_in_dim3A_255, %select_n3A_254 : vector<16xi1>, vector<16xf32>
        %add3A_257 = arith.addf %select_n3A_251, %select_n3A_256 : vector<16xf32>
        %add3A_258 = arith.addf %get3A_242, %get3A_242 : vector<16xf32>
        %sub3A_259 = arith.subf %add3A_257, %add3A_258 : vector<16xf32>
        %mul3A_260 = arith.constant -5.000000e+01 : f32
        %mul3A_261 = vector.broadcast %mul3A_260 : f32 to vector<16xf32>
        %mul3A_262 = arith.mulf %mul3A_261, %sub3A_259 : vector<16xf32>
        %neg3A_263 = arith.constant 0.000000e+00 : f32
        %neg3A_264 = vector.broadcast %neg3A_263 : f32 to vector<16xf32>
        %neg3A_265 = arith.subf %neg3A_264, %mul3A_262 : vector<16xf32>
        %exp3A_266 = math.exp %neg3A_265 : vector<16xf32>
        %add3A_267 = arith.constant 1.000000e+00 : f32
        %add3A_268 = vector.broadcast %add3A_267 : f32 to vector<16xf32>
        %add3A_269 = arith.addf %add3A_268, %exp3A_266 : vector<16xf32>
        %div3A_270 = arith.constant 1.000000e+00 : f32
        %div3A_271 = vector.broadcast %div3A_270 : f32 to vector<16xf32>
        %div3A_272 = arith.divf %div3A_271, %add3A_269 : vector<16xf32>
        %sub3A_273 = arith.subf %select_n3A_256, %select_n3A_251 : vector<16xf32>
        %mul3A_274 = arith.mulf %sub3A_273, %div3A_272 : vector<16xf32>
        %add3A_275 = arith.addf %select_n3A_251, %mul3A_274 : vector<16xf32>
        %swap3A_276 = arith.index_cast %scan3A_200 : i32 to index
        %swap3A_277 = arith.constant 16 : index
        %swap3A_278 = tpu.vector_load %arg7[%swap3A_276, %swap3A_277] {strides = array<i32>} : memref<64x256xf32, #tpu.memory_space<vmem>>, vector<1x16xf32>,
        %swap3A_279 = vector.shape_cast %swap3A_278 : vector<1x16xf32> to vector<16xf32>
        %swap3A_280 = vector.shape_cast %add3A_275 : vector<16xf32> to vector<1x16xf32>
        tpu.vector_store %arg7[%swap3A_276, %swap3A_277], %swap3A_280 {strides = array<i32>} : memref<64x256xf32, #tpu.memory_space<vmem>>, vector<1x16xf32>,
        %get3A_281 = arith.index_cast %scan3A_200 : i32 to index
        %get3A_282 = arith.constant 32 : index
        %get3A_283 = tpu.vector_load %arg5[%get3A_281, %get3A_282] {strides = array<i32>} : memref<64x256xf32, #tpu.memory_space<vmem>>, vector<1x16xf32>,
        %get3A_284 = vector.shape_cast %get3A_283 : vector<1x16xf32> to vector<16xf32>
        %lt3A_285 = vector.broadcast %squeeze3A_4 : f32 to vector<16xf32>
        %lt3A_286 = arith.cmpf olt, %get3A_284, %lt3A_285 : vector<16xf32>
        %lt3A_287 = vector.broadcast %squeeze3A_6 : f32 to vector<16xf32>
        %lt3A_288 = arith.cmpf olt, %get3A_284, %lt3A_287 : vector<16xf32>
        %broadcast_in_dim3A_289 = vector.broadcast %squeeze3A_4 : f32 to vector<16xf32>
        %broadcast_in_dim3A_290 = vector.broadcast %squeeze3A_6 : f32 to vector<16xf32>
        %select_n3A_291 = arith.select %lt3A_288, %broadcast_in_dim3A_289, %broadcast_in_dim3A_290 : vector<16xi1>, vector<16xf32>
        %broadcast_in_dim3A_292 = vector.broadcast %squeeze3A : f32 to vector<16xf32>
        %select_n3A_293 = arith.select %lt3A_286, %broadcast_in_dim3A_292, %select_n3A_291 : vector<16xi1>, vector<16xf32>
        %broadcast_in_dim3A_294 = vector.broadcast %squeeze3A_6 : f32 to vector<16xf32>
        %broadcast_in_dim3A_295 = vector.broadcast %squeeze3A_8 : f32 to vector<16xf32>
        %select_n3A_296 = arith.select %lt3A_288, %broadcast_in_dim3A_294, %broadcast_in_dim3A_295 : vector<16xi1>, vector<16xf32>
        %broadcast_in_dim3A_297 = vector.broadcast %squeeze3A_4 : f32 to vector<16xf32>
        %select_n3A_298 = arith.select %lt3A_286, %broadcast_in_dim3A_297, %select_n3A_296 : vector<16xi1>, vector<16xf32>
        %add3A_299 = arith.addf %select_n3A_293, %select_n3A_298 : vector<16xf32>
        %add3A_300 = arith.addf %get3A_284, %get3A_284 : vector<16xf32>
        %sub3A_301 = arith.subf %add3A_299, %add3A_300 : vector<16xf32>
        %mul3A_302 = arith.constant -5.000000e+01 : f32
        %mul3A_303 = vector.broadcast %mul3A_302 : f32 to vector<16xf32>
        %mul3A_304 = arith.mulf %mul3A_303, %sub3A_301 : vector<16xf32>
        %neg3A_305 = arith.constant 0.000000e+00 : f32
        %neg3A_306 = vector.broadcast %neg3A_305 : f32 to vector<16xf32>
        %neg3A_307 = arith.subf %neg3A_306, %mul3A_304 : vector<16xf32>
        %exp3A_308 = math.exp %neg3A_307 : vector<16xf32>
        %add3A_309 = arith.constant 1.000000e+00 : f32
        %add3A_310 = vector.broadcast %add3A_309 : f32 to vector<16xf32>
        %add3A_311 = arith.addf %add3A_310, %exp3A_308 : vector<16xf32>
        %div3A_312 = arith.constant 1.000000e+00 : f32
        %div3A_313 = vector.broadcast %div3A_312 : f32 to vector<16xf32>
        %div3A_314 = arith.divf %div3A_313, %add3A_311 : vector<16xf32>
        %sub3A_315 = arith.subf %select_n3A_298, %select_n3A_293 : vector<16xf32>
        %mul3A_316 = arith.mulf %sub3A_315, %div3A_314 : vector<16xf32>
        %add3A_317 = arith.addf %select_n3A_293, %mul3A_316 : vector<16xf32>
        %swap3A_318 = arith.index_cast %scan3A_200 : i32 to index
        %swap3A_319 = arith.constant 32 : index
        %swap3A_320 = tpu.vector_load %arg7[%swap3A_318, %swap3A_319] {strides = array<i32>} : memref<64x256xf32, #tpu.memory_space<vmem>>, vector<1x16xf32>,
        %swap3A_321 = vector.shape_cast %swap3A_320 : vector<1x16xf32> to vector<16xf32>
        %swap3A_322 = vector.shape_cast %add3A_317 : vector<16xf32> to vector<1x16xf32>
        tpu.vector_store %arg7[%swap3A_318, %swap3A_319], %swap3A_322 {strides = array<i32>} : memref<64x256xf32, #tpu.memory_space<vmem>>, vector<1x16xf32>,
        %get3A_323 = arith.index_cast %scan3A_200 : i32 to index
        %get3A_324 = arith.constant 48 : index
        %get3A_325 = tpu.vector_load %arg5[%get3A_323, %get3A_324] {strides = array<i32>} : memref<64x256xf32, #tpu.memory_space<vmem>>, vector<1x16xf32>,
        %get3A_326 = vector.shape_cast %get3A_325 : vector<1x16xf32> to vector<16xf32>
        %lt3A_327 = vector.broadcast %squeeze3A_4 : f32 to vector<16xf32>
        %lt3A_328 = arith.cmpf olt, %get3A_326, %lt3A_327 : vector<16xf32>
        %lt3A_329 = vector.broadcast %squeeze3A_6 : f32 to vector<16xf32>
        %lt3A_330 = arith.cmpf olt, %get3A_326, %lt3A_329 : vector<16xf32>
        %broadcast_in_dim3A_331 = vector.broadcast %squeeze3A_4 : f32 to vector<16xf32>
        %broadcast_in_dim3A_332 = vector.broadcast %squeeze3A_6 : f32 to vector<16xf32>
        %select_n3A_333 = arith.select %lt3A_330, %broadcast_in_dim3A_331, %broadcast_in_dim3A_332 : vector<16xi1>, vector<16xf32>
        %broadcast_in_dim3A_334 = vector.broadcast %squeeze3A : f32 to vector<16xf32>
        %select_n3A_335 = arith.select %lt3A_328, %broadcast_in_dim3A_334, %select_n3A_333 : vector<16xi1>, vector<16xf32>
        %broadcast_in_dim3A_336 = vector.broadcast %squeeze3A_6 : f32 to vector<16xf32>
        %broadcast_in_dim3A_337 = vector.broadcast %squeeze3A_8 : f32 to vector<16xf32>
        %select_n3A_338 = arith.select %lt3A_330, %broadcast_in_dim3A_336, %broadcast_in_dim3A_337 : vector<16xi1>, vector<16xf32>
        %broadcast_in_dim3A_339 = vector.broadcast %squeeze3A_4 : f32 to vector<16xf32>
        %select_n3A_340 = arith.select %lt3A_328, %broadcast_in_dim3A_339, %select_n3A_338 : vector<16xi1>, vector<16xf32>
        %add3A_341 = arith.addf %select_n3A_335, %select_n3A_340 : vector<16xf32>
        %add3A_342 = arith.addf %get3A_326, %get3A_326 : vector<16xf32>
        %sub3A_343 = arith.subf %add3A_341, %add3A_342 : vector<16xf32>
        %mul3A_344 = arith.constant -5.000000e+01 : f32
        %mul3A_345 = vector.broadcast %mul3A_344 : f32 to vector<16xf32>
        %mul3A_346 = arith.mulf %mul3A_345, %sub3A_343 : vector<16xf32>
        %neg3A_347 = arith.constant 0.000000e+00 : f32
        %neg3A_348 = vector.broadcast %neg3A_347 : f32 to vector<16xf32>
        %neg3A_349 = arith.subf %neg3A_348, %mul3A_346 : vector<16xf32>
        %exp3A_350 = math.exp %neg3A_349 : vector<16xf32>
        %add3A_351 = arith.constant 1.000000e+00 : f32
        %add3A_352 = vector.broadcast %add3A_351 : f32 to vector<16xf32>
        %add3A_353 = arith.addf %add3A_352, %exp3A_350 : vector<16xf32>
        %div3A_354 = arith.constant 1.000000e+00 : f32
        %div3A_355 = vector.broadcast %div3A_354 : f32 to vector<16xf32>
        %div3A_356 = arith.divf %div3A_355, %add3A_353 : vector<16xf32>
        %sub3A_357 = arith.subf %select_n3A_340, %select_n3A_335 : vector<16xf32>
        %mul3A_358 = arith.mulf %sub3A_357, %div3A_356 : vector<16xf32>
        %add3A_359 = arith.addf %select_n3A_335, %mul3A_358 : vector<16xf32>
        %swap3A_360 = arith.index_cast %scan3A_200 : i32 to index
        %swap3A_361 = arith.constant 48 : index
        %swap3A_362 = tpu.vector_load %arg7[%swap3A_360, %swap3A_361] {strides = array<i32>} : memref<64x256xf32, #tpu.memory_space<vmem>>, vector<1x16xf32>,
        %swap3A_363 = vector.shape_cast %swap3A_362 : vector<1x16xf32> to vector<16xf32>
        %swap3A_364 = vector.shape_cast %add3A_359 : vector<16xf32> to vector<1x16xf32>
        tpu.vector_store %arg7[%swap3A_360, %swap3A_361], %swap3A_364 {strides = array<i32>} : memref<64x256xf32, #tpu.memory_space<vmem>>, vector<1x16xf32>,
        %get3A_365 = arith.index_cast %scan3A_200 : i32 to index
        %get3A_366 = arith.constant 64 : index
        %get3A_367 = tpu.vector_load %arg5[%get3A_365, %get3A_366] {strides = array<i32>} : memref<64x256xf32, #tpu.memory_space<vmem>>, vector<1x16xf32>,
        %get3A_368 = vector.shape_cast %get3A_367 : vector<1x16xf32> to vector<16xf32>
        %lt3A_369 = vector.broadcast %squeeze3A_4 : f32 to vector<16xf32>
        %lt3A_370 = arith.cmpf olt, %get3A_368, %lt3A_369 : vector<16xf32>
        %lt3A_371 = vector.broadcast %squeeze3A_6 : f32 to vector<16xf32>
        %lt3A_372 = arith.cmpf olt, %get3A_368, %lt3A_371 : vector<16xf32>
        %broadcast_in_dim3A_373 = vector.broadcast %squeeze3A_4 : f32 to vector<16xf32>
        %broadcast_in_dim3A_374 = vector.broadcast %squeeze3A_6 : f32 to vector<16xf32>
        %select_n3A_375 = arith.select %lt3A_372, %broadcast_in_dim3A_373, %broadcast_in_dim3A_374 : vector<16xi1>, vector<16xf32>
        %broadcast_in_dim3A_376 = vector.broadcast %squeeze3A : f32 to vector<16xf32>
        %select_n3A_377 = arith.select %lt3A_370, %broadcast_in_dim3A_376, %select_n3A_375 : vector<16xi1>, vector<16xf32>
        %broadcast_in_dim3A_378 = vector.broadcast %squeeze3A_6 : f32 to vector<16xf32>
        %broadcast_in_dim3A_379 = vector.broadcast %squeeze3A_8 : f32 to vector<16xf32>
        %select_n3A_380 = arith.select %lt3A_372, %broadcast_in_dim3A_378, %broadcast_in_dim3A_379 : vector<16xi1>, vector<16xf32>
        %broadcast_in_dim3A_381 = vector.broadcast %squeeze3A_4 : f32 to vector<16xf32>
        %select_n3A_382 = arith.select %lt3A_370, %broadcast_in_dim3A_381, %select_n3A_380 : vector<16xi1>, vector<16xf32>
        %add3A_383 = arith.addf %select_n3A_377, %select_n3A_382 : vector<16xf32>
        %add3A_384 = arith.addf %get3A_368, %get3A_368 : vector<16xf32>
        %sub3A_385 = arith.subf %add3A_383, %add3A_384 : vector<16xf32>
        %mul3A_386 = arith.constant -5.000000e+01 : f32
        %mul3A_387 = vector.broadcast %mul3A_386 : f32 to vector<16xf32>
        %mul3A_388 = arith.mulf %mul3A_387, %sub3A_385 : vector<16xf32>
        %neg3A_389 = arith.constant 0.000000e+00 : f32
        %neg3A_390 = vector.broadcast %neg3A_389 : f32 to vector<16xf32>
        %neg3A_391 = arith.subf %neg3A_390, %mul3A_388 : vector<16xf32>
        %exp3A_392 = math.exp %neg3A_391 : vector<16xf32>
        %add3A_393 = arith.constant 1.000000e+00 : f32
        %add3A_394 = vector.broadcast %add3A_393 : f32 to vector<16xf32>
        %add3A_395 = arith.addf %add3A_394, %exp3A_392 : vector<16xf32>
        %div3A_396 = arith.constant 1.000000e+00 : f32
        %div3A_397 = vector.broadcast %div3A_396 : f32 to vector<16xf32>
        %div3A_398 = arith.divf %div3A_397, %add3A_395 : vector<16xf32>
        %sub3A_399 = arith.subf %select_n3A_382, %select_n3A_377 : vector<16xf32>
        %mul3A_400 = arith.mulf %sub3A_399, %div3A_398 : vector<16xf32>
        %add3A_401 = arith.addf %select_n3A_377, %mul3A_400 : vector<16xf32>
        %swap3A_402 = arith.index_cast %scan3A_200 : i32 to index
        %swap3A_403 = arith.constant 64 : index
        %swap3A_404 = tpu.vector_load %arg7[%swap3A_402, %swap3A_403] {strides = array<i32>} : memref<64x256xf32, #tpu.memory_space<vmem>>, vector<1x16xf32>,
        %swap3A_405 = vector.shape_cast %swap3A_404 : vector<1x16xf32> to vector<16xf32>
        %swap3A_406 = vector.shape_cast %add3A_401 : vector<16xf32> to vector<1x16xf32>
        tpu.vector_store %arg7[%swap3A_402, %swap3A_403], %swap3A_406 {strides = array<i32>} : memref<64x256xf32, #tpu.memory_space<vmem>>, vector<1x16xf32>,
        %get3A_407 = arith.index_cast %scan3A_200 : i32 to index
        %get3A_408 = arith.constant 80 : index
        %get3A_409 = tpu.vector_load %arg5[%get3A_407, %get3A_408] {strides = array<i32>} : memref<64x256xf32, #tpu.memory_space<vmem>>, vector<1x16xf32>,
        %get3A_410 = vector.shape_cast %get3A_409 : vector<1x16xf32> to vector<16xf32>
        %lt3A_411 = vector.broadcast %squeeze3A_4 : f32 to vector<16xf32>
        %lt3A_412 = arith.cmpf olt, %get3A_410, %lt3A_411 : vector<16xf32>
        %lt3A_413 = vector.broadcast %squeeze3A_6 : f32 to vector<16xf32>
        %lt3A_414 = arith.cmpf olt, %get3A_410, %lt3A_413 : vector<16xf32>
        %broadcast_in_dim3A_415 = vector.broadcast %squeeze3A_4 : f32 to vector<16xf32>
        %broadcast_in_dim3A_416 = vector.broadcast %squeeze3A_6 : f32 to vector<16xf32>
        %select_n3A_417 = arith.select %lt3A_414, %broadcast_in_dim3A_415, %broadcast_in_dim3A_416 : vector<16xi1>, vector<16xf32>
        %broadcast_in_dim3A_418 = vector.broadcast %squeeze3A : f32 to vector<16xf32>
        %select_n3A_419 = arith.select %lt3A_412, %broadcast_in_dim3A_418, %select_n3A_417 : vector<16xi1>, vector<16xf32>
        %broadcast_in_dim3A_420 = vector.broadcast %squeeze3A_6 : f32 to vector<16xf32>
        %broadcast_in_dim3A_421 = vector.broadcast %squeeze3A_8 : f32 to vector<16xf32>
        %select_n3A_422 = arith.select %lt3A_414, %broadcast_in_dim3A_420, %broadcast_in_dim3A_421 : vector<16xi1>, vector<16xf32>
        %broadcast_in_dim3A_423 = vector.broadcast %squeeze3A_4 : f32 to vector<16xf32>
        %select_n3A_424 = arith.select %lt3A_412, %broadcast_in_dim3A_423, %select_n3A_422 : vector<16xi1>, vector<16xf32>
        %add3A_425 = arith.addf %select_n3A_419, %select_n3A_424 : vector<16xf32>
        %add3A_426 = arith.addf %get3A_410, %get3A_410 : vector<16xf32>
        %sub3A_427 = arith.subf %add3A_425, %add3A_426 : vector<16xf32>
        %mul3A_428 = arith.constant -5.000000e+01 : f32
        %mul3A_429 = vector.broadcast %mul3A_428 : f32 to vector<16xf32>
        %mul3A_430 = arith.mulf %mul3A_429, %sub3A_427 : vector<16xf32>
        %neg3A_431 = arith.constant 0.000000e+00 : f32
        %neg3A_432 = vector.broadcast %neg3A_431 : f32 to vector<16xf32>
        %neg3A_433 = arith.subf %neg3A_432, %mul3A_430 : vector<16xf32>
        %exp3A_434 = math.exp %neg3A_433 : vector<16xf32>
        %add3A_435 = arith.constant 1.000000e+00 : f32
        %add3A_436 = vector.broadcast %add3A_435 : f32 to vector<16xf32>
        %add3A_437 = arith.addf %add3A_436, %exp3A_434 : vector<16xf32>
        %div3A_438 = arith.constant 1.000000e+00 : f32
        %div3A_439 = vector.broadcast %div3A_438 : f32 to vector<16xf32>
        %div3A_440 = arith.divf %div3A_439, %add3A_437 : vector<16xf32>
        %sub3A_441 = arith.subf %select_n3A_424, %select_n3A_419 : vector<16xf32>
        %mul3A_442 = arith.mulf %sub3A_441, %div3A_440 : vector<16xf32>
        %add3A_443 = arith.addf %select_n3A_419, %mul3A_442 : vector<16xf32>
        %swap3A_444 = arith.index_cast %scan3A_200 : i32 to index
        %swap3A_445 = arith.constant 80 : index
        %swap3A_446 = tpu.vector_load %arg7[%swap3A_444, %swap3A_445] {strides = array<i32>} : memref<64x256xf32, #tpu.memory_space<vmem>>, vector<1x16xf32>,
        %swap3A_447 = vector.shape_cast %swap3A_446 : vector<1x16xf32> to vector<16xf32>
        %swap3A_448 = vector.shape_cast %add3A_443 : vector<16xf32> to vector<1x16xf32>
        tpu.vector_store %arg7[%swap3A_444, %swap3A_445], %swap3A_448 {strides = array<i32>} : memref<64x256xf32, #tpu.memory_space<vmem>>, vector<1x16xf32>,
        %get3A_449 = arith.index_cast %scan3A_200 : i32 to index
        %get3A_450 = arith.constant 96 : index
        %get3A_451 = tpu.vector_load %arg5[%get3A_449, %get3A_450] {strides = array<i32>} : memref<64x256xf32, #tpu.memory_space<vmem>>, vector<1x16xf32>,
        %get3A_452 = vector.shape_cast %get3A_451 : vector<1x16xf32> to vector<16xf32>
        %lt3A_453 = vector.broadcast %squeeze3A_4 : f32 to vector<16xf32>
        %lt3A_454 = arith.cmpf olt, %get3A_452, %lt3A_453 : vector<16xf32>
        %lt3A_455 = vector.broadcast %squeeze3A_6 : f32 to vector<16xf32>
        %lt3A_456 = arith.cmpf olt, %get3A_452, %lt3A_455 : vector<16xf32>
        %broadcast_in_dim3A_457 = vector.broadcast %squeeze3A_4 : f32 to vector<16xf32>
        %broadcast_in_dim3A_458 = vector.broadcast %squeeze3A_6 : f32 to vector<16xf32>
        %select_n3A_459 = arith.select %lt3A_456, %broadcast_in_dim3A_457, %broadcast_in_dim3A_458 : vector<16xi1>, vector<16xf32>
        %broadcast_in_dim3A_460 = vector.broadcast %squeeze3A : f32 to vector<16xf32>
        %select_n3A_461 = arith.select %lt3A_454, %broadcast_in_dim3A_460, %select_n3A_459 : vector<16xi1>, vector<16xf32>
        %broadcast_in_dim3A_462 = vector.broadcast %squeeze3A_6 : f32 to vector<16xf32>
        %broadcast_in_dim3A_463 = vector.broadcast %squeeze3A_8 : f32 to vector<16xf32>
        %select_n3A_464 = arith.select %lt3A_456, %broadcast_in_dim3A_462, %broadcast_in_dim3A_463 : vector<16xi1>, vector<16xf32>
        %broadcast_in_dim3A_465 = vector.broadcast %squeeze3A_4 : f32 to vector<16xf32>
        %select_n3A_466 = arith.select %lt3A_454, %broadcast_in_dim3A_465, %select_n3A_464 : vector<16xi1>, vector<16xf32>
        %add3A_467 = arith.addf %select_n3A_461, %select_n3A_466 : vector<16xf32>
        %add3A_468 = arith.addf %get3A_452, %get3A_452 : vector<16xf32>
        %sub3A_469 = arith.subf %add3A_467, %add3A_468 : vector<16xf32>
        %mul3A_470 = arith.constant -5.000000e+01 : f32
        %mul3A_471 = vector.broadcast %mul3A_470 : f32 to vector<16xf32>
        %mul3A_472 = arith.mulf %mul3A_471, %sub3A_469 : vector<16xf32>
        %neg3A_473 = arith.constant 0.000000e+00 : f32
        %neg3A_474 = vector.broadcast %neg3A_473 : f32 to vector<16xf32>
        %neg3A_475 = arith.subf %neg3A_474, %mul3A_472 : vector<16xf32>
        %exp3A_476 = math.exp %neg3A_475 : vector<16xf32>
        %add3A_477 = arith.constant 1.000000e+00 : f32
        %add3A_478 = vector.broadcast %add3A_477 : f32 to vector<16xf32>
        %add3A_479 = arith.addf %add3A_478, %exp3A_476 : vector<16xf32>
        %div3A_480 = arith.constant 1.000000e+00 : f32
        %div3A_481 = vector.broadcast %div3A_480 : f32 to vector<16xf32>
        %div3A_482 = arith.divf %div3A_481, %add3A_479 : vector<16xf32>
        %sub3A_483 = arith.subf %select_n3A_466, %select_n3A_461 : vector<16xf32>
        %mul3A_484 = arith.mulf %sub3A_483, %div3A_482 : vector<16xf32>
        %add3A_485 = arith.addf %select_n3A_461, %mul3A_484 : vector<16xf32>
        %swap3A_486 = arith.index_cast %scan3A_200 : i32 to index
        %swap3A_487 = arith.constant 96 : index
        %swap3A_488 = tpu.vector_load %arg7[%swap3A_486, %swap3A_487] {strides = array<i32>} : memref<64x256xf32, #tpu.memory_space<vmem>>, vector<1x16xf32>,
        %swap3A_489 = vector.shape_cast %swap3A_488 : vector<1x16xf32> to vector<16xf32>
        %swap3A_490 = vector.shape_cast %add3A_485 : vector<16xf32> to vector<1x16xf32>
        tpu.vector_store %arg7[%swap3A_486, %swap3A_487], %swap3A_490 {strides = array<i32>} : memref<64x256xf32, #tpu.memory_space<vmem>>, vector<1x16xf32>,
        %get3A_491 = arith.index_cast %scan3A_200 : i32 to index
        %get3A_492 = arith.constant 112 : index
        %get3A_493 = tpu.vector_load %arg5[%get3A_491, %get3A_492] {strides = array<i32>} : memref<64x256xf32, #tpu.memory_space<vmem>>, vector<1x16xf32>,
        %get3A_494 = vector.shape_cast %get3A_493 : vector<1x16xf32> to vector<16xf32>
        %lt3A_495 = vector.broadcast %squeeze3A_4 : f32 to vector<16xf32>
        %lt3A_496 = arith.cmpf olt, %get3A_494, %lt3A_495 : vector<16xf32>
        %lt3A_497 = vector.broadcast %squeeze3A_6 : f32 to vector<16xf32>
        %lt3A_498 = arith.cmpf olt, %get3A_494, %lt3A_497 : vector<16xf32>
        %broadcast_in_dim3A_499 = vector.broadcast %squeeze3A_4 : f32 to vector<16xf32>
        %broadcast_in_dim3A_500 = vector.broadcast %squeeze3A_6 : f32 to vector<16xf32>
        %select_n3A_501 = arith.select %lt3A_498, %broadcast_in_dim3A_499, %broadcast_in_dim3A_500 : vector<16xi1>, vector<16xf32>
        %broadcast_in_dim3A_502 = vector.broadcast %squeeze3A : f32 to vector<16xf32>
        %select_n3A_503 = arith.select %lt3A_496, %broadcast_in_dim3A_502, %select_n3A_501 : vector<16xi1>, vector<16xf32>
        %broadcast_in_dim3A_504 = vector.broadcast %squeeze3A_6 : f32 to vector<16xf32>
        %broadcast_in_dim3A_505 = vector.broadcast %squeeze3A_8 : f32 to vector<16xf32>
        %select_n3A_506 = arith.select %lt3A_498, %broadcast_in_dim3A_504, %broadcast_in_dim3A_505 : vector<16xi1>, vector<16xf32>
        %broadcast_in_dim3A_507 = vector.broadcast %squeeze3A_4 : f32 to vector<16xf32>
        %select_n3A_508 = arith.select %lt3A_496, %broadcast_in_dim3A_507, %select_n3A_506 : vector<16xi1>, vector<16xf32>
        %add3A_509 = arith.addf %select_n3A_503, %select_n3A_508 : vector<16xf32>
        %add3A_510 = arith.addf %get3A_494, %get3A_494 : vector<16xf32>
        %sub3A_511 = arith.subf %add3A_509, %add3A_510 : vector<16xf32>
        %mul3A_512 = arith.constant -5.000000e+01 : f32
        %mul3A_513 = vector.broadcast %mul3A_512 : f32 to vector<16xf32>
        %mul3A_514 = arith.mulf %mul3A_513, %sub3A_511 : vector<16xf32>
        %neg3A_515 = arith.constant 0.000000e+00 : f32
        %neg3A_516 = vector.broadcast %neg3A_515 : f32 to vector<16xf32>
        %neg3A_517 = arith.subf %neg3A_516, %mul3A_514 : vector<16xf32>
        %exp3A_518 = math.exp %neg3A_517 : vector<16xf32>
        %add3A_519 = arith.constant 1.000000e+00 : f32
        %add3A_520 = vector.broadcast %add3A_519 : f32 to vector<16xf32>
        %add3A_521 = arith.addf %add3A_520, %exp3A_518 : vector<16xf32>
        %div3A_522 = arith.constant 1.000000e+00 : f32
        %div3A_523 = vector.broadcast %div3A_522 : f32 to vector<16xf32>
        %div3A_524 = arith.divf %div3A_523, %add3A_521 : vector<16xf32>
        %sub3A_525 = arith.subf %select_n3A_508, %select_n3A_503 : vector<16xf32>
        %mul3A_526 = arith.mulf %sub3A_525, %div3A_524 : vector<16xf32>
        %add3A_527 = arith.addf %select_n3A_503, %mul3A_526 : vector<16xf32>
        %swap3A_528 = arith.index_cast %scan3A_200 : i32 to index
        %swap3A_529 = arith.constant 112 : index
        %swap3A_530 = tpu.vector_load %arg7[%swap3A_528, %swap3A_529] {strides = array<i32>} : memref<64x256xf32, #tpu.memory_space<vmem>>, vector<1x16xf32>,
        %swap3A_531 = vector.shape_cast %swap3A_530 : vector<1x16xf32> to vector<16xf32>
        %swap3A_532 = vector.shape_cast %add3A_527 : vector<16xf32> to vector<1x16xf32>
        tpu.vector_store %arg7[%swap3A_528, %swap3A_529], %swap3A_532 {strides = array<i32>} : memref<64x256xf32, #tpu.memory_space<vmem>>, vector<1x16xf32>,
        %get3A_533 = arith.index_cast %scan3A_200 : i32 to index
        %get3A_534 = arith.constant 128 : index
        %get3A_535 = tpu.vector_load %arg5[%get3A_533, %get3A_534] {strides = array<i32>} : memref<64x256xf32, #tpu.memory_space<vmem>>, vector<1x16xf32>,
        %get3A_536 = vector.shape_cast %get3A_535 : vector<1x16xf32> to vector<16xf32>
        %lt3A_537 = vector.broadcast %squeeze3A_4 : f32 to vector<16xf32>
        %lt3A_538 = arith.cmpf olt, %get3A_536, %lt3A_537 : vector<16xf32>
        %lt3A_539 = vector.broadcast %squeeze3A_6 : f32 to vector<16xf32>
        %lt3A_540 = arith.cmpf olt, %get3A_536, %lt3A_539 : vector<16xf32>
        %broadcast_in_dim3A_541 = vector.broadcast %squeeze3A_4 : f32 to vector<16xf32>
        %broadcast_in_dim3A_542 = vector.broadcast %squeeze3A_6 : f32 to vector<16xf32>
        %select_n3A_543 = arith.select %lt3A_540, %broadcast_in_dim3A_541, %broadcast_in_dim3A_542 : vector<16xi1>, vector<16xf32>
        %broadcast_in_dim3A_544 = vector.broadcast %squeeze3A : f32 to vector<16xf32>
        %select_n3A_545 = arith.select %lt3A_538, %broadcast_in_dim3A_544, %select_n3A_543 : vector<16xi1>, vector<16xf32>
        %broadcast_in_dim3A_546 = vector.broadcast %squeeze3A_6 : f32 to vector<16xf32>
        %broadcast_in_dim3A_547 = vector.broadcast %squeeze3A_8 : f32 to vector<16xf32>
        %select_n3A_548 = arith.select %lt3A_540, %broadcast_in_dim3A_546, %broadcast_in_dim3A_547 : vector<16xi1>, vector<16xf32>
        %broadcast_in_dim3A_549 = vector.broadcast %squeeze3A_4 : f32 to vector<16xf32>
        %select_n3A_550 = arith.select %lt3A_538, %broadcast_in_dim3A_549, %select_n3A_548 : vector<16xi1>, vector<16xf32>
        %add3A_551 = arith.addf %select_n3A_545, %select_n3A_550 : vector<16xf32>
        %add3A_552 = arith.addf %get3A_536, %get3A_536 : vector<16xf32>
        %sub3A_553 = arith.subf %add3A_551, %add3A_552 : vector<16xf32>
        %mul3A_554 = arith.constant -5.000000e+01 : f32
        %mul3A_555 = vector.broadcast %mul3A_554 : f32 to vector<16xf32>
        %mul3A_556 = arith.mulf %mul3A_555, %sub3A_553 : vector<16xf32>
        %neg3A_557 = arith.constant 0.000000e+00 : f32
        %neg3A_558 = vector.broadcast %neg3A_557 : f32 to vector<16xf32>
        %neg3A_559 = arith.subf %neg3A_558, %mul3A_556 : vector<16xf32>
        %exp3A_560 = math.exp %neg3A_559 : vector<16xf32>
        %add3A_561 = arith.constant 1.000000e+00 : f32
        %add3A_562 = vector.broadcast %add3A_561 : f32 to vector<16xf32>
        %add3A_563 = arith.addf %add3A_562, %exp3A_560 : vector<16xf32>
        %div3A_564 = arith.constant 1.000000e+00 : f32
        %div3A_565 = vector.broadcast %div3A_564 : f32 to vector<16xf32>
        %div3A_566 = arith.divf %div3A_565, %add3A_563 : vector<16xf32>
        %sub3A_567 = arith.subf %select_n3A_550, %select_n3A_545 : vector<16xf32>
        %mul3A_568 = arith.mulf %sub3A_567, %div3A_566 : vector<16xf32>
        %add3A_569 = arith.addf %select_n3A_545, %mul3A_568 : vector<16xf32>
        %swap3A_570 = arith.index_cast %scan3A_200 : i32 to index
        %swap3A_571 = arith.constant 128 : index
        %swap3A_572 = tpu.vector_load %arg7[%swap3A_570, %swap3A_571] {strides = array<i32>} : memref<64x256xf32, #tpu.memory_space<vmem>>, vector<1x16xf32>,
        %swap3A_573 = vector.shape_cast %swap3A_572 : vector<1x16xf32> to vector<16xf32>
        %swap3A_574 = vector.shape_cast %add3A_569 : vector<16xf32> to vector<1x16xf32>
        tpu.vector_store %arg7[%swap3A_570, %swap3A_571], %swap3A_574 {strides = array<i32>} : memref<64x256xf32, #tpu.memory_space<vmem>>, vector<1x16xf32>,
        %get3A_575 = arith.index_cast %scan3A_200 : i32 to index
        %get3A_576 = arith.constant 144 : index
        %get3A_577 = tpu.vector_load %arg5[%get3A_575, %get3A_576] {strides = array<i32>} : memref<64x256xf32, #tpu.memory_space<vmem>>, vector<1x16xf32>,
        %get3A_578 = vector.shape_cast %get3A_577 : vector<1x16xf32> to vector<16xf32>
        %lt3A_579 = vector.broadcast %squeeze3A_4 : f32 to vector<16xf32>
        %lt3A_580 = arith.cmpf olt, %get3A_578, %lt3A_579 : vector<16xf32>
        %lt3A_581 = vector.broadcast %squeeze3A_6 : f32 to vector<16xf32>
        %lt3A_582 = arith.cmpf olt, %get3A_578, %lt3A_581 : vector<16xf32>
        %broadcast_in_dim3A_583 = vector.broadcast %squeeze3A_4 : f32 to vector<16xf32>
        %broadcast_in_dim3A_584 = vector.broadcast %squeeze3A_6 : f32 to vector<16xf32>
        %select_n3A_585 = arith.select %lt3A_582, %broadcast_in_dim3A_583, %broadcast_in_dim3A_584 : vector<16xi1>, vector<16xf32>
        %broadcast_in_dim3A_586 = vector.broadcast %squeeze3A : f32 to vector<16xf32>
        %select_n3A_587 = arith.select %lt3A_580, %broadcast_in_dim3A_586, %select_n3A_585 : vector<16xi1>, vector<16xf32>
        %broadcast_in_dim3A_588 = vector.broadcast %squeeze3A_6 : f32 to vector<16xf32>
        %broadcast_in_dim3A_589 = vector.broadcast %squeeze3A_8 : f32 to vector<16xf32>
        %select_n3A_590 = arith.select %lt3A_582, %broadcast_in_dim3A_588, %broadcast_in_dim3A_589 : vector<16xi1>, vector<16xf32>
        %broadcast_in_dim3A_591 = vector.broadcast %squeeze3A_4 : f32 to vector<16xf32>
        %select_n3A_592 = arith.select %lt3A_580, %broadcast_in_dim3A_591, %select_n3A_590 : vector<16xi1>, vector<16xf32>
        %add3A_593 = arith.addf %select_n3A_587, %select_n3A_592 : vector<16xf32>
        %add3A_594 = arith.addf %get3A_578, %get3A_578 : vector<16xf32>
        %sub3A_595 = arith.subf %add3A_593, %add3A_594 : vector<16xf32>
        %mul3A_596 = arith.constant -5.000000e+01 : f32
        %mul3A_597 = vector.broadcast %mul3A_596 : f32 to vector<16xf32>
        %mul3A_598 = arith.mulf %mul3A_597, %sub3A_595 : vector<16xf32>
        %neg3A_599 = arith.constant 0.000000e+00 : f32
        %neg3A_600 = vector.broadcast %neg3A_599 : f32 to vector<16xf32>
        %neg3A_601 = arith.subf %neg3A_600, %mul3A_598 : vector<16xf32>
        %exp3A_602 = math.exp %neg3A_601 : vector<16xf32>
        %add3A_603 = arith.constant 1.000000e+00 : f32
        %add3A_604 = vector.broadcast %add3A_603 : f32 to vector<16xf32>
        %add3A_605 = arith.addf %add3A_604, %exp3A_602 : vector<16xf32>
        %div3A_606 = arith.constant 1.000000e+00 : f32
        %div3A_607 = vector.broadcast %div3A_606 : f32 to vector<16xf32>
        %div3A_608 = arith.divf %div3A_607, %add3A_605 : vector<16xf32>
        %sub3A_609 = arith.subf %select_n3A_592, %select_n3A_587 : vector<16xf32>
        %mul3A_610 = arith.mulf %sub3A_609, %div3A_608 : vector<16xf32>
        %add3A_611 = arith.addf %select_n3A_587, %mul3A_610 : vector<16xf32>
        %swap3A_612 = arith.index_cast %scan3A_200 : i32 to index
        %swap3A_613 = arith.constant 144 : index
        %swap3A_614 = tpu.vector_load %arg7[%swap3A_612, %swap3A_613] {strides = array<i32>} : memref<64x256xf32, #tpu.memory_space<vmem>>, vector<1x16xf32>,
        %swap3A_615 = vector.shape_cast %swap3A_614 : vector<1x16xf32> to vector<16xf32>
        %swap3A_616 = vector.shape_cast %add3A_611 : vector<16xf32> to vector<1x16xf32>
        tpu.vector_store %arg7[%swap3A_612, %swap3A_613], %swap3A_616 {strides = array<i32>} : memref<64x256xf32, #tpu.memory_space<vmem>>, vector<1x16xf32>,
        %get3A_617 = arith.index_cast %scan3A_200 : i32 to index
        %get3A_618 = arith.constant 160 : index
        %get3A_619 = tpu.vector_load %arg5[%get3A_617, %get3A_618] {strides = array<i32>} : memref<64x256xf32, #tpu.memory_space<vmem>>, vector<1x16xf32>,
        %get3A_620 = vector.shape_cast %get3A_619 : vector<1x16xf32> to vector<16xf32>
        %lt3A_621 = vector.broadcast %squeeze3A_4 : f32 to vector<16xf32>
        %lt3A_622 = arith.cmpf olt, %get3A_620, %lt3A_621 : vector<16xf32>
        %lt3A_623 = vector.broadcast %squeeze3A_6 : f32 to vector<16xf32>
        %lt3A_624 = arith.cmpf olt, %get3A_620, %lt3A_623 : vector<16xf32>
        %broadcast_in_dim3A_625 = vector.broadcast %squeeze3A_4 : f32 to vector<16xf32>
        %broadcast_in_dim3A_626 = vector.broadcast %squeeze3A_6 : f32 to vector<16xf32>
        %select_n3A_627 = arith.select %lt3A_624, %broadcast_in_dim3A_625, %broadcast_in_dim3A_626 : vector<16xi1>, vector<16xf32>
        %broadcast_in_dim3A_628 = vector.broadcast %squeeze3A : f32 to vector<16xf32>
        %select_n3A_629 = arith.select %lt3A_622, %broadcast_in_dim3A_628, %select_n3A_627 : vector<16xi1>, vector<16xf32>
        %broadcast_in_dim3A_630 = vector.broadcast %squeeze3A_6 : f32 to vector<16xf32>
        %broadcast_in_dim3A_631 = vector.broadcast %squeeze3A_8 : f32 to vector<16xf32>
        %select_n3A_632 = arith.select %lt3A_624, %broadcast_in_dim3A_630, %broadcast_in_dim3A_631 : vector<16xi1>, vector<16xf32>
        %broadcast_in_dim3A_633 = vector.broadcast %squeeze3A_4 : f32 to vector<16xf32>
        %select_n3A_634 = arith.select %lt3A_622, %broadcast_in_dim3A_633, %select_n3A_632 : vector<16xi1>, vector<16xf32>
        %add3A_635 = arith.addf %select_n3A_629, %select_n3A_634 : vector<16xf32>
        %add3A_636 = arith.addf %get3A_620, %get3A_620 : vector<16xf32>
        %sub3A_637 = arith.subf %add3A_635, %add3A_636 : vector<16xf32>
        %mul3A_638 = arith.constant -5.000000e+01 : f32
        %mul3A_639 = vector.broadcast %mul3A_638 : f32 to vector<16xf32>
        %mul3A_640 = arith.mulf %mul3A_639, %sub3A_637 : vector<16xf32>
        %neg3A_641 = arith.constant 0.000000e+00 : f32
        %neg3A_642 = vector.broadcast %neg3A_641 : f32 to vector<16xf32>
        %neg3A_643 = arith.subf %neg3A_642, %mul3A_640 : vector<16xf32>
        %exp3A_644 = math.exp %neg3A_643 : vector<16xf32>
        %add3A_645 = arith.constant 1.000000e+00 : f32
        %add3A_646 = vector.broadcast %add3A_645 : f32 to vector<16xf32>
        %add3A_647 = arith.addf %add3A_646, %exp3A_644 : vector<16xf32>
        %div3A_648 = arith.constant 1.000000e+00 : f32
        %div3A_649 = vector.broadcast %div3A_648 : f32 to vector<16xf32>
        %div3A_650 = arith.divf %div3A_649, %add3A_647 : vector<16xf32>
        %sub3A_651 = arith.subf %select_n3A_634, %select_n3A_629 : vector<16xf32>
        %mul3A_652 = arith.mulf %sub3A_651, %div3A_650 : vector<16xf32>
        %add3A_653 = arith.addf %select_n3A_629, %mul3A_652 : vector<16xf32>
        %swap3A_654 = arith.index_cast %scan3A_200 : i32 to index
        %swap3A_655 = arith.constant 160 : index
        %swap3A_656 = tpu.vector_load %arg7[%swap3A_654, %swap3A_655] {strides = array<i32>} : memref<64x256xf32, #tpu.memory_space<vmem>>, vector<1x16xf32>,
        %swap3A_657 = vector.shape_cast %swap3A_656 : vector<1x16xf32> to vector<16xf32>
        %swap3A_658 = vector.shape_cast %add3A_653 : vector<16xf32> to vector<1x16xf32>
        tpu.vector_store %arg7[%swap3A_654, %swap3A_655], %swap3A_658 {strides = array<i32>} : memref<64x256xf32, #tpu.memory_space<vmem>>, vector<1x16xf32>,
        %get3A_659 = arith.index_cast %scan3A_200 : i32 to index
        %get3A_660 = arith.constant 176 : index
        %get3A_661 = tpu.vector_load %arg5[%get3A_659, %get3A_660] {strides = array<i32>} : memref<64x256xf32, #tpu.memory_space<vmem>>, vector<1x16xf32>,
        %get3A_662 = vector.shape_cast %get3A_661 : vector<1x16xf32> to vector<16xf32>
        %lt3A_663 = vector.broadcast %squeeze3A_4 : f32 to vector<16xf32>
        %lt3A_664 = arith.cmpf olt, %get3A_662, %lt3A_663 : vector<16xf32>
        %lt3A_665 = vector.broadcast %squeeze3A_6 : f32 to vector<16xf32>
        %lt3A_666 = arith.cmpf olt, %get3A_662, %lt3A_665 : vector<16xf32>
        %broadcast_in_dim3A_667 = vector.broadcast %squeeze3A_4 : f32 to vector<16xf32>
        %broadcast_in_dim3A_668 = vector.broadcast %squeeze3A_6 : f32 to vector<16xf32>
        %select_n3A_669 = arith.select %lt3A_666, %broadcast_in_dim3A_667, %broadcast_in_dim3A_668 : vector<16xi1>, vector<16xf32>
        %broadcast_in_dim3A_670 = vector.broadcast %squeeze3A : f32 to vector<16xf32>
        %select_n3A_671 = arith.select %lt3A_664, %broadcast_in_dim3A_670, %select_n3A_669 : vector<16xi1>, vector<16xf32>
        %broadcast_in_dim3A_672 = vector.broadcast %squeeze3A_6 : f32 to vector<16xf32>
        %broadcast_in_dim3A_673 = vector.broadcast %squeeze3A_8 : f32 to vector<16xf32>
        %select_n3A_674 = arith.select %lt3A_666, %broadcast_in_dim3A_672, %broadcast_in_dim3A_673 : vector<16xi1>, vector<16xf32>
        %broadcast_in_dim3A_675 = vector.broadcast %squeeze3A_4 : f32 to vector<16xf32>
        %select_n3A_676 = arith.select %lt3A_664, %broadcast_in_dim3A_675, %select_n3A_674 : vector<16xi1>, vector<16xf32>
        %add3A_677 = arith.addf %select_n3A_671, %select_n3A_676 : vector<16xf32>
        %add3A_678 = arith.addf %get3A_662, %get3A_662 : vector<16xf32>
        %sub3A_679 = arith.subf %add3A_677, %add3A_678 : vector<16xf32>
        %mul3A_680 = arith.constant -5.000000e+01 : f32
        %mul3A_681 = vector.broadcast %mul3A_680 : f32 to vector<16xf32>
        %mul3A_682 = arith.mulf %mul3A_681, %sub3A_679 : vector<16xf32>
        %neg3A_683 = arith.constant 0.000000e+00 : f32
        %neg3A_684 = vector.broadcast %neg3A_683 : f32 to vector<16xf32>
        %neg3A_685 = arith.subf %neg3A_684, %mul3A_682 : vector<16xf32>
        %exp3A_686 = math.exp %neg3A_685 : vector<16xf32>
        %add3A_687 = arith.constant 1.000000e+00 : f32
        %add3A_688 = vector.broadcast %add3A_687 : f32 to vector<16xf32>
        %add3A_689 = arith.addf %add3A_688, %exp3A_686 : vector<16xf32>
        %div3A_690 = arith.constant 1.000000e+00 : f32
        %div3A_691 = vector.broadcast %div3A_690 : f32 to vector<16xf32>
        %div3A_692 = arith.divf %div3A_691, %add3A_689 : vector<16xf32>
        %sub3A_693 = arith.subf %select_n3A_676, %select_n3A_671 : vector<16xf32>
        %mul3A_694 = arith.mulf %sub3A_693, %div3A_692 : vector<16xf32>
        %add3A_695 = arith.addf %select_n3A_671, %mul3A_694 : vector<16xf32>
        %swap3A_696 = arith.index_cast %scan3A_200 : i32 to index
        %swap3A_697 = arith.constant 176 : index
        %swap3A_698 = tpu.vector_load %arg7[%swap3A_696, %swap3A_697] {strides = array<i32>} : memref<64x256xf32, #tpu.memory_space<vmem>>, vector<1x16xf32>,
        %swap3A_699 = vector.shape_cast %swap3A_698 : vector<1x16xf32> to vector<16xf32>
        %swap3A_700 = vector.shape_cast %add3A_695 : vector<16xf32> to vector<1x16xf32>
        tpu.vector_store %arg7[%swap3A_696, %swap3A_697], %swap3A_700 {strides = array<i32>} : memref<64x256xf32, #tpu.memory_space<vmem>>, vector<1x16xf32>,
        %get3A_701 = arith.index_cast %scan3A_200 : i32 to index
        %get3A_702 = arith.constant 192 : index
        %get3A_703 = tpu.vector_load %arg5[%get3A_701, %get3A_702] {strides = array<i32>} : memref<64x256xf32, #tpu.memory_space<vmem>>, vector<1x16xf32>,
        %get3A_704 = vector.shape_cast %get3A_703 : vector<1x16xf32> to vector<16xf32>
        %lt3A_705 = vector.broadcast %squeeze3A_4 : f32 to vector<16xf32>
        %lt3A_706 = arith.cmpf olt, %get3A_704, %lt3A_705 : vector<16xf32>
        %lt3A_707 = vector.broadcast %squeeze3A_6 : f32 to vector<16xf32>
        %lt3A_708 = arith.cmpf olt, %get3A_704, %lt3A_707 : vector<16xf32>
        %broadcast_in_dim3A_709 = vector.broadcast %squeeze3A_4 : f32 to vector<16xf32>
        %broadcast_in_dim3A_710 = vector.broadcast %squeeze3A_6 : f32 to vector<16xf32>
        %select_n3A_711 = arith.select %lt3A_708, %broadcast_in_dim3A_709, %broadcast_in_dim3A_710 : vector<16xi1>, vector<16xf32>
        %broadcast_in_dim3A_712 = vector.broadcast %squeeze3A : f32 to vector<16xf32>
        %select_n3A_713 = arith.select %lt3A_706, %broadcast_in_dim3A_712, %select_n3A_711 : vector<16xi1>, vector<16xf32>
        %broadcast_in_dim3A_714 = vector.broadcast %squeeze3A_6 : f32 to vector<16xf32>
        %broadcast_in_dim3A_715 = vector.broadcast %squeeze3A_8 : f32 to vector<16xf32>
        %select_n3A_716 = arith.select %lt3A_708, %broadcast_in_dim3A_714, %broadcast_in_dim3A_715 : vector<16xi1>, vector<16xf32>
        %broadcast_in_dim3A_717 = vector.broadcast %squeeze3A_4 : f32 to vector<16xf32>
        %select_n3A_718 = arith.select %lt3A_706, %broadcast_in_dim3A_717, %select_n3A_716 : vector<16xi1>, vector<16xf32>
        %add3A_719 = arith.addf %select_n3A_713, %select_n3A_718 : vector<16xf32>
        %add3A_720 = arith.addf %get3A_704, %get3A_704 : vector<16xf32>
        %sub3A_721 = arith.subf %add3A_719, %add3A_720 : vector<16xf32>
        %mul3A_722 = arith.constant -5.000000e+01 : f32
        %mul3A_723 = vector.broadcast %mul3A_722 : f32 to vector<16xf32>
        %mul3A_724 = arith.mulf %mul3A_723, %sub3A_721 : vector<16xf32>
        %neg3A_725 = arith.constant 0.000000e+00 : f32
        %neg3A_726 = vector.broadcast %neg3A_725 : f32 to vector<16xf32>
        %neg3A_727 = arith.subf %neg3A_726, %mul3A_724 : vector<16xf32>
        %exp3A_728 = math.exp %neg3A_727 : vector<16xf32>
        %add3A_729 = arith.constant 1.000000e+00 : f32
        %add3A_730 = vector.broadcast %add3A_729 : f32 to vector<16xf32>
        %add3A_731 = arith.addf %add3A_730, %exp3A_728 : vector<16xf32>
        %div3A_732 = arith.constant 1.000000e+00 : f32
        %div3A_733 = vector.broadcast %div3A_732 : f32 to vector<16xf32>
        %div3A_734 = arith.divf %div3A_733, %add3A_731 : vector<16xf32>
        %sub3A_735 = arith.subf %select_n3A_718, %select_n3A_713 : vector<16xf32>
        %mul3A_736 = arith.mulf %sub3A_735, %div3A_734 : vector<16xf32>
        %add3A_737 = arith.addf %select_n3A_713, %mul3A_736 : vector<16xf32>
        %swap3A_738 = arith.index_cast %scan3A_200 : i32 to index
        %swap3A_739 = arith.constant 192 : index
        %swap3A_740 = tpu.vector_load %arg7[%swap3A_738, %swap3A_739] {strides = array<i32>} : memref<64x256xf32, #tpu.memory_space<vmem>>, vector<1x16xf32>,
        %swap3A_741 = vector.shape_cast %swap3A_740 : vector<1x16xf32> to vector<16xf32>
        %swap3A_742 = vector.shape_cast %add3A_737 : vector<16xf32> to vector<1x16xf32>
        tpu.vector_store %arg7[%swap3A_738, %swap3A_739], %swap3A_742 {strides = array<i32>} : memref<64x256xf32, #tpu.memory_space<vmem>>, vector<1x16xf32>,
        %get3A_743 = arith.index_cast %scan3A_200 : i32 to index
        %get3A_744 = arith.constant 208 : index
        %get3A_745 = tpu.vector_load %arg5[%get3A_743, %get3A_744] {strides = array<i32>} : memref<64x256xf32, #tpu.memory_space<vmem>>, vector<1x16xf32>,
        %get3A_746 = vector.shape_cast %get3A_745 : vector<1x16xf32> to vector<16xf32>
        %lt3A_747 = vector.broadcast %squeeze3A_4 : f32 to vector<16xf32>
        %lt3A_748 = arith.cmpf olt, %get3A_746, %lt3A_747 : vector<16xf32>
        %lt3A_749 = vector.broadcast %squeeze3A_6 : f32 to vector<16xf32>
        %lt3A_750 = arith.cmpf olt, %get3A_746, %lt3A_749 : vector<16xf32>
        %broadcast_in_dim3A_751 = vector.broadcast %squeeze3A_4 : f32 to vector<16xf32>
        %broadcast_in_dim3A_752 = vector.broadcast %squeeze3A_6 : f32 to vector<16xf32>
        %select_n3A_753 = arith.select %lt3A_750, %broadcast_in_dim3A_751, %broadcast_in_dim3A_752 : vector<16xi1>, vector<16xf32>
        %broadcast_in_dim3A_754 = vector.broadcast %squeeze3A : f32 to vector<16xf32>
        %select_n3A_755 = arith.select %lt3A_748, %broadcast_in_dim3A_754, %select_n3A_753 : vector<16xi1>, vector<16xf32>
        %broadcast_in_dim3A_756 = vector.broadcast %squeeze3A_6 : f32 to vector<16xf32>
        %broadcast_in_dim3A_757 = vector.broadcast %squeeze3A_8 : f32 to vector<16xf32>
        %select_n3A_758 = arith.select %lt3A_750, %broadcast_in_dim3A_756, %broadcast_in_dim3A_757 : vector<16xi1>, vector<16xf32>
        %broadcast_in_dim3A_759 = vector.broadcast %squeeze3A_4 : f32 to vector<16xf32>
        %select_n3A_760 = arith.select %lt3A_748, %broadcast_in_dim3A_759, %select_n3A_758 : vector<16xi1>, vector<16xf32>
        %add3A_761 = arith.addf %select_n3A_755, %select_n3A_760 : vector<16xf32>
        %add3A_762 = arith.addf %get3A_746, %get3A_746 : vector<16xf32>
        %sub3A_763 = arith.subf %add3A_761, %add3A_762 : vector<16xf32>
        %mul3A_764 = arith.constant -5.000000e+01 : f32
        %mul3A_765 = vector.broadcast %mul3A_764 : f32 to vector<16xf32>
        %mul3A_766 = arith.mulf %mul3A_765, %sub3A_763 : vector<16xf32>
        %neg3A_767 = arith.constant 0.000000e+00 : f32
        %neg3A_768 = vector.broadcast %neg3A_767 : f32 to vector<16xf32>
        %neg3A_769 = arith.subf %neg3A_768, %mul3A_766 : vector<16xf32>
        %exp3A_770 = math.exp %neg3A_769 : vector<16xf32>
        %add3A_771 = arith.constant 1.000000e+00 : f32
        %add3A_772 = vector.broadcast %add3A_771 : f32 to vector<16xf32>
        %add3A_773 = arith.addf %add3A_772, %exp3A_770 : vector<16xf32>
        %div3A_774 = arith.constant 1.000000e+00 : f32
        %div3A_775 = vector.broadcast %div3A_774 : f32 to vector<16xf32>
        %div3A_776 = arith.divf %div3A_775, %add3A_773 : vector<16xf32>
        %sub3A_777 = arith.subf %select_n3A_760, %select_n3A_755 : vector<16xf32>
        %mul3A_778 = arith.mulf %sub3A_777, %div3A_776 : vector<16xf32>
        %add3A_779 = arith.addf %select_n3A_755, %mul3A_778 : vector<16xf32>
        %swap3A_780 = arith.index_cast %scan3A_200 : i32 to index
        %swap3A_781 = arith.constant 208 : index
        %swap3A_782 = tpu.vector_load %arg7[%swap3A_780, %swap3A_781] {strides = array<i32>} : memref<64x256xf32, #tpu.memory_space<vmem>>, vector<1x16xf32>,
        %swap3A_783 = vector.shape_cast %swap3A_782 : vector<1x16xf32> to vector<16xf32>
        %swap3A_784 = vector.shape_cast %add3A_779 : vector<16xf32> to vector<1x16xf32>
        tpu.vector_store %arg7[%swap3A_780, %swap3A_781], %swap3A_784 {strides = array<i32>} : memref<64x256xf32, #tpu.memory_space<vmem>>, vector<1x16xf32>,
        %get3A_785 = arith.index_cast %scan3A_200 : i32 to index
        %get3A_786 = arith.constant 224 : index
        %get3A_787 = tpu.vector_load %arg5[%get3A_785, %get3A_786] {strides = array<i32>} : memref<64x256xf32, #tpu.memory_space<vmem>>, vector<1x16xf32>,
        %get3A_788 = vector.shape_cast %get3A_787 : vector<1x16xf32> to vector<16xf32>
        %lt3A_789 = vector.broadcast %squeeze3A_4 : f32 to vector<16xf32>
        %lt3A_790 = arith.cmpf olt, %get3A_788, %lt3A_789 : vector<16xf32>
        %lt3A_791 = vector.broadcast %squeeze3A_6 : f32 to vector<16xf32>
        %lt3A_792 = arith.cmpf olt, %get3A_788, %lt3A_791 : vector<16xf32>
        %broadcast_in_dim3A_793 = vector.broadcast %squeeze3A_4 : f32 to vector<16xf32>
        %broadcast_in_dim3A_794 = vector.broadcast %squeeze3A_6 : f32 to vector<16xf32>
        %select_n3A_795 = arith.select %lt3A_792, %broadcast_in_dim3A_793, %broadcast_in_dim3A_794 : vector<16xi1>, vector<16xf32>
        %broadcast_in_dim3A_796 = vector.broadcast %squeeze3A : f32 to vector<16xf32>
        %select_n3A_797 = arith.select %lt3A_790, %broadcast_in_dim3A_796, %select_n3A_795 : vector<16xi1>, vector<16xf32>
        %broadcast_in_dim3A_798 = vector.broadcast %squeeze3A_6 : f32 to vector<16xf32>
        %broadcast_in_dim3A_799 = vector.broadcast %squeeze3A_8 : f32 to vector<16xf32>
        %select_n3A_800 = arith.select %lt3A_792, %broadcast_in_dim3A_798, %broadcast_in_dim3A_799 : vector<16xi1>, vector<16xf32>
        %broadcast_in_dim3A_801 = vector.broadcast %squeeze3A_4 : f32 to vector<16xf32>
        %select_n3A_802 = arith.select %lt3A_790, %broadcast_in_dim3A_801, %select_n3A_800 : vector<16xi1>, vector<16xf32>
        %add3A_803 = arith.addf %select_n3A_797, %select_n3A_802 : vector<16xf32>
        %add3A_804 = arith.addf %get3A_788, %get3A_788 : vector<16xf32>
        %sub3A_805 = arith.subf %add3A_803, %add3A_804 : vector<16xf32>
        %mul3A_806 = arith.constant -5.000000e+01 : f32
        %mul3A_807 = vector.broadcast %mul3A_806 : f32 to vector<16xf32>
        %mul3A_808 = arith.mulf %mul3A_807, %sub3A_805 : vector<16xf32>
        %neg3A_809 = arith.constant 0.000000e+00 : f32
        %neg3A_810 = vector.broadcast %neg3A_809 : f32 to vector<16xf32>
        %neg3A_811 = arith.subf %neg3A_810, %mul3A_808 : vector<16xf32>
        %exp3A_812 = math.exp %neg3A_811 : vector<16xf32>
        %add3A_813 = arith.constant 1.000000e+00 : f32
        %add3A_814 = vector.broadcast %add3A_813 : f32 to vector<16xf32>
        %add3A_815 = arith.addf %add3A_814, %exp3A_812 : vector<16xf32>
        %div3A_816 = arith.constant 1.000000e+00 : f32
        %div3A_817 = vector.broadcast %div3A_816 : f32 to vector<16xf32>
        %div3A_818 = arith.divf %div3A_817, %add3A_815 : vector<16xf32>
        %sub3A_819 = arith.subf %select_n3A_802, %select_n3A_797 : vector<16xf32>
        %mul3A_820 = arith.mulf %sub3A_819, %div3A_818 : vector<16xf32>
        %add3A_821 = arith.addf %select_n3A_797, %mul3A_820 : vector<16xf32>
        %swap3A_822 = arith.index_cast %scan3A_200 : i32 to index
        %swap3A_823 = arith.constant 224 : index
        %swap3A_824 = tpu.vector_load %arg7[%swap3A_822, %swap3A_823] {strides = array<i32>} : memref<64x256xf32, #tpu.memory_space<vmem>>, vector<1x16xf32>,
        %swap3A_825 = vector.shape_cast %swap3A_824 : vector<1x16xf32> to vector<16xf32>
        %swap3A_826 = vector.shape_cast %add3A_821 : vector<16xf32> to vector<1x16xf32>
        tpu.vector_store %arg7[%swap3A_822, %swap3A_823], %swap3A_826 {strides = array<i32>} : memref<64x256xf32, #tpu.memory_space<vmem>>, vector<1x16xf32>,
        %get3A_827 = arith.index_cast %scan3A_200 : i32 to index
        %get3A_828 = arith.constant 240 : index
        %get3A_829 = tpu.vector_load %arg5[%get3A_827, %get3A_828] {strides = array<i32>} : memref<64x256xf32, #tpu.memory_space<vmem>>, vector<1x16xf32>,
        %get3A_830 = vector.shape_cast %get3A_829 : vector<1x16xf32> to vector<16xf32>
        %lt3A_831 = vector.broadcast %squeeze3A_4 : f32 to vector<16xf32>
        %lt3A_832 = arith.cmpf olt, %get3A_830, %lt3A_831 : vector<16xf32>
        %lt3A_833 = vector.broadcast %squeeze3A_6 : f32 to vector<16xf32>
        %lt3A_834 = arith.cmpf olt, %get3A_830, %lt3A_833 : vector<16xf32>
        %broadcast_in_dim3A_835 = vector.broadcast %squeeze3A_4 : f32 to vector<16xf32>
        %broadcast_in_dim3A_836 = vector.broadcast %squeeze3A_6 : f32 to vector<16xf32>
        %select_n3A_837 = arith.select %lt3A_834, %broadcast_in_dim3A_835, %broadcast_in_dim3A_836 : vector<16xi1>, vector<16xf32>
        %broadcast_in_dim3A_838 = vector.broadcast %squeeze3A : f32 to vector<16xf32>
        %select_n3A_839 = arith.select %lt3A_832, %broadcast_in_dim3A_838, %select_n3A_837 : vector<16xi1>, vector<16xf32>
        %broadcast_in_dim3A_840 = vector.broadcast %squeeze3A_6 : f32 to vector<16xf32>
        %broadcast_in_dim3A_841 = vector.broadcast %squeeze3A_8 : f32 to vector<16xf32>
        %select_n3A_842 = arith.select %lt3A_834, %broadcast_in_dim3A_840, %broadcast_in_dim3A_841 : vector<16xi1>, vector<16xf32>
        %broadcast_in_dim3A_843 = vector.broadcast %squeeze3A_4 : f32 to vector<16xf32>
        %select_n3A_844 = arith.select %lt3A_832, %broadcast_in_dim3A_843, %select_n3A_842 : vector<16xi1>, vector<16xf32>
        %add3A_845 = arith.addf %select_n3A_839, %select_n3A_844 : vector<16xf32>
        %add3A_846 = arith.addf %get3A_830, %get3A_830 : vector<16xf32>
        %sub3A_847 = arith.subf %add3A_845, %add3A_846 : vector<16xf32>
        %mul3A_848 = arith.constant -5.000000e+01 : f32
        %mul3A_849 = vector.broadcast %mul3A_848 : f32 to vector<16xf32>
        %mul3A_850 = arith.mulf %mul3A_849, %sub3A_847 : vector<16xf32>
        %neg3A_851 = arith.constant 0.000000e+00 : f32
        %neg3A_852 = vector.broadcast %neg3A_851 : f32 to vector<16xf32>
        %neg3A_853 = arith.subf %neg3A_852, %mul3A_850 : vector<16xf32>
        %exp3A_854 = math.exp %neg3A_853 : vector<16xf32>
        %add3A_855 = arith.constant 1.000000e+00 : f32
        %add3A_856 = vector.broadcast %add3A_855 : f32 to vector<16xf32>
        %add3A_857 = arith.addf %add3A_856, %exp3A_854 : vector<16xf32>
        %div3A_858 = arith.constant 1.000000e+00 : f32
        %div3A_859 = vector.broadcast %div3A_858 : f32 to vector<16xf32>
        %div3A_860 = arith.divf %div3A_859, %add3A_857 : vector<16xf32>
        %sub3A_861 = arith.subf %select_n3A_844, %select_n3A_839 : vector<16xf32>
        %mul3A_862 = arith.mulf %sub3A_861, %div3A_860 : vector<16xf32>
        %add3A_863 = arith.addf %select_n3A_839, %mul3A_862 : vector<16xf32>
        %swap3A_864 = arith.index_cast %scan3A_200 : i32 to index
        %swap3A_865 = arith.constant 240 : index
        %swap3A_866 = tpu.vector_load %arg7[%swap3A_864, %swap3A_865] {strides = array<i32>} : memref<64x256xf32, #tpu.memory_space<vmem>>, vector<1x16xf32>,
        %swap3A_867 = vector.shape_cast %swap3A_866 : vector<1x16xf32> to vector<16xf32>
        %swap3A_868 = vector.shape_cast %add3A_863 : vector<16xf32> to vector<1x16xf32>
        tpu.vector_store %arg7[%swap3A_864, %swap3A_865], %swap3A_868 {strides = array<i32>} : memref<64x256xf32, #tpu.memory_space<vmem>>, vector<1x16xf32>,
      }
      %scan3A_109 = arith.constant 64 : i32
      %dma_start3A_110 = arith.constant 0 : i32
      %dma_start3A_111 = tpu.memref_slice %arg4[%select_n3A, %add3A_95, %dma_start3A_110] : memref<21x4096x256xf32, #tpu.memory_space<hbm>> -> memref<1x64x256xf32, #tpu.memory_space<hbm>>
      %dma_start3A_112 = tpu.memref_squeeze %dma_start3A_111 : memref<1x64x256xf32, #tpu.memory_space<hbm>> -> memref<64x256xf32, #tpu.memory_space<hbm>>
      %dma_start3A_113 = arith.constant 0 : i32
      %dma_start3A_114 = tpu.memref_slice %arg4[%select_n3A, %add3A_95, %dma_start3A_113] : memref<21x4096x256xf32, #tpu.memory_space<hbm>> -> memref<1x64x256xf32, #tpu.memory_space<hbm>>
      %dma_start3A_115 = tpu.memref_squeeze %dma_start3A_114 : memref<1x64x256xf32, #tpu.memory_space<hbm>> -> memref<64x256xf32, #tpu.memory_space<hbm>>
      tpu.enqueue_dma source(%arg7 : memref<64x256xf32, #tpu.memory_space<vmem>>) target(%dma_start3A_115 : memref<64x256xf32, #tpu.memory_space<hbm>>) target_semaphore(%arg12 : memref<!tpu.dma_semaphore, #tpu.memory_space<semaphore_mem>>)
      %add3A_116 = arith.constant 2 : i32
      %add3A_117 = arith.addi %add3A_60, %add3A_116 : i32
      %lt3A_118 = arith.constant 42 : i32
      %lt3A_119 = arith.cmpi slt, %add3A_117, %lt3A_118 : i32
      %convert_element_type3A_120 = arith.extui %lt3A_119 : i1 to i32
      %cond3A_121 = arith.constant 0 : i32
      %cond3A_122 = arith.cmpi ne, %convert_element_type3A_120, %cond3A_121 : i32
      scf.if %cond3A_122 {
        %add3A_200 = arith.constant 2 : i32
        %add3A_201 = arith.addi %add3A_60, %add3A_200 : i32
        %jit3A_202 = arith.constant 2 : i32
        %div3A_203 = arith.divsi %add3A_201, %jit3A_202 : i32
        %sign3A_204 = arith.constant 0 : i32
        %sign3A_205 = arith.cmpi sgt, %add3A_201, %sign3A_204 : i32
        %sign3A_206 = arith.extui %sign3A_205 : i1 to i32
        %sign3A_207 = arith.constant 0 : i32
        %sign3A_208 = arith.cmpi slt, %add3A_201, %sign3A_207 : i32
        %sign3A_209 = arith.extui %sign3A_208 : i1 to i32
        %sign3A_210 = arith.subi %sign3A_206, %sign3A_209 : i32
        %sign3A_211 = arith.constant 0 : i32
        %sign3A_212 = arith.cmpi sgt, %jit3A_202, %sign3A_211 : i32
        %sign3A_213 = arith.extui %sign3A_212 : i1 to i32
        %sign3A_214 = arith.constant 0 : i32
        %sign3A_215 = arith.cmpi slt, %jit3A_202, %sign3A_214 : i32
        %sign3A_216 = arith.extui %sign3A_215 : i1 to i32
        %sign3A_217 = arith.subi %sign3A_213, %sign3A_216 : i32
        %ne3A_218 = arith.cmpi ne, %sign3A_210, %sign3A_217 : i32
        %rem3A_219 = arith.remsi %add3A_201, %jit3A_202 : i32
        %ne3A_220 = arith.constant 0 : i32
        %ne3A_221 = arith.cmpi ne, %rem3A_219, %ne3A_220 : i32
        %and3A_222 = arith.andi %ne3A_218, %ne3A_221 : i1
        %sub3A_223 = arith.constant 1 : i32
        %sub3A_224 = arith.subi %div3A_203, %sub3A_223 : i32
        %select_n3A_225 = arith.select %and3A_222, %sub3A_224, %div3A_203 : i32
        %jit3A_226 = arith.constant 2 : i32
        %eq3A_227 = arith.constant 0 : i32
        %eq3A_228 = arith.cmpi eq, %jit3A_226, %eq3A_227 : i32
        %jit3A_229 = arith.constant 1 : i32
        %select_n3A_230 = arith.select %eq3A_228, %jit3A_229, %jit3A_226 : i32
        %rem3A_231 = arith.remsi %add3A_201, %select_n3A_230 : i32
        %ne3A_232 = arith.constant 0 : i32
        %ne3A_233 = arith.cmpi ne, %rem3A_231, %ne3A_232 : i32
        %lt3A_234 = arith.constant 0 : i32
        %lt3A_235 = arith.cmpi slt, %rem3A_231, %lt3A_234 : i32
        %lt3A_236 = arith.constant 0 : i32
        %lt3A_237 = arith.cmpi slt, %select_n3A_230, %lt3A_236 : i32
        %ne3A_238 = arith.xori %lt3A_235, %lt3A_237 : i1
        %and3A_239 = arith.andi %ne3A_238, %ne3A_233 : i1
        %add3A_240 = arith.addi %rem3A_231, %select_n3A_230 : i32
        %select_n3A_241 = arith.select %and3A_239, %add3A_240, %rem3A_231 : i32
        %mul3A_242 = arith.constant 128 : i32
        %mul3A_243 = arith.muli %add3A, %mul3A_242 : i32
        %mul3A_244 = arith.constant 64 : i32
        %mul3A_245 = arith.muli %select_n3A_241, %mul3A_244 : i32
        %add3A_246 = arith.addi %mul3A_243, %mul3A_245 : i32
        %dma_start3A_247 = arith.constant 0 : i32
        %dma_start3A_248 = tpu.memref_slice %arg2[%select_n3A_225, %add3A_246, %dma_start3A_247] : memref<21x4096x256xf32, #tpu.memory_space<hbm>> -> memref<1x64x256xf32, #tpu.memory_space<hbm>>
        %dma_start3A_249 = tpu.memref_squeeze %dma_start3A_248 : memref<1x64x256xf32, #tpu.memory_space<hbm>> -> memref<64x256xf32, #tpu.memory_space<hbm>>
        %dma_start3A_250 = arith.constant 0 : i32
        %dma_start3A_251 = tpu.memref_slice %arg2[%select_n3A_225, %add3A_246, %dma_start3A_250] : memref<21x4096x256xf32, #tpu.memory_space<hbm>> -> memref<1x64x256xf32, #tpu.memory_space<hbm>>
        %dma_start3A_252 = tpu.memref_squeeze %dma_start3A_251 : memref<1x64x256xf32, #tpu.memory_space<hbm>> -> memref<64x256xf32, #tpu.memory_space<hbm>>
        tpu.enqueue_dma source(%dma_start3A_252 : memref<64x256xf32, #tpu.memory_space<hbm>>) target(%arg5 : memref<64x256xf32, #tpu.memory_space<vmem>>) target_semaphore(%arg10 : memref<!tpu.dma_semaphore, #tpu.memory_space<semaphore_mem>>)
      } else {
      }
      %add3A_123 = arith.constant 1 : i32
      %add3A_124 = arith.addi %mul3A_58, %add3A_123 : i32
      %jit3A_125 = arith.constant 2 : i32
      %div3A_126 = arith.divsi %add3A_124, %jit3A_125 : i32
      %sign3A_127 = arith.constant 0 : i32
      %sign3A_128 = arith.cmpi sgt, %add3A_124, %sign3A_127 : i32
      %sign3A_129 = arith.extui %sign3A_128 : i1 to i32
      %sign3A_130 = arith.constant 0 : i32
      %sign3A_131 = arith.cmpi slt, %add3A_124, %sign3A_130 : i32
      %sign3A_132 = arith.extui %sign3A_131 : i1 to i32
      %sign3A_133 = arith.subi %sign3A_129, %sign3A_132 : i32
      %sign3A_134 = arith.constant 0 : i32
      %sign3A_135 = arith.cmpi sgt, %jit3A_125, %sign3A_134 : i32
      %sign3A_136 = arith.extui %sign3A_135 : i1 to i32
      %sign3A_137 = arith.constant 0 : i32
      %sign3A_138 = arith.cmpi slt, %jit3A_125, %sign3A_137 : i32
      %sign3A_139 = arith.extui %sign3A_138 : i1 to i32
      %sign3A_140 = arith.subi %sign3A_136, %sign3A_139 : i32
      %ne3A_141 = arith.cmpi ne, %sign3A_133, %sign3A_140 : i32
      %rem3A_142 = arith.remsi %add3A_124, %jit3A_125 : i32
      %ne3A_143 = arith.constant 0 : i32
      %ne3A_144 = arith.cmpi ne, %rem3A_142, %ne3A_143 : i32
      %and3A_145 = arith.andi %ne3A_141, %ne3A_144 : i1
      %sub3A_146 = arith.constant 1 : i32
      %sub3A_147 = arith.subi %div3A_126, %sub3A_146 : i32
      %select_n3A_148 = arith.select %and3A_145, %sub3A_147, %div3A_126 : i32
      %jit3A_149 = arith.constant 2 : i32
      %eq3A_150 = arith.constant 0 : i32
      %eq3A_151 = arith.cmpi eq, %jit3A_149, %eq3A_150 : i32
      %jit3A_152 = arith.constant 1 : i32
      %select_n3A_153 = arith.select %eq3A_151, %jit3A_152, %jit3A_149 : i32
      %rem3A_154 = arith.remsi %add3A_124, %select_n3A_153 : i32
      %ne3A_155 = arith.constant 0 : i32
      %ne3A_156 = arith.cmpi ne, %rem3A_154, %ne3A_155 : i32
      %lt3A_157 = arith.constant 0 : i32
      %lt3A_158 = arith.cmpi slt, %rem3A_154, %lt3A_157 : i32
      %lt3A_159 = arith.constant 0 : i32
      %lt3A_160 = arith.cmpi slt, %select_n3A_153, %lt3A_159 : i32
      %ne3A_161 = arith.xori %lt3A_158, %lt3A_160 : i1
      %and3A_162 = arith.andi %ne3A_161, %ne3A_156 : i1
      %add3A_163 = arith.addi %rem3A_154, %select_n3A_153 : i32
      %select_n3A_164 = arith.select %and3A_162, %add3A_163, %rem3A_154 : i32
      %mul3A_165 = arith.constant 128 : i32
      %mul3A_166 = arith.muli %add3A, %mul3A_165 : i32
      %mul3A_167 = arith.constant 64 : i32
      %mul3A_168 = arith.muli %select_n3A_164, %mul3A_167 : i32
      %add3A_169 = arith.addi %mul3A_166, %mul3A_168 : i32
      %dma_wait3A_170 = arith.constant 0 : i32
      %dma_wait3A_171 = tpu.memref_slice %arg2[%select_n3A_148, %add3A_169, %dma_wait3A_170] : memref<21x4096x256xf32, #tpu.memory_space<hbm>> -> memref<1x64x256xf32, #tpu.memory_space<hbm>>
      %dma_wait3A_172 = tpu.memref_squeeze %dma_wait3A_171 : memref<1x64x256xf32, #tpu.memory_space<hbm>> -> memref<64x256xf32, #tpu.memory_space<hbm>>
      %dma_wait3A_173 = arith.constant 0 : i32
      %dma_wait3A_174 = tpu.memref_slice %arg2[%select_n3A_148, %add3A_169, %dma_wait3A_173] : memref<21x4096x256xf32, #tpu.memory_space<hbm>> -> memref<1x64x256xf32, #tpu.memory_space<hbm>>
      %dma_wait3A_175 = tpu.memref_squeeze %dma_wait3A_174 : memref<1x64x256xf32, #tpu.memory_space<hbm>> -> memref<64x256xf32, #tpu.memory_space<hbm>>
      tpu.wait_dma2 semaphore(%arg11 : memref<!tpu.dma_semaphore, #tpu.memory_space<semaphore_mem>>) src(%dma_wait3A_175 : memref<64x256xf32, #tpu.memory_space<hbm>>) dst(%arg6 : memref<64x256xf32, #tpu.memory_space<vmem>>)
      %ge3A_176 = arith.constant 2 : i32
      %ge3A_177 = arith.cmpi sge, %add3A_124, %ge3A_176 : i32
      %convert_element_type3A_178 = arith.extui %ge3A_177 : i1 to i32
      %cond3A_179 = arith.constant 0 : i32
      %cond3A_180 = arith.cmpi ne, %convert_element_type3A_178, %cond3A_179 : i32
      scf.if %cond3A_180 {
        %sub3A_200 = arith.constant 2 : i32
        %sub3A_201 = arith.subi %add3A_124, %sub3A_200 : i32
        %jit3A_202 = arith.constant 2 : i32
        %div3A_203 = arith.divsi %sub3A_201, %jit3A_202 : i32
        %sign3A_204 = arith.constant 0 : i32
        %sign3A_205 = arith.cmpi sgt, %sub3A_201, %sign3A_204 : i32
        %sign3A_206 = arith.extui %sign3A_205 : i1 to i32
        %sign3A_207 = arith.constant 0 : i32
        %sign3A_208 = arith.cmpi slt, %sub3A_201, %sign3A_207 : i32
        %sign3A_209 = arith.extui %sign3A_208 : i1 to i32
        %sign3A_210 = arith.subi %sign3A_206, %sign3A_209 : i32
        %sign3A_211 = arith.constant 0 : i32
        %sign3A_212 = arith.cmpi sgt, %jit3A_202, %sign3A_211 : i32
        %sign3A_213 = arith.extui %sign3A_212 : i1 to i32
        %sign3A_214 = arith.constant 0 : i32
        %sign3A_215 = arith.cmpi slt, %jit3A_202, %sign3A_214 : i32
        %sign3A_216 = arith.extui %sign3A_215 : i1 to i32
        %sign3A_217 = arith.subi %sign3A_213, %sign3A_216 : i32
        %ne3A_218 = arith.cmpi ne, %sign3A_210, %sign3A_217 : i32
        %rem3A_219 = arith.remsi %sub3A_201, %jit3A_202 : i32
        %ne3A_220 = arith.constant 0 : i32
        %ne3A_221 = arith.cmpi ne, %rem3A_219, %ne3A_220 : i32
        %and3A_222 = arith.andi %ne3A_218, %ne3A_221 : i1
        %sub3A_223 = arith.constant 1 : i32
        %sub3A_224 = arith.subi %div3A_203, %sub3A_223 : i32
        %select_n3A_225 = arith.select %and3A_222, %sub3A_224, %div3A_203 : i32
        %jit3A_226 = arith.constant 2 : i32
        %eq3A_227 = arith.constant 0 : i32
        %eq3A_228 = arith.cmpi eq, %jit3A_226, %eq3A_227 : i32
        %jit3A_229 = arith.constant 1 : i32
        %select_n3A_230 = arith.select %eq3A_228, %jit3A_229, %jit3A_226 : i32
        %rem3A_231 = arith.remsi %sub3A_201, %select_n3A_230 : i32
        %ne3A_232 = arith.constant 0 : i32
        %ne3A_233 = arith.cmpi ne, %rem3A_231, %ne3A_232 : i32
        %lt3A_234 = arith.constant 0 : i32
        %lt3A_235 = arith.cmpi slt, %rem3A_231, %lt3A_234 : i32
        %lt3A_236 = arith.constant 0 : i32
        %lt3A_237 = arith.cmpi slt, %select_n3A_230, %lt3A_236 : i32
        %ne3A_238 = arith.xori %lt3A_235, %lt3A_237 : i1
        %and3A_239 = arith.andi %ne3A_238, %ne3A_233 : i1
        %add3A_240 = arith.addi %rem3A_231, %select_n3A_230 : i32
        %select_n3A_241 = arith.select %and3A_239, %add3A_240, %rem3A_231 : i32
        %mul3A_242 = arith.constant 128 : i32
        %mul3A_243 = arith.muli %add3A, %mul3A_242 : i32
        %mul3A_244 = arith.constant 64 : i32
        %mul3A_245 = arith.muli %select_n3A_241, %mul3A_244 : i32
        %add3A_246 = arith.addi %mul3A_243, %mul3A_245 : i32
        %dma_wait3A_247 = arith.constant 0 : i32
        %dma_wait3A_248 = tpu.memref_slice %arg4[%select_n3A_225, %add3A_246, %dma_wait3A_247] : memref<21x4096x256xf32, #tpu.memory_space<hbm>> -> memref<1x64x256xf32, #tpu.memory_space<hbm>>
        %dma_wait3A_249 = tpu.memref_squeeze %dma_wait3A_248 : memref<1x64x256xf32, #tpu.memory_space<hbm>> -> memref<64x256xf32, #tpu.memory_space<hbm>>
        %dma_wait3A_250 = arith.constant 0 : i32
        %dma_wait3A_251 = tpu.memref_slice %arg4[%select_n3A_225, %add3A_246, %dma_wait3A_250] : memref<21x4096x256xf32, #tpu.memory_space<hbm>> -> memref<1x64x256xf32, #tpu.memory_space<hbm>>
        %dma_wait3A_252 = tpu.memref_squeeze %dma_wait3A_251 : memref<1x64x256xf32, #tpu.memory_space<hbm>> -> memref<64x256xf32, #tpu.memory_space<hbm>>
        tpu.wait_dma2 semaphore(%arg13 : memref<!tpu.dma_semaphore, #tpu.memory_space<semaphore_mem>>) src(%arg8 : memref<64x256xf32, #tpu.memory_space<vmem>>) dst(%dma_wait3A_252 : memref<64x256xf32, #tpu.memory_space<hbm>>)
      } else {
      }
      %scan3A_181 = arith.constant 0 : i32
      %scan3A_182 = arith.constant 0 : i32
      %scan3A_183 = arith.constant 64 : i32
      %scan3A_184 = arith.addi %scan3A_182, %scan3A_183 : i32
      %scan3A_185 = arith.constant 1 : i32
      scf.for %scan3A_200 = %scan3A_182 to %scan3A_184 step %scan3A_185  : i32 {
        %get3A_201 = arith.index_cast %scan3A_200 : i32 to index
        %get3A_202 = arith.constant 0 : index
        %get3A_203 = tpu.vector_load %arg6[%get3A_201, %get3A_202] {strides = array<i32>} : memref<64x256xf32, #tpu.memory_space<vmem>>, vector<1x16xf32>,
        %get3A_204 = vector.shape_cast %get3A_203 : vector<1x16xf32> to vector<16xf32>
        %lt3A_205 = vector.broadcast %squeeze3A_4 : f32 to vector<16xf32>
        %lt3A_206 = arith.cmpf olt, %get3A_204, %lt3A_205 : vector<16xf32>
        %lt3A_207 = vector.broadcast %squeeze3A_6 : f32 to vector<16xf32>
        %lt3A_208 = arith.cmpf olt, %get3A_204, %lt3A_207 : vector<16xf32>
        %broadcast_in_dim3A = vector.broadcast %squeeze3A_4 : f32 to vector<16xf32>
        %broadcast_in_dim3A_209 = vector.broadcast %squeeze3A_6 : f32 to vector<16xf32>
        %select_n3A_210 = arith.select %lt3A_208, %broadcast_in_dim3A, %broadcast_in_dim3A_209 : vector<16xi1>, vector<16xf32>
        %broadcast_in_dim3A_211 = vector.broadcast %squeeze3A : f32 to vector<16xf32>
        %select_n3A_212 = arith.select %lt3A_206, %broadcast_in_dim3A_211, %select_n3A_210 : vector<16xi1>, vector<16xf32>
        %broadcast_in_dim3A_213 = vector.broadcast %squeeze3A_6 : f32 to vector<16xf32>
        %broadcast_in_dim3A_214 = vector.broadcast %squeeze3A_8 : f32 to vector<16xf32>
        %select_n3A_215 = arith.select %lt3A_208, %broadcast_in_dim3A_213, %broadcast_in_dim3A_214 : vector<16xi1>, vector<16xf32>
        %broadcast_in_dim3A_216 = vector.broadcast %squeeze3A_4 : f32 to vector<16xf32>
        %select_n3A_217 = arith.select %lt3A_206, %broadcast_in_dim3A_216, %select_n3A_215 : vector<16xi1>, vector<16xf32>
        %add3A_218 = arith.addf %select_n3A_212, %select_n3A_217 : vector<16xf32>
        %add3A_219 = arith.addf %get3A_204, %get3A_204 : vector<16xf32>
        %sub3A_220 = arith.subf %add3A_218, %add3A_219 : vector<16xf32>
        %mul3A_221 = arith.constant -5.000000e+01 : f32
        %mul3A_222 = vector.broadcast %mul3A_221 : f32 to vector<16xf32>
        %mul3A_223 = arith.mulf %mul3A_222, %sub3A_220 : vector<16xf32>
        %neg3A = arith.constant 0.000000e+00 : f32
        %neg3A_224 = vector.broadcast %neg3A : f32 to vector<16xf32>
        %neg3A_225 = arith.subf %neg3A_224, %mul3A_223 : vector<16xf32>
        %exp3A = math.exp %neg3A_225 : vector<16xf32>
        %add3A_226 = arith.constant 1.000000e+00 : f32
        %add3A_227 = vector.broadcast %add3A_226 : f32 to vector<16xf32>
        %add3A_228 = arith.addf %add3A_227, %exp3A : vector<16xf32>
        %div3A_229 = arith.constant 1.000000e+00 : f32
        %div3A_230 = vector.broadcast %div3A_229 : f32 to vector<16xf32>
        %div3A_231 = arith.divf %div3A_230, %add3A_228 : vector<16xf32>
        %sub3A_232 = arith.subf %select_n3A_217, %select_n3A_212 : vector<16xf32>
        %mul3A_233 = arith.mulf %sub3A_232, %div3A_231 : vector<16xf32>
        %add3A_234 = arith.addf %select_n3A_212, %mul3A_233 : vector<16xf32>
        %swap3A = arith.index_cast %scan3A_200 : i32 to index
        %swap3A_235 = arith.constant 0 : index
        %swap3A_236 = tpu.vector_load %arg8[%swap3A, %swap3A_235] {strides = array<i32>} : memref<64x256xf32, #tpu.memory_space<vmem>>, vector<1x16xf32>,
        %swap3A_237 = vector.shape_cast %swap3A_236 : vector<1x16xf32> to vector<16xf32>
        %swap3A_238 = vector.shape_cast %add3A_234 : vector<16xf32> to vector<1x16xf32>
        tpu.vector_store %arg8[%swap3A, %swap3A_235], %swap3A_238 {strides = array<i32>} : memref<64x256xf32, #tpu.memory_space<vmem>>, vector<1x16xf32>,
        %get3A_239 = arith.index_cast %scan3A_200 : i32 to index
        %get3A_240 = arith.constant 16 : index
        %get3A_241 = tpu.vector_load %arg6[%get3A_239, %get3A_240] {strides = array<i32>} : memref<64x256xf32, #tpu.memory_space<vmem>>, vector<1x16xf32>,
        %get3A_242 = vector.shape_cast %get3A_241 : vector<1x16xf32> to vector<16xf32>
        %lt3A_243 = vector.broadcast %squeeze3A_4 : f32 to vector<16xf32>
        %lt3A_244 = arith.cmpf olt, %get3A_242, %lt3A_243 : vector<16xf32>
        %lt3A_245 = vector.broadcast %squeeze3A_6 : f32 to vector<16xf32>
        %lt3A_246 = arith.cmpf olt, %get3A_242, %lt3A_245 : vector<16xf32>
        %broadcast_in_dim3A_247 = vector.broadcast %squeeze3A_4 : f32 to vector<16xf32>
        %broadcast_in_dim3A_248 = vector.broadcast %squeeze3A_6 : f32 to vector<16xf32>
        %select_n3A_249 = arith.select %lt3A_246, %broadcast_in_dim3A_247, %broadcast_in_dim3A_248 : vector<16xi1>, vector<16xf32>
        %broadcast_in_dim3A_250 = vector.broadcast %squeeze3A : f32 to vector<16xf32>
        %select_n3A_251 = arith.select %lt3A_244, %broadcast_in_dim3A_250, %select_n3A_249 : vector<16xi1>, vector<16xf32>
        %broadcast_in_dim3A_252 = vector.broadcast %squeeze3A_6 : f32 to vector<16xf32>
        %broadcast_in_dim3A_253 = vector.broadcast %squeeze3A_8 : f32 to vector<16xf32>
        %select_n3A_254 = arith.select %lt3A_246, %broadcast_in_dim3A_252, %broadcast_in_dim3A_253 : vector<16xi1>, vector<16xf32>
        %broadcast_in_dim3A_255 = vector.broadcast %squeeze3A_4 : f32 to vector<16xf32>
        %select_n3A_256 = arith.select %lt3A_244, %broadcast_in_dim3A_255, %select_n3A_254 : vector<16xi1>, vector<16xf32>
        %add3A_257 = arith.addf %select_n3A_251, %select_n3A_256 : vector<16xf32>
        %add3A_258 = arith.addf %get3A_242, %get3A_242 : vector<16xf32>
        %sub3A_259 = arith.subf %add3A_257, %add3A_258 : vector<16xf32>
        %mul3A_260 = arith.constant -5.000000e+01 : f32
        %mul3A_261 = vector.broadcast %mul3A_260 : f32 to vector<16xf32>
        %mul3A_262 = arith.mulf %mul3A_261, %sub3A_259 : vector<16xf32>
        %neg3A_263 = arith.constant 0.000000e+00 : f32
        %neg3A_264 = vector.broadcast %neg3A_263 : f32 to vector<16xf32>
        %neg3A_265 = arith.subf %neg3A_264, %mul3A_262 : vector<16xf32>
        %exp3A_266 = math.exp %neg3A_265 : vector<16xf32>
        %add3A_267 = arith.constant 1.000000e+00 : f32
        %add3A_268 = vector.broadcast %add3A_267 : f32 to vector<16xf32>
        %add3A_269 = arith.addf %add3A_268, %exp3A_266 : vector<16xf32>
        %div3A_270 = arith.constant 1.000000e+00 : f32
        %div3A_271 = vector.broadcast %div3A_270 : f32 to vector<16xf32>
        %div3A_272 = arith.divf %div3A_271, %add3A_269 : vector<16xf32>
        %sub3A_273 = arith.subf %select_n3A_256, %select_n3A_251 : vector<16xf32>
        %mul3A_274 = arith.mulf %sub3A_273, %div3A_272 : vector<16xf32>
        %add3A_275 = arith.addf %select_n3A_251, %mul3A_274 : vector<16xf32>
        %swap3A_276 = arith.index_cast %scan3A_200 : i32 to index
        %swap3A_277 = arith.constant 16 : index
        %swap3A_278 = tpu.vector_load %arg8[%swap3A_276, %swap3A_277] {strides = array<i32>} : memref<64x256xf32, #tpu.memory_space<vmem>>, vector<1x16xf32>,
        %swap3A_279 = vector.shape_cast %swap3A_278 : vector<1x16xf32> to vector<16xf32>
        %swap3A_280 = vector.shape_cast %add3A_275 : vector<16xf32> to vector<1x16xf32>
        tpu.vector_store %arg8[%swap3A_276, %swap3A_277], %swap3A_280 {strides = array<i32>} : memref<64x256xf32, #tpu.memory_space<vmem>>, vector<1x16xf32>,
        %get3A_281 = arith.index_cast %scan3A_200 : i32 to index
        %get3A_282 = arith.constant 32 : index
        %get3A_283 = tpu.vector_load %arg6[%get3A_281, %get3A_282] {strides = array<i32>} : memref<64x256xf32, #tpu.memory_space<vmem>>, vector<1x16xf32>,
        %get3A_284 = vector.shape_cast %get3A_283 : vector<1x16xf32> to vector<16xf32>
        %lt3A_285 = vector.broadcast %squeeze3A_4 : f32 to vector<16xf32>
        %lt3A_286 = arith.cmpf olt, %get3A_284, %lt3A_285 : vector<16xf32>
        %lt3A_287 = vector.broadcast %squeeze3A_6 : f32 to vector<16xf32>
        %lt3A_288 = arith.cmpf olt, %get3A_284, %lt3A_287 : vector<16xf32>
        %broadcast_in_dim3A_289 = vector.broadcast %squeeze3A_4 : f32 to vector<16xf32>
        %broadcast_in_dim3A_290 = vector.broadcast %squeeze3A_6 : f32 to vector<16xf32>
        %select_n3A_291 = arith.select %lt3A_288, %broadcast_in_dim3A_289, %broadcast_in_dim3A_290 : vector<16xi1>, vector<16xf32>
        %broadcast_in_dim3A_292 = vector.broadcast %squeeze3A : f32 to vector<16xf32>
        %select_n3A_293 = arith.select %lt3A_286, %broadcast_in_dim3A_292, %select_n3A_291 : vector<16xi1>, vector<16xf32>
        %broadcast_in_dim3A_294 = vector.broadcast %squeeze3A_6 : f32 to vector<16xf32>
        %broadcast_in_dim3A_295 = vector.broadcast %squeeze3A_8 : f32 to vector<16xf32>
        %select_n3A_296 = arith.select %lt3A_288, %broadcast_in_dim3A_294, %broadcast_in_dim3A_295 : vector<16xi1>, vector<16xf32>
        %broadcast_in_dim3A_297 = vector.broadcast %squeeze3A_4 : f32 to vector<16xf32>
        %select_n3A_298 = arith.select %lt3A_286, %broadcast_in_dim3A_297, %select_n3A_296 : vector<16xi1>, vector<16xf32>
        %add3A_299 = arith.addf %select_n3A_293, %select_n3A_298 : vector<16xf32>
        %add3A_300 = arith.addf %get3A_284, %get3A_284 : vector<16xf32>
        %sub3A_301 = arith.subf %add3A_299, %add3A_300 : vector<16xf32>
        %mul3A_302 = arith.constant -5.000000e+01 : f32
        %mul3A_303 = vector.broadcast %mul3A_302 : f32 to vector<16xf32>
        %mul3A_304 = arith.mulf %mul3A_303, %sub3A_301 : vector<16xf32>
        %neg3A_305 = arith.constant 0.000000e+00 : f32
        %neg3A_306 = vector.broadcast %neg3A_305 : f32 to vector<16xf32>
        %neg3A_307 = arith.subf %neg3A_306, %mul3A_304 : vector<16xf32>
        %exp3A_308 = math.exp %neg3A_307 : vector<16xf32>
        %add3A_309 = arith.constant 1.000000e+00 : f32
        %add3A_310 = vector.broadcast %add3A_309 : f32 to vector<16xf32>
        %add3A_311 = arith.addf %add3A_310, %exp3A_308 : vector<16xf32>
        %div3A_312 = arith.constant 1.000000e+00 : f32
        %div3A_313 = vector.broadcast %div3A_312 : f32 to vector<16xf32>
        %div3A_314 = arith.divf %div3A_313, %add3A_311 : vector<16xf32>
        %sub3A_315 = arith.subf %select_n3A_298, %select_n3A_293 : vector<16xf32>
        %mul3A_316 = arith.mulf %sub3A_315, %div3A_314 : vector<16xf32>
        %add3A_317 = arith.addf %select_n3A_293, %mul3A_316 : vector<16xf32>
        %swap3A_318 = arith.index_cast %scan3A_200 : i32 to index
        %swap3A_319 = arith.constant 32 : index
        %swap3A_320 = tpu.vector_load %arg8[%swap3A_318, %swap3A_319] {strides = array<i32>} : memref<64x256xf32, #tpu.memory_space<vmem>>, vector<1x16xf32>,
        %swap3A_321 = vector.shape_cast %swap3A_320 : vector<1x16xf32> to vector<16xf32>
        %swap3A_322 = vector.shape_cast %add3A_317 : vector<16xf32> to vector<1x16xf32>
        tpu.vector_store %arg8[%swap3A_318, %swap3A_319], %swap3A_322 {strides = array<i32>} : memref<64x256xf32, #tpu.memory_space<vmem>>, vector<1x16xf32>,
        %get3A_323 = arith.index_cast %scan3A_200 : i32 to index
        %get3A_324 = arith.constant 48 : index
        %get3A_325 = tpu.vector_load %arg6[%get3A_323, %get3A_324] {strides = array<i32>} : memref<64x256xf32, #tpu.memory_space<vmem>>, vector<1x16xf32>,
        %get3A_326 = vector.shape_cast %get3A_325 : vector<1x16xf32> to vector<16xf32>
        %lt3A_327 = vector.broadcast %squeeze3A_4 : f32 to vector<16xf32>
        %lt3A_328 = arith.cmpf olt, %get3A_326, %lt3A_327 : vector<16xf32>
        %lt3A_329 = vector.broadcast %squeeze3A_6 : f32 to vector<16xf32>
        %lt3A_330 = arith.cmpf olt, %get3A_326, %lt3A_329 : vector<16xf32>
        %broadcast_in_dim3A_331 = vector.broadcast %squeeze3A_4 : f32 to vector<16xf32>
        %broadcast_in_dim3A_332 = vector.broadcast %squeeze3A_6 : f32 to vector<16xf32>
        %select_n3A_333 = arith.select %lt3A_330, %broadcast_in_dim3A_331, %broadcast_in_dim3A_332 : vector<16xi1>, vector<16xf32>
        %broadcast_in_dim3A_334 = vector.broadcast %squeeze3A : f32 to vector<16xf32>
        %select_n3A_335 = arith.select %lt3A_328, %broadcast_in_dim3A_334, %select_n3A_333 : vector<16xi1>, vector<16xf32>
        %broadcast_in_dim3A_336 = vector.broadcast %squeeze3A_6 : f32 to vector<16xf32>
        %broadcast_in_dim3A_337 = vector.broadcast %squeeze3A_8 : f32 to vector<16xf32>
        %select_n3A_338 = arith.select %lt3A_330, %broadcast_in_dim3A_336, %broadcast_in_dim3A_337 : vector<16xi1>, vector<16xf32>
        %broadcast_in_dim3A_339 = vector.broadcast %squeeze3A_4 : f32 to vector<16xf32>
        %select_n3A_340 = arith.select %lt3A_328, %broadcast_in_dim3A_339, %select_n3A_338 : vector<16xi1>, vector<16xf32>
        %add3A_341 = arith.addf %select_n3A_335, %select_n3A_340 : vector<16xf32>
        %add3A_342 = arith.addf %get3A_326, %get3A_326 : vector<16xf32>
        %sub3A_343 = arith.subf %add3A_341, %add3A_342 : vector<16xf32>
        %mul3A_344 = arith.constant -5.000000e+01 : f32
        %mul3A_345 = vector.broadcast %mul3A_344 : f32 to vector<16xf32>
        %mul3A_346 = arith.mulf %mul3A_345, %sub3A_343 : vector<16xf32>
        %neg3A_347 = arith.constant 0.000000e+00 : f32
        %neg3A_348 = vector.broadcast %neg3A_347 : f32 to vector<16xf32>
        %neg3A_349 = arith.subf %neg3A_348, %mul3A_346 : vector<16xf32>
        %exp3A_350 = math.exp %neg3A_349 : vector<16xf32>
        %add3A_351 = arith.constant 1.000000e+00 : f32
        %add3A_352 = vector.broadcast %add3A_351 : f32 to vector<16xf32>
        %add3A_353 = arith.addf %add3A_352, %exp3A_350 : vector<16xf32>
        %div3A_354 = arith.constant 1.000000e+00 : f32
        %div3A_355 = vector.broadcast %div3A_354 : f32 to vector<16xf32>
        %div3A_356 = arith.divf %div3A_355, %add3A_353 : vector<16xf32>
        %sub3A_357 = arith.subf %select_n3A_340, %select_n3A_335 : vector<16xf32>
        %mul3A_358 = arith.mulf %sub3A_357, %div3A_356 : vector<16xf32>
        %add3A_359 = arith.addf %select_n3A_335, %mul3A_358 : vector<16xf32>
        %swap3A_360 = arith.index_cast %scan3A_200 : i32 to index
        %swap3A_361 = arith.constant 48 : index
        %swap3A_362 = tpu.vector_load %arg8[%swap3A_360, %swap3A_361] {strides = array<i32>} : memref<64x256xf32, #tpu.memory_space<vmem>>, vector<1x16xf32>,
        %swap3A_363 = vector.shape_cast %swap3A_362 : vector<1x16xf32> to vector<16xf32>
        %swap3A_364 = vector.shape_cast %add3A_359 : vector<16xf32> to vector<1x16xf32>
        tpu.vector_store %arg8[%swap3A_360, %swap3A_361], %swap3A_364 {strides = array<i32>} : memref<64x256xf32, #tpu.memory_space<vmem>>, vector<1x16xf32>,
        %get3A_365 = arith.index_cast %scan3A_200 : i32 to index
        %get3A_366 = arith.constant 64 : index
        %get3A_367 = tpu.vector_load %arg6[%get3A_365, %get3A_366] {strides = array<i32>} : memref<64x256xf32, #tpu.memory_space<vmem>>, vector<1x16xf32>,
        %get3A_368 = vector.shape_cast %get3A_367 : vector<1x16xf32> to vector<16xf32>
        %lt3A_369 = vector.broadcast %squeeze3A_4 : f32 to vector<16xf32>
        %lt3A_370 = arith.cmpf olt, %get3A_368, %lt3A_369 : vector<16xf32>
        %lt3A_371 = vector.broadcast %squeeze3A_6 : f32 to vector<16xf32>
        %lt3A_372 = arith.cmpf olt, %get3A_368, %lt3A_371 : vector<16xf32>
        %broadcast_in_dim3A_373 = vector.broadcast %squeeze3A_4 : f32 to vector<16xf32>
        %broadcast_in_dim3A_374 = vector.broadcast %squeeze3A_6 : f32 to vector<16xf32>
        %select_n3A_375 = arith.select %lt3A_372, %broadcast_in_dim3A_373, %broadcast_in_dim3A_374 : vector<16xi1>, vector<16xf32>
        %broadcast_in_dim3A_376 = vector.broadcast %squeeze3A : f32 to vector<16xf32>
        %select_n3A_377 = arith.select %lt3A_370, %broadcast_in_dim3A_376, %select_n3A_375 : vector<16xi1>, vector<16xf32>
        %broadcast_in_dim3A_378 = vector.broadcast %squeeze3A_6 : f32 to vector<16xf32>
        %broadcast_in_dim3A_379 = vector.broadcast %squeeze3A_8 : f32 to vector<16xf32>
        %select_n3A_380 = arith.select %lt3A_372, %broadcast_in_dim3A_378, %broadcast_in_dim3A_379 : vector<16xi1>, vector<16xf32>
        %broadcast_in_dim3A_381 = vector.broadcast %squeeze3A_4 : f32 to vector<16xf32>
        %select_n3A_382 = arith.select %lt3A_370, %broadcast_in_dim3A_381, %select_n3A_380 : vector<16xi1>, vector<16xf32>
        %add3A_383 = arith.addf %select_n3A_377, %select_n3A_382 : vector<16xf32>
        %add3A_384 = arith.addf %get3A_368, %get3A_368 : vector<16xf32>
        %sub3A_385 = arith.subf %add3A_383, %add3A_384 : vector<16xf32>
        %mul3A_386 = arith.constant -5.000000e+01 : f32
        %mul3A_387 = vector.broadcast %mul3A_386 : f32 to vector<16xf32>
        %mul3A_388 = arith.mulf %mul3A_387, %sub3A_385 : vector<16xf32>
        %neg3A_389 = arith.constant 0.000000e+00 : f32
        %neg3A_390 = vector.broadcast %neg3A_389 : f32 to vector<16xf32>
        %neg3A_391 = arith.subf %neg3A_390, %mul3A_388 : vector<16xf32>
        %exp3A_392 = math.exp %neg3A_391 : vector<16xf32>
        %add3A_393 = arith.constant 1.000000e+00 : f32
        %add3A_394 = vector.broadcast %add3A_393 : f32 to vector<16xf32>
        %add3A_395 = arith.addf %add3A_394, %exp3A_392 : vector<16xf32>
        %div3A_396 = arith.constant 1.000000e+00 : f32
        %div3A_397 = vector.broadcast %div3A_396 : f32 to vector<16xf32>
        %div3A_398 = arith.divf %div3A_397, %add3A_395 : vector<16xf32>
        %sub3A_399 = arith.subf %select_n3A_382, %select_n3A_377 : vector<16xf32>
        %mul3A_400 = arith.mulf %sub3A_399, %div3A_398 : vector<16xf32>
        %add3A_401 = arith.addf %select_n3A_377, %mul3A_400 : vector<16xf32>
        %swap3A_402 = arith.index_cast %scan3A_200 : i32 to index
        %swap3A_403 = arith.constant 64 : index
        %swap3A_404 = tpu.vector_load %arg8[%swap3A_402, %swap3A_403] {strides = array<i32>} : memref<64x256xf32, #tpu.memory_space<vmem>>, vector<1x16xf32>,
        %swap3A_405 = vector.shape_cast %swap3A_404 : vector<1x16xf32> to vector<16xf32>
        %swap3A_406 = vector.shape_cast %add3A_401 : vector<16xf32> to vector<1x16xf32>
        tpu.vector_store %arg8[%swap3A_402, %swap3A_403], %swap3A_406 {strides = array<i32>} : memref<64x256xf32, #tpu.memory_space<vmem>>, vector<1x16xf32>,
        %get3A_407 = arith.index_cast %scan3A_200 : i32 to index
        %get3A_408 = arith.constant 80 : index
        %get3A_409 = tpu.vector_load %arg6[%get3A_407, %get3A_408] {strides = array<i32>} : memref<64x256xf32, #tpu.memory_space<vmem>>, vector<1x16xf32>,
        %get3A_410 = vector.shape_cast %get3A_409 : vector<1x16xf32> to vector<16xf32>
        %lt3A_411 = vector.broadcast %squeeze3A_4 : f32 to vector<16xf32>
        %lt3A_412 = arith.cmpf olt, %get3A_410, %lt3A_411 : vector<16xf32>
        %lt3A_413 = vector.broadcast %squeeze3A_6 : f32 to vector<16xf32>
        %lt3A_414 = arith.cmpf olt, %get3A_410, %lt3A_413 : vector<16xf32>
        %broadcast_in_dim3A_415 = vector.broadcast %squeeze3A_4 : f32 to vector<16xf32>
        %broadcast_in_dim3A_416 = vector.broadcast %squeeze3A_6 : f32 to vector<16xf32>
        %select_n3A_417 = arith.select %lt3A_414, %broadcast_in_dim3A_415, %broadcast_in_dim3A_416 : vector<16xi1>, vector<16xf32>
        %broadcast_in_dim3A_418 = vector.broadcast %squeeze3A : f32 to vector<16xf32>
        %select_n3A_419 = arith.select %lt3A_412, %broadcast_in_dim3A_418, %select_n3A_417 : vector<16xi1>, vector<16xf32>
        %broadcast_in_dim3A_420 = vector.broadcast %squeeze3A_6 : f32 to vector<16xf32>
        %broadcast_in_dim3A_421 = vector.broadcast %squeeze3A_8 : f32 to vector<16xf32>
        %select_n3A_422 = arith.select %lt3A_414, %broadcast_in_dim3A_420, %broadcast_in_dim3A_421 : vector<16xi1>, vector<16xf32>
        %broadcast_in_dim3A_423 = vector.broadcast %squeeze3A_4 : f32 to vector<16xf32>
        %select_n3A_424 = arith.select %lt3A_412, %broadcast_in_dim3A_423, %select_n3A_422 : vector<16xi1>, vector<16xf32>
        %add3A_425 = arith.addf %select_n3A_419, %select_n3A_424 : vector<16xf32>
        %add3A_426 = arith.addf %get3A_410, %get3A_410 : vector<16xf32>
        %sub3A_427 = arith.subf %add3A_425, %add3A_426 : vector<16xf32>
        %mul3A_428 = arith.constant -5.000000e+01 : f32
        %mul3A_429 = vector.broadcast %mul3A_428 : f32 to vector<16xf32>
        %mul3A_430 = arith.mulf %mul3A_429, %sub3A_427 : vector<16xf32>
        %neg3A_431 = arith.constant 0.000000e+00 : f32
        %neg3A_432 = vector.broadcast %neg3A_431 : f32 to vector<16xf32>
        %neg3A_433 = arith.subf %neg3A_432, %mul3A_430 : vector<16xf32>
        %exp3A_434 = math.exp %neg3A_433 : vector<16xf32>
        %add3A_435 = arith.constant 1.000000e+00 : f32
        %add3A_436 = vector.broadcast %add3A_435 : f32 to vector<16xf32>
        %add3A_437 = arith.addf %add3A_436, %exp3A_434 : vector<16xf32>
        %div3A_438 = arith.constant 1.000000e+00 : f32
        %div3A_439 = vector.broadcast %div3A_438 : f32 to vector<16xf32>
        %div3A_440 = arith.divf %div3A_439, %add3A_437 : vector<16xf32>
        %sub3A_441 = arith.subf %select_n3A_424, %select_n3A_419 : vector<16xf32>
        %mul3A_442 = arith.mulf %sub3A_441, %div3A_440 : vector<16xf32>
        %add3A_443 = arith.addf %select_n3A_419, %mul3A_442 : vector<16xf32>
        %swap3A_444 = arith.index_cast %scan3A_200 : i32 to index
        %swap3A_445 = arith.constant 80 : index
        %swap3A_446 = tpu.vector_load %arg8[%swap3A_444, %swap3A_445] {strides = array<i32>} : memref<64x256xf32, #tpu.memory_space<vmem>>, vector<1x16xf32>,
        %swap3A_447 = vector.shape_cast %swap3A_446 : vector<1x16xf32> to vector<16xf32>
        %swap3A_448 = vector.shape_cast %add3A_443 : vector<16xf32> to vector<1x16xf32>
        tpu.vector_store %arg8[%swap3A_444, %swap3A_445], %swap3A_448 {strides = array<i32>} : memref<64x256xf32, #tpu.memory_space<vmem>>, vector<1x16xf32>,
        %get3A_449 = arith.index_cast %scan3A_200 : i32 to index
        %get3A_450 = arith.constant 96 : index
        %get3A_451 = tpu.vector_load %arg6[%get3A_449, %get3A_450] {strides = array<i32>} : memref<64x256xf32, #tpu.memory_space<vmem>>, vector<1x16xf32>,
        %get3A_452 = vector.shape_cast %get3A_451 : vector<1x16xf32> to vector<16xf32>
        %lt3A_453 = vector.broadcast %squeeze3A_4 : f32 to vector<16xf32>
        %lt3A_454 = arith.cmpf olt, %get3A_452, %lt3A_453 : vector<16xf32>
        %lt3A_455 = vector.broadcast %squeeze3A_6 : f32 to vector<16xf32>
        %lt3A_456 = arith.cmpf olt, %get3A_452, %lt3A_455 : vector<16xf32>
        %broadcast_in_dim3A_457 = vector.broadcast %squeeze3A_4 : f32 to vector<16xf32>
        %broadcast_in_dim3A_458 = vector.broadcast %squeeze3A_6 : f32 to vector<16xf32>
        %select_n3A_459 = arith.select %lt3A_456, %broadcast_in_dim3A_457, %broadcast_in_dim3A_458 : vector<16xi1>, vector<16xf32>
        %broadcast_in_dim3A_460 = vector.broadcast %squeeze3A : f32 to vector<16xf32>
        %select_n3A_461 = arith.select %lt3A_454, %broadcast_in_dim3A_460, %select_n3A_459 : vector<16xi1>, vector<16xf32>
        %broadcast_in_dim3A_462 = vector.broadcast %squeeze3A_6 : f32 to vector<16xf32>
        %broadcast_in_dim3A_463 = vector.broadcast %squeeze3A_8 : f32 to vector<16xf32>
        %select_n3A_464 = arith.select %lt3A_456, %broadcast_in_dim3A_462, %broadcast_in_dim3A_463 : vector<16xi1>, vector<16xf32>
        %broadcast_in_dim3A_465 = vector.broadcast %squeeze3A_4 : f32 to vector<16xf32>
        %select_n3A_466 = arith.select %lt3A_454, %broadcast_in_dim3A_465, %select_n3A_464 : vector<16xi1>, vector<16xf32>
        %add3A_467 = arith.addf %select_n3A_461, %select_n3A_466 : vector<16xf32>
        %add3A_468 = arith.addf %get3A_452, %get3A_452 : vector<16xf32>
        %sub3A_469 = arith.subf %add3A_467, %add3A_468 : vector<16xf32>
        %mul3A_470 = arith.constant -5.000000e+01 : f32
        %mul3A_471 = vector.broadcast %mul3A_470 : f32 to vector<16xf32>
        %mul3A_472 = arith.mulf %mul3A_471, %sub3A_469 : vector<16xf32>
        %neg3A_473 = arith.constant 0.000000e+00 : f32
        %neg3A_474 = vector.broadcast %neg3A_473 : f32 to vector<16xf32>
        %neg3A_475 = arith.subf %neg3A_474, %mul3A_472 : vector<16xf32>
        %exp3A_476 = math.exp %neg3A_475 : vector<16xf32>
        %add3A_477 = arith.constant 1.000000e+00 : f32
        %add3A_478 = vector.broadcast %add3A_477 : f32 to vector<16xf32>
        %add3A_479 = arith.addf %add3A_478, %exp3A_476 : vector<16xf32>
        %div3A_480 = arith.constant 1.000000e+00 : f32
        %div3A_481 = vector.broadcast %div3A_480 : f32 to vector<16xf32>
        %div3A_482 = arith.divf %div3A_481, %add3A_479 : vector<16xf32>
        %sub3A_483 = arith.subf %select_n3A_466, %select_n3A_461 : vector<16xf32>
        %mul3A_484 = arith.mulf %sub3A_483, %div3A_482 : vector<16xf32>
        %add3A_485 = arith.addf %select_n3A_461, %mul3A_484 : vector<16xf32>
        %swap3A_486 = arith.index_cast %scan3A_200 : i32 to index
        %swap3A_487 = arith.constant 96 : index
        %swap3A_488 = tpu.vector_load %arg8[%swap3A_486, %swap3A_487] {strides = array<i32>} : memref<64x256xf32, #tpu.memory_space<vmem>>, vector<1x16xf32>,
        %swap3A_489 = vector.shape_cast %swap3A_488 : vector<1x16xf32> to vector<16xf32>
        %swap3A_490 = vector.shape_cast %add3A_485 : vector<16xf32> to vector<1x16xf32>
        tpu.vector_store %arg8[%swap3A_486, %swap3A_487], %swap3A_490 {strides = array<i32>} : memref<64x256xf32, #tpu.memory_space<vmem>>, vector<1x16xf32>,
        %get3A_491 = arith.index_cast %scan3A_200 : i32 to index
        %get3A_492 = arith.constant 112 : index
        %get3A_493 = tpu.vector_load %arg6[%get3A_491, %get3A_492] {strides = array<i32>} : memref<64x256xf32, #tpu.memory_space<vmem>>, vector<1x16xf32>,
        %get3A_494 = vector.shape_cast %get3A_493 : vector<1x16xf32> to vector<16xf32>
        %lt3A_495 = vector.broadcast %squeeze3A_4 : f32 to vector<16xf32>
        %lt3A_496 = arith.cmpf olt, %get3A_494, %lt3A_495 : vector<16xf32>
        %lt3A_497 = vector.broadcast %squeeze3A_6 : f32 to vector<16xf32>
        %lt3A_498 = arith.cmpf olt, %get3A_494, %lt3A_497 : vector<16xf32>
        %broadcast_in_dim3A_499 = vector.broadcast %squeeze3A_4 : f32 to vector<16xf32>
        %broadcast_in_dim3A_500 = vector.broadcast %squeeze3A_6 : f32 to vector<16xf32>
        %select_n3A_501 = arith.select %lt3A_498, %broadcast_in_dim3A_499, %broadcast_in_dim3A_500 : vector<16xi1>, vector<16xf32>
        %broadcast_in_dim3A_502 = vector.broadcast %squeeze3A : f32 to vector<16xf32>
        %select_n3A_503 = arith.select %lt3A_496, %broadcast_in_dim3A_502, %select_n3A_501 : vector<16xi1>, vector<16xf32>
        %broadcast_in_dim3A_504 = vector.broadcast %squeeze3A_6 : f32 to vector<16xf32>
        %broadcast_in_dim3A_505 = vector.broadcast %squeeze3A_8 : f32 to vector<16xf32>
        %select_n3A_506 = arith.select %lt3A_498, %broadcast_in_dim3A_504, %broadcast_in_dim3A_505 : vector<16xi1>, vector<16xf32>
        %broadcast_in_dim3A_507 = vector.broadcast %squeeze3A_4 : f32 to vector<16xf32>
        %select_n3A_508 = arith.select %lt3A_496, %broadcast_in_dim3A_507, %select_n3A_506 : vector<16xi1>, vector<16xf32>
        %add3A_509 = arith.addf %select_n3A_503, %select_n3A_508 : vector<16xf32>
        %add3A_510 = arith.addf %get3A_494, %get3A_494 : vector<16xf32>
        %sub3A_511 = arith.subf %add3A_509, %add3A_510 : vector<16xf32>
        %mul3A_512 = arith.constant -5.000000e+01 : f32
        %mul3A_513 = vector.broadcast %mul3A_512 : f32 to vector<16xf32>
        %mul3A_514 = arith.mulf %mul3A_513, %sub3A_511 : vector<16xf32>
        %neg3A_515 = arith.constant 0.000000e+00 : f32
        %neg3A_516 = vector.broadcast %neg3A_515 : f32 to vector<16xf32>
        %neg3A_517 = arith.subf %neg3A_516, %mul3A_514 : vector<16xf32>
        %exp3A_518 = math.exp %neg3A_517 : vector<16xf32>
        %add3A_519 = arith.constant 1.000000e+00 : f32
        %add3A_520 = vector.broadcast %add3A_519 : f32 to vector<16xf32>
        %add3A_521 = arith.addf %add3A_520, %exp3A_518 : vector<16xf32>
        %div3A_522 = arith.constant 1.000000e+00 : f32
        %div3A_523 = vector.broadcast %div3A_522 : f32 to vector<16xf32>
        %div3A_524 = arith.divf %div3A_523, %add3A_521 : vector<16xf32>
        %sub3A_525 = arith.subf %select_n3A_508, %select_n3A_503 : vector<16xf32>
        %mul3A_526 = arith.mulf %sub3A_525, %div3A_524 : vector<16xf32>
        %add3A_527 = arith.addf %select_n3A_503, %mul3A_526 : vector<16xf32>
        %swap3A_528 = arith.index_cast %scan3A_200 : i32 to index
        %swap3A_529 = arith.constant 112 : index
        %swap3A_530 = tpu.vector_load %arg8[%swap3A_528, %swap3A_529] {strides = array<i32>} : memref<64x256xf32, #tpu.memory_space<vmem>>, vector<1x16xf32>,
        %swap3A_531 = vector.shape_cast %swap3A_530 : vector<1x16xf32> to vector<16xf32>
        %swap3A_532 = vector.shape_cast %add3A_527 : vector<16xf32> to vector<1x16xf32>
        tpu.vector_store %arg8[%swap3A_528, %swap3A_529], %swap3A_532 {strides = array<i32>} : memref<64x256xf32, #tpu.memory_space<vmem>>, vector<1x16xf32>,
        %get3A_533 = arith.index_cast %scan3A_200 : i32 to index
        %get3A_534 = arith.constant 128 : index
        %get3A_535 = tpu.vector_load %arg6[%get3A_533, %get3A_534] {strides = array<i32>} : memref<64x256xf32, #tpu.memory_space<vmem>>, vector<1x16xf32>,
        %get3A_536 = vector.shape_cast %get3A_535 : vector<1x16xf32> to vector<16xf32>
        %lt3A_537 = vector.broadcast %squeeze3A_4 : f32 to vector<16xf32>
        %lt3A_538 = arith.cmpf olt, %get3A_536, %lt3A_537 : vector<16xf32>
        %lt3A_539 = vector.broadcast %squeeze3A_6 : f32 to vector<16xf32>
        %lt3A_540 = arith.cmpf olt, %get3A_536, %lt3A_539 : vector<16xf32>
        %broadcast_in_dim3A_541 = vector.broadcast %squeeze3A_4 : f32 to vector<16xf32>
        %broadcast_in_dim3A_542 = vector.broadcast %squeeze3A_6 : f32 to vector<16xf32>
        %select_n3A_543 = arith.select %lt3A_540, %broadcast_in_dim3A_541, %broadcast_in_dim3A_542 : vector<16xi1>, vector<16xf32>
        %broadcast_in_dim3A_544 = vector.broadcast %squeeze3A : f32 to vector<16xf32>
        %select_n3A_545 = arith.select %lt3A_538, %broadcast_in_dim3A_544, %select_n3A_543 : vector<16xi1>, vector<16xf32>
        %broadcast_in_dim3A_546 = vector.broadcast %squeeze3A_6 : f32 to vector<16xf32>
        %broadcast_in_dim3A_547 = vector.broadcast %squeeze3A_8 : f32 to vector<16xf32>
        %select_n3A_548 = arith.select %lt3A_540, %broadcast_in_dim3A_546, %broadcast_in_dim3A_547 : vector<16xi1>, vector<16xf32>
        %broadcast_in_dim3A_549 = vector.broadcast %squeeze3A_4 : f32 to vector<16xf32>
        %select_n3A_550 = arith.select %lt3A_538, %broadcast_in_dim3A_549, %select_n3A_548 : vector<16xi1>, vector<16xf32>
        %add3A_551 = arith.addf %select_n3A_545, %select_n3A_550 : vector<16xf32>
        %add3A_552 = arith.addf %get3A_536, %get3A_536 : vector<16xf32>
        %sub3A_553 = arith.subf %add3A_551, %add3A_552 : vector<16xf32>
        %mul3A_554 = arith.constant -5.000000e+01 : f32
        %mul3A_555 = vector.broadcast %mul3A_554 : f32 to vector<16xf32>
        %mul3A_556 = arith.mulf %mul3A_555, %sub3A_553 : vector<16xf32>
        %neg3A_557 = arith.constant 0.000000e+00 : f32
        %neg3A_558 = vector.broadcast %neg3A_557 : f32 to vector<16xf32>
        %neg3A_559 = arith.subf %neg3A_558, %mul3A_556 : vector<16xf32>
        %exp3A_560 = math.exp %neg3A_559 : vector<16xf32>
        %add3A_561 = arith.constant 1.000000e+00 : f32
        %add3A_562 = vector.broadcast %add3A_561 : f32 to vector<16xf32>
        %add3A_563 = arith.addf %add3A_562, %exp3A_560 : vector<16xf32>
        %div3A_564 = arith.constant 1.000000e+00 : f32
        %div3A_565 = vector.broadcast %div3A_564 : f32 to vector<16xf32>
        %div3A_566 = arith.divf %div3A_565, %add3A_563 : vector<16xf32>
        %sub3A_567 = arith.subf %select_n3A_550, %select_n3A_545 : vector<16xf32>
        %mul3A_568 = arith.mulf %sub3A_567, %div3A_566 : vector<16xf32>
        %add3A_569 = arith.addf %select_n3A_545, %mul3A_568 : vector<16xf32>
        %swap3A_570 = arith.index_cast %scan3A_200 : i32 to index
        %swap3A_571 = arith.constant 128 : index
        %swap3A_572 = tpu.vector_load %arg8[%swap3A_570, %swap3A_571] {strides = array<i32>} : memref<64x256xf32, #tpu.memory_space<vmem>>, vector<1x16xf32>,
        %swap3A_573 = vector.shape_cast %swap3A_572 : vector<1x16xf32> to vector<16xf32>
        %swap3A_574 = vector.shape_cast %add3A_569 : vector<16xf32> to vector<1x16xf32>
        tpu.vector_store %arg8[%swap3A_570, %swap3A_571], %swap3A_574 {strides = array<i32>} : memref<64x256xf32, #tpu.memory_space<vmem>>, vector<1x16xf32>,
        %get3A_575 = arith.index_cast %scan3A_200 : i32 to index
        %get3A_576 = arith.constant 144 : index
        %get3A_577 = tpu.vector_load %arg6[%get3A_575, %get3A_576] {strides = array<i32>} : memref<64x256xf32, #tpu.memory_space<vmem>>, vector<1x16xf32>,
        %get3A_578 = vector.shape_cast %get3A_577 : vector<1x16xf32> to vector<16xf32>
        %lt3A_579 = vector.broadcast %squeeze3A_4 : f32 to vector<16xf32>
        %lt3A_580 = arith.cmpf olt, %get3A_578, %lt3A_579 : vector<16xf32>
        %lt3A_581 = vector.broadcast %squeeze3A_6 : f32 to vector<16xf32>
        %lt3A_582 = arith.cmpf olt, %get3A_578, %lt3A_581 : vector<16xf32>
        %broadcast_in_dim3A_583 = vector.broadcast %squeeze3A_4 : f32 to vector<16xf32>
        %broadcast_in_dim3A_584 = vector.broadcast %squeeze3A_6 : f32 to vector<16xf32>
        %select_n3A_585 = arith.select %lt3A_582, %broadcast_in_dim3A_583, %broadcast_in_dim3A_584 : vector<16xi1>, vector<16xf32>
        %broadcast_in_dim3A_586 = vector.broadcast %squeeze3A : f32 to vector<16xf32>
        %select_n3A_587 = arith.select %lt3A_580, %broadcast_in_dim3A_586, %select_n3A_585 : vector<16xi1>, vector<16xf32>
        %broadcast_in_dim3A_588 = vector.broadcast %squeeze3A_6 : f32 to vector<16xf32>
        %broadcast_in_dim3A_589 = vector.broadcast %squeeze3A_8 : f32 to vector<16xf32>
        %select_n3A_590 = arith.select %lt3A_582, %broadcast_in_dim3A_588, %broadcast_in_dim3A_589 : vector<16xi1>, vector<16xf32>
        %broadcast_in_dim3A_591 = vector.broadcast %squeeze3A_4 : f32 to vector<16xf32>
        %select_n3A_592 = arith.select %lt3A_580, %broadcast_in_dim3A_591, %select_n3A_590 : vector<16xi1>, vector<16xf32>
        %add3A_593 = arith.addf %select_n3A_587, %select_n3A_592 : vector<16xf32>
        %add3A_594 = arith.addf %get3A_578, %get3A_578 : vector<16xf32>
        %sub3A_595 = arith.subf %add3A_593, %add3A_594 : vector<16xf32>
        %mul3A_596 = arith.constant -5.000000e+01 : f32
        %mul3A_597 = vector.broadcast %mul3A_596 : f32 to vector<16xf32>
        %mul3A_598 = arith.mulf %mul3A_597, %sub3A_595 : vector<16xf32>
        %neg3A_599 = arith.constant 0.000000e+00 : f32
        %neg3A_600 = vector.broadcast %neg3A_599 : f32 to vector<16xf32>
        %neg3A_601 = arith.subf %neg3A_600, %mul3A_598 : vector<16xf32>
        %exp3A_602 = math.exp %neg3A_601 : vector<16xf32>
        %add3A_603 = arith.constant 1.000000e+00 : f32
        %add3A_604 = vector.broadcast %add3A_603 : f32 to vector<16xf32>
        %add3A_605 = arith.addf %add3A_604, %exp3A_602 : vector<16xf32>
        %div3A_606 = arith.constant 1.000000e+00 : f32
        %div3A_607 = vector.broadcast %div3A_606 : f32 to vector<16xf32>
        %div3A_608 = arith.divf %div3A_607, %add3A_605 : vector<16xf32>
        %sub3A_609 = arith.subf %select_n3A_592, %select_n3A_587 : vector<16xf32>
        %mul3A_610 = arith.mulf %sub3A_609, %div3A_608 : vector<16xf32>
        %add3A_611 = arith.addf %select_n3A_587, %mul3A_610 : vector<16xf32>
        %swap3A_612 = arith.index_cast %scan3A_200 : i32 to index
        %swap3A_613 = arith.constant 144 : index
        %swap3A_614 = tpu.vector_load %arg8[%swap3A_612, %swap3A_613] {strides = array<i32>} : memref<64x256xf32, #tpu.memory_space<vmem>>, vector<1x16xf32>,
        %swap3A_615 = vector.shape_cast %swap3A_614 : vector<1x16xf32> to vector<16xf32>
        %swap3A_616 = vector.shape_cast %add3A_611 : vector<16xf32> to vector<1x16xf32>
        tpu.vector_store %arg8[%swap3A_612, %swap3A_613], %swap3A_616 {strides = array<i32>} : memref<64x256xf32, #tpu.memory_space<vmem>>, vector<1x16xf32>,
        %get3A_617 = arith.index_cast %scan3A_200 : i32 to index
        %get3A_618 = arith.constant 160 : index
        %get3A_619 = tpu.vector_load %arg6[%get3A_617, %get3A_618] {strides = array<i32>} : memref<64x256xf32, #tpu.memory_space<vmem>>, vector<1x16xf32>,
        %get3A_620 = vector.shape_cast %get3A_619 : vector<1x16xf32> to vector<16xf32>
        %lt3A_621 = vector.broadcast %squeeze3A_4 : f32 to vector<16xf32>
        %lt3A_622 = arith.cmpf olt, %get3A_620, %lt3A_621 : vector<16xf32>
        %lt3A_623 = vector.broadcast %squeeze3A_6 : f32 to vector<16xf32>
        %lt3A_624 = arith.cmpf olt, %get3A_620, %lt3A_623 : vector<16xf32>
        %broadcast_in_dim3A_625 = vector.broadcast %squeeze3A_4 : f32 to vector<16xf32>
        %broadcast_in_dim3A_626 = vector.broadcast %squeeze3A_6 : f32 to vector<16xf32>
        %select_n3A_627 = arith.select %lt3A_624, %broadcast_in_dim3A_625, %broadcast_in_dim3A_626 : vector<16xi1>, vector<16xf32>
        %broadcast_in_dim3A_628 = vector.broadcast %squeeze3A : f32 to vector<16xf32>
        %select_n3A_629 = arith.select %lt3A_622, %broadcast_in_dim3A_628, %select_n3A_627 : vector<16xi1>, vector<16xf32>
        %broadcast_in_dim3A_630 = vector.broadcast %squeeze3A_6 : f32 to vector<16xf32>
        %broadcast_in_dim3A_631 = vector.broadcast %squeeze3A_8 : f32 to vector<16xf32>
        %select_n3A_632 = arith.select %lt3A_624, %broadcast_in_dim3A_630, %broadcast_in_dim3A_631 : vector<16xi1>, vector<16xf32>
        %broadcast_in_dim3A_633 = vector.broadcast %squeeze3A_4 : f32 to vector<16xf32>
        %select_n3A_634 = arith.select %lt3A_622, %broadcast_in_dim3A_633, %select_n3A_632 : vector<16xi1>, vector<16xf32>
        %add3A_635 = arith.addf %select_n3A_629, %select_n3A_634 : vector<16xf32>
        %add3A_636 = arith.addf %get3A_620, %get3A_620 : vector<16xf32>
        %sub3A_637 = arith.subf %add3A_635, %add3A_636 : vector<16xf32>
        %mul3A_638 = arith.constant -5.000000e+01 : f32
        %mul3A_639 = vector.broadcast %mul3A_638 : f32 to vector<16xf32>
        %mul3A_640 = arith.mulf %mul3A_639, %sub3A_637 : vector<16xf32>
        %neg3A_641 = arith.constant 0.000000e+00 : f32
        %neg3A_642 = vector.broadcast %neg3A_641 : f32 to vector<16xf32>
        %neg3A_643 = arith.subf %neg3A_642, %mul3A_640 : vector<16xf32>
        %exp3A_644 = math.exp %neg3A_643 : vector<16xf32>
        %add3A_645 = arith.constant 1.000000e+00 : f32
        %add3A_646 = vector.broadcast %add3A_645 : f32 to vector<16xf32>
        %add3A_647 = arith.addf %add3A_646, %exp3A_644 : vector<16xf32>
        %div3A_648 = arith.constant 1.000000e+00 : f32
        %div3A_649 = vector.broadcast %div3A_648 : f32 to vector<16xf32>
        %div3A_650 = arith.divf %div3A_649, %add3A_647 : vector<16xf32>
        %sub3A_651 = arith.subf %select_n3A_634, %select_n3A_629 : vector<16xf32>
        %mul3A_652 = arith.mulf %sub3A_651, %div3A_650 : vector<16xf32>
        %add3A_653 = arith.addf %select_n3A_629, %mul3A_652 : vector<16xf32>
        %swap3A_654 = arith.index_cast %scan3A_200 : i32 to index
        %swap3A_655 = arith.constant 160 : index
        %swap3A_656 = tpu.vector_load %arg8[%swap3A_654, %swap3A_655] {strides = array<i32>} : memref<64x256xf32, #tpu.memory_space<vmem>>, vector<1x16xf32>,
        %swap3A_657 = vector.shape_cast %swap3A_656 : vector<1x16xf32> to vector<16xf32>
        %swap3A_658 = vector.shape_cast %add3A_653 : vector<16xf32> to vector<1x16xf32>
        tpu.vector_store %arg8[%swap3A_654, %swap3A_655], %swap3A_658 {strides = array<i32>} : memref<64x256xf32, #tpu.memory_space<vmem>>, vector<1x16xf32>,
        %get3A_659 = arith.index_cast %scan3A_200 : i32 to index
        %get3A_660 = arith.constant 176 : index
        %get3A_661 = tpu.vector_load %arg6[%get3A_659, %get3A_660] {strides = array<i32>} : memref<64x256xf32, #tpu.memory_space<vmem>>, vector<1x16xf32>,
        %get3A_662 = vector.shape_cast %get3A_661 : vector<1x16xf32> to vector<16xf32>
        %lt3A_663 = vector.broadcast %squeeze3A_4 : f32 to vector<16xf32>
        %lt3A_664 = arith.cmpf olt, %get3A_662, %lt3A_663 : vector<16xf32>
        %lt3A_665 = vector.broadcast %squeeze3A_6 : f32 to vector<16xf32>
        %lt3A_666 = arith.cmpf olt, %get3A_662, %lt3A_665 : vector<16xf32>
        %broadcast_in_dim3A_667 = vector.broadcast %squeeze3A_4 : f32 to vector<16xf32>
        %broadcast_in_dim3A_668 = vector.broadcast %squeeze3A_6 : f32 to vector<16xf32>
        %select_n3A_669 = arith.select %lt3A_666, %broadcast_in_dim3A_667, %broadcast_in_dim3A_668 : vector<16xi1>, vector<16xf32>
        %broadcast_in_dim3A_670 = vector.broadcast %squeeze3A : f32 to vector<16xf32>
        %select_n3A_671 = arith.select %lt3A_664, %broadcast_in_dim3A_670, %select_n3A_669 : vector<16xi1>, vector<16xf32>
        %broadcast_in_dim3A_672 = vector.broadcast %squeeze3A_6 : f32 to vector<16xf32>
        %broadcast_in_dim3A_673 = vector.broadcast %squeeze3A_8 : f32 to vector<16xf32>
        %select_n3A_674 = arith.select %lt3A_666, %broadcast_in_dim3A_672, %broadcast_in_dim3A_673 : vector<16xi1>, vector<16xf32>
        %broadcast_in_dim3A_675 = vector.broadcast %squeeze3A_4 : f32 to vector<16xf32>
        %select_n3A_676 = arith.select %lt3A_664, %broadcast_in_dim3A_675, %select_n3A_674 : vector<16xi1>, vector<16xf32>
        %add3A_677 = arith.addf %select_n3A_671, %select_n3A_676 : vector<16xf32>
        %add3A_678 = arith.addf %get3A_662, %get3A_662 : vector<16xf32>
        %sub3A_679 = arith.subf %add3A_677, %add3A_678 : vector<16xf32>
        %mul3A_680 = arith.constant -5.000000e+01 : f32
        %mul3A_681 = vector.broadcast %mul3A_680 : f32 to vector<16xf32>
        %mul3A_682 = arith.mulf %mul3A_681, %sub3A_679 : vector<16xf32>
        %neg3A_683 = arith.constant 0.000000e+00 : f32
        %neg3A_684 = vector.broadcast %neg3A_683 : f32 to vector<16xf32>
        %neg3A_685 = arith.subf %neg3A_684, %mul3A_682 : vector<16xf32>
        %exp3A_686 = math.exp %neg3A_685 : vector<16xf32>
        %add3A_687 = arith.constant 1.000000e+00 : f32
        %add3A_688 = vector.broadcast %add3A_687 : f32 to vector<16xf32>
        %add3A_689 = arith.addf %add3A_688, %exp3A_686 : vector<16xf32>
        %div3A_690 = arith.constant 1.000000e+00 : f32
        %div3A_691 = vector.broadcast %div3A_690 : f32 to vector<16xf32>
        %div3A_692 = arith.divf %div3A_691, %add3A_689 : vector<16xf32>
        %sub3A_693 = arith.subf %select_n3A_676, %select_n3A_671 : vector<16xf32>
        %mul3A_694 = arith.mulf %sub3A_693, %div3A_692 : vector<16xf32>
        %add3A_695 = arith.addf %select_n3A_671, %mul3A_694 : vector<16xf32>
        %swap3A_696 = arith.index_cast %scan3A_200 : i32 to index
        %swap3A_697 = arith.constant 176 : index
        %swap3A_698 = tpu.vector_load %arg8[%swap3A_696, %swap3A_697] {strides = array<i32>} : memref<64x256xf32, #tpu.memory_space<vmem>>, vector<1x16xf32>,
        %swap3A_699 = vector.shape_cast %swap3A_698 : vector<1x16xf32> to vector<16xf32>
        %swap3A_700 = vector.shape_cast %add3A_695 : vector<16xf32> to vector<1x16xf32>
        tpu.vector_store %arg8[%swap3A_696, %swap3A_697], %swap3A_700 {strides = array<i32>} : memref<64x256xf32, #tpu.memory_space<vmem>>, vector<1x16xf32>,
        %get3A_701 = arith.index_cast %scan3A_200 : i32 to index
        %get3A_702 = arith.constant 192 : index
        %get3A_703 = tpu.vector_load %arg6[%get3A_701, %get3A_702] {strides = array<i32>} : memref<64x256xf32, #tpu.memory_space<vmem>>, vector<1x16xf32>,
        %get3A_704 = vector.shape_cast %get3A_703 : vector<1x16xf32> to vector<16xf32>
        %lt3A_705 = vector.broadcast %squeeze3A_4 : f32 to vector<16xf32>
        %lt3A_706 = arith.cmpf olt, %get3A_704, %lt3A_705 : vector<16xf32>
        %lt3A_707 = vector.broadcast %squeeze3A_6 : f32 to vector<16xf32>
        %lt3A_708 = arith.cmpf olt, %get3A_704, %lt3A_707 : vector<16xf32>
        %broadcast_in_dim3A_709 = vector.broadcast %squeeze3A_4 : f32 to vector<16xf32>
        %broadcast_in_dim3A_710 = vector.broadcast %squeeze3A_6 : f32 to vector<16xf32>
        %select_n3A_711 = arith.select %lt3A_708, %broadcast_in_dim3A_709, %broadcast_in_dim3A_710 : vector<16xi1>, vector<16xf32>
        %broadcast_in_dim3A_712 = vector.broadcast %squeeze3A : f32 to vector<16xf32>
        %select_n3A_713 = arith.select %lt3A_706, %broadcast_in_dim3A_712, %select_n3A_711 : vector<16xi1>, vector<16xf32>
        %broadcast_in_dim3A_714 = vector.broadcast %squeeze3A_6 : f32 to vector<16xf32>
        %broadcast_in_dim3A_715 = vector.broadcast %squeeze3A_8 : f32 to vector<16xf32>
        %select_n3A_716 = arith.select %lt3A_708, %broadcast_in_dim3A_714, %broadcast_in_dim3A_715 : vector<16xi1>, vector<16xf32>
        %broadcast_in_dim3A_717 = vector.broadcast %squeeze3A_4 : f32 to vector<16xf32>
        %select_n3A_718 = arith.select %lt3A_706, %broadcast_in_dim3A_717, %select_n3A_716 : vector<16xi1>, vector<16xf32>
        %add3A_719 = arith.addf %select_n3A_713, %select_n3A_718 : vector<16xf32>
        %add3A_720 = arith.addf %get3A_704, %get3A_704 : vector<16xf32>
        %sub3A_721 = arith.subf %add3A_719, %add3A_720 : vector<16xf32>
        %mul3A_722 = arith.constant -5.000000e+01 : f32
        %mul3A_723 = vector.broadcast %mul3A_722 : f32 to vector<16xf32>
        %mul3A_724 = arith.mulf %mul3A_723, %sub3A_721 : vector<16xf32>
        %neg3A_725 = arith.constant 0.000000e+00 : f32
        %neg3A_726 = vector.broadcast %neg3A_725 : f32 to vector<16xf32>
        %neg3A_727 = arith.subf %neg3A_726, %mul3A_724 : vector<16xf32>
        %exp3A_728 = math.exp %neg3A_727 : vector<16xf32>
        %add3A_729 = arith.constant 1.000000e+00 : f32
        %add3A_730 = vector.broadcast %add3A_729 : f32 to vector<16xf32>
        %add3A_731 = arith.addf %add3A_730, %exp3A_728 : vector<16xf32>
        %div3A_732 = arith.constant 1.000000e+00 : f32
        %div3A_733 = vector.broadcast %div3A_732 : f32 to vector<16xf32>
        %div3A_734 = arith.divf %div3A_733, %add3A_731 : vector<16xf32>
        %sub3A_735 = arith.subf %select_n3A_718, %select_n3A_713 : vector<16xf32>
        %mul3A_736 = arith.mulf %sub3A_735, %div3A_734 : vector<16xf32>
        %add3A_737 = arith.addf %select_n3A_713, %mul3A_736 : vector<16xf32>
        %swap3A_738 = arith.index_cast %scan3A_200 : i32 to index
        %swap3A_739 = arith.constant 192 : index
        %swap3A_740 = tpu.vector_load %arg8[%swap3A_738, %swap3A_739] {strides = array<i32>} : memref<64x256xf32, #tpu.memory_space<vmem>>, vector<1x16xf32>,
        %swap3A_741 = vector.shape_cast %swap3A_740 : vector<1x16xf32> to vector<16xf32>
        %swap3A_742 = vector.shape_cast %add3A_737 : vector<16xf32> to vector<1x16xf32>
        tpu.vector_store %arg8[%swap3A_738, %swap3A_739], %swap3A_742 {strides = array<i32>} : memref<64x256xf32, #tpu.memory_space<vmem>>, vector<1x16xf32>,
        %get3A_743 = arith.index_cast %scan3A_200 : i32 to index
        %get3A_744 = arith.constant 208 : index
        %get3A_745 = tpu.vector_load %arg6[%get3A_743, %get3A_744] {strides = array<i32>} : memref<64x256xf32, #tpu.memory_space<vmem>>, vector<1x16xf32>,
        %get3A_746 = vector.shape_cast %get3A_745 : vector<1x16xf32> to vector<16xf32>
        %lt3A_747 = vector.broadcast %squeeze3A_4 : f32 to vector<16xf32>
        %lt3A_748 = arith.cmpf olt, %get3A_746, %lt3A_747 : vector<16xf32>
        %lt3A_749 = vector.broadcast %squeeze3A_6 : f32 to vector<16xf32>
        %lt3A_750 = arith.cmpf olt, %get3A_746, %lt3A_749 : vector<16xf32>
        %broadcast_in_dim3A_751 = vector.broadcast %squeeze3A_4 : f32 to vector<16xf32>
        %broadcast_in_dim3A_752 = vector.broadcast %squeeze3A_6 : f32 to vector<16xf32>
        %select_n3A_753 = arith.select %lt3A_750, %broadcast_in_dim3A_751, %broadcast_in_dim3A_752 : vector<16xi1>, vector<16xf32>
        %broadcast_in_dim3A_754 = vector.broadcast %squeeze3A : f32 to vector<16xf32>
        %select_n3A_755 = arith.select %lt3A_748, %broadcast_in_dim3A_754, %select_n3A_753 : vector<16xi1>, vector<16xf32>
        %broadcast_in_dim3A_756 = vector.broadcast %squeeze3A_6 : f32 to vector<16xf32>
        %broadcast_in_dim3A_757 = vector.broadcast %squeeze3A_8 : f32 to vector<16xf32>
        %select_n3A_758 = arith.select %lt3A_750, %broadcast_in_dim3A_756, %broadcast_in_dim3A_757 : vector<16xi1>, vector<16xf32>
        %broadcast_in_dim3A_759 = vector.broadcast %squeeze3A_4 : f32 to vector<16xf32>
        %select_n3A_760 = arith.select %lt3A_748, %broadcast_in_dim3A_759, %select_n3A_758 : vector<16xi1>, vector<16xf32>
        %add3A_761 = arith.addf %select_n3A_755, %select_n3A_760 : vector<16xf32>
        %add3A_762 = arith.addf %get3A_746, %get3A_746 : vector<16xf32>
        %sub3A_763 = arith.subf %add3A_761, %add3A_762 : vector<16xf32>
        %mul3A_764 = arith.constant -5.000000e+01 : f32
        %mul3A_765 = vector.broadcast %mul3A_764 : f32 to vector<16xf32>
        %mul3A_766 = arith.mulf %mul3A_765, %sub3A_763 : vector<16xf32>
        %neg3A_767 = arith.constant 0.000000e+00 : f32
        %neg3A_768 = vector.broadcast %neg3A_767 : f32 to vector<16xf32>
        %neg3A_769 = arith.subf %neg3A_768, %mul3A_766 : vector<16xf32>
        %exp3A_770 = math.exp %neg3A_769 : vector<16xf32>
        %add3A_771 = arith.constant 1.000000e+00 : f32
        %add3A_772 = vector.broadcast %add3A_771 : f32 to vector<16xf32>
        %add3A_773 = arith.addf %add3A_772, %exp3A_770 : vector<16xf32>
        %div3A_774 = arith.constant 1.000000e+00 : f32
        %div3A_775 = vector.broadcast %div3A_774 : f32 to vector<16xf32>
        %div3A_776 = arith.divf %div3A_775, %add3A_773 : vector<16xf32>
        %sub3A_777 = arith.subf %select_n3A_760, %select_n3A_755 : vector<16xf32>
        %mul3A_778 = arith.mulf %sub3A_777, %div3A_776 : vector<16xf32>
        %add3A_779 = arith.addf %select_n3A_755, %mul3A_778 : vector<16xf32>
        %swap3A_780 = arith.index_cast %scan3A_200 : i32 to index
        %swap3A_781 = arith.constant 208 : index
        %swap3A_782 = tpu.vector_load %arg8[%swap3A_780, %swap3A_781] {strides = array<i32>} : memref<64x256xf32, #tpu.memory_space<vmem>>, vector<1x16xf32>,
        %swap3A_783 = vector.shape_cast %swap3A_782 : vector<1x16xf32> to vector<16xf32>
        %swap3A_784 = vector.shape_cast %add3A_779 : vector<16xf32> to vector<1x16xf32>
        tpu.vector_store %arg8[%swap3A_780, %swap3A_781], %swap3A_784 {strides = array<i32>} : memref<64x256xf32, #tpu.memory_space<vmem>>, vector<1x16xf32>,
        %get3A_785 = arith.index_cast %scan3A_200 : i32 to index
        %get3A_786 = arith.constant 224 : index
        %get3A_787 = tpu.vector_load %arg6[%get3A_785, %get3A_786] {strides = array<i32>} : memref<64x256xf32, #tpu.memory_space<vmem>>, vector<1x16xf32>,
        %get3A_788 = vector.shape_cast %get3A_787 : vector<1x16xf32> to vector<16xf32>
        %lt3A_789 = vector.broadcast %squeeze3A_4 : f32 to vector<16xf32>
        %lt3A_790 = arith.cmpf olt, %get3A_788, %lt3A_789 : vector<16xf32>
        %lt3A_791 = vector.broadcast %squeeze3A_6 : f32 to vector<16xf32>
        %lt3A_792 = arith.cmpf olt, %get3A_788, %lt3A_791 : vector<16xf32>
        %broadcast_in_dim3A_793 = vector.broadcast %squeeze3A_4 : f32 to vector<16xf32>
        %broadcast_in_dim3A_794 = vector.broadcast %squeeze3A_6 : f32 to vector<16xf32>
        %select_n3A_795 = arith.select %lt3A_792, %broadcast_in_dim3A_793, %broadcast_in_dim3A_794 : vector<16xi1>, vector<16xf32>
        %broadcast_in_dim3A_796 = vector.broadcast %squeeze3A : f32 to vector<16xf32>
        %select_n3A_797 = arith.select %lt3A_790, %broadcast_in_dim3A_796, %select_n3A_795 : vector<16xi1>, vector<16xf32>
        %broadcast_in_dim3A_798 = vector.broadcast %squeeze3A_6 : f32 to vector<16xf32>
        %broadcast_in_dim3A_799 = vector.broadcast %squeeze3A_8 : f32 to vector<16xf32>
        %select_n3A_800 = arith.select %lt3A_792, %broadcast_in_dim3A_798, %broadcast_in_dim3A_799 : vector<16xi1>, vector<16xf32>
        %broadcast_in_dim3A_801 = vector.broadcast %squeeze3A_4 : f32 to vector<16xf32>
        %select_n3A_802 = arith.select %lt3A_790, %broadcast_in_dim3A_801, %select_n3A_800 : vector<16xi1>, vector<16xf32>
        %add3A_803 = arith.addf %select_n3A_797, %select_n3A_802 : vector<16xf32>
        %add3A_804 = arith.addf %get3A_788, %get3A_788 : vector<16xf32>
        %sub3A_805 = arith.subf %add3A_803, %add3A_804 : vector<16xf32>
        %mul3A_806 = arith.constant -5.000000e+01 : f32
        %mul3A_807 = vector.broadcast %mul3A_806 : f32 to vector<16xf32>
        %mul3A_808 = arith.mulf %mul3A_807, %sub3A_805 : vector<16xf32>
        %neg3A_809 = arith.constant 0.000000e+00 : f32
        %neg3A_810 = vector.broadcast %neg3A_809 : f32 to vector<16xf32>
        %neg3A_811 = arith.subf %neg3A_810, %mul3A_808 : vector<16xf32>
        %exp3A_812 = math.exp %neg3A_811 : vector<16xf32>
        %add3A_813 = arith.constant 1.000000e+00 : f32
        %add3A_814 = vector.broadcast %add3A_813 : f32 to vector<16xf32>
        %add3A_815 = arith.addf %add3A_814, %exp3A_812 : vector<16xf32>
        %div3A_816 = arith.constant 1.000000e+00 : f32
        %div3A_817 = vector.broadcast %div3A_816 : f32 to vector<16xf32>
        %div3A_818 = arith.divf %div3A_817, %add3A_815 : vector<16xf32>
        %sub3A_819 = arith.subf %select_n3A_802, %select_n3A_797 : vector<16xf32>
        %mul3A_820 = arith.mulf %sub3A_819, %div3A_818 : vector<16xf32>
        %add3A_821 = arith.addf %select_n3A_797, %mul3A_820 : vector<16xf32>
        %swap3A_822 = arith.index_cast %scan3A_200 : i32 to index
        %swap3A_823 = arith.constant 224 : index
        %swap3A_824 = tpu.vector_load %arg8[%swap3A_822, %swap3A_823] {strides = array<i32>} : memref<64x256xf32, #tpu.memory_space<vmem>>, vector<1x16xf32>,
        %swap3A_825 = vector.shape_cast %swap3A_824 : vector<1x16xf32> to vector<16xf32>
        %swap3A_826 = vector.shape_cast %add3A_821 : vector<16xf32> to vector<1x16xf32>
        tpu.vector_store %arg8[%swap3A_822, %swap3A_823], %swap3A_826 {strides = array<i32>} : memref<64x256xf32, #tpu.memory_space<vmem>>, vector<1x16xf32>,
        %get3A_827 = arith.index_cast %scan3A_200 : i32 to index
        %get3A_828 = arith.constant 240 : index
        %get3A_829 = tpu.vector_load %arg6[%get3A_827, %get3A_828] {strides = array<i32>} : memref<64x256xf32, #tpu.memory_space<vmem>>, vector<1x16xf32>,
        %get3A_830 = vector.shape_cast %get3A_829 : vector<1x16xf32> to vector<16xf32>
        %lt3A_831 = vector.broadcast %squeeze3A_4 : f32 to vector<16xf32>
        %lt3A_832 = arith.cmpf olt, %get3A_830, %lt3A_831 : vector<16xf32>
        %lt3A_833 = vector.broadcast %squeeze3A_6 : f32 to vector<16xf32>
        %lt3A_834 = arith.cmpf olt, %get3A_830, %lt3A_833 : vector<16xf32>
        %broadcast_in_dim3A_835 = vector.broadcast %squeeze3A_4 : f32 to vector<16xf32>
        %broadcast_in_dim3A_836 = vector.broadcast %squeeze3A_6 : f32 to vector<16xf32>
        %select_n3A_837 = arith.select %lt3A_834, %broadcast_in_dim3A_835, %broadcast_in_dim3A_836 : vector<16xi1>, vector<16xf32>
        %broadcast_in_dim3A_838 = vector.broadcast %squeeze3A : f32 to vector<16xf32>
        %select_n3A_839 = arith.select %lt3A_832, %broadcast_in_dim3A_838, %select_n3A_837 : vector<16xi1>, vector<16xf32>
        %broadcast_in_dim3A_840 = vector.broadcast %squeeze3A_6 : f32 to vector<16xf32>
        %broadcast_in_dim3A_841 = vector.broadcast %squeeze3A_8 : f32 to vector<16xf32>
        %select_n3A_842 = arith.select %lt3A_834, %broadcast_in_dim3A_840, %broadcast_in_dim3A_841 : vector<16xi1>, vector<16xf32>
        %broadcast_in_dim3A_843 = vector.broadcast %squeeze3A_4 : f32 to vector<16xf32>
        %select_n3A_844 = arith.select %lt3A_832, %broadcast_in_dim3A_843, %select_n3A_842 : vector<16xi1>, vector<16xf32>
        %add3A_845 = arith.addf %select_n3A_839, %select_n3A_844 : vector<16xf32>
        %add3A_846 = arith.addf %get3A_830, %get3A_830 : vector<16xf32>
        %sub3A_847 = arith.subf %add3A_845, %add3A_846 : vector<16xf32>
        %mul3A_848 = arith.constant -5.000000e+01 : f32
        %mul3A_849 = vector.broadcast %mul3A_848 : f32 to vector<16xf32>
        %mul3A_850 = arith.mulf %mul3A_849, %sub3A_847 : vector<16xf32>
        %neg3A_851 = arith.constant 0.000000e+00 : f32
        %neg3A_852 = vector.broadcast %neg3A_851 : f32 to vector<16xf32>
        %neg3A_853 = arith.subf %neg3A_852, %mul3A_850 : vector<16xf32>
        %exp3A_854 = math.exp %neg3A_853 : vector<16xf32>
        %add3A_855 = arith.constant 1.000000e+00 : f32
        %add3A_856 = vector.broadcast %add3A_855 : f32 to vector<16xf32>
        %add3A_857 = arith.addf %add3A_856, %exp3A_854 : vector<16xf32>
        %div3A_858 = arith.constant 1.000000e+00 : f32
        %div3A_859 = vector.broadcast %div3A_858 : f32 to vector<16xf32>
        %div3A_860 = arith.divf %div3A_859, %add3A_857 : vector<16xf32>
        %sub3A_861 = arith.subf %select_n3A_844, %select_n3A_839 : vector<16xf32>
        %mul3A_862 = arith.mulf %sub3A_861, %div3A_860 : vector<16xf32>
        %add3A_863 = arith.addf %select_n3A_839, %mul3A_862 : vector<16xf32>
        %swap3A_864 = arith.index_cast %scan3A_200 : i32 to index
        %swap3A_865 = arith.constant 240 : index
        %swap3A_866 = tpu.vector_load %arg8[%swap3A_864, %swap3A_865] {strides = array<i32>} : memref<64x256xf32, #tpu.memory_space<vmem>>, vector<1x16xf32>,
        %swap3A_867 = vector.shape_cast %swap3A_866 : vector<1x16xf32> to vector<16xf32>
        %swap3A_868 = vector.shape_cast %add3A_863 : vector<16xf32> to vector<1x16xf32>
        tpu.vector_store %arg8[%swap3A_864, %swap3A_865], %swap3A_868 {strides = array<i32>} : memref<64x256xf32, #tpu.memory_space<vmem>>, vector<1x16xf32>,
      }
      %scan3A_186 = arith.constant 64 : i32
      %dma_start3A_187 = arith.constant 0 : i32
      %dma_start3A_188 = tpu.memref_slice %arg4[%select_n3A_148, %add3A_169, %dma_start3A_187] : memref<21x4096x256xf32, #tpu.memory_space<hbm>> -> memref<1x64x256xf32, #tpu.memory_space<hbm>>
      %dma_start3A_189 = tpu.memref_squeeze %dma_start3A_188 : memref<1x64x256xf32, #tpu.memory_space<hbm>> -> memref<64x256xf32, #tpu.memory_space<hbm>>
      %dma_start3A_190 = arith.constant 0 : i32
      %dma_start3A_191 = tpu.memref_slice %arg4[%select_n3A_148, %add3A_169, %dma_start3A_190] : memref<21x4096x256xf32, #tpu.memory_space<hbm>> -> memref<1x64x256xf32, #tpu.memory_space<hbm>>
      %dma_start3A_192 = tpu.memref_squeeze %dma_start3A_191 : memref<1x64x256xf32, #tpu.memory_space<hbm>> -> memref<64x256xf32, #tpu.memory_space<hbm>>
      tpu.enqueue_dma source(%arg8 : memref<64x256xf32, #tpu.memory_space<vmem>>) target(%dma_start3A_192 : memref<64x256xf32, #tpu.memory_space<hbm>>) target_semaphore(%arg13 : memref<!tpu.dma_semaphore, #tpu.memory_space<semaphore_mem>>)
      %add3A_193 = arith.constant 2 : i32
      %add3A_194 = arith.addi %add3A_124, %add3A_193 : i32
      %lt3A_195 = arith.constant 42 : i32
      %lt3A_196 = arith.cmpi slt, %add3A_194, %lt3A_195 : i32
      %convert_element_type3A_197 = arith.extui %lt3A_196 : i1 to i32
      %cond3A_198 = arith.constant 0 : i32
      %cond3A_199 = arith.cmpi ne, %convert_element_type3A_197, %cond3A_198 : i32
      scf.if %cond3A_199 {
        %add3A_200 = arith.constant 2 : i32
        %add3A_201 = arith.addi %add3A_124, %add3A_200 : i32
        %jit3A_202 = arith.constant 2 : i32
        %div3A_203 = arith.divsi %add3A_201, %jit3A_202 : i32
        %sign3A_204 = arith.constant 0 : i32
        %sign3A_205 = arith.cmpi sgt, %add3A_201, %sign3A_204 : i32
        %sign3A_206 = arith.extui %sign3A_205 : i1 to i32
        %sign3A_207 = arith.constant 0 : i32
        %sign3A_208 = arith.cmpi slt, %add3A_201, %sign3A_207 : i32
        %sign3A_209 = arith.extui %sign3A_208 : i1 to i32
        %sign3A_210 = arith.subi %sign3A_206, %sign3A_209 : i32
        %sign3A_211 = arith.constant 0 : i32
        %sign3A_212 = arith.cmpi sgt, %jit3A_202, %sign3A_211 : i32
        %sign3A_213 = arith.extui %sign3A_212 : i1 to i32
        %sign3A_214 = arith.constant 0 : i32
        %sign3A_215 = arith.cmpi slt, %jit3A_202, %sign3A_214 : i32
        %sign3A_216 = arith.extui %sign3A_215 : i1 to i32
        %sign3A_217 = arith.subi %sign3A_213, %sign3A_216 : i32
        %ne3A_218 = arith.cmpi ne, %sign3A_210, %sign3A_217 : i32
        %rem3A_219 = arith.remsi %add3A_201, %jit3A_202 : i32
        %ne3A_220 = arith.constant 0 : i32
        %ne3A_221 = arith.cmpi ne, %rem3A_219, %ne3A_220 : i32
        %and3A_222 = arith.andi %ne3A_218, %ne3A_221 : i1
        %sub3A_223 = arith.constant 1 : i32
        %sub3A_224 = arith.subi %div3A_203, %sub3A_223 : i32
        %select_n3A_225 = arith.select %and3A_222, %sub3A_224, %div3A_203 : i32
        %jit3A_226 = arith.constant 2 : i32
        %eq3A_227 = arith.constant 0 : i32
        %eq3A_228 = arith.cmpi eq, %jit3A_226, %eq3A_227 : i32
        %jit3A_229 = arith.constant 1 : i32
        %select_n3A_230 = arith.select %eq3A_228, %jit3A_229, %jit3A_226 : i32
        %rem3A_231 = arith.remsi %add3A_201, %select_n3A_230 : i32
        %ne3A_232 = arith.constant 0 : i32
        %ne3A_233 = arith.cmpi ne, %rem3A_231, %ne3A_232 : i32
        %lt3A_234 = arith.constant 0 : i32
        %lt3A_235 = arith.cmpi slt, %rem3A_231, %lt3A_234 : i32
        %lt3A_236 = arith.constant 0 : i32
        %lt3A_237 = arith.cmpi slt, %select_n3A_230, %lt3A_236 : i32
        %ne3A_238 = arith.xori %lt3A_235, %lt3A_237 : i1
        %and3A_239 = arith.andi %ne3A_238, %ne3A_233 : i1
        %add3A_240 = arith.addi %rem3A_231, %select_n3A_230 : i32
        %select_n3A_241 = arith.select %and3A_239, %add3A_240, %rem3A_231 : i32
        %mul3A_242 = arith.constant 128 : i32
        %mul3A_243 = arith.muli %add3A, %mul3A_242 : i32
        %mul3A_244 = arith.constant 64 : i32
        %mul3A_245 = arith.muli %select_n3A_241, %mul3A_244 : i32
        %add3A_246 = arith.addi %mul3A_243, %mul3A_245 : i32
        %dma_start3A_247 = arith.constant 0 : i32
        %dma_start3A_248 = tpu.memref_slice %arg2[%select_n3A_225, %add3A_246, %dma_start3A_247] : memref<21x4096x256xf32, #tpu.memory_space<hbm>> -> memref<1x64x256xf32, #tpu.memory_space<hbm>>
        %dma_start3A_249 = tpu.memref_squeeze %dma_start3A_248 : memref<1x64x256xf32, #tpu.memory_space<hbm>> -> memref<64x256xf32, #tpu.memory_space<hbm>>
        %dma_start3A_250 = arith.constant 0 : i32
        %dma_start3A_251 = tpu.memref_slice %arg2[%select_n3A_225, %add3A_246, %dma_start3A_250] : memref<21x4096x256xf32, #tpu.memory_space<hbm>> -> memref<1x64x256xf32, #tpu.memory_space<hbm>>
        %dma_start3A_252 = tpu.memref_squeeze %dma_start3A_251 : memref<1x64x256xf32, #tpu.memory_space<hbm>> -> memref<64x256xf32, #tpu.memory_space<hbm>>
        tpu.enqueue_dma source(%dma_start3A_252 : memref<64x256xf32, #tpu.memory_space<hbm>>) target(%arg6 : memref<64x256xf32, #tpu.memory_space<vmem>>) target_semaphore(%arg11 : memref<!tpu.dma_semaphore, #tpu.memory_space<semaphore_mem>>)
      } else {
      }
    }
    %scan3A_34 = arith.constant 21 : i32
    %mul3A_35 = arith.constant 128 : i32
    %mul3A_36 = arith.muli %add3A, %mul3A_35 : i32
    %add3A_37 = arith.constant 0 : i32
    %add3A_38 = arith.addi %mul3A_36, %add3A_37 : i32
    %dma_wait3A = arith.constant 20 : i32
    %dma_wait3A_39 = arith.constant 0 : i32
    %dma_wait3A_40 = tpu.memref_slice %arg4[%dma_wait3A, %add3A_38, %dma_wait3A_39] : memref<21x4096x256xf32, #tpu.memory_space<hbm>> -> memref<1x64x256xf32, #tpu.memory_space<hbm>>
    %dma_wait3A_41 = tpu.memref_squeeze %dma_wait3A_40 : memref<1x64x256xf32, #tpu.memory_space<hbm>> -> memref<64x256xf32, #tpu.memory_space<hbm>>
    %dma_wait3A_42 = arith.constant 0 : i32
    %dma_wait3A_43 = tpu.memref_slice %arg4[%dma_wait3A, %add3A_38, %dma_wait3A_42] : memref<21x4096x256xf32, #tpu.memory_space<hbm>> -> memref<1x64x256xf32, #tpu.memory_space<hbm>>
    %dma_wait3A_44 = tpu.memref_squeeze %dma_wait3A_43 : memref<1x64x256xf32, #tpu.memory_space<hbm>> -> memref<64x256xf32, #tpu.memory_space<hbm>>
    tpu.wait_dma2 semaphore(%arg12 : memref<!tpu.dma_semaphore, #tpu.memory_space<semaphore_mem>>) src(%arg7 : memref<64x256xf32, #tpu.memory_space<vmem>>) dst(%dma_wait3A_44 : memref<64x256xf32, #tpu.memory_space<hbm>>)
    %mul3A_45 = arith.constant 128 : i32
    %mul3A_46 = arith.muli %add3A, %mul3A_45 : i32
    %add3A_47 = arith.constant 64 : i32
    %add3A_48 = arith.addi %mul3A_46, %add3A_47 : i32
    %dma_wait3A_49 = arith.constant 20 : i32
    %dma_wait3A_50 = arith.constant 0 : i32
    %dma_wait3A_51 = tpu.memref_slice %arg4[%dma_wait3A_49, %add3A_48, %dma_wait3A_50] : memref<21x4096x256xf32, #tpu.memory_space<hbm>> -> memref<1x64x256xf32, #tpu.memory_space<hbm>>
    %dma_wait3A_52 = tpu.memref_squeeze %dma_wait3A_51 : memref<1x64x256xf32, #tpu.memory_space<hbm>> -> memref<64x256xf32, #tpu.memory_space<hbm>>
    %dma_wait3A_53 = arith.constant 0 : i32
    %dma_wait3A_54 = tpu.memref_slice %arg4[%dma_wait3A_49, %add3A_48, %dma_wait3A_53] : memref<21x4096x256xf32, #tpu.memory_space<hbm>> -> memref<1x64x256xf32, #tpu.memory_space<hbm>>
    %dma_wait3A_55 = tpu.memref_squeeze %dma_wait3A_54 : memref<1x64x256xf32, #tpu.memory_space<hbm>> -> memref<64x256xf32, #tpu.memory_space<hbm>>
    tpu.wait_dma2 semaphore(%arg13 : memref<!tpu.dma_semaphore, #tpu.memory_space<semaphore_mem>>) src(%arg8 : memref<64x256xf32, #tpu.memory_space<vmem>>) dst(%dma_wait3A_55 : memref<64x256xf32, #tpu.memory_space<hbm>>)
    return
  }
}

</mosaic_0001>

<sc_bundles>
// kernel: kernel.3.cloned.1.call-start
scs
__scs_entry_jumppad:
0x0: {  	(pc) =	sbr.rel $0x88, $3  }
0x1: {  	(tag) =	ssettag $0x0;
	lr =	simm.s32 $0x1  }
0x2: {  	[smem:$0x3F9F] =	sst lr;
	_ =	strace $0xD0000000  }
0x3: {  	_ = 	snop  }
0x4: {  	_ = 	snop  }
0x5: {  	_ = 	snop  }
0x6: {  	_ = 	snop  }
0x7: {  	_ = 	snop  }
__scs_overlays_trampoline_lowered:
0x8: {  	[smem:$0x3FAE] =	sst s0  }
0x9: {  	[smem:$0x3FAF] =	sst s1  }
0xa: {  	[smem:$0x3FB0] =	sst s2  }
0xb: {  	[smem:$0x3FB1] =	sst s3  }
0xc: {  	[smem:$0x3FB2] =	sst s4  }
0xd: {  	[smem:$0x3FB3] =	sst s5  }
0xe: {  	[smem:$0x3FB4] =	sst s6  }
0xf: {  	[smem:$0x3FB5] =	sst s7  }
0x10: {  	[smem:$0x3FB6] =	sst s8  }
0x11: {  	[smem:$0x3FB7] =	sst s9;
	s0 =	simm.s32 @!p0 $0x0  }
0x12: {  	s1 =	sld [smem:$0x3F9D];
	s0 =	simm.s32 @p0 $0x1  }
0x13: {  	[smem:$0x3FB8] =	sst s0;
	s0 =	simm.s32 @!p1 $0x0  }
0x14: {  	s2 =	sld [smem:$0x3F9C];
	s0 =	simm.s32 @p1 $0x1  }
0x15: {  	[smem:$0x3FB9] =	sst s0;
	s0 =	simm.s32 @!p2 $0x0  }
0x16: {  	s3 =	sld [smem:$0x3FDB];
	s0 =	simm.s32 @p2 $0x1  }
0x17: {  	s4 =	simm.s32 $0x1BF5;
	[smem:$0x3FBB] =	sst s0  }
0x18: {  	s0 =	sld [smem:$0x3F9E];
	_ =	swait.ge [sflag:s4], $0x0  }
0x19: {  	s7 =	sld [smem:$0x3F9F]  }
0x1a: {  	s8 =	sadd.s32 $0xFFFFE003, lr  }
0x1b: {  	s9 =	sadd.s32 $0xFFFFFEF7, lr;
	s5 =	simm.s32 $0xFFFFFFFF;
	p2 =	slt.u32 s8, $0xFFFFF086  }
0x1c: {  	p1 =	slt.u32 s9, $0xF7A;
	s5 =	simm.s32 @!p2 $0x0  }
0x1d: {  	s5 =	simm.s32 @p1 $0x1;
	p0 =	seq.s32 s7, s2  }
0x1e: {  	s7 =	smul.u32 @!p0 $0xF7A, s2;
	p2 =	seq.s32 @!p0 s5, $0x0  }
0x1f: {  	s9 =	smul.u32 $0xF7A, s1;
	s8 =	simm.s32 @!p0 $0x1BF5;
	p2 =	por !p2, p0  }
0x20: {  	[sflag:s8] =	ssyncset.s32 @!p0 $0xFFFFF086;
	s6 =	sadd.s32 @!p0 s3, s7;
	s7 =	simm.s32 @!p0 $0x108  }
0x21: {  	s3 =	sadd.s32 s3, s9;
	s6 =	sadd.s32 @!p0 $0x88, s6;
	s7 =	simm.s32 @p2 $0x1082  }
0x22: {  	[simem:s7], [sflag:s8] =	dma.local @!p0 [hbm:s6], $0xF7A  }
0x23: {  	s9 =	sor.u32 $0xD0000000, s2;
	s6 =	simm.s32 $0x108;
	_ =	swait.ge @!p0 [sflag:s8], $0x0  }
0x24: {  	s3 =	sadd.s32 $0x88, s3;
	s6 =	simm.s32 @!p1 $0x1082;
	[sflag:s4] =	ssyncset.s32 $0xFFFFF086  }
0x25: {  	[simem:s6], [sflag:s4] =	dma.local [hbm:s3], $0xF7A  }
0x26: {  	[smem:$0x3F9F] =	sst s1;
	(tag) =	ssettag s2;
	_ =	strace s9  }
0x27: {  	s1 =	sld [smem:$0x3FAF]  }
0x28: {  	s2 =	sld [smem:$0x3FB0]  }
0x29: {  	s4 =	sld [smem:$0x3FB2]  }
0x2a: {  	p0 =	seq.s32 s5, $0x0;
	s5 =	sld [smem:$0x3FB3]  }
0x2b: {  	s6 =	sld [smem:$0x3FB4]  }
0x2c: {  	s7 =	sld [smem:$0x3FB5]  }
0x2d: {  	s3 =	simm.s32 $0x108;
	s8 =	sld [smem:$0x3FB6]  }
0x2e: {  	s3 =	simm.s32 @!p0 $0x1082;
	s9 =	sld [smem:$0x3FB7]  }
0x2f: {  	lr =	sadd.s32 s0, s3;
	s0 =	sld [smem:$0x3FAE]  }
0x30: {  	s3 =	sld [smem:$0x3FB1]  }
0x31: {  	[smem:$0x3FBA] =	sst s10  }
0x32: {  	s10 =	sld [smem:$0x3FB8];
	_ =	sdelay $0x3  }
0x33: {  	p0 =	seq.s32 s10, $0x1;
	s10 =	sld [smem:$0x3FBA];
	_ =	sdelay $0x3  }
0x34: {  	[smem:$0x3FBA] =	sst s10  }
0x35: {  	s10 =	sld [smem:$0x3FB9];
	_ =	sdelay $0x3  }
0x36: {  	p1 =	seq.s32 s10, $0x1;
	s10 =	sld [smem:$0x3FBA];
	_ =	sdelay $0x3  }
0x37: {  	[smem:$0x3FBA] =	sst s10  }
0x38: {  	s10 =	sld [smem:$0x3FBB]  }
0x39: {  	_ = 	snop;
	(pc) =	sbr.ind lr, $3  }
0x3a: {  	_ = 	snop  }
0x3b: {  	_ = 	snop  }
0x3c: {  	p2 =	seq.s32 s10, $0x1;
	s10 =	sld [smem:$0x3FBA]  }
0x3d: {  	_ =	shalt  }
0x3e: {  	_ =	shalt  }
0x3f: {  	_ =	shalt  }
0x40: {  	_ =	shalt  }
0x41: {  	_ =	shalt  }
0x42: {  	_ =	shalt  }
0x43: {  	_ =	shalt  }
0x44: {  	_ =	shalt  }
0x45: {  	_ =	shalt  }
0x46: {  	_ =	shalt  }
0x47: {  	_ =	shalt  }
0x48: {  	_ =	shalt  }
0x49: {  	_ =	shalt  }
0x4a: {  	_ =	shalt  }
0x4b: {  	_ =	shalt  }
0x4c: {  	_ =	shalt  }
0x4d: {  	_ =	shalt  }
0x4e: {  	_ =	shalt  }
0x4f: {  	_ =	shalt  }
0x50: {  	_ =	shalt  }
0x51: {  	_ =	shalt  }
0x52: {  	_ =	shalt  }
0x53: {  	_ =	shalt  }
0x54: {  	_ =	shalt  }
0x55: {  	_ =	shalt  }
0x56: {  	_ =	shalt  }
0x57: {  	_ =	shalt  }
0x58: {  	_ =	shalt  }
0x59: {  	_ =	shalt  }
0x5a: {  	_ =	shalt  }
0x5b: {  	_ =	shalt  }
0x5c: {  	_ =	shalt  }
0x5d: {  	_ =	shalt  }
0x5e: {  	_ =	shalt  }
0x5f: {  	_ =	shalt  }
0x60: {  	_ =	shalt  }
0x61: {  	_ =	shalt  }
0x62: {  	_ =	shalt  }
0x63: {  	_ =	shalt  }
0x64: {  	_ =	shalt  }
0x65: {  	_ =	shalt  }
0x66: {  	_ =	shalt  }
0x67: {  	_ =	shalt  }
0x68: {  	_ =	shalt  }
0x69: {  	_ =	shalt  }
0x6a: {  	_ =	shalt  }
0x6b: {  	_ =	shalt  }
0x6c: {  	_ =	shalt  }
0x6d: {  	_ =	shalt  }
0x6e: {  	_ =	shalt  }
0x6f: {  	_ =	shalt  }
0x70: {  	_ =	shalt  }
0x71: {  	_ =	shalt  }
0x72: {  	_ =	shalt  }
0x73: {  	_ =	shalt  }
0x74: {  	_ =	shalt  }
0x75: {  	_ =	shalt  }
0x76: {  	_ =	shalt  }
0x77: {  	_ =	shalt  }
0x78: {  	_ =	shalt  }
0x79: {  	_ =	shalt  }
0x7a: {  	_ =	shalt  }
0x7b: {  	_ =	shalt  }
0x7c: {  	_ =	shalt  }
0x7d: {  	_ =	shalt  }
0x7e: {  	_ =	shalt  }
0x7f: {  	_ =	shalt  }
0x80: {  	_ =	shalt  }
0x81: {  	_ =	shalt  }
0x82: {  	_ =	shalt  }
0x83: {  	_ =	shalt  }
0x84: {  	_ =	shalt  }
0x85: {  	_ =	shalt  }
0x86: {  	_ =	shalt  }
0x87: {  	_ =	shalt  }
.Lfunc_end0:
.L_simem_size_0:
called_computation_lowered:
.L_overlay_start_0:
0x88: {  	s2 =	sld [smem:$0x3FD9]  }
0x89: {  	s3 =	sld [smem:$0x3FFE];
	_ =	sdelay $0x1  }
0x8a: {  	s1 =	srdreg.scid  }
0x8b: {  	s0 =	sand.u32 $0x1, s1  }
0x8c: {  	s18 =	sshll.u32 s0, $0xA;
	s2 =	sadd.s32 s3, s2  }
0x8d: {  	s2 =	sadd.s32 s2, s18  }
0x8e: {  	[smem:$0x3FC6] =	sst s2  }
0x8f: {  	_ = 	snop  }
0x90: {  	s2 =	sld [smem:$0x3FC9]  }
0x91: {  	s19 =	sld [smem:$0x3FC8]  }
0x92: {  	s4 =	sld [smem:$0x3FD0];
	(tm) =	ssettm $0x1  }
0x93: {  	s5 =	sld [smem:$0x3FFB];
	_ =	sdelay $0x3  }
0x94: {  	_ =	strace s5  }
0x95: {  	s5 =	sld [smem:$0x3FFC];
	_ =	sdelay $0x3  }
0x96: {  	_ =	strace s5  }
0x97: {  	s5 =	sld [smem:$0x3FFD];
	_ =	sdelay $0x3  }
0x98: {  	_ =	strace s5  }
0x99: {  	_ =	strace $0x8FFFFFFF  }
0x9a: {  	s20 =	sld [smem:$0x3FDB];
	_ =	sdelay $0x1  }
0x9b: {  	s6 =	simm.s32 $_scs_section_size  }
0x9c: {  	s7 =	simm.s32 $_size__tile_overlayer_lowered;
	s8 =	simm.s32 $_tile_overlayer_lowered  }
0x9d: {  	s23 =	simm.s32 $0x1BFF;
	s22 =	sshll.u32 s8, $0x1;
	s5 =	sadd.s32 s6, s20  }
0x9e: {  	s9 =	simm.s32 $0x0;
	s21 =	sshll.u32 s7, $0x1;
	s7 =	sadd.s32 s22, s5  }
0x9f: {  	[timem:s9], [sflag:s23] =	dma.local [hbm:s7], s21  }
0xa0: {  	_ =	swait.ge [sflag:s23], s21  }
0xa1: {  	s6 =	ssub.s32 $0x0, s21;
	[sflag:s23] =	ssyncset.done $0x0  }
0xa2: {  	[sflag:s23] =	ssyncadd.s32 s6;
	_ =	sdelay $0x1  }
0xa3: {  	s24 =	simm.s32 $0x1B8B  }
0xa4: {  	_ =	swait.ge [sflag:s24], $0x1  }
0xa5: {  	[sflag:s24] =	ssyncset.done $0x0  }
0xa6: {  	s25 =	simm.s32 $0x1B8E;
	[sflag:s24] =	ssyncadd.s32 $0xFFFFFFFF  }
0xa7: {  	s26 =	simm.s32 $execute0_lowered;
	[smem:$0x3FD2] =	sst s25  }
0xa8: {  	s6 =	sshll.u32 s26, $0x1;
	_ =	strace $0x80000046;
	[dreg:$0x1] =	wrdreg $0xFFFFFFFF  }
0xa9: {  	s28 =	simm.s32 $_size_execute0_lowered;
	s5 =	sadd.s32 s5, s6;
	[dreg:$0x0] =	wrdreg $0x0  }
0xaa: {  	s6 =	sshll.u32 s28, $0x1;
	[dreg:$0x2] =	wrdreg s5  }
0xab: {  	[dreg:$0x3] =	wrdreg s6  }
0xac: {  	[dreg:$0x4] =	wrdreg $0xC0  }
0xad: {  	_ =	task [dreg:s9], $0x5FFFF  }
0xae: {  	[dreg:$0x1] =	wrdreg $0xFFFFFFFF  }
0xaf: {  	[dreg:$0x0] =	wrdreg $0x60  }
0xb0: {  	[dreg:$0x2] =	wrdreg s2  }
0xb1: {  	[dreg:$0x3] =	wrdreg s19  }
0xb2: {  	[dreg:$0x4] =	wrdreg s4  }
0xb3: {  	[dreg:$0x5] =	wrdreg $0x9  }
0xb4: {  	_ =	task.clear_ibuf [dreg:s9], $0x6FFFF;
	_ =	strace $0x90000046  }
0xb5: {  	s29 =	simm.s32 $0x9;
	_ =	strace $0x80000048  }
0xb6: {  	_ =	swait.ge [sflag:s29], $0x1  }
0xb7: {  	[sflag:s29] =	ssyncadd.s32 $0xFFFFFFFF  }
0xb8: {  	_ =	strace $0x90000048  }
0xb9: {  	_ =	sfence  }
0xba: {  	s30 =	sld [smem:$0x0];
	_ =	sdelay $0x2  }
0xbb: {  	s31 =	sshll.u32 s1, $0xD;
	s1 =	sshrl.u32 s1, $0x2  }
0xbc: {  	s3 =	sand.u32 $0x4000, s31;
	s1 =	sadd.s32 s1, s30  }
0xbd: {  	s0 =	sor.u32 s3, s0;
	s1 =	sshll.u32 s1, $0x11  }
0xbe: {  	s0 =	sor.u32 s1, s0  }
0xbf: {  	s0 =	sadd.s32 $0x8F2B, s0  }
0xc0: {  	[sflag:s0] =	ssyncadd.remote.s32 $0x1  }
0xc1: {  	_ =	sfence.sel $0xFFFF  }
0xc2: {  	[dreg:$0x0] =	wrdreg $0xFFFFFFFF;
	(pc) =	sbr.abs _section_cstart, $3  }
0xc3: {  	[dreg:$0x1] =	wrdreg $0xFFFFFFFF  }
0xc4: {  	_ =	task.clear_ibuf [dreg:s9], $0x2FFFF;
	_ =	strace $0x9FFFFFFF  }
0xc5: {  	(tm) =	ssettm $0x7FFFFFFF  }
tec
execute0_lowered:
.L_overlay_start_1:
0x0: {  	(tag) =	ssettag $0x1  }
0x1: {  	s6 =	rddreg [dreg:$0x0]  }
0x2: {  	s1 =	rddreg [dreg:$0x1]  }
0x3: {  	s8 =	rddreg [dreg:$0x2]  }
0x4: {  	s0 =	rddreg [dreg:$0x3];
	s4 =	srdreg.scid;
	s3 =	simm.s32 $0x0  }
0x5: {  	s2 =	stileid.u32;
	s12 =	simm.s32 $0x5;
	s13 =	simm.s32 $0x4000  }
0x6: {  	s14 =	simm.s32 $0x1;
	s15 =	simm.s32 $0x8000;
	s16 =	simm.s32 $0x2  }
0x7: {  	s17 =	simm.s32 $0x4;
	s18 =	simm.s32 $0xC000;
	s19 =	simm.s32 $0x3  }
0x8: {  	s20 =	simm.s32 $0x0;
	s4 =	sand.u32 $0x1, s4;
	s7 =	sshll.u32 s2, $0xD  }
0x9: {  	[smem:$0x7FF] =	sst s3;
	s31 =	sadd.s32 $0x20000, s6;
	s5 =	ssub.s32 $0x2, s4  }
.Ltmp0:
0xa: {  	s4 =	sshll.u32 s4, $0xC;
	s9 =	sshrl.u32 s5, $0x1;
	(pc) =	sbr.rel .LBB2_1-.Ltmp0, $4  }
0xb: {  	_ =	strace $0x80000047;
	s7 =	sor.u32 s4, s7;
	s10 =	ssub.s32 s5, s9  }
0xc: {  	s4 =	sadd.s32 s6, s7;
	s11 =	sor.u32 $0x800, s7;
	s6 =	sadd.s32 s8, s7  }
0xd: {  	s7 =	sadd.s32 s7, s31;
	s5 =	sadd.s32 $0x800, s4;
	s8 =	sadd.s32 s8, s11  }
0xe: {  	s9 =	sadd.s32 s11, s31;
	s10 =	smax.u32 s10, $0x1;
	s11 =	simm.s32 $0x10000  }
.LBB2_12:
0xf: {  	s20 =	sadd.s32 $0x1, s20  }
0x10: {  	_ =	swait.ge [sflag:s19], $0x4000;
	p0 =	sne.s32 s20, s10  }
.Ltmp1:
0x11: {  	[sflag:s19] =	ssyncset.done $0x0;
	(pc) =	sbr.rel @!p0 .LBB2_13-.Ltmp1, $4  }
0x12: {  	[sflag:s19] =	ssyncadd.s32 $0xFFFFC000  }
0x13: {  	_ =	swait.ge [sflag:s17], $0x4000  }
0x14: {  	[sflag:s17] =	ssyncset.done $0x0  }
0x15: {  	[sflag:s17] =	ssyncadd.s32 $0xFFFFC000  }
.LBB2_1:
0x16: {  	[tilespmem:s11], [sflag:$0x5] =	stream.linear.gather [hbm4b:s1+s3], $0x4, $0x38;
	[tilespmem:$0x10080] =	vst v63  }
0x17: {  	_ =	swait.ge [sflag:s12], $0x4  }
0x18: {  	[sflag:s12] =	ssyncset.done $0x0  }
0x19: {  	[sflag:s12] =	ssyncadd.s32 $0xFFFFFFFC  }
0x1a: {  	v3 =	vld [tilespmem:$0x10000];
	_ =	sdelay $0x3  }
0x1b: {  	[tilespmem:s3], [sflag:$0x1] =	stream.linear.gather [hbm4b:s4+s3], $0x4000, $0x38;
	[tilespmem:$0x10080] =	vst v63  }
0x1c: {  	v0 =	vbroadcast v3, $0x2  }
0x1d: {  	[tilespmem:s13], [sflag:$0x2] =	stream.linear.gather [hbm4b:s5+s3], $0x4000, $0x38;
	v58 =	vbroadcast v3, $0x3;
	[tilespmem:$0x10080] =	vst v63  }
0x1e: {  	v2 =	vbroadcast v3, $0x0;
	[tilespmem:$0x1FFD0] =	vst v0  }
0x1f: {  	[tilespmem:$0x1FFE0] =	vst v58  }
0x20: {  	s21 =	simm.s32 $0x0;
	v62 =	vbroadcast v3, $0x1;
	[tilespmem:$0x1FFF0] =	vst v2  }
.LBB2_2:
0x21: {  	_ =	swait.ge [sflag:s14], $0x4000  }
0x22: {  	p0 =	seq.s32 s21, $0x0;
	[sflag:s14] =	ssyncset.done $0x0  }
0x23: {  	s22 =	simm.s32 @!p0 $0x3;
	[sflag:s14] =	ssyncadd.s32 $0xFFFFC000  }
0x24: {  	s23 =	simm.s32 $0x0;
	_ =	swait.ge @!p0 [sflag:s22], $0x4000  }
0x25: {  	s24 =	sand.u32 $0x3800, s23;
	s23 =	sand.u32 $0x380, s23;
	[sflag:s22] =	ssyncset.done @!p0 $0x0  }
0x26: {  	s23 =	sor.u32 s23, s24;
	v1 =	vld [tilespmem:$0x1FFD0];
	[sflag:s22] =	ssyncadd.s32 @!p0 $0xFFFFC000  }
0x27: {  	v4 =	vld [tilespmem:s23+$0x470]  }
0x28: {  	v28 =	vld [tilespmem:s23+$0x0]  }
0x29: {  	v29 =	vld [tilespmem:s23+$0x10]  }
0x2a: {  	v30 =	vld [tilespmem:s23+$0x20]  }
0x2b: {  	v31 =	vld [tilespmem:s23+$0x30]  }
0x2c: {  	v32 =	vld [tilespmem:s23+$0x40]  }
0x2d: {  	v33 =	vld [tilespmem:s23+$0x50]  }
0x2e: {  	v34 =	vld [tilespmem:s23+$0x60]  }
0x2f: {  	v35 =	vld [tilespmem:s23+$0x70]  }
0x30: {  	v36 =	vld [tilespmem:s23+$0x400]  }
0x31: {  	v38 =	vld [tilespmem:s23+$0x410]  }
0x32: {  	v39 =	vld [tilespmem:s23+$0x420]  }
0x33: {  	v40 =	vld [tilespmem:s23+$0x430];
	vm0 =	vlt.f32 v4, v1;
	vm1 =	vlt.f32 v4, v62  }
0x34: {  	v4 =	vadd.f32 v4, v4;
	vm12 =	vlt.f32 v28, v1;
	vm13 =	vlt.f32 v29, v1  }
0x35: {  	vm2 =	vlt.f32 v30, v1;
	vm3 =	vlt.f32 v31, v1;
	vm14 =	vlt.f32 v32, v1  }
0x36: {  	vm15 =	vlt.f32 v33, v1;
	vm4 =	vlt.f32 v34, v1;
	vm8 =	vlt.f32 v35, v1  }
0x37: {  	vm9 =	vlt.f32 v36, v1;
	vm10 =	vlt.f32 v38, v1;
	vm5 =	vlt.f32 v39, v1  }
0x38: {  	vm11 =	vlt.f32 v40, v1;
	vm6 =	vlt.f32 v31, v62;
	vm7 =	vlt.f32 v32, v62  }
0x39: {  	v31 =	vadd.f32 v31, v31;
	v32 =	vadd.f32 v32, v32;
	v5 =	vsel vm0, v62, v1  }
0x3a: {  	v46 =	vld [tilespmem:s23+$0x450];
	v6 =	vsel vm0, v1, v58;
	v7 =	vsel vm12, v1, v58;
	v9 =	vsel vm13, v62, v1  }
0x3b: {  	v47 =	vld [tilespmem:s23+$0x460];
	v10 =	vsel vm13, v1, v58;
	v11 =	vsel vm2, v62, v1;
	v12 =	vsel vm2, v1, v58  }
0x3c: {  	v13 =	vsel vm3, v62, v1;
	v14 =	vsel vm3, v1, v58;
	v15 =	vsel vm14, v62, v1  }
0x3d: {  	v16 =	vsel vm14, v1, v58;
	v17 =	vsel vm15, v62, v1;
	v18 =	vsel vm15, v1, v58  }
0x3e: {  	v21 =	vsel vm4, v62, v1;
	v22 =	vsel vm4, v1, v58;
	v26 =	vsel vm8, v62, v1  }
0x3f: {  	v27 =	vsel vm8, v1, v58;
	vm13 =	vlt.f32 v46, v1;
	v48 =	vsel vm9, v62, v1  }
0x40: {  	v49 =	vsel vm9, v1, v58;
	vm14 =	vlt.f32 v47, v1;
	v50 =	vsel vm10, v62, v1  }
0x41: {  	v42 =	vld [tilespmem:s23+$0x440];
	v51 =	vsel vm10, v1, v58;
	v52 =	vsel vm5, v62, v1;
	v53 =	vsel vm5, v1, v58  }
0x42: {  	v54 =	vsel vm11, v62, v1;
	v55 =	vsel vm11, v1, v58;
	vm3 =	vlt.f32 v28, v62  }
0x43: {  	vm4 =	vlt.f32 v29, v62;
	vm5 =	vlt.f32 v30, v62;
	vm8 =	vlt.f32 v33, v62  }
0x44: {  	vm9 =	vlt.f32 v34, v62;
	vm10 =	vlt.f32 v35, v62;
	v28 =	vadd.f32 v28, v28  }
0x45: {  	vm11 =	vlt.f32 v36, v62;
	v29 =	vadd.f32 v29, v29;
	v30 =	vadd.f32 v30, v30  }
0x46: {  	vm2 =	vlt.f32 v42, v62;
	v33 =	vadd.f32 v33, v33;
	v34 =	vadd.f32 v34, v34  }
0x47: {  	vm15 =	vlt.f32 v47, v62;
	v35 =	vadd.f32 v35, v35;
	v36 =	vadd.f32 v36, v36  }
0x48: {  	v20 =	vmovc v58;
	v47 =	vadd.f32 v47, v47;
	v8 =	vsel vm1, v2, v5;
	v6 =	vsel vm1, v62, v6  }
0x49: {  	v59 =	vsel vm13, v1, v20;
	v60 =	vsel vm14, v62, v1;
	v5 =	vadd.f32 v6, v8  }
0x4a: {  	v61 =	vsel vm14, v1, v20;
	vm14 =	vlt.f32 v40, v62;
	vm1 =	vlt.f32 v46, v62  }
0x4b: {  	v24 =	vsel vm3, v62, v7;
	v41 =	vsel vm4, v2, v9;
	v4 =	vsub.f32 v5, v4  }
0x4c: {  	v44 =	vsel vm5, v2, v11;
	v45 =	vsel vm6, v2, v13;
	v19 =	vsel vm6, v62, v14  }
0x4d: {  	v43 =	vsel vm7, v2, v15;
	v0 =	vsel vm7, v62, v16;
	v4 =	vmul.f32 $5.000000000e+01, v4  }
0x4e: {  	v37 =	vsel vm8, v2, v17;
	v25 =	vsel vm8, v62, v18;
	v21 =	vsel vm9, v2, v21  }
0x4f: {  	v22 =	vsel vm9, v62, v22;
	v26 =	vsel vm10, v2, v26;
	v4 =	vadd.f32 $0.0e+00, v4  }
0x50: {  	v27 =	vsel vm10, v62, v27;
	v16 =	vsel vm11, v2, v48;
	v17 =	vsel vm11, v62, v49  }
0x51: {  	v40 =	vadd.f32 v40, v40;
	v46 =	vadd.f32 v46, v46;
	v4 =	vmul.f32 $1.442695020e+00, v4  }
0x52: {  	v7 =	vsub.f32 v6, v8;
	v6 =	vsel vm14, v2, v54;
	v13 =	vsel vm14, v62, v55  }
0x53: {  	v54 =	vadd.f32 v25, v37;
	v55 =	vadd.f32 v22, v21;
	(erf) = vpow2.f32 v4  }
0x54: {  	v5 =	vsel vm12, v62, v1;
	vm12 =	vlt.f32 v42, v1;
	v42 =	vadd.f32 v42, v42  }
0x55: {  	v33 =	vsub.f32 v54, v33;
	v34 =	vsub.f32 v55, v34;
	v56 =	vsel vm12, v62, v1  }
0x56: {  	v57 =	vsel vm12, v1, v58;
	v58 =	vsel vm13, v62, v1;
	vm12 =	vlt.f32 v38, v62  }
0x57: {  	vm13 =	vlt.f32 v39, v62;
	v23 =	vsel vm3, v2, v5;
	v5 =	vsel vm4, v62, v10  }
0x58: {  	v38 =	vadd.f32 v38, v38;
	v14 =	vsel vm12, v2, v50;
	v10 =	vsel vm13, v2, v52  }
0x59: {  	v11 =	vsel vm13, v62, v53;
	v48 =	vadd.f32 v24, v23;
	v49 =	vadd.f32 v5, v41  }
0x5a: {  	v3 =	vmovc v2;
	v2 =	vsel vm2, v2, v56;
	v52 =	vadd.f32 v19, v45;
	v53 =	vadd.f32 v0, v43  }
0x5b: {  	v9 =	vsel vm2, v62, v57;
	v56 =	vadd.f32 v27, v26;
	v57 =	vadd.f32 v17, v16  }
0x5c: {  	v28 =	vsub.f32 v48, v28;
	v29 =	vsub.f32 v49, v29;
	v4 =	vpop (erf)  }
0x5d: {  	v33 =	vmul.f32 $5.000000000e+01, v33;
	v31 =	vsub.f32 v52, v31;
	v4 =	vadd.f32 $1.000000000e+00, v4  }
0x5e: {  	v34 =	vmul.f32 $5.000000000e+01, v34;
	v32 =	vsub.f32 v53, v32;
	v35 =	vsub.f32 v56, v35  }
0x5f: {  	v36 =	vsub.f32 v57, v36;
	v28 =	vmul.f32 $5.000000000e+01, v28;
	(erf) = vrcp.f32 v4  }
0x60: {  	v33 =	vadd.f32 $0.0e+00, v33;
	v29 =	vmul.f32 $5.000000000e+01, v29;
	v4 =	vsel vm5, v62, v12  }
0x61: {  	v31 =	vmul.f32 $5.000000000e+01, v31;
	v28 =	vadd.f32 $0.0e+00, v28;
	v50 =	vadd.f32 v4, v44  }
0x62: {  	v32 =	vmul.f32 $5.000000000e+01, v32;
	v35 =	vmul.f32 $5.000000000e+01, v35;
	v29 =	vadd.f32 $0.0e+00, v29  }
0x63: {  	v36 =	vmul.f32 $5.000000000e+01, v36;
	v28 =	vmul.f32 $1.442695020e+00, v28;
	v30 =	vsub.f32 v50, v30  }
0x64: {  	v33 =	vmul.f32 $1.442695020e+00, v33;
	v31 =	vadd.f32 $0.0e+00, v31;
	v29 =	vmul.f32 $1.442695020e+00, v29  }
0x65: {  	v32 =	vadd.f32 $0.0e+00, v32;
	(erf) = vpow2.f32 v28;
	v30 =	vmul.f32 $5.000000000e+01, v30  }
0x66: {  	v28 =	vadd.f32 $0.0e+00, v34;
	(erf) = vpow2.f32 v29;
	v29 =	vadd.f32 $0.0e+00, v35  }
0x67: {  	v31 =	vmul.f32 $1.442695020e+00, v31;
	v32 =	vmul.f32 $1.442695020e+00, v32;
	v30 =	vadd.f32 $0.0e+00, v30  }
0x68: {  	v39 =	vadd.f32 v39, v39;
	v28 =	vmul.f32 $1.442695020e+00, v28;
	v29 =	vmul.f32 $1.442695020e+00, v29;
	v12 =	vpop (erf)  }
0x69: {  	v15 =	vsel vm12, v62, v51;
	v30 =	vmul.f32 $1.442695020e+00, v30;
	v12 =	vmul.f32 v12, v7  }
0x6a: {  	[tilespmem:$0x1FC60] =	vst v6;
	v7 =	vsel vm15, v3, v60;
	v60 =	vadd.f32 v13, v6;
	v6 =	vsel vm15, v62, v61  }
0x6b: {  	v61 =	vadd.f32 v9, v2;
	v63 =	vadd.f32 v6, v7;
	(erf) = vpow2.f32 v30  }
0x6c: {  	v30 =	vadd.f32 $0.0e+00, v36;
	v51 =	vadd.f32 v12, v8;
	v8 =	vsel vm1, v3, v58  }
0x6d: {  	v12 =	vsel vm1, v62, v59;
	v58 =	vadd.f32 v15, v14;
	v59 =	vadd.f32 v11, v10  }
0x6e: {  	v40 =	vsub.f32 v60, v40;
	v42 =	vsub.f32 v61, v42;
	(erf) = vpow2.f32 v31  }
0x6f: {  	[tilespmem:$0x1FC80] =	vst v2;
	v2 =	vadd.f32 v12, v8;
	v47 =	vsub.f32 v63, v47;
	(erf) = vpow2.f32 v32  }
0x70: {  	v30 =	vmul.f32 $1.442695020e+00, v30;
	v38 =	vsub.f32 v58, v38;
	v40 =	vmul.f32 $5.000000000e+01, v40  }
0x71: {  	s26 =	simm.s32 $0x100;
	s30 =	simm.s32 $0x80;
	v39 =	vsub.f32 v59, v39;
	v42 =	vmul.f32 $5.000000000e+01, v42;
	(erf) = vpow2.f32 v33  }
0x72: {  	s24 =	sand.u32 $0x380, s30;
	s22 =	sand.u32 $0x3800, s26;
	v46 =	vsub.f32 v2, v46;
	v47 =	vmul.f32 $5.000000000e+01, v47;
	v38 =	vmul.f32 $5.000000000e+01, v38  }
0x73: {  	s22 =	sor.u32 s24, s22;
	[tilespmem:s23+$0x8470] =	vst v51;
	(erf) = vpow2.f32 v28;
	v39 =	vmul.f32 $5.000000000e+01, v39;
	v49 =	vadd.f32 $0.0e+00, v40  }
0x74: {  	v28 =	vadd.f32 $0.0e+00, v42;
	(erf) = vpow2.f32 v29;
	v29 =	vld [tilespmem:s22+$0x470];
	v31 =	vadd.f32 $0.0e+00, v38  }
0x75: {  	v46 =	vmul.f32 $5.000000000e+01, v46;
	(erf) = vpow2.f32 v30;
	v48 =	vadd.f32 $0.0e+00, v39  }
0x76: {  	v51 =	vpop (erf);
	v30 =	vadd.f32 $0.0e+00, v47;
	v33 =	vmul.f32 $1.442695020e+00, v49;
	v31 =	vmul.f32 $1.442695020e+00, v31  }
0x77: {  	v52 =	vadd.f32 $1.000000000e+00, v51;
	v53 =	vpop (erf);
	v28 =	vmul.f32 $1.442695020e+00, v28;
	v32 =	vmul.f32 $1.442695020e+00, v48  }
0x78: {  	v54 =	vadd.f32 $1.000000000e+00, v53;
	v50 =	vadd.f32 $0.0e+00, v46;
	(erf) = vpow2.f32 v31  }
0x79: {  	v30 =	vmul.f32 $1.442695020e+00, v30;
	vm9 =	vlt.f32 v29, v1;
	(erf) = vpow2.f32 v32  }
0x7a: {  	v55 =	vpop (erf);
	vm10 =	vlt.f32 v29, v62;
	v31 =	vmul.f32 $1.442695020e+00, v50;
	(erf) = vpow2.f32 v33  }
0x7b: {  	v59 =	vsel vm9, v62, v1;
	v60 =	vsel vm9, v1, v20;
	(erf) = vpow2.f32 v28;
	v28 =	vpop (erf)  }
0x7c: {  	v57 =	vsel vm10, v3, v59;
	v35 =	vsel vm10, v62, v60;
	v61 =	vpop (erf);
	(erf) = vpow2.f32 v31  }
0x7d: {  	v29 =	vadd.f32 v29, v29;
	v63 =	vpop (erf);
	(erf) = vpow2.f32 v30;
	v30 =	vadd.f32 v35, v57  }
0x7e: {  	v34 =	vadd.f32 $1.000000000e+00, v55;
	v28 =	vadd.f32 $1.000000000e+00, v28  }
0x7f: {  	(erf) = vrcp.f32 v52;
	v2 =	vpop (erf);
	v29 =	vsub.f32 v30, v29;
	v30 =	vadd.f32 $1.000000000e+00, v61  }
0x80: {  	v36 =	vadd.f32 $1.000000000e+00, v63;
	(erf) = vrcp.f32 v54;
	v40 =	vpop (erf)  }
0x81: {  	v58 =	vld [tilespmem:s22+$0x10];
	(erf) = vrcp.f32 v34;
	v42 =	vpop (erf)  }
0x82: {  	v56 =	vld [tilespmem:s22+$0x50];
	(erf) = vrcp.f32 v28;
	v28 =	vpop (erf);
	v29 =	vmul.f32 $5.000000000e+01, v29  }
0x83: {  	v32 =	vadd.f32 $1.000000000e+00, v2;
	v33 =	vadd.f32 $1.000000000e+00, v40;
	(erf) = vrcp.f32 v30;
	v30 =	vpop (erf)  }
0x84: {  	[tilespmem:$0x1FCA0] =	vst v8;
	v8 =	vld [tilespmem:s22+$0x70];
	v34 =	vadd.f32 $1.000000000e+00, v42;
	(erf) = vrcp.f32 v36;
	v29 =	vadd.f32 $0.0e+00, v29;
	v36 =	vpop (erf)  }
0x85: {  	v24 =	vsub.f32 v24, v23;
	v19 =	vsub.f32 v19, v45;
	v53 =	vld [tilespmem:s22+$0x0];
	(erf) = vrcp.f32 v32;
	v46 =	vpop (erf)  }
0x86: {  	[tilespmem:$0x1FC10] =	vst v17;
	v17 =	vsub.f32 v27, v26;
	v60 =	vld [tilespmem:s22+$0x20];
	(erf) = vrcp.f32 v33;
	v29 =	vmul.f32 $1.442695020e+00, v29;
	v47 =	vpop (erf)  }
0x87: {  	vm12 =	vlt.f32 v58, v1;
	vm8 =	vlt.f32 v56, v1;
	(erf) = vrcp.f32 v34;
	v51 =	vpop (erf)  }
0x88: {  	[tilespmem:$0x1FC90] =	vst v9;
	vm6 =	vlt.f32 v56, v62;
	v9 =	vsel vm8, v62, v1;
	v34 =	vpop (erf);
	(erf) = vpow2.f32 v29  }
0x89: {  	[tilespmem:$0x1FC50] =	vst v11;
	v11 =	vsel vm8, v1, v20;
	vm8 =	vlt.f32 v8, v62;
	v63 =	vsub.f32 v22, v21;
	v22 =	vld [tilespmem:s22+$0x40];
	v39 =	vpop (erf)  }
0x8a: {  	v59 =	vsub.f32 v4, v44;
	vm11 =	vlt.f32 v53, v1;
	v2 =	vsub.f32 v25, v37;
	v25 =	vld [tilespmem:s22+$0x30];
	v40 =	vpop (erf)  }
0x8b: {  	vm10 =	vlt.f32 v8, v1;
	v8 =	vadd.f32 v8, v8;
	vm13 =	vlt.f32 v60, v1;
	v42 =	vpop (erf)  }
0x8c: {  	v54 =	vsub.f32 v5, v41;
	v61 =	vsub.f32 v0, v43;
	v50 =	vsel vm13, v62, v1;
	v48 =	vpop (erf)  }
0x8d: {  	v31 =	vsel vm13, v1, v20;
	vm13 =	vlt.f32 v60, v62;
	v60 =	vadd.f32 v60, v60;
	v49 =	vpop (erf)  }
0x8e: {  	v4 =	vadd.f32 $1.000000000e+00, v28;
	v28 =	vsel vm11, v62, v1;
	vm15 =	vlt.f32 v22, v1;
	v52 =	vpop (erf)  }
0x8f: {  	v0 =	vadd.f32 $1.000000000e+00, v30;
	vm14 =	vlt.f32 v25, v1;
	v30 =	vsel vm11, v1, v20;
	v33 =	vpop (erf)  }
0x90: {  	[tilespmem:$0x1FD60] =	vst v7;
	vm11 =	vlt.f32 v53, v62;
	v27 =	vadd.f32 $1.000000000e+00, v36;
	v7 =	vsel vm14, v62, v1;
	v55 =	vpop (erf)  }
0x91: {  	[tilespmem:$0x1FD90] =	vst v6;
	v36 =	vld [tilespmem:s22+$0x60];
	v6 =	vsel vm14, v1, v20;
	vm14 =	vlt.f32 v25, v62;
	v25 =	vadd.f32 v25, v25;
	v29 =	vpop (erf)  }
0x92: {  	v28 =	vsel vm11, v3, v28;
	v32 =	vadd.f32 $1.000000000e+00, v46;
	v5 =	vadd.f32 $1.000000000e+00, v29  }
0x93: {  	[tilespmem:$0x1FCB0] =	vst v12;
	v46 =	vsel vm12, v62, v1;
	v12 =	vsel vm14, v3, v7;
	v38 =	vadd.f32 $1.000000000e+00, v47  }
0x94: {  	v47 =	vsel vm12, v1, v20;
	vm12 =	vlt.f32 v58, v62;
	(erf) = vrcp.f32 v5  }
0x95: {  	[tilespmem:$0x1FC00] =	vst v16;
	v16 =	vmul.f32 v34, v24;
	v34 =	vadd.f32 v53, v53;
	v53 =	vsel vm6, v62, v11  }
0x96: {  	vm9 =	vlt.f32 v36, v1;
	v39 =	vmul.f32 v39, v54;
	v19 =	vmul.f32 v42, v19  }
0x97: {  	[tilespmem:$0x1FC30] =	vst v15;
	vm7 =	vlt.f32 v36, v62;
	v36 =	vadd.f32 v36, v36;
	v15 =	vmul.f32 v49, v2  }
0x98: {  	[tilespmem:$0x1FC40] =	vst v10;
	v10 =	vsel vm9, v62, v1;
	v40 =	vmul.f32 v40, v59;
	v19 =	vadd.f32 v19, v45  }
0x99: {  	v17 =	vmul.f32 v33, v17;
	v15 =	vadd.f32 v15, v37;
	v29 =	vsub.f32 v35, v57  }
0x9a: {  	v5 =	vsel vm15, v62, v1;
	(erf) = vrcp.f32 v4;
	v4 =	vsel vm15, v1, v20  }
0x9b: {  	v42 =	vld [tilespmem:s22+$0x410];
	vm15 =	vlt.f32 v22, v62;
	v22 =	vadd.f32 v22, v22;
	(erf) = vrcp.f32 v0  }
0x9c: {  	v0 =	vsel vm10, v62, v1;
	(erf) = vrcp.f32 v27;
	v27 =	vsel vm12, v3, v46  }
0x9d: {  	v46 =	vsel vm15, v3, v5;
	(erf) = vrcp.f32 v32;
	v32 =	vsel vm9, v1, v20;
	v35 =	vpop (erf)  }
0x9e: {  	(erf) = vrcp.f32 v38;
	v38 =	vsel vm10, v1, v20;
	v29 =	vmul.f32 v35, v29  }
0x9f: {  	v35 =	vsel vm11, v62, v30;
	v30 =	vsel vm13, v3, v50;
	v50 =	vsel vm13, v62, v31  }
0xa0: {  	vm10 =	vlt.f32 v42, v1;
	v7 =	vadd.f32 v50, v30;
	v18 =	vadd.f32 v29, v57  }
0xa1: {  	v57 =	vsel vm12, v62, v47;
	v47 =	vsel vm14, v62, v6;
	v6 =	vsel vm15, v62, v4  }
0xa2: {  	v4 =	vadd.f32 v35, v28;
	vm14 =	vlt.f32 v42, v62;
	v42 =	vadd.f32 v42, v42  }
0xa3: {  	v49 =	vsel vm8, v62, v38;
	v5 =	vadd.f32 v57, v27;
	v24 =	vadd.f32 v47, v12  }
0xa4: {  	[tilespmem:$0x1FCD0] =	vst v46;
	v31 =	vadd.f32 v6, v46;
	v46 =	vadd.f32 v58, v58;
	v58 =	vmul.f32 v48, v61  }
0xa5: {  	[tilespmem:$0x1FC70] =	vst v13;
	v13 =	vsub.f32 v7, v60;
	v60 =	vld [tilespmem:s22+$0x420];
	v48 =	vsel vm7, v62, v32;
	v4 =	vsub.f32 v4, v34  }
0xa6: {  	[tilespmem:$0x1FCC0] =	vst v12;
	v61 =	vld [tilespmem:s22+$0x430];
	v12 =	vsub.f32 v5, v46;
	v59 =	vsub.f32 v24, v25;
	v46 =	vsel vm6, v3, v9  }
0xa7: {  	[tilespmem:$0x1FC20] =	vst v14;
	v14 =	vsub.f32 v31, v22;
	v5 =	vsel vm7, v3, v10;
	v31 =	vadd.f32 v56, v56  }
0xa8: {  	v34 =	vld [tilespmem:s22+$0x400];
	v25 =	vsel vm8, v3, v0;
	v22 =	vsel vm10, v62, v1;
	v11 =	vadd.f32 v53, v46  }
0xa9: {  	v56 =	vmul.f32 v52, v63;
	v32 =	vadd.f32 v48, v5;
	v29 =	vsel vm14, v3, v22  }
0xaa: {  	v4 =	vmul.f32 $5.000000000e+01, v4;
	v14 =	vmul.f32 $5.000000000e+01, v14;
	v11 =	vsub.f32 v11, v31  }
0xab: {  	v31 =	vadd.f32 v49, v25;
	vm11 =	vlt.f32 v60, v1;
	vm12 =	vlt.f32 v61, v1  }
0xac: {  	v2 =	vsub.f32 v32, v36;
	vm15 =	vlt.f32 v60, v62;
	v60 =	vadd.f32 v60, v60  }
0xad: {  	v9 =	vld [tilespmem:s22+$0x460];
	v4 =	vadd.f32 $0.0e+00, v4;
	vm9 =	vlt.f32 v34, v1;
	vm13 =	vlt.f32 v34, v62  }
0xae: {  	[tilespmem:$0x1FD00] =	vst v25;
	v24 =	vsel vm11, v62, v1;
	v25 =	vsel vm11, v1, v20;
	v34 =	vadd.f32 v34, v34  }
0xaf: {  	v63 =	vsel vm12, v62, v1;
	v14 =	vadd.f32 $0.0e+00, v14;
	v0 =	vsel vm9, v62, v1  }
0xb0: {  	v10 =	vsub.f32 v31, v8;
	v31 =	vsel vm9, v1, v20;
	vm9 =	vlt.f32 v61, v62  }
0xb1: {  	[tilespmem:$0x1FCF0] =	vst v5;
	v5 =	vsel vm15, v3, v24;
	v22 =	vsel vm15, v62, v25;
	v61 =	vadd.f32 v61, v61  }
0xb2: {  	v24 =	vsel vm12, v1, v20;
	v8 =	vmul.f32 $1.442695020e+00, v4;
	vm12 =	vlt.f32 v9, v1  }
0xb3: {  	vm15 =	vlt.f32 v9, v62;
	v9 =	vadd.f32 v9, v9;
	v11 =	vmul.f32 $5.000000000e+01, v11  }
0xb4: {  	v0 =	vsel vm13, v3, v0;
	v52 =	vsel vm13, v62, v31;
	v31 =	vsel vm10, v1, v20  }
0xb5: {  	v36 =	vld [tilespmem:s22+$0x440];
	v25 =	vsel vm9, v3, v63;
	v38 =	vsel vm9, v62, v24;
	v4 =	vadd.f32 v22, v5  }
0xb6: {  	v33 =	vsel vm12, v1, v20;
	v14 =	vmul.f32 $1.442695020e+00, v14;
	v54 =	vsel vm14, v62, v31  }
0xb7: {  	[tilespmem:$0x1FD30] =	vst v5;
	v7 =	vadd.f32 v52, v0;
	v5 =	vadd.f32 v38, v25;
	(erf) = vpow2.f32 v8  }
0xb8: {  	v31 =	vsel vm15, v62, v33;
	v33 =	vadd.f32 v58, v43;
	v11 =	vadd.f32 $0.0e+00, v11  }
0xb9: {  	[tilespmem:$0x1FCE0] =	vst v6;
	v10 =	vmul.f32 $5.000000000e+01, v10;
	v6 =	vadd.f32 v54, v29;
	v4 =	vsub.f32 v4, v60  }
0xba: {  	v63 =	vld [tilespmem:s22+$0x450];
	vm10 =	vlt.f32 v36, v1;
	vm13 =	vlt.f32 v36, v62;
	v7 =	vsub.f32 v7, v34  }
0xbb: {  	[tilespmem:$0x1FD50] =	vst v38;
	v5 =	vsub.f32 v5, v61;
	v8 =	vsel vm10, v62, v1;
	v38 =	vsel vm10, v1, v20  }
0xbc: {  	v32 =	vmovc v0;
	v61 =	vsel vm12, v62, v1;
	v10 =	vadd.f32 $0.0e+00, v10;
	v11 =	vmul.f32 $1.442695020e+00, v11  }
0xbd: {  	[tilespmem:$0x1FFC0] =	vst v0;
	v6 =	vsub.f32 v6, v42;
	v0 =	vsel vm13, v3, v8;
	v60 =	vsel vm13, v62, v38  }
0xbe: {  	v8 =	vmul.f32 $5.000000000e+01, v12;
	v34 =	vsel vm15, v3, v61;
	v4 =	vmul.f32 $5.000000000e+01, v4  }
0xbf: {  	vm11 =	vlt.f32 v63, v1;
	vm14 =	vlt.f32 v63, v62;
	v38 =	vadd.f32 v63, v63  }
0xc0: {  	[tilespmem:$0x1FDB0] =	vst v0;
	v0 =	vadd.f32 v60, v0;
	v7 =	vmul.f32 $5.000000000e+01, v7;
	v5 =	vmul.f32 $5.000000000e+01, v5  }
0xc1: {  	v42 =	vsel vm11, v62, v1;
	v12 =	vsel vm11, v1, v20;
	v8 =	vadd.f32 $0.0e+00, v8  }
0xc2: {  	v6 =	vmul.f32 $5.000000000e+01, v6;
	v4 =	vadd.f32 $0.0e+00, v4;
	v24 =	vsel vm14, v3, v42  }
0xc3: {  	[tilespmem:$0x1FD20] =	vst v25;
	v25 =	vsel vm14, v62, v12;
	v12 =	vmul.f32 $5.000000000e+01, v13;
	v13 =	vadd.f32 v36, v36  }
0xc4: {  	[tilespmem:$0x1FD40] =	vst v22;
	v7 =	vadd.f32 $0.0e+00, v7;
	v8 =	vmul.f32 $1.442695020e+00, v8;
	v22 =	vadd.f32 v25, v24  }
0xc5: {  	v10 =	vmul.f32 $1.442695020e+00, v10;
	[tilespmem:$0x1FDA0] =	vst v24;
	v24 =	vadd.f32 v31, v34;
	v12 =	vadd.f32 $0.0e+00, v12  }
0xc6: {  	[tilespmem:$0x1FDD0] =	vst v25;
	v25 =	vmul.f32 $5.000000000e+01, v59;
	v6 =	vadd.f32 $0.0e+00, v6;
	(erf) = vpow2.f32 v8  }
0xc7: {  	[tilespmem:s22+$0x8470] =	vst v18;
	v8 =	vsub.f32 v24, v9;
	v9 =	vadd.f32 v16, v23;
	v12 =	vmul.f32 $1.442695020e+00, v12  }
0xc8: {  	[tilespmem:s23+$0x8030] =	vst v19;
	v36 =	vmul.f32 $5.000000000e+01, v2;
	v16 =	vadd.f32 v40, v44;
	v18 =	vadd.f32 $0.0e+00, v25  }
0xc9: {  	[tilespmem:s23+$0x8050] =	vst v15;
	v4 =	vmul.f32 $1.442695020e+00, v4;
	(erf) = vpow2.f32 v12;
	v12 =	vadd.f32 v39, v41  }
0xca: {  	v13 =	vsub.f32 v0, v13;
	v7 =	vmul.f32 $1.442695020e+00, v7;
	[tilespmem:s23+$0x8020] =	vst v16;
	v16 =	vmul.f32 $1.442695020e+00, v18  }
0xcb: {  	v42 =	vsub.f32 v22, v38;
	v6 =	vmul.f32 $1.442695020e+00, v6;
	[tilespmem:s23+$0x8010] =	vst v12;
	v12 =	vadd.f32 $0.0e+00, v36  }
0xcc: {  	[tilespmem:s23+$0x8000] =	vst v9;
	v9 =	vmul.f32 $5.000000000e+01, v13;
	(erf) = vpow2.f32 v16;
	v16 =	vadd.f32 v56, v21  }
0xcd: {  	s31 =	simm.s32 $0x200;
	s25 =	simm.s32 $0x100;
	[tilespmem:s23+$0x8040] =	vst v33;
	(erf) = vpow2.f32 v14;
	v14 =	vadd.f32 v17, v26;
	v12 =	vmul.f32 $1.442695020e+00, v12  }
0xce: {  	s25 =	sand.u32 $0x380, s25;
	s24 =	sand.u32 $0x3800, s31;
	v13 =	vmul.f32 $5.000000000e+01, v42;
	(erf) = vpow2.f32 v11;
	[tilespmem:s23+$0x8060] =	vst v16  }
0xcf: {  	s24 =	sor.u32 s25, s24;
	v15 =	vpop (erf);
	v5 =	vadd.f32 $0.0e+00, v5;
	v8 =	vmul.f32 $5.000000000e+01, v8;
	[tilespmem:s23+$0x8070] =	vst v14;
	(erf) = vpow2.f32 v12  }
0xd0: {  	v9 =	vadd.f32 $0.0e+00, v9;
	v13 =	vadd.f32 $0.0e+00, v13;
	v11 =	vpop (erf);
	(erf) = vpow2.f32 v10;
	v10 =	vld [tilespmem:s24+$0x470]  }
0xd1: {  	v5 =	vmul.f32 $1.442695020e+00, v5;
	v12 =	vpop (erf);
	(erf) = vpow2.f32 v7  }
0xd2: {  	v8 =	vadd.f32 $0.0e+00, v8;
	v9 =	vmul.f32 $1.442695020e+00, v9;
	v14 =	vpop (erf);
	(erf) = vpow2.f32 v6  }
0xd3: {  	v6 =	vmul.f32 $1.442695020e+00, v13;
	v7 =	vpop (erf);
	(erf) = vpow2.f32 v4  }
0xd4: {  	v4 =	vmul.f32 $1.442695020e+00, v8;
	v13 =	vpop (erf);
	(erf) = vpow2.f32 v5  }
0xd5: {  	v8 =	vadd.f32 $1.000000000e+00, v13;
	v13 =	vpop (erf);
	(erf) = vpow2.f32 v9;
	vm4 =	vlt.f32 v10, v1  }
0xd6: {  	vm5 =	vlt.f32 v10, v62;
	v5 =	vadd.f32 $1.000000000e+00, v13;
	v13 =	vpop (erf);
	v17 =	vsel vm4, v1, v20  }
0xd7: {  	v10 =	vadd.f32 v10, v10;
	v16 =	vsel vm4, v62, v1;
	v9 =	vpop (erf);
	v13 =	vadd.f32 $1.000000000e+00, v13  }
0xd8: {  	v18 =	vpop (erf);
	(erf) = vpow2.f32 v6;
	v6 =	vsel vm5, v3, v16;
	v16 =	vsel vm5, v62, v17  }
0xd9: {  	v9 =	vadd.f32 $1.000000000e+00, v9;
	v17 =	vpop (erf);
	(erf) = vpow2.f32 v4;
	v4 =	vadd.f32 v16, v6  }
0xda: {  	(erf) = vrcp.f32 v8;
	v8 =	vpop (erf)  }
0xdb: {  	v17 =	vadd.f32 $1.000000000e+00, v17;
	(erf) = vrcp.f32 v5;
	v5 =	vpop (erf);
	v4 =	vsub.f32 v4, v10  }
0xdc: {  	v10 =	vadd.f32 $1.000000000e+00, v18;
	v8 =	vadd.f32 $1.000000000e+00, v8;
	(erf) = vrcp.f32 v13;
	v13 =	vpop (erf)  }
0xdd: {  	(erf) = vrcp.f32 v9;
	v9 =	vpop (erf);
	v4 =	vmul.f32 $5.000000000e+01, v4  }
0xde: {  	(erf) = vrcp.f32 v10;
	v19 =	vpop (erf)  }
0xdf: {  	v5 =	vadd.f32 $1.000000000e+00, v5;
	(erf) = vrcp.f32 v17;
	v17 =	vpop (erf);
	v4 =	vadd.f32 $0.0e+00, v4  }
0xe0: {  	v58 =	vld [tilespmem:$0x1FC00];
	v10 =	vadd.f32 $1.000000000e+00, v13;
	(erf) = vrcp.f32 v8;
	v8 =	vpop (erf)  }
0xe1: {  	[tilespmem:$0x1FDC0] =	vst v60;
	v60 =	vld [tilespmem:$0x1FC20];
	(erf) = vrcp.f32 v5;
	v38 =	vpop (erf);
	v4 =	vmul.f32 $1.442695020e+00, v4  }
0xe2: {  	v59 =	vld [tilespmem:$0x1FC10];
	(erf) = vrcp.f32 v10;
	v56 =	vpop (erf)  }
0xe3: {  	v26 =	vpop (erf);
	(erf) = vpow2.f32 v4;
	v4 =	vld [tilespmem:$0x1FC30]  }
0xe4: {  	v63 =	vld [tilespmem:$0x1FC40]  }
0xe5: {  	v10 =	vld [tilespmem:$0x1FC50];
	_ =	sdelay $0x1  }
0xe6: {  	v5 =	vsub.f32 v59, v58  }
0xe7: {  	v4 =	vsub.f32 v4, v60  }
0xe8: {  	v13 =	vld [tilespmem:$0x1FC60];
	v5 =	vmul.f32 v55, v5;
	v61 =	vpop (erf)  }
0xe9: {  	v42 =	vpop (erf);
	v10 =	vsub.f32 v10, v63;
	v4 =	vmul.f32 v15, v4;
	v15 =	vld [tilespmem:$0x1FC70]  }
0xea: {  	v5 =	vadd.f32 v5, v58;
	v18 =	vpop (erf)  }
0xeb: {  	v33 =	vld [tilespmem:$0x1FC90];
	v21 =	vpop (erf);
	v11 =	vmul.f32 v11, v10;
	v4 =	vadd.f32 v4, v60  }
0xec: {  	[tilespmem:s23+$0x8400] =	vst v5;
	v0 =	vpop (erf);
	v10 =	vld [tilespmem:$0x1FC80]  }
0xed: {  	v40 =	vld [tilespmem:s24+$0x0];
	v2 =	vpop (erf);
	v11 =	vadd.f32 v11, v63;
	[tilespmem:s23+$0x8410] =	vst v4  }
0xee: {  	v45 =	vsub.f32 v57, v27;
	[tilespmem:$0x1FDF0] =	vst v31;
	v5 =	vpop (erf);
	v15 =	vsub.f32 v15, v13;
	v43 =	vld [tilespmem:s24+$0x10]  }
0xef: {  	v19 =	vadd.f32 $1.000000000e+00, v19;
	v17 =	vadd.f32 $1.000000000e+00, v17;
	v31 =	vpop (erf);
	[tilespmem:s23+$0x8420] =	vst v11  }
0xf0: {  	v8 =	vadd.f32 $1.000000000e+00, v8;
	v23 =	vadd.f32 $1.000000000e+00, v38;
	v37 =	vpop (erf);
	v44 =	vld [tilespmem:s24+$0x20];
	v15 =	vmul.f32 v12, v15  }
0xf1: {  	v36 =	vsub.f32 v33, v10;
	v4 =	vld [tilespmem:$0x1FCB0];
	v11 =	vadd.f32 $1.000000000e+00, v37  }
0xf2: {  	vm6 =	vlt.f32 v40, v1;
	vm12 =	vlt.f32 v40, v62;
	v12 =	vld [tilespmem:$0x1FCA0];
	v15 =	vadd.f32 v15, v13  }
0xf3: {  	v14 =	vmul.f32 v14, v36;
	(erf) = vrcp.f32 v11;
	vm7 =	vlt.f32 v43, v1  }
0xf4: {  	vm13 =	vlt.f32 v43, v62;
	[tilespmem:s23+$0x8430] =	vst v15;
	v15 =	vsub.f32 v35, v28;
	v35 =	vadd.f32 $1.000000000e+00, v9  }
0xf5: {  	vm8 =	vlt.f32 v44, v1;
	v9 =	vsub.f32 v16, v6;
	v16 =	vsel vm6, v1, v20  }
0xf6: {  	v13 =	vld [tilespmem:$0x1FCC0];
	v38 =	vsel vm7, v62, v1;
	v22 =	vsel vm7, v1, v20;
	vm14 =	vlt.f32 v44, v62  }
0xf7: {  	v44 =	vadd.f32 v44, v44;
	v4 =	vsub.f32 v4, v12;
	v11 =	vld [tilespmem:s24+$0x30];
	v55 =	vsel vm8, v62, v1  }
0xf8: {  	v24 =	vsel vm8, v1, v20;
	v36 =	vsel vm13, v3, v38;
	(erf) = vrcp.f32 v35  }
0xf9: {  	[tilespmem:$0x1FD80] =	vst v27;
	v39 =	vsel vm14, v3, v55;
	v27 =	vmul.f32 v26, v15;
	v4 =	vmul.f32 v7, v4  }
0xfa: {  	v15 =	vsub.f32 v50, v30;
	v7 =	vadd.f32 v14, v10;
	(erf) = vrcp.f32 v19  }
0xfb: {  	v47 =	vsub.f32 v47, v13;
	(erf) = vrcp.f32 v17;
	v4 =	vadd.f32 v4, v12  }
0xfc: {  	[tilespmem:s23+$0x8440] =	vst v7;
	v7 =	vadd.f32 $1.000000000e+00, v51;
	v63 =	vpop (erf);
	(erf) = vrcp.f32 v8;
	vm9 =	vlt.f32 v11, v1  }
0xfd: {  	v12 =	vld [tilespmem:$0x1FCF0];
	v9 =	vmul.f32 v63, v9;
	v63 =	vadd.f32 v43, v43;
	vm15 =	vlt.f32 v11, v62  }
0xfe: {  	v14 =	vld [tilespmem:s24+$0x40];
	(erf) = vrcp.f32 v23;
	v11 =	vadd.f32 v11, v11;
	[tilespmem:s23+$0x8450] =	vst v4;
	v4 =	vsel vm6, v62, v1  }
0xff: {  	v25 =	vsel vm9, v62, v1;
	v59 =	vsel vm9, v1, v20;
	(erf) = vrcp.f32 v7  }
0x100: {  	v6 =	vadd.f32 v9, v6;
	v33 =	vsel vm12, v3, v4;
	v4 =	vsel vm12, v62, v16  }
0x101: {  	v51 =	vld [tilespmem:s24+$0x50];
	v9 =	vsel vm13, v62, v22;
	v16 =	vadd.f32 v40, v40;
	v38 =	vsel vm15, v62, v59;
	[tilespmem:$0x1FE30] =	vst v4  }
0x102: {  	v19 =	vadd.f32 v9, v36;
	[tilespmem:$0x1FF30] =	vst v6;
	v6 =	vadd.f32 v4, v33;
	v4 =	vsel vm14, v62, v24  }
0x103: {  	v55 =	vld [tilespmem:s24+$0x60];
	v24 =	vsel vm15, v3, v25;
	v48 =	vsub.f32 v48, v12;
	vm10 =	vlt.f32 v14, v1  }
0x104: {  	v57 =	vld [tilespmem:s24+$0x430];
	v40 =	vsub.f32 v19, v63;
	v8 =	vadd.f32 v4, v39;
	vm4 =	vlt.f32 v14, v62  }
0x105: {  	v14 =	vadd.f32 v14, v14;
	v19 =	vmul.f32 v42, v15;
	v60 =	vsel vm10, v62, v1  }
0x106: {  	[tilespmem:$0x1FD70] =	vst v28;
	v17 =	vsel vm10, v1, v20;
	v43 =	vsub.f32 v6, v16;
	vm11 =	vlt.f32 v51, v1  }
0x107: {  	v28 =	vmovc v30;
	v30 =	vld [tilespmem:$0x1FCD0];
	vm5 =	vlt.f32 v51, v62;
	v44 =	vsub.f32 v8, v44;
	v25 =	vsel vm4, v3, v60  }
0x108: {  	[tilespmem:$0x1FE70] =	vst v4;
	v4 =	vld [tilespmem:$0x1FCE0];
	v37 =	vsel vm4, v62, v17;
	v23 =	vadd.f32 v51, v51;
	vm6 =	vlt.f32 v55, v1  }
0x109: {  	v63 =	vld [tilespmem:s24+$0x70];
	vm7 =	vlt.f32 v55, v62;
	vm13 =	vlt.f32 v57, v1;
	v40 =	vmul.f32 $5.000000000e+01, v40  }
0x10a: {  	v16 =	vsel vm11, v62, v1;
	v22 =	vsel vm11, v1, v20;
	v17 =	vadd.f32 v37, v25  }
0x10b: {  	v41 =	vsel vm5, v3, v16;
	v16 =	vadd.f32 v38, v24;
	v35 =	vsel vm5, v62, v22  }
0x10c: {  	v43 =	vmul.f32 $5.000000000e+01, v43;
	v40 =	vadd.f32 $0.0e+00, v40;
	v60 =	vadd.f32 v35, v41  }
0x10d: {  	[tilespmem:$0x1FE10] =	vst v56;
	v44 =	vmul.f32 $5.000000000e+01, v44;
	v56 =	vsub.f32 v17, v14;
	v22 =	vsub.f32 v4, v30  }
0x10e: {  	vm8 =	vlt.f32 v63, v1;
	vm10 =	vlt.f32 v63, v62;
	v50 =	vadd.f32 v63, v63  }
0x10f: {  	v43 =	vadd.f32 $0.0e+00, v43;
	v26 =	vsub.f32 v16, v11;
	v11 =	vsel vm6, v62, v1  }
0x110: {  	v14 =	vld [tilespmem:s24+$0x400];
	v16 =	vsel vm6, v1, v20;
	v15 =	vsel vm8, v62, v1;
	v51 =	vsub.f32 v60, v23  }
0x111: {  	v7 =	vsel vm7, v3, v11;
	v11 =	vsel vm7, v62, v16;
	v23 =	vmul.f32 v61, v45  }
0x112: {  	v16 =	vadd.f32 v55, v55;
	v60 =	vsub.f32 v53, v46;
	v43 =	vmul.f32 $1.442695020e+00, v43  }
0x113: {  	v6 =	vsel vm10, v3, v15;
	v17 =	vadd.f32 v11, v7;
	v26 =	vmul.f32 $5.000000000e+01, v26  }
0x114: {  	v53 =	vld [tilespmem:s24+$0x410];
	v15 =	vsel vm8, v1, v20;
	v0 =	vmul.f32 v0, v60;
	(erf) = vpow2.f32 v43  }
0x115: {  	[tilespmem:$0x1FF90] =	vst v46;
	v55 =	vld [tilespmem:s24+$0x420];
	vm9 =	vlt.f32 v14, v1;
	v46 =	vsub.f32 v17, v16;
	vm11 =	vlt.f32 v14, v62  }
0x116: {  	v16 =	vsel vm10, v62, v15;
	vm10 =	vlt.f32 v57, v62;
	v57 =	vadd.f32 v57, v57  }
0x117: {  	v17 =	vsel vm9, v62, v1;
	v15 =	vsel vm9, v1, v20;
	v61 =	vadd.f32 v16, v6  }
0x118: {  	v8 =	vsel vm11, v3, v17;
	v17 =	vsel vm11, v62, v15;
	v15 =	vmul.f32 v18, v47  }
0x119: {  	v18 =	vadd.f32 v14, v14;
	v14 =	vmul.f32 v21, v22;
	vm0 =	vlt.f32 v53, v1  }
0x11a: {  	v22 =	vld [tilespmem:$0x1FD00];
	vm12 =	vlt.f32 v55, v1;
	vm15 =	vlt.f32 v53, v62;
	v53 =	vadd.f32 v53, v53  }
0x11b: {  	v47 =	vld [tilespmem:s24+$0x440];
	vm9 =	vlt.f32 v55, v62;
	v63 =	vadd.f32 v17, v8;
	v50 =	vsub.f32 v61, v50  }
0x11c: {  	v58 =	vsel vm0, v1, v20;
	v59 =	vsel vm12, v62, v1;
	v60 =	vsel vm12, v1, v20  }
0x11d: {  	v61 =	vsel vm13, v62, v1;
	v21 =	vsel vm15, v62, v58;
	v10 =	vsel vm9, v3, v59  }
0x11e: {  	[tilespmem:$0x1FE50] =	vst v9;
	v42 =	vsel vm9, v62, v60;
	v9 =	vsel vm10, v3, v61;
	v45 =	vsub.f32 v63, v18  }
0x11f: {  	v63 =	vsel vm13, v1, v20;
	v18 =	vsub.f32 v49, v22;
	v49 =	vmul.f32 v2, v48  }
0x120: {  	[tilespmem:$0x1FFA0] =	vst v0;
	v48 =	vsub.f32 v52, v32;
	vm14 =	vlt.f32 v47, v1;
	vm11 =	vlt.f32 v47, v62  }
0x121: {  	v58 =	vld [tilespmem:s24+$0x460];
	v0 =	vsel vm14, v62, v1;
	[tilespmem:$0x1FFB0] =	vst v49;
	v49 =	vsub.f32 v54, v29;
	v54 =	vsel vm0, v62, v1  }
0x122: {  	v2 =	vsel vm14, v1, v20;
	v4 =	vsel vm15, v3, v54;
	v54 =	vadd.f32 v55, v55;
	v55 =	vld [tilespmem:s24+$0x450]  }
0x123: {  	v47 =	vadd.f32 v47, v47;
	v61 =	vsel vm11, v3, v0;
	v59 =	vsel vm11, v62, v2  }
0x124: {  	v63 =	vsel vm10, v62, v63;
	v0 =	vadd.f32 v42, v10;
	v32 =	vadd.f32 v59, v61  }
0x125: {  	v18 =	vmul.f32 v5, v18;
	v5 =	vadd.f32 v63, v9;
	v60 =	vadd.f32 v21, v4  }
0x126: {  	v52 =	vmul.f32 v31, v48;
	vm13 =	vlt.f32 v58, v1;
	v47 =	vsub.f32 v32, v47  }
0x127: {  	v53 =	vsub.f32 v60, v53;
	v60 =	vsub.f32 v0, v54;
	vm12 =	vlt.f32 v55, v1  }
0x128: {  	v0 =	vpop (erf);
	vm14 =	vlt.f32 v55, v62;
	v2 =	vsel vm12, v62, v1;
	v32 =	vsel vm12, v1, v20  }
0x129: {  	v48 =	vmul.f32 v0, v49;
	v0 =	vsel vm14, v3, v2;
	v49 =	vsel vm14, v62, v32  }
0x12a: {  	vm15 =	vlt.f32 v58, v62;
	v54 =	vadd.f32 v55, v55;
	v32 =	vadd.f32 v49, v0  }
0x12b: {  	v5 =	vsub.f32 v5, v57;
	v57 =	vsel vm13, v62, v1;
	v55 =	vadd.f32 v58, v58  }
0x12c: {  	v1 =	vsel vm13, v1, v20;
	v58 =	vsub.f32 v32, v54;
	v32 =	vmul.f32 $5.000000000e+01, v56  }
0x12d: {  	v43 =	vadd.f32 $0.0e+00, v44;
	v2 =	vsel vm15, v3, v57;
	v57 =	vsel vm15, v62, v1  }
0x12e: {  	v1 =	vadd.f32 v57, v2;
	v32 =	vadd.f32 $0.0e+00, v32  }
0x12f: {  	v40 =	vmul.f32 $1.442695020e+00, v40;
	v26 =	vadd.f32 $0.0e+00, v26;
	v43 =	vmul.f32 $1.442695020e+00, v43  }
0x130: {  	v44 =	vsub.f32 v1, v55;
	v1 =	vmul.f32 $5.000000000e+01, v46;
	v46 =	vmul.f32 $1.442695020e+00, v32  }
0x131: {  	(erf) = vpow2.f32 v40;
	v26 =	vmul.f32 $1.442695020e+00, v26  }
0x132: {  	(erf) = vpow2.f32 v43  }
0x133: {  	(erf) = vpow2.f32 v26;
	v3 =	vld [tilespmem:$0x1FD30]  }
0x134: {  	(erf) = vpow2.f32 v46;
	v46 =	vmov v6;
	v6 =	vld [tilespmem:$0x1FD40];
	_ =	sdelay $0x3  }
0x135: {  	v55 =	vld [tilespmem:$0x1FD20]  }
0x136: {  	v31 =	vsub.f32 v6, v3;
	v3 =	vld [tilespmem:$0x1FD50];
	_ =	sdelay $0x1  }
0x137: {  	v56 =	vmul.f32 $5.000000000e+01, v51;
	_ =	sdelay $0x1  }
0x138: {  	v50 =	vmul.f32 $5.000000000e+01, v50;
	v40 =	vadd.f32 $0.0e+00, v56  }
0x139: {  	v43 =	vadd.f32 $0.0e+00, v1;
	v51 =	vsub.f32 v3, v55;
	v3 =	vld [tilespmem:$0x1FD70]  }
0x13a: {  	v50 =	vadd.f32 $0.0e+00, v50;
	v40 =	vmul.f32 $1.442695020e+00, v40  }
0x13b: {  	v43 =	vmul.f32 $1.442695020e+00, v43  }
0x13c: {  	v26 =	vmul.f32 $1.442695020e+00, v50;
	(erf) = vpow2.f32 v40  }
0x13d: {  	(erf) = vpow2.f32 v43  }
0x13e: {  	v56 =	vpop (erf);
	(erf) = vpow2.f32 v26;
	v26 =	vadd.f32 v27, v3;
	v3 =	vld [tilespmem:$0x1FD80];
	_ =	sdelay $0x3  }
0x13f: {  	v43 =	vld [tilespmem:$0x1FD60]  }
0x140: {  	v23 =	vadd.f32 v23, v3;
	v3 =	vld [tilespmem:$0x1FD90];
	_ =	sdelay $0x3  }
0x141: {  	v6 =	vld [tilespmem:$0x1FDC0]  }
0x142: {  	v27 =	vadd.f32 v19, v28;
	v28 =	vsub.f32 v3, v43;
	v3 =	vld [tilespmem:$0x1FDB0];
	_ =	sdelay $0x2  }
0x143: {  	v1 =	vmov v7;
	v7 =	vpop (erf)  }
0x144: {  	v50 =	vmul.f32 v7, v51;
	v7 =	vmul.f32 $5.000000000e+01, v53;
	v53 =	vld [tilespmem:$0x1FDA0]  }
0x145: {  	[tilespmem:$0x1FD10] =	vst v29;
	v29 =	vsub.f32 v6, v3;
	v3 =	vld [tilespmem:$0x1FDD0];
	_ =	sdelay $0x4  }
0x146: {  	v54 =	vmul.f32 v56, v31;
	v31 =	vsub.f32 v3, v53;
	v3 =	vld [tilespmem:$0x1FDF0];
	_ =	sdelay $0x4  }
0x147: {  	v3 =	vsub.f32 v3, v34;
	_ =	sdelay $0x1  }
0x148: {  	[tilespmem:$0x1FE00] =	vst v3;
	v3 =	vld [tilespmem:$0x1FE10];
	_ =	sdelay $0x4  }
0x149: {  	v3 =	vadd.f32 $1.000000000e+00, v3;
	_ =	sdelay $0x1  }
0x14a: {  	[tilespmem:$0x1FE20] =	vst v3;
	v3 =	vld [tilespmem:$0x1FE30];
	_ =	sdelay $0x3  }
0x14b: {  	v40 =	vmul.f32 $5.000000000e+01, v60;
	v60 =	vmov v33  }
0x14c: {  	v3 =	vsub.f32 v3, v60;
	_ =	sdelay $0x1  }
0x14d: {  	[tilespmem:$0x1FE40] =	vst v3;
	v3 =	vld [tilespmem:$0x1FE50];
	_ =	sdelay $0x3  }
0x14e: {  	[tilespmem:$0x1FDE0] =	vst v34;
	v34 =	vmul.f32 $5.000000000e+01, v58;
	v58 =	vmov v36  }
0x14f: {  	v3 =	vsub.f32 v3, v58;
	_ =	sdelay $0x1  }
0x150: {  	[tilespmem:$0x1FE60] =	vst v3;
	v3 =	vld [tilespmem:$0x1FE70];
	_ =	sdelay $0x3  }
0x151: {  	v51 =	vmul.f32 $5.000000000e+01, v44;
	v44 =	vmov v39  }
0x152: {  	v3 =	vsub.f32 v3, v44;
	_ =	sdelay $0x1  }
0x153: {  	[tilespmem:$0x1FE80] =	vst v3;
	v3 =	vsub.f32 v37, v25;
	_ =	sdelay $0x1  }
0x154: {  	[tilespmem:$0x1FE90] =	vst v3;
	v3 =	vsub.f32 v35, v41;
	_ =	sdelay $0x1  }
0x155: {  	[tilespmem:$0x1FEA0] =	vst v3;
	v3 =	vsub.f32 v11, v1  }
0x156: {  	v45 =	vmul.f32 $5.000000000e+01, v45  }
0x157: {  	[tilespmem:$0x1FEB0] =	vst v3;
	v3 =	vsub.f32 v16, v46  }
0x158: {  	v45 =	vadd.f32 $0.0e+00, v45;
	v7 =	vadd.f32 $0.0e+00, v7  }
0x159: {  	v5 =	vmul.f32 $5.000000000e+01, v5;
	v32 =	vadd.f32 $0.0e+00, v40;
	[tilespmem:$0x1FEC0] =	vst v3;
	v3 =	vsub.f32 v17, v8  }
0x15a: {  	v33 =	vmul.f32 $5.000000000e+01, v47;
	v47 =	vmov v4;
	v7 =	vmul.f32 $1.442695020e+00, v7  }
0x15b: {  	v45 =	vmul.f32 $1.442695020e+00, v45;
	v4 =	vmul.f32 $1.442695020e+00, v32;
	[tilespmem:$0x1FED0] =	vst v3;
	v3 =	vsub.f32 v21, v47  }
0x15c: {  	[tilespmem:$0x1FEF0] =	vst v10  }
0x15d: {  	(erf) = vpow2.f32 v45;
	v39 =	vadd.f32 $0.0e+00, v5;
	v5 =	vpop (erf);
	[tilespmem:$0x1FEE0] =	vst v3;
	v3 =	vsub.f32 v42, v10  }
0x15e: {  	v14 =	vadd.f32 v14, v30;
	[tilespmem:$0x1FF10] =	vst v9;
	(erf) = vpow2.f32 v7;
	v7 =	vpop (erf)  }
0x15f: {  	(erf) = vpow2.f32 v4;
	v4 =	vpop (erf);
	[tilespmem:$0x1FF00] =	vst v3;
	v3 =	vsub.f32 v63, v9  }
0x160: {  	[tilespmem:s22+$0x8040] =	vst v14;
	v6 =	vmul.f32 v4, v28;
	v4 =	vmul.f32 $1.442695020e+00, v39  }
0x161: {  	v5 =	vmul.f32 v5, v29;
	v29 =	vadd.f32 $0.0e+00, v33;
	v56 =	vadd.f32 $0.0e+00, v34;
	[tilespmem:$0x1FF20] =	vst v3;
	v3 =	vld [tilespmem:$0x1FF30]  }
0x162: {  	[tilespmem:$0x1FF50] =	vst v0;
	v0 =	vsub.f32 v49, v0;
	v49 =	vsub.f32 v57, v2;
	v57 =	vld [tilespmem:$0x1FFA0];
	(erf) = vpow2.f32 v4  }
0x163: {  	[tilespmem:$0x1FF70] =	vst v2;
	v28 =	vmovc v8;
	v4 =	vadd.f32 v15, v13;
	v15 =	vmul.f32 $1.442695020e+00, v56;
	v56 =	vld [tilespmem:$0x1FF90];
	v8 =	vmul.f32 $1.442695020e+00, v29  }
0x164: {  	[tilespmem:$0x1FF60] =	vst v0  }
0x165: {  	[tilespmem:$0x1FF80] =	vst v49  }
0x166: {  	v14 =	vadd.f32 v18, v22;
	v45 =	vmov v24;
	v9 =	vpop (erf);
	[tilespmem:s24+$0x8470] =	vst v3;
	v3 =	vsub.f32 v59, v61;
	v59 =	vld [tilespmem:$0x1FFB0]  }
0x167: {  	v32 =	vsub.f32 v38, v24;
	[tilespmem:s22+$0x8000] =	vst v26;
	v36 =	vadd.f32 $0.0e+00, v51;
	(erf) = vpow2.f32 v8;
	v8 =	vpop (erf)  }
0x168: {  	v19 =	vmov v25;
	[tilespmem:s22+$0x8030] =	vst v4;
	v7 =	vmul.f32 v7, v31;
	v4 =	vadd.f32 v57, v56;
	v63 =	vld [tilespmem:$0x1FFC0];
	v11 =	vpop (erf)  }
0x169: {  	[tilespmem:s22+$0x8020] =	vst v27;
	v17 =	vmul.f32 $1.442695020e+00, v36;
	v16 =	vadd.f32 $1.000000000e+00, v9;
	v9 =	vadd.f32 $1.000000000e+00, v11;
	v11 =	vpop (erf)  }
0x16a: {  	[tilespmem:s22+$0x8010] =	vst v23;
	v35 =	vmov v1;
	(erf) = vpow2.f32 v15;
	v8 =	vadd.f32 $1.000000000e+00, v8;
	v13 =	vpop (erf)  }
0x16b: {  	[tilespmem:s22+$0x8050] =	vst v4;
	v11 =	vadd.f32 $1.000000000e+00, v11;
	(erf) = vpow2.f32 v17;
	v10 =	vpop (erf);
	v15 =	vadd.f32 v59, v12  }
0x16c: {  	s26 =	simm.s32 $0x300;
	s25 =	simm.s32 $0x180;
	v13 =	vadd.f32 $1.000000000e+00, v13;
	(erf) = vrcp.f32 v16;
	v10 =	vadd.f32 $1.000000000e+00, v10;
	v4 =	vpop (erf);
	[tilespmem:$0x1FF40] =	vst v3  }
0x16d: {  	s28 =	sand.u32 $0x3800, s26;
	s26 =	simm.s32 $0x400;
	s29 =	sand.u32 $0x380, s25;
	(erf) = vrcp.f32 v8;
	v8 =	vadd.f32 $1.000000000e+00, v4;
	v4 =	vadd.f32 v52, v63;
	v12 =	vpop (erf);
	[tilespmem:s22+$0x8060] =	vst v15  }
.LBB2_3:
0x16e: {  	v0 =	vld [tilespmem:$0x1FD10]  }
0x16f: {  	v40 =	vld [tilespmem:$0x1FD30];
	(erf) = vrcp.f32 v9  }
0x170: {  	v1 =	vld [tilespmem:$0x1FFD0];
	v9 =	vpop (erf);
	(erf) = vrcp.f32 v11  }
0x171: {  	s28 =	sor.u32 s29, s28;
	[tilespmem:s22+$0x8070] =	vst v14;
	v11 =	vpop (erf);
	(erf) = vrcp.f32 v13;
	v13 =	vadd.f32 v50, v55;
	v50 =	vld [tilespmem:$0x1FDB0]  }
0x172: {  	v15 =	vld [tilespmem:s28+$0x470];
	[tilespmem:s22+$0x8400] =	vst v4;
	v42 =	vadd.f32 $1.000000000e+00, v11;
	v11 =	vpop (erf)  }
0x173: {  	(erf) = vrcp.f32 v10;
	v10 =	vpop (erf);
	v14 =	vadd.f32 v48, v0;
	v48 =	vld [tilespmem:s28+$0x0]  }
0x174: {  	v4 =	vadd.f32 v54, v40;
	v3 =	vadd.f32 $1.000000000e+00, v10;
	v10 =	vld [tilespmem:$0x1FFE0]  }
0x175: {  	v12 =	vadd.f32 $1.000000000e+00, v12;
	v0 =	vld [tilespmem:$0x1FFF0];
	[tilespmem:s22+$0x8410] =	vst v14  }
0x176: {  	v49 =	vadd.f32 $1.000000000e+00, v11;
	v54 =	vld [tilespmem:s28+$0x10];
	[tilespmem:s22+$0x8420] =	vst v4;
	v11 =	vadd.f32 v5, v50  }
0x177: {  	v9 =	vadd.f32 $1.000000000e+00, v9;
	(erf) = vrcp.f32 v8;
	v8 =	vadd.f32 v7, v53;
	v55 =	vld [tilespmem:s28+$0x20];
	[tilespmem:s22+$0x8430] =	vst v13  }
0x178: {  	vm0 =	vlt.f32 v15, v1;
	vm1 =	vlt.f32 v15, v62;
	v5 =	vpop (erf);
	(erf) = vrcp.f32 v12;
	v56 =	vld [tilespmem:s28+$0x30];
	[tilespmem:s22+$0x8440] =	vst v11  }
0x179: {  	v7 =	vpop (erf);
	(erf) = vrcp.f32 v9;
	v9 =	vsel vm0, v1, v10;
	v59 =	vld [tilespmem:s28+$0x40];
	[tilespmem:s22+$0x8450] =	vst v8;
	v8 =	vsel vm0, v62, v1  }
0x17a: {  	[tilespmem:$0x1FAF0] =	vst v58;
	v25 =	vsel vm1, v62, v9;
	v23 =	vsel vm1, v0, v8  }
0x17b: {  	[tilespmem:$0x1FAD0] =	vst v60;
	v37 =	vmov v44;
	v9 =	vadd.f32 v15, v15;
	v8 =	vadd.f32 v25, v23  }
0x17c: {  	v38 =	vmov v45;
	[tilespmem:$0x1FB10] =	vst v37  }
0x17d: {  	v44 =	vmov v41;
	[tilespmem:$0x1FB50] =	vst v38;
	v6 =	vadd.f32 v6, v43;
	v8 =	vsub.f32 v8, v9  }
0x17e: {  	v45 =	vmov v47;
	[tilespmem:$0x1FB90] =	vst v44;
	v51 =	vpop (erf)  }
0x17f: {  	[tilespmem:$0x1FD10] =	vst v45;
	v4 =	vmov v28;
	v52 =	vpop (erf);
	v13 =	vmul.f32 $5.000000000e+01, v8;
	v8 =	vld [tilespmem:$0x1FF50]  }
0x180: {  	[tilespmem:$0x1FBF0] =	vst v4;
	v4 =	vld [tilespmem:$0x1FF10];
	v50 =	vpop (erf)  }
0x181: {  	v60 =	vld [tilespmem:s28+$0x50];
	[tilespmem:s23+$0x8460] =	vst v6;
	s23 =	smov.u32 s22;
	s22 =	smov.u32 s24;
	s24 =	smov.u32 s28;
	v6 =	vmov v35;
	v57 =	vpop (erf)  }
0x182: {  	v43 =	vmov v19;
	[tilespmem:$0x1F990] =	vst v42;
	v63 =	vld [tilespmem:s24+$0x60];
	v58 =	vpop (erf)  }
0x183: {  	[tilespmem:$0x1FB70] =	vst v43;
	v16 =	vld [tilespmem:s24+$0x70];
	v21 =	vpop (erf);
	v13 =	vadd.f32 $0.0e+00, v13  }
0x184: {  	[tilespmem:$0x1FBB0] =	vst v6;
	v6 =	vmov v61;
	v24 =	vpop (erf);
	v61 =	vmov v8;
	v8 =	vld [tilespmem:$0x1FDE0]  }
0x185: {  	[tilespmem:$0x1F9A0] =	vst v49;
	v20 =	vld [tilespmem:s24+$0x400];
	v33 =	vpop (erf);
	v13 =	vmul.f32 $1.442695020e+00, v13  }
0x186: {  	[tilespmem:$0x1F9B0] =	vst v3;
	v3 =	vmov v46;
	v22 =	vld [tilespmem:s24+$0x410];
	v34 =	vpop (erf)  }
0x187: {  	vm12 =	vlt.f32 v48, v1;
	[tilespmem:$0x1FBD0] =	vst v3;
	v26 =	vld [tilespmem:s24+$0x420];
	v36 =	vpop (erf);
	(erf) = vpow2.f32 v13  }
0x188: {  	v29 =	vmovc v32;
	v2 =	vadd.f32 $1.000000000e+00, v5;
	v53 =	vadd.f32 $1.000000000e+00, v7;
	v32 =	vsel vm12, v1, v10;
	v30 =	vld [tilespmem:s24+$0x430];
	[tilespmem:$0x1F9E0] =	vst v57  }
0x189: {  	v39 =	vld [tilespmem:s24+$0x440];
	v57 =	vsel vm12, v62, v1;
	vm2 =	vlt.f32 v55, v1;
	vm3 =	vlt.f32 v56, v1;
	v13 =	vmovc v8  }
0x18a: {  	v27 =	vsel vm2, v62, v1;
	vm4 =	vlt.f32 v59, v1;
	v17 =	vsel vm3, v62, v1;
	[tilespmem:$0x1FD60] =	vst v13;
	v13 =	vld [tilespmem:$0x1FF70]  }
0x18b: {  	[tilespmem:$0x1F9D0] =	vst v52;
	v5 =	vsel vm3, v1, v10;
	vm14 =	vlt.f32 v60, v1;
	v52 =	vsel vm4, v62, v1  }
0x18c: {  	[tilespmem:$0x1FA50] =	vst v51;
	v49 =	vsel vm4, v1, v10;
	vm15 =	vlt.f32 v63, v1;
	vm8 =	vlt.f32 v16, v1  }
0x18d: {  	v51 =	vld [tilespmem:s24+$0x460];
	[tilespmem:$0x1FA20] =	vst v33;
	vm9 =	vlt.f32 v20, v1;
	vm10 =	vlt.f32 v22, v1;
	v33 =	vsel vm14, v62, v1  }
0x18e: {  	v38 =	vmovc v4;
	vm5 =	vlt.f32 v26, v1;
	vm11 =	vlt.f32 v30, v1;
	vm12 =	vlt.f32 v39, v1  }
0x18f: {  	vm7 =	vlt.f32 v16, v62;
	vm3 =	vlt.f32 v26, v62;
	vm6 =	vlt.f32 v30, v62;
	v4 =	vmovc v13;
	v13 =	vld [tilespmem:$0x1FF60]  }
0x190: {  	[tilespmem:$0x1FA30] =	vst v34;
	v34 =	vsel vm14, v1, v10;
	v37 =	vsel vm15, v1, v10;
	v46 =	vsel vm8, v62, v1;
	v8 =	vpop (erf)  }
0x191: {  	[tilespmem:$0x1F9C0] =	vst v2;
	v43 =	vsel vm8, v1, v10;
	v28 =	vsel vm9, v62, v1;
	v8 =	vadd.f32 $1.000000000e+00, v8  }
0x192: {  	[tilespmem:$0x1F9F0] =	vst v58;
	v58 =	vld [tilespmem:$0x1FEF0];
	v44 =	vsel vm9, v1, v10;
	vm14 =	vlt.f32 v51, v1;
	v47 =	vsel vm10, v62, v1  }
0x193: {  	v35 =	vld [tilespmem:$0x1FF80];
	[tilespmem:$0x1FA10] =	vst v24;
	v14 =	vsel vm10, v1, v10;
	v12 =	vsel vm5, v62, v1;
	(erf) = vrcp.f32 v8  }
0x194: {  	v2 =	vsel vm5, v1, v10;
	v7 =	vsel vm11, v62, v1;
	v31 =	vsel vm12, v62, v1;
	v24 =	vmovc v13;
	v13 =	vld [tilespmem:$0x1FE00]  }
0x195: {  	[tilespmem:$0x1FA00] =	vst v21;
	v21 =	vsel vm12, v1, v10;
	vm12 =	vlt.f32 v56, v62;
	vm10 =	vlt.f32 v59, v62  }
0x196: {  	[tilespmem:$0x1FDB0] =	vst v6;
	vm8 =	vlt.f32 v60, v62;
	vm9 =	vlt.f32 v63, v62;
	vm5 =	vlt.f32 v22, v62  }
0x197: {  	[tilespmem:$0x1FA40] =	vst v36;
	v36 =	vsel vm15, v62, v1;
	v3 =	vmov v58;
	v6 =	vsel vm14, v62, v1  }
0x198: {  	vm15 =	vlt.f32 v51, v62;
	v41 =	vsel vm12, v62, v5;
	v45 =	vsel vm9, v62, v37;
	[tilespmem:$0x1FD30] =	vst v3  }
0x199: {  	v3 =	vsel vm11, v1, v10;
	vm11 =	vlt.f32 v55, v62;
	[tilespmem:$0x1FB30] =	vst v24;
	v24 =	vmovc v13;
	v13 =	vmov v35  }
0x19a: {  	v37 =	vsub.f32 v25, v23;
	v35 =	vsel vm7, v62, v43;
	[tilespmem:$0x1FE00] =	vst v13;
	v13 =	vsel vm11, v0, v27  }
0x19b: {  	v43 =	vld [tilespmem:$0x1F990];
	[tilespmem:$0x1FB40] =	vst v24;
	v27 =	vsel vm10, v0, v52;
	v24 =	vsel vm8, v0, v33;
	v52 =	vsel vm8, v62, v34  }
0x19c: {  	v34 =	vsel vm5, v62, v14;
	v33 =	vsel vm6, v62, v3;
	v3 =	vpop (erf);
	v14 =	vsel vm15, v0, v6;
	v6 =	vld [tilespmem:$0x1F9D0]  }
0x19d: {  	v5 =	vsel vm10, v62, v49;
	v49 =	vsel vm3, v62, v2;
	v2 =	vmul.f32 v3, v37;
	v3 =	vld [tilespmem:$0x1FE40]  }
0x19e: {  	v40 =	vld [tilespmem:s24+$0x450];
	_ =	sdelay $0x2  }
0x19f: {  	vm13 =	vlt.f32 v54, v1;
	v46 =	vsel vm7, v0, v46  }
0x1a0: {  	[tilespmem:$0x1FAB0] =	vst v35;
	(erf) = vrcp.f32 v43;
	v43 =	vadd.f32 v35, v46;
	v35 =	vmul.f32 v6, v3;
	v3 =	vld [tilespmem:$0x1FE60]  }
0x1a1: {  	v42 =	vsel vm13, v62, v1;
	v18 =	vsel vm13, v1, v10;
	vm13 =	vlt.f32 v40, v1  }
0x1a2: {  	v15 =	vsel vm2, v1, v10;
	vm2 =	vlt.f32 v39, v62;
	v11 =	vsel vm13, v62, v1  }
0x1a3: {  	v9 =	vsel vm13, v1, v10;
	vm13 =	vlt.f32 v48, v62;
	v10 =	vsel vm14, v1, v10  }
0x1a4: {  	vm14 =	vlt.f32 v54, v62;
	[tilespmem:$0x1FDA0] =	vst v61;
	v61 =	vsel vm2, v0, v31;
	v31 =	vsel vm15, v62, v10;
	v10 =	vld [tilespmem:$0x1F9E0]  }
0x1a5: {  	v6 =	vadd.f32 v48, v48;
	v48 =	vadd.f32 v54, v54;
	v54 =	vmul.f32 v50, v3;
	v3 =	vld [tilespmem:$0x1FE80];
	_ =	sdelay $0x1  }
0x1a6: {  	vm4 =	vlt.f32 v20, v62  }
0x1a7: {  	vm1 =	vlt.f32 v40, v62;
	v58 =	vsel vm13, v0, v57;
	[tilespmem:$0x1FA70] =	vst v41;
	v1 =	vsel vm4, v62, v44  }
0x1a8: {  	v44 =	vld [tilespmem:$0x1F9A0];
	v57 =	vsel vm14, v0, v42;
	v42 =	vsel vm12, v0, v17;
	[tilespmem:$0x1FDE0] =	vst v4;
	v4 =	vsel vm11, v62, v15  }
0x1a9: {  	v8 =	vsel vm9, v0, v36;
	[tilespmem:$0x1FB00] =	vst v54;
	v54 =	vadd.f32 v56, v56;
	v56 =	vmul.f32 v10, v3;
	v3 =	vld [tilespmem:$0x1F9F0]  }
0x1aa: {  	[tilespmem:$0x1FAA0] =	vst v45;
	v15 =	vsel vm1, v0, v11;
	v11 =	vadd.f32 v41, v42;
	v41 =	vadd.f32 v45, v8;
	v45 =	vld [tilespmem:$0x1F9B0]  }
0x1ab: {  	[tilespmem:$0x1FA90] =	vst v52;
	v37 =	vadd.f32 v52, v24;
	v52 =	vld [tilespmem:$0x1F9C0]  }
0x1ac: {  	v2 =	vadd.f32 v2, v23;
	v23 =	vld [tilespmem:$0x1FE20]  }
0x1ad: {  	v10 =	vadd.f32 v16, v16;
	v16 =	vld [tilespmem:$0x1FA00]  }
0x1ae: {  	[tilespmem:$0x1FB20] =	vst v56;
	v56 =	vadd.f32 v60, v60;
	v60 =	vmul.f32 v3, v29;
	v3 =	vld [tilespmem:$0x1FE90]  }
0x1af: {  	v30 =	vadd.f32 v30, v30;
	(erf) = vrcp.f32 v44  }
0x1b0: {  	v39 =	vadd.f32 v39, v39;
	v40 =	vadd.f32 v40, v40;
	(erf) = vrcp.f32 v45  }
0x1b1: {  	v32 =	vsel vm13, v62, v32;
	v28 =	vsel vm4, v0, v28;
	(erf) = vrcp.f32 v52  }
0x1b2: {  	(erf) = vrcp.f32 v53;
	[tilespmem:$0x1FB60] =	vst v60;
	v60 =	vadd.f32 v63, v63;
	v63 =	vadd.f32 v20, v20;
	v20 =	vld [tilespmem:$0x1FA10]  }
0x1b3: {  	v25 =	vsel vm2, v62, v21;
	(erf) = vrcp.f32 v23;
	v23 =	vmul.f32 v16, v3;
	v16 =	vld [tilespmem:$0x1FEA0]  }
0x1b4: {  	v21 =	vsel vm1, v62, v9;
	v51 =	vadd.f32 v51, v51;
	v19 =	vsel vm14, v62, v18  }
0x1b5: {  	v17 =	vsel vm6, v0, v7;
	v7 =	vadd.f32 v32, v58;
	v9 =	vadd.f32 v19, v57  }
0x1b6: {  	[tilespmem:$0x1FA80] =	vst v5;
	v18 =	vsel vm3, v0, v12;
	v36 =	vadd.f32 v5, v27;
	v5 =	vadd.f32 v33, v17  }
0x1b7: {  	v47 =	vsel vm5, v0, v47;
	[tilespmem:$0x1FAC0] =	vst v1;
	v0 =	vadd.f32 v49, v18;
	v44 =	vadd.f32 v1, v28;
	v1 =	vld [tilespmem:$0x1FA20]  }
0x1b8: {  	v12 =	vadd.f32 v4, v13;
	v30 =	vsub.f32 v5, v30;
	[tilespmem:$0x1FAE0] =	vst v35;
	v35 =	vmul.f32 v20, v16;
	v16 =	vld [tilespmem:$0x1FEB0]  }
0x1b9: {  	[tilespmem:s24+$0x8470] =	vst v2;
	v2 =	vadd.f32 v31, v14;
	v52 =	vadd.f32 v25, v61  }
0x1ba: {  	v45 =	vadd.f32 v34, v47;
	v9 =	vsub.f32 v9, v48  }
0x1bb: {  	v30 =	vmul.f32 $5.000000000e+01, v30;
	v53 =	vadd.f32 v21, v15;
	v39 =	vsub.f32 v52, v39  }
0x1bc: {  	v9 =	vmul.f32 $5.000000000e+01, v9;
	v50 =	vadd.f32 v55, v55;
	v55 =	vadd.f32 v59, v59;
	[tilespmem:$0x1FBA0] =	vst v35;
	v35 =	vld [tilespmem:$0x1FA30]  }
0x1bd: {  	v40 =	vsub.f32 v53, v40;
	v29 =	vadd.f32 v26, v26;
	v26 =	vmul.f32 v1, v16;
	v16 =	vld [tilespmem:$0x1FEC0]  }
0x1be: {  	v34 =	vsub.f32 v34, v47;
	v39 =	vmul.f32 $5.000000000e+01, v39;
	v36 =	vsub.f32 v36, v55  }
0x1bf: {  	[tilespmem:$0x1FA60] =	vst v4;
	v4 =	vld [tilespmem:$0x1FED0];
	v30 =	vadd.f32 $0.0e+00, v30;
	v9 =	vadd.f32 $0.0e+00, v9;
	v40 =	vmul.f32 $5.000000000e+01, v40  }
0x1c0: {  	v52 =	vld [tilespmem:$0x1FA60];
	v39 =	vadd.f32 $0.0e+00, v39;
	v36 =	vmul.f32 $5.000000000e+01, v36;
	v3 =	vadd.f32 v22, v22  }
0x1c1: {  	v40 =	vadd.f32 $0.0e+00, v40;
	v11 =	vsub.f32 v11, v54;
	v54 =	vld [tilespmem:$0x1FA70]  }
0x1c2: {  	v36 =	vadd.f32 $0.0e+00, v36;
	v3 =	vsub.f32 v45, v3;
	v45 =	vld [tilespmem:$0x1FA50];
	v1 =	vmul.f32 v35, v16  }
0x1c3: {  	v10 =	vsub.f32 v43, v10;
	v37 =	vsub.f32 v37, v56;
	v16 =	vld [tilespmem:$0x1FEE0]  }
0x1c4: {  	v11 =	vmul.f32 $5.000000000e+01, v11;
	v56 =	vld [tilespmem:$0x1FA80];
	v29 =	vsub.f32 v0, v29;
	[tilespmem:$0x1FBE0] =	vst v1;
	v1 =	vsub.f32 v7, v6  }
0x1c5: {  	v9 =	vmul.f32 $1.442695020e+00, v9;
	[tilespmem:$0x1FEE0] =	vst v34;
	v34 =	vld [tilespmem:$0x1FB50];
	v7 =	vsub.f32 v12, v50;
	v50 =	vsub.f32 v32, v58  }
0x1c6: {  	v59 =	vpop (erf);
	v11 =	vadd.f32 $0.0e+00, v11;
	v36 =	vmul.f32 $1.442695020e+00, v36;
	v10 =	vmul.f32 $5.000000000e+01, v10;
	v6 =	vld [tilespmem:$0x1FA40]  }
0x1c7: {  	v29 =	vmul.f32 $5.000000000e+01, v29;
	v0 =	vadd.f32 $1.000000000e+00, v45;
	v45 =	vmovc v42;
	v32 =	vsub.f32 v54, v42;
	v42 =	vld [tilespmem:$0x1FF00];
	[tilespmem:$0x1FE40] =	vst v50  }
0x1c8: {  	v50 =	vld [tilespmem:$0x1FAD0];
	v48 =	vmul.f32 v59, v16;
	v59 =	vsub.f32 v41, v60;
	v60 =	vsub.f32 v44, v63;
	v44 =	vmovc v13  }
0x1c9: {  	v37 =	vmul.f32 $5.000000000e+01, v37;
	v29 =	vadd.f32 $0.0e+00, v29;
	[tilespmem:$0x1FE20] =	vst v0;
	v0 =	vsub.f32 v52, v44;
	v52 =	vld [tilespmem:$0x1FF20]  }
0x1ca: {  	v55 =	vmovc v38;
	v35 =	vmul.f32 $5.000000000e+01, v1;
	v63 =	vsub.f32 v2, v51;
	v38 =	vmul.f32 $5.000000000e+01, v59;
	v59 =	vld [tilespmem:$0x1FA90]  }
0x1cb: {  	[tilespmem:$0x1FEF0] =	vst v18;
	v7 =	vmul.f32 $5.000000000e+01, v7;
	v51 =	vsub.f32 v19, v57;
	v41 =	vmul.f32 $5.000000000e+01, v60;
	v60 =	vld [tilespmem:$0x1FAA0]  }
0x1cc: {  	[tilespmem:$0x1FB80] =	vst v23;
	v23 =	vpop (erf);
	v13 =	vmul.f32 $1.442695020e+00, v29;
	v35 =	vadd.f32 $0.0e+00, v35;
	v43 =	vmul.f32 $5.000000000e+01, v63;
	v63 =	vld [tilespmem:$0x1FAB0]  }
0x1cd: {  	v20 =	vpop (erf);
	v29 =	vmul.f32 $1.442695020e+00, v30;
	v30 =	vmul.f32 $1.442695020e+00, v40;
	v40 =	vsub.f32 v31, v14;
	[tilespmem:$0x1FE60] =	vst v51;
	v51 =	vld [tilespmem:$0x1FAE0]  }
0x1ce: {  	v10 =	vadd.f32 $0.0e+00, v10;
	v22 =	vpop (erf);
	[tilespmem:$0x1FBC0] =	vst v26;
	v54 =	vmul.f32 v23, v42;
	v23 =	vld [tilespmem:$0x1FB20];
	v35 =	vmul.f32 $1.442695020e+00, v35  }
0x1cf: {  	v3 =	vmul.f32 $5.000000000e+01, v3;
	v26 =	vpop (erf);
	v7 =	vadd.f32 $0.0e+00, v7;
	[tilespmem:$0x1FF80] =	vst v40;
	v40 =	vld [tilespmem:$0x1FB80];
	v41 =	vadd.f32 $0.0e+00, v41  }
0x1d0: {  	v4 =	vmul.f32 v6, v4;
	v6 =	vpop (erf);
	v42 =	vld [tilespmem:$0x1FB90];
	[tilespmem:$0x1FE80] =	vst v0;
	v0 =	vsub.f32 v56, v27;
	(erf) = vpow2.f32 v35  }
0x1d1: {  	[tilespmem:$0x1FF10] =	vst v17;
	v7 =	vmul.f32 $1.442695020e+00, v7;
	(erf) = vpow2.f32 v9;
	v9 =	vsub.f32 v33, v17;
	v33 =	vld [tilespmem:$0x1FB40]  }
0x1d2: {  	v11 =	vmul.f32 $1.442695020e+00, v11;
	v37 =	vadd.f32 $0.0e+00, v37;
	[tilespmem:$0x1FE90] =	vst v0;
	v0 =	vsub.f32 v59, v24;
	v59 =	vld [tilespmem:$0x1FB00]  }
0x1d3: {  	[tilespmem:$0x1FF50] =	vst v15;
	v3 =	vadd.f32 $0.0e+00, v3;
	v16 =	vmul.f32 $1.442695020e+00, v41;
	(erf) = vpow2.f32 v7;
	v41 =	vmovc v24;
	v24 =	vld [tilespmem:$0x1FAC0]  }
0x1d4: {  	[tilespmem:$0x1FF70] =	vst v14;
	v1 =	vmovc v8;
	v7 =	vsub.f32 v49, v18;
	(erf) = vpow2.f32 v11;
	v11 =	vsub.f32 v25, v61;
	v25 =	vld [tilespmem:$0x1FB30]  }
0x1d5: {  	v10 =	vmul.f32 $1.442695020e+00, v10;
	v38 =	vadd.f32 $0.0e+00, v38;
	[tilespmem:$0x1FEA0] =	vst v0;
	v0 =	vsub.f32 v60, v1;
	v60 =	vmovc v58;
	v58 =	vld [tilespmem:$0x1FAF0]  }
0x1d6: {  	v37 =	vmul.f32 $1.442695020e+00, v37;
	v56 =	vmovc v9;
	v49 =	vmovc v7;
	v7 =	vadd.f32 v51, v50;
	v50 =	vmul.f32 v20, v52;
	v52 =	vld [tilespmem:$0x1FBB0]  }
0x1d7: {  	v3 =	vmul.f32 $1.442695020e+00, v3;
	v43 =	vadd.f32 $0.0e+00, v43;
	v38 =	vmul.f32 $1.442695020e+00, v38;
	[tilespmem:$0x1FF20] =	vst v56;
	v56 =	vld [tilespmem:$0x1FBC0]  }
0x1d8: {  	(erf) = vpow2.f32 v36;
	v36 =	vsub.f32 v21, v15;
	[tilespmem:$0x1FEB0] =	vst v0;
	v0 =	vsub.f32 v63, v46;
	v63 =	vld [tilespmem:$0x1FF40]  }
0x1d9: {  	v8 =	vmul.f32 $1.442695020e+00, v39;
	(erf) = vpow2.f32 v37;
	[tilespmem:$0x1FF00] =	vst v49;
	v49 =	vld [tilespmem:$0x1FBA0]  }
0x1da: {  	v19 =	vmov v27;
	v39 =	vmul.f32 $1.442695020e+00, v43;
	[tilespmem:$0x1FF60] =	vst v36;
	(erf) = vpow2.f32 v38;
	v36 =	vld [tilespmem:$0x1FB60]  }
0x1db: {  	v21 =	vmovc v11;
	v6 =	vmul.f32 v6, v33;
	v38 =	vld [tilespmem:$0x1FB70];
	(erf) = vpow2.f32 v10;
	[tilespmem:$0x1FEC0] =	vst v0;
	v0 =	vsub.f32 v24, v28  }
0x1dc: {  	[tilespmem:s22+$0x8000] =	vst v7;
	(erf) = vpow2.f32 v16;
	v7 =	vmul.f32 v26, v25;
	v14 =	vadd.f32 v59, v58;
	v58 =	vmovc v57;
	v57 =	vld [tilespmem:$0x1FBD0]  }
0x1dd: {  	v35 =	vmov v1;
	[tilespmem:$0x1FF40] =	vst v21;
	v10 =	vpop (erf);
	(erf) = vpow2.f32 v3;
	v5 =	vmul.f32 v22, v63;
	v22 =	vld [tilespmem:$0x1FB10]  }
0x1de: {  	v15 =	vadd.f32 v56, v52;
	v59 =	vld [tilespmem:$0x1FBE0];
	[tilespmem:$0x1FED0] =	vst v0;
	v3 =	vadd.f32 $1.000000000e+00, v10;
	v10 =	vpop (erf);
	(erf) = vpow2.f32 v13  }
0x1df: {  	p1 =	sne.s32 s26, $0x3F00;
	v51 =	vadd.f32 v49, v42;
	[tilespmem:s22+$0x8010] =	vst v14;
	v12 =	vadd.f32 $1.000000000e+00, v10;
	v9 =	vpop (erf);
	(erf) = vpow2.f32 v29;
	v63 =	vld [tilespmem:$0x1FBF0]  }
.Ltmp2:
0x1e0: {  	v37 =	vadd.f32 v36, v34;
	[tilespmem:s22+$0x8060] =	vst v15;
	v9 =	vadd.f32 $1.000000000e+00, v9;
	v10 =	vpop (erf);
	(erf) = vpow2.f32 v8;
	(pc) =	sbr.rel @p1 .LBB2_3-.Ltmp2, $4  }
0x1e1: {  	v8 =	vadd.f32 v40, v38;
	[tilespmem:s22+$0x8050] =	vst v51;
	v11 =	vadd.f32 $1.000000000e+00, v10;
	v10 =	vpop (erf);
	(erf) = vpow2.f32 v30  }
0x1e2: {  	[tilespmem:s22+$0x8030] =	vst v37;
	v13 =	vadd.f32 $1.000000000e+00, v10;
	v10 =	vpop (erf);
	(erf) = vpow2.f32 v39;
	v24 =	vadd.f32 v23, v22  }
0x1e3: {  	s25 =	sadd.s32 $0x80, s25;
	v53 =	vld [tilespmem:$0x1FDA0];
	[tilespmem:s22+$0x8040] =	vst v8;
	v14 =	vadd.f32 v59, v57;
	v10 =	vadd.f32 $1.000000000e+00, v10;
	(erf) = vrcp.f32 v3;
	v3 =	vpop (erf)  }
0x1e4: {  	s29 =	sand.u32 $0x380, s25;
	s28 =	sand.u32 $0x3800, s26;
	s26 =	sadd.s32 $0x100, s26;
	v43 =	vld [tilespmem:$0x1FD60];
	v8 =	vadd.f32 $1.000000000e+00, v3;
	(erf) = vrcp.f32 v12;
	v12 =	vpop (erf);
	v4 =	vadd.f32 v4, v63;
	[tilespmem:s22+$0x8020] =	vst v24  }
0x1e5: {  	s25 =	sor.u32 s29, s28;
	[tilespmem:s22+$0x8070] =	vst v14;
	v1 =	vld [tilespmem:$0x1FFD0]  }
0x1e6: {  	v2 =	vld [tilespmem:s25+$0x470]  }
0x1e7: {  	v0 =	vld [tilespmem:$0x1FFE0]  }
0x1e8: {  	v56 =	vld [tilespmem:$0x1FFF0];
	_ =	sdelay $0x2  }
0x1e9: {  	vm0 =	vlt.f32 v2, v1  }
0x1ea: {  	vm1 =	vlt.f32 v2, v62;
	v3 =	vsel vm0, v62, v1;
	v37 =	vsel vm0, v1, v0  }
0x1eb: {  	v3 =	vsel vm1, v56, v3;
	v14 =	vsel vm1, v62, v37  }
0x1ec: {  	v2 =	vadd.f32 v2, v2;
	v15 =	vadd.f32 v14, v3;
	_ =	sdelay $0x1  }
0x1ed: {  	v2 =	vsub.f32 v15, v2;
	_ =	sdelay $0x1  }
0x1ee: {  	(erf) = vrcp.f32 v9;
	v38 =	vpop (erf);
	v51 =	vld [tilespmem:$0x1FD10];
	v2 =	vmul.f32 $5.000000000e+01, v2  }
0x1ef: {  	(erf) = vrcp.f32 v11;
	v39 =	vpop (erf)  }
0x1f0: {  	v52 =	vld [tilespmem:$0x1FD30];
	(erf) = vrcp.f32 v13;
	v40 =	vpop (erf);
	v2 =	vadd.f32 $0.0e+00, v2  }
0x1f1: {  	v12 =	vadd.f32 $1.000000000e+00, v12;
	v9 =	vadd.f32 $1.000000000e+00, v38;
	(erf) = vrcp.f32 v10;
	v10 =	vpop (erf)  }
0x1f2: {  	(erf) = vrcp.f32 v8;
	v15 =	vpop (erf);
	v2 =	vmul.f32 $1.442695020e+00, v2  }
0x1f3: {  	v57 =	vld [tilespmem:$0x1FDB0];
	[tilespmem:s22+$0x8400] =	vst v4;
	(erf) = vrcp.f32 v12;
	v24 =	vadd.f32 v48, v51;
	v42 =	vpop (erf)  }
0x1f4: {  	v21 =	vld [tilespmem:s25+$0x0];
	(erf) = vrcp.f32 v9;
	v49 =	vpop (erf)  }
0x1f5: {  	v22 =	vadd.f32 v54, v52;
	[tilespmem:s22+$0x8410] =	vst v24;
	v9 =	vpop (erf);
	(erf) = vpow2.f32 v2  }
0x1f6: {  	v25 =	vadd.f32 v50, v55;
	v24 =	vld [tilespmem:s25+$0x10];
	v2 =	vpop (erf)  }
0x1f7: {  	v63 =	vadd.f32 $1.000000000e+00, v39;
	[tilespmem:s22+$0x8420] =	vst v22;
	v16 =	vpop (erf)  }
0x1f8: {  	v7 =	vadd.f32 v7, v53;
	v5 =	vadd.f32 v5, v57;
	v33 =	vld [tilespmem:s25+$0x20];
	[tilespmem:s22+$0x8430] =	vst v25;
	v17 =	vpop (erf)  }
0x1f9: {  	[tilespmem:$0x1F940] =	vst v45;
	v45 =	vadd.f32 $1.000000000e+00, v40;
	v59 =	vadd.f32 v6, v43;
	vm8 =	vlt.f32 v21, v1;
	v25 =	vld [tilespmem:s25+$0x30];
	v18 =	vpop (erf)  }
0x1fa: {  	v10 =	vadd.f32 $1.000000000e+00, v10;
	vm13 =	vlt.f32 v21, v62;
	v26 =	vsel vm8, v1, v0;
	[tilespmem:s22+$0x8440] =	vst v5;
	v20 =	vpop (erf)  }
0x1fb: {  	[tilespmem:$0x1F960] =	vst v28;
	v50 =	vsub.f32 v14, v3;
	v29 =	vsel vm13, v62, v26;
	v34 =	vld [tilespmem:s25+$0x40];
	vm9 =	vlt.f32 v24, v1;
	v4 =	vpop (erf)  }
0x1fc: {  	[tilespmem:s22+$0x8450] =	vst v7;
	vm14 =	vlt.f32 v24, v62;
	v28 =	vadd.f32 v24, v24;
	v48 =	vadd.f32 $1.000000000e+00, v15;
	v23 =	vpop (erf)  }
0x1fd: {  	v39 =	vld [tilespmem:s25+$0x50];
	[tilespmem:s23+$0x8460] =	vst v59;
	vm2 =	vlt.f32 v33, v1;
	v27 =	vsel vm9, v62, v1;
	v51 =	vsel vm9, v1, v0;
	v31 =	vpop (erf)  }
0x1fe: {  	v12 =	vld [tilespmem:s25+$0x60];
	vm15 =	vlt.f32 v33, v62;
	vm3 =	vlt.f32 v25, v1;
	v6 =	vsel vm2, v62, v1;
	v54 =	vpop (erf)  }
0x1ff: {  	[tilespmem:$0x1F950] =	vst v19;
	v14 =	vld [tilespmem:s25+$0x400];
	v7 =	vsel vm2, v1, v0;
	vm6 =	vlt.f32 v25, v62;
	v19 =	vadd.f32 $1.000000000e+00, v54  }
0x200: {  	v15 =	vld [tilespmem:s25+$0x70];
	[tilespmem:$0x1F980] =	vst v49;
	v49 =	vadd.f32 $1.000000000e+00, v42;
	vm10 =	vlt.f32 v34, v1;
	v11 =	vsel vm3, v1, v0  }
0x201: {  	v42 =	vld [tilespmem:s25+$0x410];
	v5 =	vsel vm15, v56, v6;
	v30 =	vsel vm15, v62, v7;
	(erf) = vrcp.f32 v19  }
0x202: {  	v52 =	vld [tilespmem:$0x1FEA0];
	vm4 =	vlt.f32 v39, v1;
	v40 =	vsel vm10, v1, v0;
	(erf) = vrcp.f32 v63  }
0x203: {  	v38 =	vld [tilespmem:$0x1FE20];
	v55 =	vadd.f32 v30, v5;
	v37 =	vsel vm6, v62, v11;
	(erf) = vrcp.f32 v45  }
0x204: {  	vm9 =	vlt.f32 v39, v62;
	vm5 =	vlt.f32 v12, v1;
	v45 =	vld [tilespmem:$0x1FE60];
	(erf) = vrcp.f32 v10  }
0x205: {  	v59 =	vmovc v41;
	vm12 =	vlt.f32 v14, v1;
	v41 =	vsel vm4, v62, v1;
	(erf) = vrcp.f32 v48;
	v48 =	vld [tilespmem:$0x1FE80]  }
0x206: {  	vm11 =	vlt.f32 v15, v1;
	vm0 =	vlt.f32 v42, v1;
	v32 =	vmul.f32 v17, v32  }
0x207: {  	v17 =	vsel vm11, v62, v1;
	v26 =	vmul.f32 v20, v52;
	v10 =	vsel vm3, v62, v1  }
0x208: {  	v19 =	vsel vm8, v62, v1;
	v20 =	vsel vm6, v56, v10;
	(erf) = vrcp.f32 v49;
	v49 =	vld [tilespmem:$0x1FE90]  }
0x209: {  	vm8 =	vlt.f32 v34, v62;
	v36 =	vadd.f32 v37, v20;
	(erf) = vrcp.f32 v38  }
0x20a: {  	v54 =	vmul.f32 v2, v45;
	v2 =	vsel vm5, v62, v1;
	v38 =	vmul.f32 v16, v48  }
0x20b: {  	v22 =	vpop (erf);
	v16 =	vsel vm5, v1, v0;
	v48 =	vsel vm11, v1, v0;
	vm11 =	vlt.f32 v15, v62  }
0x20c: {  	v15 =	vadd.f32 v15, v15;
	v13 =	vmul.f32 v22, v50;
	v22 =	vsel vm13, v56, v19  }
0x20d: {  	v43 =	vld [tilespmem:$0x1FE40];
	v19 =	vsel vm14, v56, v27;
	v50 =	vsel vm14, v62, v51;
	v27 =	vmul.f32 v18, v49  }
0x20e: {  	v18 =	vadd.f32 v21, v21;
	v21 =	vadd.f32 v25, v25;
	v49 =	vsel vm12, v62, v1  }
0x20f: {  	v63 =	vmovc v44;
	v25 =	vsel vm9, v56, v41;
	v44 =	vsel vm11, v62, v48;
	vm13 =	vlt.f32 v42, v62  }
0x210: {  	v48 =	vsel vm0, v1, v0;
	v51 =	vadd.f32 v29, v22;
	v53 =	vadd.f32 v50, v19  }
0x211: {  	[tilespmem:$0x1F970] =	vst v61;
	v48 =	vsel vm13, v62, v48;
	v61 =	vadd.f32 v13, v3;
	v3 =	vsel vm10, v62, v1  }
0x212: {  	v13 =	vmul.f32 v9, v43;
	v9 =	vsel vm4, v1, v0;
	vm10 =	vlt.f32 v12, v62  }
0x213: {  	v43 =	vsel vm8, v62, v40;
	v12 =	vadd.f32 v12, v12;
	v6 =	vsub.f32 v51, v18  }
0x214: {  	v18 =	vadd.f32 v33, v33;
	v33 =	vld [tilespmem:$0x1FEB0];
	v7 =	vsub.f32 v53, v28;
	v40 =	vsel vm9, v62, v9  }
0x215: {  	v41 =	vsel vm10, v62, v16;
	v51 =	vld [tilespmem:$0x1FEC0];
	v16 =	vadd.f32 v39, v39;
	v28 =	vadd.f32 v40, v25  }
0x216: {  	v53 =	vadd.f32 v34, v34;
	v6 =	vmul.f32 $5.000000000e+01, v6;
	v7 =	vmul.f32 $5.000000000e+01, v7  }
0x217: {  	v24 =	vsel vm10, v56, v2;
	v18 =	vsub.f32 v55, v18;
	v9 =	vsub.f32 v28, v16  }
0x218: {  	v55 =	vld [tilespmem:$0x1FED0];
	v16 =	vsel vm0, v62, v1;
	v6 =	vadd.f32 $0.0e+00, v6;
	v39 =	vadd.f32 $0.0e+00, v7  }
0x219: {  	v57 =	vmul.f32 v4, v33;
	v4 =	vsub.f32 v36, v21;
	v21 =	vsel vm12, v1, v0  }
0x21a: {  	v36 =	vsel vm8, v56, v3;
	v11 =	vmul.f32 v23, v51;
	vm12 =	vlt.f32 v14, v62  }
0x21b: {  	v33 =	vsel vm11, v56, v17;
	v23 =	vadd.f32 v42, v42;
	v9 =	vmul.f32 $5.000000000e+01, v9  }
0x21c: {  	v17 =	vld [tilespmem:$0x1FEE0];
	v52 =	vadd.f32 v43, v36;
	v6 =	vmul.f32 $1.442695020e+00, v6;
	v45 =	vsel vm12, v62, v21  }
0x21d: {  	v10 =	vmul.f32 v31, v55;
	v31 =	vadd.f32 v41, v24;
	v4 =	vmul.f32 $5.000000000e+01, v4  }
0x21e: {  	v34 =	vpop (erf);
	v9 =	vadd.f32 $0.0e+00, v9;
	v2 =	vsub.f32 v52, v53;
	(erf) = vpow2.f32 v6  }
0x21f: {  	v6 =	vmul.f32 $1.442695020e+00, v39;
	v3 =	vsub.f32 v31, v12;
	v31 =	vsel vm12, v56, v49  }
0x220: {  	v49 =	vadd.f32 v14, v14;
	v4 =	vadd.f32 $0.0e+00, v4;
	v9 =	vmul.f32 $1.442695020e+00, v9  }
0x221: {  	v12 =	vmul.f32 v34, v17;
	v17 =	vadd.f32 v44, v33;
	v34 =	vsel vm13, v56, v16  }
0x222: {  	v16 =	vmul.f32 $5.000000000e+01, v18;
	v18 =	vld [tilespmem:s25+$0x430];
	v21 =	vadd.f32 v45, v31;
	v2 =	vmul.f32 $5.000000000e+01, v2  }
0x223: {  	(erf) = vpow2.f32 v6;
	v52 =	vadd.f32 v48, v34;
	v15 =	vsub.f32 v17, v15  }
0x224: {  	v3 =	vmul.f32 $5.000000000e+01, v3;
	v17 =	vld [tilespmem:s25+$0x420];
	v51 =	vadd.f32 $0.0e+00, v16;
	v2 =	vadd.f32 $0.0e+00, v2  }
0x225: {  	v4 =	vmul.f32 $1.442695020e+00, v4;
	v16 =	vld [tilespmem:s25+$0x440];
	v21 =	vsub.f32 v21, v49;
	v23 =	vsub.f32 v52, v23  }
0x226: {  	v3 =	vadd.f32 $0.0e+00, v3;
	v14 =	vmul.f32 $1.442695020e+00, v51;
	v2 =	vmul.f32 $1.442695020e+00, v2  }
0x227: {  	v15 =	vmul.f32 $5.000000000e+01, v15;
	vm15 =	vlt.f32 v18, v1;
	vm10 =	vlt.f32 v18, v62  }
0x228: {  	v18 =	vadd.f32 v18, v18;
	v3 =	vmul.f32 $1.442695020e+00, v3;
	(erf) = vpow2.f32 v14  }
0x229: {  	v14 =	vsel vm15, v62, v1;
	v39 =	vsel vm15, v1, v0;
	v15 =	vadd.f32 $0.0e+00, v15  }
0x22a: {  	vm14 =	vlt.f32 v17, v1;
	vm8 =	vlt.f32 v16, v1;
	(erf) = vpow2.f32 v4  }
0x22b: {  	v51 =	vld [tilespmem:s25+$0x460];
	vm9 =	vlt.f32 v17, v62;
	vm11 =	vlt.f32 v16, v62;
	v4 =	vmovc v46;
	v46 =	vsel vm10, v56, v14  }
0x22c: {  	v6 =	vsel vm10, v62, v39;
	v14 =	vadd.f32 v17, v17;
	v16 =	vadd.f32 v16, v16  }
0x22d: {  	v17 =	vld [tilespmem:s25+$0x450];
	v53 =	vsel vm14, v62, v1;
	v55 =	vsel vm14, v1, v0;
	v49 =	vsel vm8, v62, v1  }
0x22e: {  	v52 =	vsel vm8, v1, v0;
	(erf) = vpow2.f32 v2;
	v42 =	vsel vm9, v56, v53  }
0x22f: {  	v28 =	vsel vm9, v62, v55;
	v7 =	vsel vm11, v62, v52;
	(erf) = vpow2.f32 v9  }
0x230: {  	vm13 =	vlt.f32 v51, v1;
	v53 =	vmovc v47;
	v47 =	vsel vm11, v56, v49;
	v49 =	vadd.f32 v6, v46  }
0x231: {  	vm15 =	vlt.f32 v51, v62;
	v39 =	vadd.f32 v28, v42;
	v52 =	vadd.f32 v7, v47  }
0x232: {  	vm12 =	vlt.f32 v17, v1;
	vm14 =	vlt.f32 v17, v62;
	v18 =	vsub.f32 v49, v18  }
0x233: {  	v55 =	vsel vm12, v62, v1;
	v2 =	vsub.f32 v52, v16;
	v16 =	vsel vm12, v1, v0  }
0x234: {  	v49 =	vsel vm14, v62, v16;
	v16 =	vsel vm13, v62, v1;
	v1 =	vsel vm13, v1, v0  }
0x235: {  	v14 =	vsub.f32 v39, v14;
	v9 =	vsel vm14, v56, v55;
	v39 =	vsel vm15, v62, v1;
	v1 =	vld [tilespmem:$0x1FF00]  }
0x236: {  	v52 =	vsel vm15, v56, v16;
	v16 =	vadd.f32 v17, v17;
	v17 =	vmul.f32 $5.000000000e+01, v21  }
0x237: {  	v21 =	vadd.f32 v51, v51;
	v51 =	vadd.f32 v49, v9  }
0x238: {  	(erf) = vpow2.f32 v3;
	v3 =	vadd.f32 $0.0e+00, v17;
	v17 =	vadd.f32 v39, v52  }
0x239: {  	v8 =	vpop (erf);
	v15 =	vmul.f32 $1.442695020e+00, v15;
	v16 =	vsub.f32 v51, v16  }
0x23a: {  	v51 =	vmul.f32 v8, v1;
	v8 =	vsub.f32 v17, v21;
	v17 =	vmul.f32 $5.000000000e+01, v23;
	v23 =	vld [tilespmem:$0x1FF20];
	_ =	sdelay $0x1  }
0x23b: {  	(erf) = vpow2.f32 v15;
	v14 =	vmul.f32 $5.000000000e+01, v14  }
0x23c: {  	v55 =	vmul.f32 $5.000000000e+01, v18;
	v2 =	vmul.f32 $5.000000000e+01, v2;
	v17 =	vadd.f32 $0.0e+00, v17  }
0x23d: {  	v14 =	vadd.f32 $0.0e+00, v14;
	v3 =	vmul.f32 $1.442695020e+00, v3;
	v16 =	vmul.f32 $5.000000000e+01, v16;
	v21 =	vpop (erf)  }
0x23e: {  	v2 =	vadd.f32 $0.0e+00, v2;
	v17 =	vmul.f32 $1.442695020e+00, v17;
	v21 =	vmul.f32 v21, v23;
	v23 =	vld [tilespmem:$0x1FF40]  }
0x23f: {  	(erf) = vpow2.f32 v3;
	v3 =	vadd.f32 $0.0e+00, v55;
	v15 =	vmul.f32 $5.000000000e+01, v8  }
0x240: {  	v14 =	vmul.f32 $1.442695020e+00, v14;
	v2 =	vmul.f32 $1.442695020e+00, v2;
	v16 =	vadd.f32 $0.0e+00, v16  }
0x241: {  	v13 =	vadd.f32 v13, v60;
	v18 =	vpop (erf);
	v3 =	vmul.f32 $1.442695020e+00, v3;
	(erf) = vpow2.f32 v17  }
0x242: {  	v8 =	vmul.f32 $1.442695020e+00, v16;
	v60 =	vadd.f32 $0.0e+00, v15;
	v17 =	vpop (erf);
	(erf) = vpow2.f32 v14  }
0x243: {  	v55 =	vld [tilespmem:$0x1FF10];
	v15 =	vpop (erf);
	(erf) = vpow2.f32 v3;
	v18 =	vmul.f32 v18, v23  }
0x244: {  	v38 =	vadd.f32 v38, v63;
	v16 =	vpop (erf);
	(erf) = vpow2.f32 v2;
	v2 =	vmul.f32 $1.442695020e+00, v60;
	v60 =	vld [tilespmem:$0x1FF60]  }
0x245: {  	v23 =	vadd.f32 v54, v58;
	v58 =	vpop (erf);
	(erf) = vpow2.f32 v8;
	v63 =	vadd.f32 $1.000000000e+00, v16;
	v8 =	vld [tilespmem:$0x1FE00]  }
0x246: {  	v26 =	vadd.f32 v26, v59;
	v12 =	vadd.f32 v12, v53;
	v53 =	vld [tilespmem:$0x1FEF0];
	v16 =	vpop (erf)  }
0x247: {  	v11 =	vadd.f32 v11, v4;
	v16 =	vadd.f32 $1.000000000e+00, v16  }
0x248: {  	v21 =	vadd.f32 v21, v55;
	(erf) = vpow2.f32 v2;
	v2 =	vadd.f32 $1.000000000e+00, v58;
	v58 =	vpop (erf)  }
0x249: {  	v55 =	vsub.f32 v37, v20;
	(erf) = vrcp.f32 v63;
	v17 =	vmul.f32 v17, v60;
	v60 =	vld [tilespmem:$0x1F940];
	v63 =	vpop (erf)  }
0x24a: {  	v14 =	vadd.f32 $1.000000000e+00, v58;
	(erf) = vrcp.f32 v2;
	v15 =	vmul.f32 v15, v8;
	v8 =	vld [tilespmem:$0x1F950];
	v58 =	vpop (erf)  }
0x24b: {  	[tilespmem:s24+$0x8010] =	vst v23;
	v23 =	vadd.f32 v51, v53;
	(erf) = vrcp.f32 v16;
	v16 =	vpop (erf);
	v2 =	vadd.f32 $1.000000000e+00, v58;
	v58 =	vld [tilespmem:$0x1F970]  }
0x24c: {  	[tilespmem:s25+$0x8470] =	vst v61;
	v3 =	vadd.f32 $1.000000000e+00, v63;
	v61 =	vpop (erf);
	v16 =	vadd.f32 $1.000000000e+00, v16  }
0x24d: {  	[tilespmem:s24+$0x8000] =	vst v13;
	v51 =	vsub.f32 v50, v19;
	(erf) = vrcp.f32 v14;
	v14 =	vadd.f32 $1.000000000e+00, v61;
	v61 =	vld [tilespmem:$0x1FF50]  }
0x24e: {  	[tilespmem:s24+$0x8020] =	vst v38;
	(erf) = vrcp.f32 v3;
	v63 =	vpop (erf);
	v32 =	vadd.f32 v32, v60;
	v60 =	vadd.f32 v57, v35  }
0x24f: {  	[tilespmem:s24+$0x8050] =	vst v26;
	(erf) = vrcp.f32 v2;
	v35 =	vld [tilespmem:$0x1F960];
	v38 =	vpop (erf);
	v3 =	vadd.f32 $1.000000000e+00, v63;
	v27 =	vadd.f32 v27, v8  }
0x250: {  	[tilespmem:s24+$0x8070] =	vst v11;
	(erf) = vrcp.f32 v16;
	v2 =	vadd.f32 $1.000000000e+00, v38;
	v16 =	vpop (erf);
	v59 =	vadd.f32 v18, v58  }
0x251: {  	v4 =	vld [tilespmem:$0x1FDE0];
	[tilespmem:s24+$0x8410] =	vst v12;
	v58 =	vsub.f32 v43, v36;
	v54 =	vpop (erf);
	v16 =	vadd.f32 $1.000000000e+00, v16  }
0x252: {  	(erf) = vrcp.f32 v14;
	[tilespmem:s24+$0x8040] =	vst v27;
	v27 =	vld [tilespmem:$0x1F980];
	v14 =	vadd.f32 $1.000000000e+00, v54;
	v63 =	vadd.f32 v17, v61  }
0x253: {  	[tilespmem:s24+$0x8430] =	vst v21;
	(erf) = vrcp.f32 v3;
	v57 =	vpop (erf);
	v17 =	vsub.f32 v30, v5;
	v61 =	vsub.f32 v40, v25  }
0x254: {  	[tilespmem:s24+$0x8060] =	vst v60;
	(erf) = vrcp.f32 v2;
	v30 =	vsub.f32 v44, v33;
	v10 =	vadd.f32 v10, v35;
	v60 =	vpop (erf)  }
0x255: {  	[tilespmem:s24+$0x8420] =	vst v23;
	v3 =	vadd.f32 $1.000000000e+00, v57;
	(erf) = vrcp.f32 v16;
	v35 =	vsub.f32 v29, v22;
	v16 =	vpop (erf)  }
0x256: {  	v2 =	vadd.f32 $1.000000000e+00, v60;
	[tilespmem:s24+$0x8400] =	vst v10;
	v10 =	vadd.f32 v15, v4;
	v26 =	vpop (erf)  }
0x257: {  	[tilespmem:s24+$0x8030] =	vst v32;
	(erf) = vrcp.f32 v14;
	v32 =	vadd.f32 $1.000000000e+00, v27;
	v38 =	vpop (erf);
	v54 =	vmul.f32 v26, v35  }
0x258: {  	[tilespmem:s24+$0x8440] =	vst v59;
	(erf) = vrcp.f32 v3;
	v27 =	vsub.f32 v41, v24;
	v53 =	vpop (erf);
	v3 =	vmul.f32 v38, v51  }
0x259: {  	[tilespmem:s24+$0x8450] =	vst v63;
	(erf) = vrcp.f32 v2;
	v2 =	vmul.f32 v53, v17;
	v57 =	vpop (erf);
	v8 =	vadd.f32 v54, v22  }
0x25a: {  	[tilespmem:s22+$0x8460] =	vst v10;
	v26 =	vadd.f32 $1.000000000e+00, v16;
	v59 =	vmul.f32 v57, v55;
	v60 =	vpop (erf);
	v3 =	vadd.f32 v3, v19  }
0x25b: {  	(erf) = vrcp.f32 v32;
	v63 =	vmul.f32 v60, v58;
	v4 =	vpop (erf);
	[tilespmem:s25+$0x8000] =	vst v8;
	v2 =	vadd.f32 v2, v5  }
0x25c: {  	(erf) = vrcp.f32 v26;
	v12 =	vmul.f32 v4, v61;
	[tilespmem:s25+$0x8010] =	vst v3;
	v29 =	vadd.f32 v59, v20;
	v32 =	vpop (erf)  }
0x25d: {  	v35 =	vsub.f32 v45, v31;
	v5 =	vmul.f32 v32, v27;
	[tilespmem:s25+$0x8020] =	vst v2;
	v10 =	vadd.f32 v63, v36;
	v37 =	vpop (erf)  }
0x25e: {  	v38 =	vsub.f32 v48, v34;
	v8 =	vmul.f32 v37, v30;
	[tilespmem:s25+$0x8030] =	vst v29;
	v40 =	vadd.f32 v12, v25;
	v41 =	vpop (erf)  }
0x25f: {  	v43 =	vsub.f32 v28, v42;
	v2 =	vmul.f32 v41, v35;
	[tilespmem:s25+$0x8040] =	vst v10;
	v5 =	vadd.f32 v5, v24;
	v44 =	vpop (erf)  }
0x260: {  	v6 =	vsub.f32 v6, v46;
	v59 =	vld [tilespmem:$0x1FF80];
	v3 =	vmul.f32 v44, v38;
	[tilespmem:s25+$0x8050] =	vst v40;
	v8 =	vadd.f32 v8, v33;
	v45 =	vpop (erf)  }
0x261: {  	v48 =	vsub.f32 v7, v47;
	v4 =	vmul.f32 v45, v43;
	[tilespmem:s25+$0x8060] =	vst v5;
	v2 =	vadd.f32 v2, v31;
	v50 =	vpop (erf)  }
0x262: {  	v51 =	vsub.f32 v49, v9;
	v63 =	vld [tilespmem:$0x1FF70];
	v6 =	vmul.f32 v50, v6;
	[tilespmem:s25+$0x8070] =	vst v8;
	v3 =	vadd.f32 v3, v34;
	v53 =	vpop (erf)  }
0x263: {  	v5 =	vmul.f32 v53, v48;
	[tilespmem:s25+$0x8400] =	vst v2;
	v54 =	vadd.f32 v4, v42;
	v55 =	vpop (erf)  }
0x264: {  	v57 =	vsub.f32 v39, v52;
	v4 =	vmul.f32 v55, v51;
	[tilespmem:s25+$0x8410] =	vst v3;
	v6 =	vadd.f32 v6, v46;
	v58 =	vpop (erf)  }
0x265: {  	v7 =	vmul.f32 v58, v59;
	[tilespmem:s25+$0x8420] =	vst v54;
	v60 =	vadd.f32 v5, v47;
	v61 =	vpop (erf)  }
0x266: {  	p1 =	sne.s32 s21, $0x14;
	[tilespmem:s25+$0x8430] =	vst v6;
	v4 =	vadd.f32 v4, v9;
	v3 =	vmul.f32 v61, v57  }
.Ltmp3:
0x267: {  	[tilespmem:s25+$0x8440] =	vst v60;
	v2 =	vadd.f32 v7, v63;
	(pc) =	sbr.rel @p1 .LBB2_6-.Ltmp3, $4  }
0x268: {  	[tilespmem:s25+$0x8450] =	vst v4;
	v3 =	vadd.f32 v3, v52  }
0x269: {  	s22 =	sshll.u32 s21, $0x11;
	[tilespmem:s24+$0x8460] =	vst v2  }
0x26a: {  	s31 =	sadd.s32 s22, s6;
	[tilespmem:s25+$0x8460] =	vst v3  }
0x26b: {  	v19 =	vmov v56;
	v20 =	vmov v0;
	[hbm4b:s31+s3] =	stream.linear.scatter [tilespmem:s15], [sflag:$0x3], $0x4000, $0x38;
	[tilespmem:$0x10080] =	vst v63  }
.Ltmp4:
0x26c: {  	(pc) =	sbr.rel .LBB2_7-.Ltmp4, $4  }
0x26d: {  	_ = 	snop  }
0x26e: {  	_ =	swait.ge [sflag:s16], $0x4000  }
0x26f: {  	[sflag:s16] =	ssyncset.done $0x0  }
0x270: {  	[sflag:s16] =	ssyncadd.s32 $0xFFFFC000  }
.LBB2_6:
.Ltmp5:
0x271: {  	s23 =	sadd.s32 s22, s7;
	(pc) =	sbr.rel @p0 .LBB2_8-.Ltmp5, $4  }
0x272: {  	[tilespmem:s3], [sflag:$0x1] =	stream.linear.gather [hbm4b:s23+s3], $0x4000, $0x38;
	[tilespmem:$0x10080] =	vst v63  }
0x273: {  	_ =	swait.ge [sflag:s16], $0x4000  }
0x274: {  	[sflag:s16] =	ssyncset.done $0x0  }
0x275: {  	[sflag:s16] =	ssyncadd.s32 $0xFFFFC000  }
.LBB2_7:
0x276: {  	_ =	swait.ge [sflag:s17], $0x4000  }
0x277: {  	[sflag:s17] =	ssyncset.done $0x0  }
0x278: {  	[sflag:s17] =	ssyncadd.s32 $0xFFFFC000  }
.LBB2_8:
0x279: {  	s23 =	simm.s32 $0x0  }
0x27a: {  	s24 =	sand.u32 $0x3800, s23;
	s23 =	sand.u32 $0x380, s23  }
0x27b: {  	v1 =	vld [tilespmem:$0x1FFD0];
	s24 =	sor.u32 s23, s24  }
0x27c: {  	v2 =	vld [tilespmem:s24+$0x4470]  }
0x27d: {  	v28 =	vld [tilespmem:s24+$0x4000]  }
0x27e: {  	v29 =	vld [tilespmem:s24+$0x4010]  }
0x27f: {  	v30 =	vld [tilespmem:s24+$0x4020]  }
0x280: {  	v31 =	vld [tilespmem:s24+$0x4030]  }
0x281: {  	v32 =	vld [tilespmem:s24+$0x4040]  }
0x282: {  	v33 =	vld [tilespmem:s24+$0x4050]  }
0x283: {  	v34 =	vld [tilespmem:s24+$0x4060]  }
0x284: {  	v35 =	vld [tilespmem:s24+$0x4070]  }
0x285: {  	v36 =	vld [tilespmem:s24+$0x4400]  }
0x286: {  	v38 =	vld [tilespmem:s24+$0x4410]  }
0x287: {  	v39 =	vld [tilespmem:s24+$0x4420]  }
0x288: {  	v40 =	vld [tilespmem:s24+$0x4430];
	vm0 =	vlt.f32 v2, v1;
	vm1 =	vlt.f32 v2, v62  }
0x289: {  	v2 =	vadd.f32 v2, v2;
	vm12 =	vlt.f32 v28, v1;
	vm13 =	vlt.f32 v29, v1  }
0x28a: {  	vm2 =	vlt.f32 v30, v1;
	vm3 =	vlt.f32 v31, v1;
	vm14 =	vlt.f32 v32, v1  }
0x28b: {  	vm15 =	vlt.f32 v33, v1;
	vm4 =	vlt.f32 v34, v1;
	vm8 =	vlt.f32 v35, v1  }
0x28c: {  	vm9 =	vlt.f32 v36, v1;
	vm10 =	vlt.f32 v38, v1;
	vm5 =	vlt.f32 v39, v1  }
0x28d: {  	vm11 =	vlt.f32 v40, v1;
	vm6 =	vlt.f32 v31, v62;
	vm7 =	vlt.f32 v32, v62  }
0x28e: {  	v31 =	vadd.f32 v31, v31;
	v32 =	vadd.f32 v32, v32;
	v3 =	vsel vm0, v62, v1  }
0x28f: {  	v46 =	vld [tilespmem:s24+$0x4450];
	v4 =	vsel vm0, v1, v20;
	v5 =	vsel vm12, v1, v20;
	v7 =	vsel vm13, v62, v1  }
0x290: {  	v47 =	vld [tilespmem:s24+$0x4460];
	v8 =	vsel vm13, v1, v20;
	v9 =	vsel vm2, v62, v1;
	v10 =	vsel vm2, v1, v20  }
0x291: {  	v11 =	vsel vm3, v62, v1;
	v12 =	vsel vm3, v1, v20;
	v13 =	vsel vm14, v62, v1  }
0x292: {  	v14 =	vsel vm14, v1, v20;
	v15 =	vsel vm15, v62, v1;
	v16 =	vsel vm4, v62, v1  }
0x293: {  	v17 =	vsel vm4, v1, v20;
	v18 =	vsel vm8, v62, v1;
	v26 =	vsel vm8, v1, v20  }
0x294: {  	vm13 =	vlt.f32 v46, v1;
	v48 =	vsel vm9, v62, v1;
	v49 =	vsel vm9, v1, v20  }
0x295: {  	vm14 =	vlt.f32 v47, v1;
	v50 =	vsel vm10, v62, v1;
	v51 =	vsel vm10, v1, v20  }
0x296: {  	v52 =	vsel vm5, v62, v1;
	v53 =	vsel vm5, v1, v20;
	v54 =	vsel vm11, v62, v1  }
0x297: {  	v42 =	vld [tilespmem:s24+$0x4440];
	v55 =	vsel vm11, v1, v20;
	vm3 =	vlt.f32 v28, v62;
	vm4 =	vlt.f32 v29, v62  }
0x298: {  	vm5 =	vlt.f32 v30, v62;
	vm8 =	vlt.f32 v33, v62;
	vm9 =	vlt.f32 v34, v62  }
0x299: {  	v43 =	vld [tilespmem:$0x1FFE0];
	v28 =	vadd.f32 v28, v28;
	v3 =	vsel vm1, v19, v3;
	v6 =	vsel vm1, v62, v4  }
0x29a: {  	v44 =	vld [tilespmem:$0x1FFE0];
	vm10 =	vlt.f32 v35, v62;
	v29 =	vadd.f32 v29, v29;
	v4 =	vadd.f32 v6, v3  }
0x29b: {  	vm11 =	vlt.f32 v36, v62;
	v30 =	vadd.f32 v30, v30;
	v33 =	vadd.f32 v33, v33  }
0x29c: {  	vm2 =	vlt.f32 v42, v62;
	v34 =	vadd.f32 v34, v34;
	v2 =	vsub.f32 v4, v2  }
0x29d: {  	v35 =	vadd.f32 v35, v35;
	v36 =	vadd.f32 v36, v36;
	v58 =	vsel vm13, v62, v1  }
0x29e: {  	v59 =	vsel vm13, v1, v43;
	v60 =	vsel vm14, v62, v1;
	v2 =	vmul.f32 $5.000000000e+01, v2  }
0x29f: {  	v61 =	vsel vm14, v1, v44;
	vm13 =	vlt.f32 v39, v62;
	vm14 =	vlt.f32 v40, v62  }
0x2a0: {  	v0 =	vmovc v19;
	vm1 =	vlt.f32 v46, v62;
	v24 =	vsel vm3, v62, v5;
	v2 =	vadd.f32 $0.0e+00, v2  }
0x2a1: {  	v41 =	vsel vm4, v0, v7;
	v5 =	vsel vm4, v62, v8;
	v44 =	vsel vm5, v0, v9  }
0x2a2: {  	v43 =	vsel vm7, v0, v13;
	v37 =	vsel vm8, v0, v15;
	v2 =	vmul.f32 $1.442695020e+00, v2  }
0x2a3: {  	v21 =	vsel vm9, v0, v16;
	v22 =	vsel vm9, v62, v17;
	v18 =	vsel vm10, v0, v18  }
0x2a4: {  	v27 =	vsel vm10, v62, v26;
	v16 =	vsel vm11, v0, v48;
	(erf) = vpow2.f32 v2  }
0x2a5: {  	v26 =	vsel vm11, v62, v49;
	v39 =	vadd.f32 v39, v39;
	v40 =	vadd.f32 v40, v40  }
0x2a6: {  	v46 =	vadd.f32 v46, v46;
	v13 =	vsel vm14, v62, v55;
	v49 =	vadd.f32 v5, v41  }
0x2a7: {  	v8 =	vsel vm1, v0, v58;
	v55 =	vadd.f32 v26, v16;
	v4 =	vsel vm12, v62, v1  }
0x2a8: {  	vm12 =	vlt.f32 v42, v1;
	v42 =	vadd.f32 v42, v42;
	v29 =	vsub.f32 v49, v29  }
0x2a9: {  	v55 =	vsub.f32 v55, v36;
	v56 =	vsel vm12, v62, v1;
	v57 =	vsel vm12, v1, v20  }
0x2aa: {  	vm12 =	vlt.f32 v38, v62;
	v23 =	vsel vm3, v0, v4;
	v4 =	vsel vm5, v62, v10  }
0x2ab: {  	v38 =	vadd.f32 v38, v38;
	v17 =	vsel vm12, v0, v50;
	v50 =	vsub.f32 v6, v3  }
0x2ac: {  	v15 =	vsel vm12, v62, v51;
	v6 =	vsel vm14, v0, v54;
	v48 =	vadd.f32 v24, v23  }
0x2ad: {  	v9 =	vsel vm2, v0, v56;
	v54 =	vadd.f32 v27, v18;
	v56 =	vadd.f32 v15, v17;
	v45 =	vpop (erf)  }
0x2ae: {  	v29 =	vmul.f32 $5.000000000e+01, v29;
	v58 =	vadd.f32 v13, v6;
	v19 =	vadd.f32 $1.000000000e+00, v45  }
0x2af: {  	v10 =	vsel vm2, v62, v57;
	v28 =	vsub.f32 v48, v28;
	v54 =	vsub.f32 v54, v35  }
0x2b0: {  	v29 =	vadd.f32 $0.0e+00, v29;
	v56 =	vsub.f32 v56, v38;
	(erf) = vrcp.f32 v19  }
0x2b1: {  	v35 =	vmul.f32 $5.000000000e+01, v55;
	v58 =	vsub.f32 v58, v40;
	v28 =	vmul.f32 $5.000000000e+01, v28  }
0x2b2: {  	v29 =	vmul.f32 $1.442695020e+00, v29;
	v36 =	vmul.f32 $5.000000000e+01, v56;
	v2 =	vsel vm15, v1, v20  }
0x2b3: {  	v20 =	vsel vm7, v62, v14;
	v14 =	vsel vm1, v62, v59;
	v59 =	vadd.f32 v10, v9  }
0x2b4: {  	vm15 =	vlt.f32 v47, v62;
	v28 =	vadd.f32 $0.0e+00, v28;
	v51 =	vadd.f32 v20, v43  }
0x2b5: {  	[tilespmem:$0x1F5D0] =	vst v6;
	v47 =	vadd.f32 v47, v47;
	v25 =	vsel vm8, v62, v2;
	v6 =	vsel vm15, v62, v61  }
0x2b6: {  	v59 =	vsub.f32 v59, v42;
	v28 =	vmul.f32 $1.442695020e+00, v28;
	v51 =	vsub.f32 v51, v32  }
0x2b7: {  	v45 =	vsel vm6, v0, v11;
	v11 =	vsel vm13, v0, v52;
	v52 =	vadd.f32 v25, v37  }
0x2b8: {  	v19 =	vsel vm6, v62, v12;
	v12 =	vsel vm13, v62, v53;
	v53 =	vadd.f32 v22, v21  }
0x2b9: {  	v40 =	vmul.f32 $5.000000000e+01, v59;
	v52 =	vsub.f32 v52, v33;
	v57 =	vadd.f32 v12, v11;
	v7 =	vpop (erf)  }
0x2ba: {  	(erf) = vpow2.f32 v28;
	v53 =	vsub.f32 v53, v34;
	v2 =	vmul.f32 v7, v50  }
0x2bb: {  	v32 =	vmul.f32 $5.000000000e+01, v52;
	v34 =	vmul.f32 $5.000000000e+01, v54;
	v50 =	vadd.f32 v4, v44  }
0x2bc: {  	(erf) = vpow2.f32 v29;
	v2 =	vadd.f32 v2, v3;
	v3 =	vadd.f32 v19, v45  }
0x2bd: {  	v57 =	vsub.f32 v57, v39;
	v39 =	vmul.f32 $5.000000000e+01, v58;
	v30 =	vsub.f32 v50, v30  }
0x2be: {  	v33 =	vmul.f32 $5.000000000e+01, v53;
	v32 =	vadd.f32 $0.0e+00, v32;
	v3 =	vsub.f32 v3, v31  }
0x2bf: {  	v29 =	vadd.f32 $0.0e+00, v34;
	v38 =	vmul.f32 $5.000000000e+01, v57;
	v30 =	vmul.f32 $5.000000000e+01, v30  }
0x2c0: {  	v28 =	vadd.f32 $0.0e+00, v33;
	v32 =	vmul.f32 $1.442695020e+00, v32;
	v3 =	vmul.f32 $5.000000000e+01, v3  }
0x2c1: {  	v29 =	vmul.f32 $1.442695020e+00, v29;
	v31 =	vmul.f32 $5.000000000e+01, v51;
	v30 =	vadd.f32 $0.0e+00, v30  }
0x2c2: {  	v7 =	vsel vm15, v0, v60;
	v60 =	vadd.f32 v14, v8;
	v3 =	vadd.f32 $0.0e+00, v3  }
0x2c3: {  	v61 =	vadd.f32 v6, v7;
	v31 =	vadd.f32 $0.0e+00, v31;
	v30 =	vmul.f32 $1.442695020e+00, v30  }
0x2c4: {  	v28 =	vmul.f32 $1.442695020e+00, v28;
	v63 =	vsub.f32 v60, v46;
	v3 =	vmul.f32 $1.442695020e+00, v3  }
0x2c5: {  	v48 =	vsub.f32 v61, v47;
	v31 =	vmul.f32 $1.442695020e+00, v31;
	(erf) = vpow2.f32 v30  }
0x2c6: {  	v42 =	vmul.f32 $5.000000000e+01, v63;
	v51 =	vadd.f32 $0.0e+00, v39;
	(erf) = vpow2.f32 v3  }
0x2c7: {  	s26 =	simm.s32 $0x100;
	s25 =	simm.s32 $0x80;
	v49 =	vadd.f32 $0.0e+00, v35;
	v46 =	vmul.f32 $5.000000000e+01, v48;
	(erf) = vpow2.f32 v31  }
0x2c8: {  	s25 =	sand.u32 $0x380, s25;
	s23 =	sand.u32 $0x3800, s26;
	[tilespmem:s24+$0xC470] =	vst v2;
	v2 =	vmul.f32 $1.442695020e+00, v51;
	v3 =	vadd.f32 $0.0e+00, v36;
	(erf) = vpow2.f32 v32  }
0x2c9: {  	s23 =	sor.u32 s25, s23;
	v50 =	vadd.f32 $0.0e+00, v38;
	v30 =	vmul.f32 $1.442695020e+00, v49;
	(erf) = vpow2.f32 v28  }
0x2ca: {  	v3 =	vmul.f32 $1.442695020e+00, v3;
	v28 =	vadd.f32 $0.0e+00, v40;
	(erf) = vpow2.f32 v29;
	v29 =	vld [tilespmem:s23+$0x4470]  }
0x2cb: {  	[tilespmem:$0x1F720] =	vst v6;
	v6 =	vld [tilespmem:$0x1FFE0];
	v53 =	vadd.f32 $0.0e+00, v46;
	v31 =	vmul.f32 $1.442695020e+00, v50;
	(erf) = vpow2.f32 v30  }
0x2cc: {  	v54 =	vpop (erf);
	v52 =	vadd.f32 $0.0e+00, v42;
	v28 =	vmul.f32 $1.442695020e+00, v28;
	(erf) = vpow2.f32 v3  }
0x2cd: {  	v55 =	vadd.f32 $1.000000000e+00, v54;
	v56 =	vpop (erf);
	v30 =	vmul.f32 $1.442695020e+00, v53;
	(erf) = vpow2.f32 v31  }
0x2ce: {  	v57 =	vadd.f32 $1.000000000e+00, v56;
	v3 =	vmul.f32 $1.442695020e+00, v52;
	(erf) = vpow2.f32 v2  }
0x2cf: {  	v58 =	vpop (erf);
	(erf) = vpow2.f32 v28;
	vm9 =	vlt.f32 v29, v1;
	vm10 =	vlt.f32 v29, v62  }
0x2d0: {  	v28 =	vpop (erf);
	v29 =	vadd.f32 v29, v29;
	v59 =	vsel vm9, v62, v1;
	v60 =	vsel vm9, v1, v6  }
0x2d1: {  	[tilespmem:$0x1F590] =	vst v26;
	v61 =	vpop (erf);
	(erf) = vpow2.f32 v3;
	v26 =	vsel vm10, v0, v59;
	v34 =	vsel vm10, v62, v60  }
0x2d2: {  	v28 =	vadd.f32 $1.000000000e+00, v28;
	v63 =	vpop (erf);
	(erf) = vpow2.f32 v30;
	v36 =	vadd.f32 v34, v26  }
0x2d3: {  	v32 =	vadd.f32 $1.000000000e+00, v58;
	(erf) = vrcp.f32 v55;
	v38 =	vpop (erf)  }
0x2d4: {  	(erf) = vrcp.f32 v57;
	v39 =	vpop (erf);
	v29 =	vsub.f32 v36, v29  }
0x2d5: {  	v40 =	vadd.f32 $1.000000000e+00, v61;
	(erf) = vrcp.f32 v32;
	v42 =	vpop (erf)  }
0x2d6: {  	v33 =	vadd.f32 $1.000000000e+00, v63;
	(erf) = vrcp.f32 v28;
	v28 =	vpop (erf);
	v29 =	vmul.f32 $5.000000000e+01, v29  }
0x2d7: {  	v31 =	vadd.f32 $1.000000000e+00, v38;
	v2 =	vadd.f32 $1.000000000e+00, v39;
	(erf) = vrcp.f32 v40;
	v30 =	vpop (erf)  }
0x2d8: {  	v32 =	vadd.f32 $1.000000000e+00, v42;
	(erf) = vrcp.f32 v33;
	v46 =	vpop (erf);
	v29 =	vadd.f32 $0.0e+00, v29  }
0x2d9: {  	(erf) = vrcp.f32 v31;
	v47 =	vpop (erf)  }
0x2da: {  	(erf) = vrcp.f32 v2;
	v3 =	vpop (erf);
	v29 =	vmul.f32 $1.442695020e+00, v29  }
0x2db: {  	(erf) = vrcp.f32 v32;
	v51 =	vpop (erf)  }
0x2dc: {  	v32 =	vpop (erf);
	(erf) = vpow2.f32 v29  }
0x2dd: {  	v36 =	vpop (erf)  }
0x2de: {  	v38 =	vpop (erf)  }
0x2df: {  	v39 =	vpop (erf)  }
0x2e0: {  	[tilespmem:$0x1F6D0] =	vst v7;
	v7 =	vld [tilespmem:$0x1FFE0];
	v40 =	vpop (erf)  }
0x2e1: {  	v48 =	vld [tilespmem:s23+$0x4000];
	v42 =	vpop (erf)  }
0x2e2: {  	[tilespmem:$0x1F600] =	vst v10;
	v10 =	vld [tilespmem:s23+$0x4050];
	v52 =	vpop (erf)  }
0x2e3: {  	v24 =	vsub.f32 v24, v23;
	v35 =	vld [tilespmem:s23+$0x4060];
	v33 =	vpop (erf)  }
0x2e4: {  	[tilespmem:$0x1F620] =	vst v14;
	v14 =	vsub.f32 v27, v18;
	v54 =	vsub.f32 v4, v44;
	v53 =	vld [tilespmem:s23+$0x4010];
	v55 =	vpop (erf)  }
0x2e5: {  	v19 =	vsub.f32 v19, v45;
	v49 =	vsub.f32 v5, v41;
	v58 =	vld [tilespmem:s23+$0x4020];
	v29 =	vpop (erf)  }
0x2e6: {  	v60 =	vsub.f32 v25, v37;
	v25 =	vld [tilespmem:s23+$0x4030];
	v5 =	vadd.f32 $1.000000000e+00, v29  }
0x2e7: {  	vm11 =	vlt.f32 v48, v1;
	vm8 =	vlt.f32 v10, v1;
	v61 =	vsub.f32 v22, v21;
	v22 =	vld [tilespmem:s23+$0x4040]  }
0x2e8: {  	vm6 =	vlt.f32 v10, v62;
	(erf) = vrcp.f32 v5;
	v5 =	vadd.f32 $1.000000000e+00, v3;
	v3 =	vld [tilespmem:$0x1FFE0]  }
0x2e9: {  	[tilespmem:$0x1F610] =	vst v8;
	vm7 =	vlt.f32 v35, v62;
	v8 =	vsel vm8, v1, v7;
	vm12 =	vlt.f32 v53, v1;
	v63 =	vld [tilespmem:s23+$0x4070]  }
0x2ea: {  	vm9 =	vlt.f32 v35, v1;
	v6 =	vsel vm8, v62, v1;
	v35 =	vadd.f32 v35, v35  }
0x2eb: {  	v59 =	vsub.f32 v20, v43;
	v7 =	vsel vm9, v62, v1;
	vm13 =	vlt.f32 v58, v1  }
0x2ec: {  	v34 =	vsub.f32 v34, v26;
	v50 =	vsel vm13, v62, v1;
	vm14 =	vlt.f32 v25, v1  }
0x2ed: {  	vm15 =	vlt.f32 v22, v1;
	v56 =	vadd.f32 $1.000000000e+00, v30;
	v30 =	vsel vm11, v1, v3;
	v3 =	vld [tilespmem:$0x1FFE0]  }
0x2ee: {  	v4 =	vsel vm14, v62, v1;
	vm10 =	vlt.f32 v63, v1;
	vm8 =	vlt.f32 v63, v62  }
0x2ef: {  	v27 =	vadd.f32 $1.000000000e+00, v46;
	v2 =	vadd.f32 $1.000000000e+00, v28;
	v19 =	vmul.f32 v39, v19  }
0x2f0: {  	v46 =	vsel vm12, v62, v1;
	v31 =	vadd.f32 $1.000000000e+00, v47;
	v28 =	vsel vm11, v62, v1  }
0x2f1: {  	v40 =	vmul.f32 v40, v59;
	v19 =	vadd.f32 v19, v45;
	(erf) = vrcp.f32 v2  }
0x2f2: {  	v61 =	vmul.f32 v52, v61;
	(erf) = vrcp.f32 v56;
	v47 =	vsel vm12, v1, v3;
	v3 =	vld [tilespmem:$0x1FFE0]  }
0x2f3: {  	v52 =	vadd.f32 v63, v63;
	v14 =	vmul.f32 v33, v14;
	(erf) = vrcp.f32 v27  }
0x2f4: {  	(erf) = vrcp.f32 v31;
	v31 =	vmul.f32 v38, v54;
	v54 =	vadd.f32 v58, v58;
	v57 =	vpop (erf)  }
0x2f5: {  	vm11 =	vlt.f32 v48, v62;
	(erf) = vrcp.f32 v5;
	v34 =	vmul.f32 v57, v34;
	v57 =	vld [tilespmem:$0x1FFE0]  }
0x2f6: {  	v56 =	vsel vm11, v62, v30;
	vm12 =	vlt.f32 v53, v62;
	v53 =	vadd.f32 v53, v53  }
0x2f7: {  	v30 =	vsel vm12, v0, v46;
	v29 =	vsel vm13, v1, v3;
	v3 =	vld [tilespmem:$0x1FFE0];
	vm13 =	vlt.f32 v58, v62  }
0x2f8: {  	[tilespmem:$0x1F5C0] =	vst v12;
	v46 =	vadd.f32 v48, v48;
	v12 =	vsel vm13, v0, v50;
	v50 =	vsel vm13, v62, v29  }
0x2f9: {  	[tilespmem:$0x1F5E0] =	vst v13;
	v13 =	vsel vm11, v0, v28;
	v34 =	vadd.f32 v34, v26;
	v5 =	vadd.f32 v50, v12  }
0x2fa: {  	v2 =	vsel vm15, v1, v57;
	v57 =	vsel vm12, v62, v47;
	v29 =	vmul.f32 v36, v49  }
0x2fb: {  	[tilespmem:$0x1F5F0] =	vst v9;
	v49 =	vsel vm10, v62, v1;
	v9 =	vsub.f32 v5, v54;
	v5 =	vsel vm7, v0, v7  }
0x2fc: {  	v58 =	vld [tilespmem:s23+$0x4400];
	v20 =	vsel vm14, v1, v3;
	v3 =	vsel vm15, v62, v1;
	vm14 =	vlt.f32 v25, v62  }
0x2fd: {  	[tilespmem:$0x1F5A0] =	vst v15;
	vm15 =	vlt.f32 v22, v62;
	v25 =	vadd.f32 v25, v25;
	v22 =	vadd.f32 v22, v22  }
0x2fe: {  	v59 =	vld [tilespmem:s23+$0x4410];
	[tilespmem:$0x1F700] =	vst v13;
	v47 =	vsel vm14, v0, v4;
	v26 =	vsel vm14, v62, v20;
	v4 =	vsel vm15, v0, v3  }
0x2ff: {  	v54 =	vld [tilespmem:s23+$0x4420];
	v15 =	vsel vm15, v62, v2;
	v2 =	vadd.f32 v56, v13;
	v3 =	vadd.f32 v57, v30;
	[tilespmem:$0x1F650] =	vst v4  }
0x300: {  	v20 =	vmovc v13;
	v13 =	vmul.f32 v32, v24;
	v24 =	vadd.f32 v26, v47;
	v32 =	vadd.f32 v15, v4;
	v4 =	vld [tilespmem:$0x1FFE0]  }
0x301: {  	vm13 =	vlt.f32 v58, v62;
	v2 =	vsub.f32 v2, v46;
	v39 =	vsub.f32 v3, v53;
	v3 =	vld [tilespmem:$0x1FFE0]  }
0x302: {  	[tilespmem:$0x1F660] =	vst v15;
	v46 =	vsel vm6, v0, v6;
	v53 =	vsel vm6, v62, v8;
	v15 =	vmul.f32 v42, v60  }
0x303: {  	v42 =	vadd.f32 v10, v10;
	v8 =	vadd.f32 v53, v46;
	v2 =	vmul.f32 $5.000000000e+01, v2  }
0x304: {  	vm11 =	vlt.f32 v54, v1;
	vm15 =	vlt.f32 v54, v62;
	v54 =	vadd.f32 v54, v54  }
0x305: {  	[tilespmem:$0x1F630] =	vst v12;
	vm14 =	vlt.f32 v59, v62;
	v12 =	vsub.f32 v32, v22;
	v2 =	vadd.f32 $0.0e+00, v2  }
0x306: {  	v36 =	vsel vm9, v1, v4;
	v3 =	vsel vm10, v1, v3;
	v4 =	vsel vm8, v0, v49  }
0x307: {  	vm9 =	vlt.f32 v58, v1;
	vm10 =	vlt.f32 v59, v1;
	v6 =	vsel vm7, v62, v36  }
0x308: {  	[tilespmem:$0x1F640] =	vst v26;
	v32 =	vld [tilespmem:s23+$0x4430];
	v49 =	vsel vm8, v62, v3;
	v36 =	vsel vm11, v62, v1;
	v3 =	vadd.f32 v6, v5  }
0x309: {  	[tilespmem:$0x1F690] =	vst v4;
	v63 =	vsel vm10, v62, v1;
	v48 =	vadd.f32 v49, v4;
	v4 =	vld [tilespmem:$0x1FFE0];
	v26 =	vsel vm15, v0, v36  }
0x30a: {  	[tilespmem:$0x1F680] =	vst v6;
	v36 =	vadd.f32 v58, v58;
	v58 =	vld [tilespmem:s23+$0x4440];
	v6 =	vmul.f32 $1.442695020e+00, v2;
	v35 =	vsub.f32 v3, v35  }
0x30b: {  	[tilespmem:$0x1F5B0] =	vst v11;
	v3 =	vsel vm9, v62, v1;
	v11 =	vsub.f32 v48, v52;
	v48 =	vsel vm14, v0, v63;
	v63 =	vld [tilespmem:s23+$0x4450]  }
0x30c: {  	v10 =	vsub.f32 v8, v42;
	v12 =	vmul.f32 $5.000000000e+01, v12;
	v27 =	vsel vm13, v0, v3;
	v3 =	vld [tilespmem:$0x1FFE0]  }
0x30d: {  	v38 =	vsub.f32 v24, v25;
	v59 =	vadd.f32 v59, v59;
	(erf) = vpow2.f32 v6;
	v6 =	vld [tilespmem:$0x1FFE0]  }
0x30e: {  	v10 =	vmul.f32 $5.000000000e+01, v10;
	v12 =	vadd.f32 $0.0e+00, v12;
	v60 =	vsel vm9, v1, v4;
	v4 =	vld [tilespmem:$0x1FFE0]  }
0x30f: {  	vm12 =	vlt.f32 v32, v1;
	v8 =	vadd.f32 v32, v32;
	v52 =	vsel vm13, v62, v60  }
0x310: {  	v7 =	vld [tilespmem:s23+$0x4460];
	[tilespmem:$0x1F670] =	vst v5;
	v12 =	vmul.f32 $1.442695020e+00, v12;
	vm9 =	vlt.f32 v32, v62;
	v5 =	vadd.f32 v52, v27  }
0x311: {  	vm13 =	vlt.f32 v58, v62;
	v3 =	vsel vm10, v1, v3;
	vm10 =	vlt.f32 v58, v1  }
0x312: {  	v42 =	vsel vm14, v62, v3;
	v5 =	vsub.f32 v5, v36;
	vm14 =	vlt.f32 v63, v62  }
0x313: {  	v3 =	vld [tilespmem:$0x1FFE0];
	v6 =	vsel vm10, v1, v6;
	v22 =	vsel vm11, v1, v4;
	v4 =	vadd.f32 v42, v48  }
0x314: {  	vm11 =	vlt.f32 v63, v1;
	v24 =	vsel vm15, v62, v22;
	v22 =	vsel vm12, v62, v1  }
0x315: {  	vm15 =	vlt.f32 v7, v62;
	v5 =	vmul.f32 $5.000000000e+01, v5;
	v25 =	vsel vm9, v0, v22  }
0x316: {  	v22 =	vadd.f32 v24, v26;
	v4 =	vsub.f32 v4, v59;
	v59 =	vsel vm10, v62, v1  }
0x317: {  	[tilespmem:$0x1F6E0] =	vst v24;
	v24 =	vsel vm13, v62, v6;
	v6 =	vmul.f32 $5.000000000e+01, v39;
	v39 =	vadd.f32 v63, v63  }
0x318: {  	v63 =	vmul.f32 $5.000000000e+01, v35;
	v60 =	vsel vm12, v1, v3;
	v54 =	vsub.f32 v22, v54;
	v22 =	vld [tilespmem:$0x1FFE0]  }
0x319: {  	v28 =	vsel vm13, v0, v59;
	v6 =	vadd.f32 $0.0e+00, v6;
	v32 =	vsel vm9, v62, v60;
	v60 =	vld [tilespmem:$0x1FFE0]  }
0x31a: {  	v5 =	vadd.f32 $0.0e+00, v5;
	vm12 =	vlt.f32 v7, v1;
	v3 =	vadd.f32 v32, v25  }
0x31b: {  	v7 =	vadd.f32 v7, v7;
	v4 =	vmul.f32 $5.000000000e+01, v4;
	v6 =	vmul.f32 $1.442695020e+00, v6  }
0x31c: {  	v5 =	vmul.f32 $1.442695020e+00, v5;
	v3 =	vsub.f32 v3, v8;
	v8 =	vsel vm11, v62, v1  }
0x31d: {  	[tilespmem:$0x1F6B0] =	vst v26;
	v4 =	vadd.f32 $0.0e+00, v4;
	(erf) = vpow2.f32 v6;
	v26 =	vsel vm14, v0, v8  }
0x31e: {  	v8 =	vsel vm12, v62, v1;
	v36 =	vsel vm12, v1, v22;
	v2 =	vsel vm11, v1, v60  }
0x31f: {  	v33 =	vsel vm15, v0, v8;
	v8 =	vmul.f32 $5.000000000e+01, v9;
	v9 =	vadd.f32 v58, v58  }
0x320: {  	[tilespmem:$0x1F6C0] =	vst v25;
	v25 =	vsel vm15, v62, v36;
	v36 =	vadd.f32 v24, v28;
	v3 =	vmul.f32 $5.000000000e+01, v3  }
0x321: {  	v2 =	vsel vm14, v62, v2;
	v22 =	vadd.f32 v25, v33;
	v8 =	vadd.f32 $0.0e+00, v8  }
0x322: {  	[tilespmem:$0x1F750] =	vst v2;
	v2 =	vadd.f32 v2, v26;
	v9 =	vsub.f32 v36, v9;
	v36 =	vmul.f32 $5.000000000e+01, v11  }
0x323: {  	v11 =	vadd.f32 v15, v37;
	v3 =	vadd.f32 $0.0e+00, v3;
	v8 =	vmul.f32 $1.442695020e+00, v8  }
0x324: {  	v60 =	vmul.f32 $5.000000000e+01, v38;
	v6 =	vsub.f32 v22, v7;
	v7 =	vadd.f32 v13, v23  }
0x325: {  	[tilespmem:s23+$0xC470] =	vst v34;
	v13 =	vadd.f32 v31, v44;
	(erf) = vpow2.f32 v8;
	v8 =	vadd.f32 v29, v41  }
0x326: {  	v38 =	vmul.f32 $5.000000000e+01, v54;
	v23 =	vadd.f32 $0.0e+00, v60;
	v39 =	vsub.f32 v2, v39;
	[tilespmem:s24+$0xC050] =	vst v11  }
0x327: {  	v4 =	vmul.f32 $1.442695020e+00, v4;
	v11 =	vadd.f32 v14, v18;
	[tilespmem:s24+$0xC010] =	vst v8;
	v8 =	vadd.f32 $0.0e+00, v10  }
0x328: {  	v14 =	vadd.f32 $0.0e+00, v38;
	[tilespmem:s24+$0xC000] =	vst v7;
	v7 =	vmul.f32 $5.000000000e+01, v9;
	v23 =	vmul.f32 $1.442695020e+00, v23  }
0x329: {  	[tilespmem:s24+$0xC020] =	vst v13;
	v13 =	vadd.f32 $0.0e+00, v36;
	v10 =	vadd.f32 $0.0e+00, v63;
	v8 =	vmul.f32 $1.442695020e+00, v8  }
0x32a: {  	[tilespmem:s24+$0xC030] =	vst v19;
	v29 =	vadd.f32 v40, v43;
	v9 =	vmul.f32 $5.000000000e+01, v39;
	(erf) = vpow2.f32 v23  }
0x32b: {  	s31 =	simm.s32 $0x200;
	s26 =	simm.s32 $0x100;
	v39 =	vadd.f32 v61, v21;
	[tilespmem:s24+$0xC070] =	vst v11;
	(erf) = vpow2.f32 v12;
	v10 =	vmul.f32 $1.442695020e+00, v10  }
0x32c: {  	s25 =	sand.u32 $0x3800, s31;
	s26 =	sand.u32 $0x380, s26;
	v13 =	vmul.f32 $1.442695020e+00, v13;
	[tilespmem:s24+$0xC040] =	vst v29;
	v12 =	vpop (erf);
	(erf) = vpow2.f32 v8  }
0x32d: {  	s25 =	sor.u32 s26, s25;
	v3 =	vmul.f32 $1.442695020e+00, v3;
	v7 =	vadd.f32 $0.0e+00, v7;
	[tilespmem:s24+$0xC060] =	vst v39;
	(erf) = vpow2.f32 v10;
	v8 =	vpop (erf)  }
0x32e: {  	v6 =	vmul.f32 $5.000000000e+01, v6;
	v9 =	vadd.f32 $0.0e+00, v9;
	(erf) = vpow2.f32 v13;
	v13 =	vld [tilespmem:s25+$0x4470];
	v11 =	vpop (erf)  }
0x32f: {  	v40 =	vld [tilespmem:$0x1FFE0];
	v10 =	vmul.f32 $1.442695020e+00, v14;
	(erf) = vpow2.f32 v5;
	v14 =	vpop (erf)  }
0x330: {  	v5 =	vadd.f32 $0.0e+00, v6;
	v6 =	vmul.f32 $1.442695020e+00, v7;
	(erf) = vpow2.f32 v4;
	v19 =	vpop (erf)  }
0x331: {  	v4 =	vmul.f32 $1.442695020e+00, v9;
	(erf) = vpow2.f32 v10;
	v7 =	vpop (erf)  }
0x332: {  	v5 =	vmul.f32 $1.442695020e+00, v5;
	(erf) = vpow2.f32 v3;
	v7 =	vadd.f32 $1.000000000e+00, v7;
	v9 =	vpop (erf)  }
0x333: {  	(erf) = vpow2.f32 v6;
	vm4 =	vlt.f32 v13, v1;
	v3 =	vadd.f32 $1.000000000e+00, v9;
	v9 =	vpop (erf)  }
0x334: {  	vm5 =	vlt.f32 v13, v62;
	v10 =	vsel vm4, v62, v1;
	v18 =	vsel vm4, v1, v40;
	v6 =	vpop (erf)  }
0x335: {  	v13 =	vadd.f32 v13, v13;
	v23 =	vsel vm5, v62, v18;
	v41 =	vpop (erf);
	(erf) = vpow2.f32 v4  }
0x336: {  	v9 =	vadd.f32 $1.000000000e+00, v9;
	v4 =	vsel vm5, v0, v10;
	(erf) = vpow2.f32 v5  }
0x337: {  	v6 =	vadd.f32 $1.000000000e+00, v6;
	v10 =	vpop (erf);
	v5 =	vadd.f32 v23, v4;
	(erf) = vrcp.f32 v7  }
0x338: {  	v7 =	vpop (erf);
	(erf) = vrcp.f32 v3  }
0x339: {  	v3 =	vpop (erf);
	v5 =	vsub.f32 v5, v13;
	v13 =	vadd.f32 $1.000000000e+00, v41;
	(erf) = vrcp.f32 v9  }
0x33a: {  	v44 =	vld [tilespmem:$0x1F590];
	v10 =	vadd.f32 $1.000000000e+00, v10;
	v7 =	vadd.f32 $1.000000000e+00, v7;
	v9 =	vpop (erf);
	(erf) = vrcp.f32 v6  }
0x33b: {  	v45 =	vld [tilespmem:$0x1F5A0];
	v3 =	vadd.f32 $1.000000000e+00, v3;
	v6 =	vpop (erf);
	v5 =	vmul.f32 $5.000000000e+01, v5;
	(erf) = vrcp.f32 v13  }
0x33c: {  	v54 =	vld [tilespmem:$0x1F5C0];
	v29 =	vpop (erf);
	(erf) = vrcp.f32 v10  }
0x33d: {  	v9 =	vadd.f32 $1.000000000e+00, v9;
	v13 =	vld [tilespmem:$0x1F5B0];
	v31 =	vpop (erf);
	v5 =	vadd.f32 $0.0e+00, v5;
	(erf) = vrcp.f32 v7  }
0x33e: {  	v7 =	vpop (erf);
	(erf) = vrcp.f32 v3  }
0x33f: {  	v3 =	vpop (erf);
	v5 =	vmul.f32 $1.442695020e+00, v5;
	(erf) = vrcp.f32 v9;
	v9 =	vsub.f32 v44, v16  }
0x340: {  	v43 =	vpop (erf)  }
0x341: {  	v34 =	vpop (erf);
	(erf) = vpow2.f32 v5;
	v5 =	vsub.f32 v45, v17;
	v9 =	vmul.f32 v55, v9  }
0x342: {  	v10 =	vsub.f32 v54, v13;
	v38 =	vpop (erf);
	v55 =	vld [tilespmem:$0x1F5D0]  }
0x343: {  	v39 =	vpop (erf);
	v5 =	vmul.f32 v12, v5;
	v12 =	vld [tilespmem:$0x1F5E0];
	v9 =	vadd.f32 v9, v16  }
0x344: {  	v8 =	vmul.f32 v8, v10;
	v10 =	vld [tilespmem:$0x1F5F0];
	v18 =	vpop (erf)  }
0x345: {  	v21 =	vpop (erf);
	[tilespmem:s24+$0xC400] =	vst v9;
	v9 =	vld [tilespmem:$0x1F600]  }
0x346: {  	v15 =	vadd.f32 v5, v17;
	v61 =	vpop (erf)  }
0x347: {  	v8 =	vadd.f32 v8, v13;
	v13 =	vld [tilespmem:$0x1F620];
	v59 =	vpop (erf)  }
0x348: {  	v16 =	vld [tilespmem:s25+$0x4000];
	[tilespmem:s24+$0xC410] =	vst v15;
	v12 =	vsub.f32 v12, v55;
	v5 =	vpop (erf)  }
0x349: {  	[tilespmem:$0x1F6F0] =	vst v26;
	v6 =	vadd.f32 $1.000000000e+00, v6;
	v7 =	vadd.f32 $1.000000000e+00, v7;
	v17 =	vld [tilespmem:s25+$0x4010];
	v26 =	vpop (erf)  }
0x34a: {  	[tilespmem:$0x1F710] =	vst v30;
	v44 =	vsub.f32 v56, v20;
	v11 =	vmul.f32 v11, v12;
	v12 =	vld [tilespmem:$0x1F610];
	v60 =	vpop (erf);
	v9 =	vsub.f32 v9, v10  }
0x34b: {  	v45 =	vsub.f32 v57, v30;
	v30 =	vld [tilespmem:$0x1FFE0];
	[tilespmem:s24+$0xC420] =	vst v8;
	v8 =	vadd.f32 $1.000000000e+00, v60  }
0x34c: {  	v37 =	vld [tilespmem:$0x1FFE0];
	v3 =	vadd.f32 $1.000000000e+00, v3;
	v11 =	vadd.f32 v11, v55;
	v9 =	vmul.f32 v14, v9  }
0x34d: {  	v2 =	vld [tilespmem:$0x1FFE0];
	vm6 =	vlt.f32 v16, v1;
	vm12 =	vlt.f32 v16, v62;
	(erf) = vrcp.f32 v8  }
0x34e: {  	v16 =	vadd.f32 v16, v16;
	v14 =	vld [tilespmem:s25+$0x4020];
	vm7 =	vlt.f32 v17, v1;
	v9 =	vadd.f32 v9, v10  }
0x34f: {  	v36 =	vld [tilespmem:$0x1FFE0];
	v63 =	vsel vm6, v62, v1;
	vm13 =	vlt.f32 v17, v62;
	[tilespmem:s24+$0xC430] =	vst v11;
	v15 =	vsub.f32 v13, v12  }
0x350: {  	v17 =	vadd.f32 v17, v17;
	v20 =	vsel vm7, v62, v1;
	v41 =	vsel vm7, v1, v30;
	v11 =	vld [tilespmem:s25+$0x4030];
	[tilespmem:s24+$0xC440] =	vst v9  }
0x351: {  	[tilespmem:$0x1F790] =	vst v43;
	v63 =	vsel vm12, v0, v63;
	(erf) = vrcp.f32 v6;
	v15 =	vmul.f32 v19, v15;
	v43 =	vld [tilespmem:s25+$0x4040]  }
0x352: {  	v19 =	vadd.f32 $1.000000000e+00, v31;
	v9 =	vsub.f32 v23, v4;
	v23 =	vsel vm6, v1, v2;
	v31 =	vld [tilespmem:$0x1FFE0]  }
0x353: {  	vm8 =	vlt.f32 v14, v1;
	v30 =	vsel vm12, v62, v23;
	v8 =	vadd.f32 v15, v12  }
0x354: {  	v15 =	vadd.f32 $1.000000000e+00, v51;
	v55 =	vsel vm8, v1, v36;
	v6 =	vadd.f32 v30, v63  }
0x355: {  	vm9 =	vlt.f32 v11, v1;
	vm15 =	vlt.f32 v11, v62;
	[tilespmem:s24+$0xC450] =	vst v8;
	v8 =	vadd.f32 $1.000000000e+00, v29  }
0x356: {  	v57 =	vsel vm9, v1, v37;
	v37 =	vsel vm13, v0, v20;
	v29 =	vld [tilespmem:s25+$0x4050];
	v22 =	vpop (erf);
	vm10 =	vlt.f32 v43, v1  }
0x357: {  	v9 =	vmul.f32 v22, v9;
	v35 =	vsel vm10, v1, v31;
	v31 =	vsub.f32 v6, v16;
	v6 =	vld [tilespmem:$0x1FFE0]  }
0x358: {  	v60 =	vsel vm15, v62, v57;
	(erf) = vrcp.f32 v8;
	vm4 =	vlt.f32 v43, v62  }
0x359: {  	v51 =	vsel vm10, v62, v1;
	(erf) = vrcp.f32 v19;
	v40 =	vadd.f32 v9, v4  }
0x35a: {  	v4 =	vsel vm13, v62, v41;
	(erf) = vrcp.f32 v7;
	v2 =	vsel vm4, v0, v51  }
0x35b: {  	v13 =	vld [tilespmem:$0x1F630];
	v51 =	vsel vm4, v62, v35;
	v8 =	vadd.f32 v4, v37;
	vm11 =	vlt.f32 v29, v1  }
0x35c: {  	vm5 =	vlt.f32 v29, v62;
	v36 =	vsel vm11, v62, v1;
	v41 =	vsel vm11, v1, v6  }
0x35d: {  	[tilespmem:$0x1F740] =	vst v24;
	(erf) = vrcp.f32 v3;
	v24 =	vsel vm5, v0, v36;
	v35 =	vsel vm5, v62, v41  }
0x35e: {  	(erf) = vrcp.f32 v15;
	v15 =	vadd.f32 v29, v29;
	v57 =	vadd.f32 v35, v24  }
0x35f: {  	vm14 =	vlt.f32 v14, v62;
	[tilespmem:$0x1F880] =	vst v40;
	v40 =	vsub.f32 v8, v17;
	v8 =	vadd.f32 v14, v14;
	v14 =	vld [tilespmem:s25+$0x4060]  }
0x360: {  	v56 =	vsel vm9, v62, v1;
	v29 =	vsub.f32 v50, v13;
	v50 =	vsub.f32 v57, v15;
	v15 =	vld [tilespmem:$0x1FFE0]  }
0x361: {  	v22 =	vsel vm15, v0, v56  }
0x362: {  	v11 =	vadd.f32 v11, v11;
	v3 =	vadd.f32 v60, v22  }
0x363: {  	v58 =	vld [tilespmem:s25+$0x4070]  }
0x364: {  	v3 =	vsub.f32 v3, v11;
	vm6 =	vlt.f32 v14, v1  }
0x365: {  	vm7 =	vlt.f32 v14, v62;
	v11 =	vsel vm6, v62, v1;
	v15 =	vsel vm6, v1, v15  }
0x366: {  	v19 =	vsel vm7, v0, v11;
	v20 =	vsel vm7, v62, v15  }
0x367: {  	v14 =	vadd.f32 v14, v14;
	v15 =	vadd.f32 v20, v19  }
0x368: {  	v23 =	vmul.f32 v38, v45;
	v54 =	vsel vm8, v62, v1;
	vm8 =	vlt.f32 v58, v1  }
0x369: {  	[tilespmem:$0x1F7D0] =	vst v4;
	v4 =	vld [tilespmem:$0x1F640];
	vm10 =	vlt.f32 v58, v62;
	v45 =	vsub.f32 v15, v14;
	v14 =	vsel vm8, v62, v1  }
0x36a: {  	v10 =	vsel vm10, v0, v14;
	v14 =	vld [tilespmem:$0x1FFE0]  }
0x36b: {  	v12 =	vsel vm14, v0, v54;
	v54 =	vsel vm14, v62, v55  }
0x36c: {  	v7 =	vadd.f32 v54, v12  }
0x36d: {  	v36 =	vld [tilespmem:$0x1F650]  }
0x36e: {  	[tilespmem:$0x1F7F0] =	vst v54;
	v54 =	vsub.f32 v7, v8;
	v7 =	vmul.f32 v34, v44;
	v44 =	vld [tilespmem:s25+$0x4400]  }
0x36f: {  	[tilespmem:$0x1F8B0] =	vst v47;
	v47 =	vsub.f32 v4, v47;
	v4 =	vld [tilespmem:$0x1F660];
	v14 =	vsel vm8, v1, v14  }
0x370: {  	v16 =	vsel vm10, v62, v14;
	v14 =	vld [tilespmem:$0x1FFE0]  }
0x371: {  	[tilespmem:$0x1F7B0] =	vst v30;
	v30 =	vld [tilespmem:$0x1F690];
	v55 =	vadd.f32 v43, v43;
	v56 =	vadd.f32 v51, v2  }
0x372: {  	[tilespmem:$0x1F8F0] =	vst v46;
	v38 =	vsub.f32 v53, v46;
	v46 =	vld [tilespmem:s25+$0x4410]  }
0x373: {  	v53 =	vld [tilespmem:s25+$0x4420];
	v43 =	vsub.f32 v56, v55;
	v39 =	vmul.f32 v39, v29;
	v34 =	vadd.f32 v58, v58  }
0x374: {  	v55 =	vld [tilespmem:s25+$0x4430];
	vm9 =	vlt.f32 v44, v1;
	v29 =	vsub.f32 v4, v36;
	v41 =	vadd.f32 v16, v10  }
0x375: {  	vm11 =	vlt.f32 v44, v62;
	v4 =	vld [tilespmem:$0x1F680];
	v15 =	vsel vm9, v62, v1;
	v14 =	vsel vm9, v1, v14  }
0x376: {  	v17 =	vsel vm11, v62, v14;
	v14 =	vmul.f32 v21, v29;
	v29 =	vsub.f32 v41, v34;
	v41 =	vld [tilespmem:$0x1F670]  }
0x377: {  	[tilespmem:$0x1F770] =	vst v25;
	v31 =	vmul.f32 $5.000000000e+01, v31;
	v56 =	vld [tilespmem:$0x1FFE0];
	v25 =	vsel vm11, v0, v15  }
0x378: {  	v15 =	vmul.f32 v18, v47;
	v18 =	vadd.f32 v44, v44;
	v57 =	vadd.f32 v17, v25  }
0x379: {  	vm0 =	vlt.f32 v46, v1;
	vm12 =	vlt.f32 v53, v1;
	vm15 =	vlt.f32 v46, v62;
	v44 =	vld [tilespmem:s25+$0x4440]  }
0x37a: {  	v46 =	vadd.f32 v46, v46;
	vm13 =	vlt.f32 v55, v1;
	v34 =	vsub.f32 v57, v18  }
0x37b: {  	v18 =	vsub.f32 v49, v30;
	v49 =	vld [tilespmem:$0x1FFE0];
	v58 =	vsub.f32 v4, v41;
	v4 =	vmul.f32 v61, v38  }
0x37c: {  	[tilespmem:$0x1F6A0] =	vst v48;
	v47 =	vsub.f32 v42, v48;
	v48 =	vsel vm0, v62, v1;
	v42 =	vsel vm12, v1, v56  }
0x37d: {  	v6 =	vsel vm15, v0, v48;
	vm9 =	vlt.f32 v53, v62;
	[tilespmem:$0x1F900] =	vst v4;
	v4 =	vmul.f32 v59, v58;
	v58 =	vld [tilespmem:$0x1FFE0]  }
0x37e: {  	v48 =	vadd.f32 v53, v53;
	vm14 =	vlt.f32 v44, v1;
	v11 =	vsel vm9, v62, v42;
	v42 =	vld [tilespmem:$0x1FFE0]  }
0x37f: {  	vm10 =	vlt.f32 v55, v62;
	v53 =	vadd.f32 v55, v55;
	v57 =	vsel vm13, v62, v1  }
0x380: {  	v38 =	vsub.f32 v52, v27;
	v52 =	vsel vm12, v62, v1;
	v21 =	vsel vm0, v1, v49  }
0x381: {  	v55 =	vld [tilespmem:s25+$0x4460];
	v61 =	vsel vm10, v0, v57;
	[tilespmem:$0x1F910] =	vst v4;
	v21 =	vsel vm15, v62, v21;
	v4 =	vsel vm9, v0, v52  }
0x382: {  	v52 =	vld [tilespmem:s25+$0x4450];
	v57 =	vadd.f32 v21, v6;
	v49 =	vsel vm13, v1, v58;
	v58 =	vadd.f32 v11, v4  }
0x383: {  	v31 =	vadd.f32 $0.0e+00, v31;
	vm11 =	vlt.f32 v44, v62;
	v56 =	vsel vm14, v1, v42  }
0x384: {  	v9 =	vmul.f32 v26, v38;
	v38 =	vsub.f32 v57, v46;
	v46 =	vsub.f32 v58, v48;
	v58 =	vld [tilespmem:$0x1FFE0]  }
0x385: {  	v18 =	vmul.f32 v5, v18;
	v42 =	vsel vm11, v62, v56;
	v59 =	vsel vm14, v62, v1  }
0x386: {  	vm15 =	vlt.f32 v55, v62;
	vm13 =	vlt.f32 v55, v1;
	v49 =	vsel vm10, v62, v49  }
0x387: {  	v5 =	vadd.f32 v49, v61;
	v57 =	vpop (erf);
	vm12 =	vlt.f32 v52, v1;
	vm14 =	vlt.f32 v52, v62  }
0x388: {  	v48 =	vmul.f32 v57, v47;
	v56 =	vsel vm12, v62, v1;
	v47 =	vadd.f32 v52, v52  }
0x389: {  	[tilespmem:$0x1F930] =	vst v9;
	v5 =	vsub.f32 v5, v53;
	v9 =	vsel vm14, v0, v56;
	v57 =	vsel vm12, v1, v58  }
0x38a: {  	v53 =	vsel vm13, v62, v1;
	v1 =	vsel vm13, v1, v58;
	v57 =	vsel vm14, v62, v57  }
0x38b: {  	v52 =	vadd.f32 v55, v55;
	v55 =	vsel vm15, v62, v1;
	v1 =	vadd.f32 v57, v9  }
0x38c: {  	v40 =	vmul.f32 $5.000000000e+01, v40  }
0x38d: {  	v31 =	vmul.f32 $1.442695020e+00, v31;
	v3 =	vmul.f32 $5.000000000e+01, v3;
	v47 =	vsub.f32 v1, v47  }
0x38e: {  	v43 =	vmul.f32 $5.000000000e+01, v43;
	v40 =	vadd.f32 $0.0e+00, v40  }
0x38f: {  	(erf) = vpow2.f32 v31;
	v3 =	vadd.f32 $0.0e+00, v3  }
0x390: {  	v43 =	vadd.f32 $0.0e+00, v43;
	v40 =	vmul.f32 $1.442695020e+00, v40;
	v8 =	vsel vm11, v0, v59  }
0x391: {  	v0 =	vsel vm15, v0, v53;
	v53 =	vmul.f32 $5.000000000e+01, v54;
	v1 =	vmul.f32 $5.000000000e+01, v47;
	v47 =	vmovc v4;
	v4 =	vld [tilespmem:$0x1F790]  }
0x392: {  	v50 =	vmul.f32 $5.000000000e+01, v50;
	v44 =	vadd.f32 v44, v44;
	v59 =	vadd.f32 v42, v8  }
0x393: {  	v3 =	vmul.f32 $1.442695020e+00, v3;
	v43 =	vmul.f32 $1.442695020e+00, v43;
	v31 =	vadd.f32 $0.0e+00, v53  }
0x394: {  	(erf) = vpow2.f32 v40;
	v40 =	vadd.f32 $0.0e+00, v50;
	v50 =	vld [tilespmem:$0x1F700];
	v44 =	vsub.f32 v59, v44  }
0x395: {  	v59 =	vld [tilespmem:$0x1F6B0];
	v54 =	vmul.f32 $5.000000000e+01, v45;
	v56 =	vadd.f32 v55, v0;
	v31 =	vmul.f32 $1.442695020e+00, v31  }
0x396: {  	v29 =	vmul.f32 $5.000000000e+01, v29;
	v34 =	vmul.f32 $5.000000000e+01, v34;
	v53 =	vld [tilespmem:$0x1F6C0];
	v4 =	vadd.f32 $1.000000000e+00, v4  }
0x397: {  	v52 =	vsub.f32 v56, v52;
	(erf) = vpow2.f32 v31;
	v31 =	vadd.f32 $0.0e+00, v54;
	v56 =	vld [tilespmem:$0x1F6E0]  }
0x398: {  	(erf) = vpow2.f32 v3;
	v3 =	vadd.f32 $0.0e+00, v29;
	v29 =	vmul.f32 $1.442695020e+00, v40;
	[tilespmem:$0x1F7A0] =	vst v4;
	v4 =	vld [tilespmem:$0x1F7B0]  }
0x399: {  	v34 =	vadd.f32 $0.0e+00, v34;
	(erf) = vpow2.f32 v43;
	v31 =	vmul.f32 $1.442695020e+00, v31  }
0x39a: {  	v26 =	vadd.f32 v39, v13;
	v39 =	vld [tilespmem:$0x1F750];
	(erf) = vpow2.f32 v29;
	v3 =	vmul.f32 $1.442695020e+00, v3  }
0x39b: {  	[tilespmem:$0x1F920] =	vst v27;
	v45 =	vpop (erf);
	v40 =	vld [tilespmem:$0x1F6D0];
	(erf) = vpow2.f32 v31;
	v31 =	vsub.f32 v32, v53;
	v32 =	vmul.f32 $1.442695020e+00, v34  }
0x39c: {  	[tilespmem:$0x1F730] =	vst v28;
	v34 =	vld [tilespmem:$0x1F720];
	v29 =	vsub.f32 v56, v59;
	(erf) = vpow2.f32 v3;
	v3 =	vadd.f32 v7, v50;
	v7 =	vpop (erf)  }
0x39d: {  	[tilespmem:$0x1F760] =	vst v33;
	v56 =	vld [tilespmem:$0x1F6F0];
	v50 =	vmul.f32 v7, v31;
	v7 =	vmul.f32 $5.000000000e+01, v38;
	v4 =	vsub.f32 v4, v63  }
0x39e: {  	[tilespmem:$0x1F860] =	vst v61;
	v54 =	vmul.f32 v45, v29;
	v29 =	vmul.f32 $5.000000000e+01, v46;
	v46 =	vmov v10;
	v10 =	vld [tilespmem:$0x1F770]  }
0x39f: {  	[tilespmem:$0x1F7C0] =	vst v4;
	v4 =	vld [tilespmem:$0x1F7D0]  }
0x3a0: {  	[tilespmem:$0x1F890] =	vst v8;
	v38 =	vld [tilespmem:$0x1F740];
	v7 =	vadd.f32 $0.0e+00, v7  }
0x3a1: {  	[tilespmem:s23+$0xC020] =	vst v26;
	v5 =	vmul.f32 $5.000000000e+01, v5;
	v27 =	vsub.f32 v34, v40  }
0x3a2: {  	[tilespmem:$0x1F8C0] =	vst v9;
	v29 =	vadd.f32 $0.0e+00, v29;
	v34 =	vsub.f32 v60, v22;
	v7 =	vmul.f32 $1.442695020e+00, v7  }
0x3a3: {  	v31 =	vmul.f32 $5.000000000e+01, v44;
	v44 =	vmovc v22;
	[tilespmem:s23+$0xC000] =	vst v3;
	v22 =	vsub.f32 v42, v8;
	v10 =	vsub.f32 v10, v33;
	v33 =	vld [tilespmem:$0x1F7F0]  }
0x3a4: {  	v43 =	vmovc v2;
	(erf) = vpow2.f32 v32;
	v2 =	vsub.f32 v39, v56;
	[tilespmem:$0x1F810] =	vst v34;
	v4 =	vsub.f32 v4, v37  }
0x3a5: {  	v45 =	vmul.f32 $5.000000000e+01, v52;
	v28 =	vsub.f32 v38, v28;
	v38 =	vadd.f32 $0.0e+00, v5;
	v5 =	vpop (erf);
	[tilespmem:$0x1F8A0] =	vst v22  }
0x3a6: {  	v32 =	vld [tilespmem:$0x1F710];
	v34 =	vsub.f32 v57, v9;
	(erf) = vpow2.f32 v7;
	v7 =	vpop (erf);
	[tilespmem:$0x1F7E0] =	vst v4;
	v4 =	vmul.f32 $1.442695020e+00, v29  }
0x3a7: {  	v60 =	vsub.f32 v51, v43;
	[tilespmem:$0x1F780] =	vst v10;
	v10 =	vsub.f32 v11, v47;
	v7 =	vmul.f32 v7, v2  }
0x3a8: {  	[tilespmem:$0x1F8D0] =	vst v34;
	v2 =	vsub.f32 v33, v12;
	v33 =	vld [tilespmem:$0x1F8B0];
	(erf) = vpow2.f32 v4;
	v4 =	vsub.f32 v17, v25  }
0x3a9: {  	v52 =	vmov v6;
	v39 =	vadd.f32 $0.0e+00, v45;
	[tilespmem:$0x1F850] =	vst v10;
	v10 =	vsub.f32 v49, v61  }
0x3aa: {  	v5 =	vmul.f32 v5, v28;
	v28 =	vadd.f32 $0.0e+00, v31;
	v51 =	vpop (erf);
	[tilespmem:$0x1F830] =	vst v4;
	v4 =	vsub.f32 v21, v52  }
0x3ab: {  	v23 =	vadd.f32 v23, v32;
	v31 =	vadd.f32 $0.0e+00, v1;
	v6 =	vmul.f32 v51, v27;
	[tilespmem:$0x1F870] =	vst v10;
	v10 =	vld [tilespmem:$0x1F880]  }
0x3ac: {  	v45 =	vmovc v24;
	v27 =	vmovc v19;
	v51 =	vsub.f32 v20, v19;
	v20 =	vmul.f32 $1.442695020e+00, v38;
	v38 =	vld [tilespmem:$0x1F8F0];
	[tilespmem:$0x1F840] =	vst v4;
	v4 =	vmul.f32 $1.442695020e+00, v28  }
0x3ad: {  	v19 =	vsub.f32 v16, v46;
	v8 =	vpop (erf);
	[tilespmem:$0x1F800] =	vst v2;
	v2 =	vadd.f32 v15, v33;
	v15 =	vmul.f32 $1.442695020e+00, v39;
	v39 =	vld [tilespmem:$0x1F900]  }
0x3ae: {  	v35 =	vsub.f32 v35, v45;
	[tilespmem:s23+$0xC010] =	vst v23;
	v11 =	vmul.f32 $1.442695020e+00, v31;
	v49 =	vld [tilespmem:$0x1F910];
	v3 =	vpop (erf)  }
0x3af: {  	v32 =	vmovc v25;
	v57 =	vld [tilespmem:$0x1F920];
	v8 =	vadd.f32 $1.000000000e+00, v8;
	[tilespmem:$0x1F820] =	vst v19;
	v3 =	vadd.f32 $1.000000000e+00, v3;
	(erf) = vpow2.f32 v20  }
0x3b0: {  	v61 =	vld [tilespmem:$0x1F930];
	[tilespmem:s25+$0xC470] =	vst v10;
	v25 =	vmov v0;
	v0 =	vsub.f32 v55, v0;
	(erf) = vpow2.f32 v4;
	v4 =	vpop (erf)  }
0x3b1: {  	v24 =	vmov v12;
	[tilespmem:s23+$0xC030] =	vst v2;
	v9 =	vadd.f32 $1.000000000e+00, v4;
	v4 =	vadd.f32 v14, v36;
	v14 =	vpop (erf)  }
0x3b2: {  	v42 =	vadd.f32 v39, v38;
	[tilespmem:$0x1F8E0] =	vst v0;
	(erf) = vpow2.f32 v11;
	v11 =	vadd.f32 $1.000000000e+00, v14;
	v13 =	vpop (erf)  }
0x3b3: {  	(erf) = vpow2.f32 v15;
	v14 =	vadd.f32 v18, v30;
	[tilespmem:s23+$0xC040] =	vst v4;
	v4 =	vadd.f32 v49, v41;
	v10 =	vpop (erf)  }
0x3b4: {  	s28 =	simm.s32 $0x300;
	s26 =	simm.s32 $0x180;
	[tilespmem:s23+$0xC050] =	vst v42;
	v13 =	vadd.f32 $1.000000000e+00, v13;
	(erf) = vrcp.f32 v8;
	v10 =	vadd.f32 $1.000000000e+00, v10;
	v55 =	vpop (erf)  }
0x3b5: {  	s29 =	sand.u32 $0x3800, s28;
	s28 =	simm.s32 $0x400;
	s30 =	sand.u32 $0x380, s26;
	(erf) = vrcp.f32 v3;
	[tilespmem:s23+$0xC060] =	vst v4;
	v8 =	vadd.f32 $1.000000000e+00, v55;
	v4 =	vadd.f32 v61, v57;
	v12 =	vpop (erf)  }
.LBB2_9:
0x3b6: {  	v0 =	vld [tilespmem:$0x1F6A0];
	_ =	sdelay $0x1  }
0x3b7: {  	[tilespmem:$0x1F370] =	vst v60;
	v2 =	vpop (erf)  }
0x3b8: {  	[tilespmem:$0x1F470] =	vst v63;
	v16 =	vld [tilespmem:$0x1F730];
	v57 =	vpop (erf)  }
0x3b9: {  	s29 =	sor.u32 s30, s29;
	v1 =	vld [tilespmem:$0x1FFD0];
	[tilespmem:s23+$0xC070] =	vst v14;
	v60 =	vadd.f32 $1.000000000e+00, v57  }
0x3ba: {  	v3 =	vadd.f32 $1.000000000e+00, v12;
	(erf) = vrcp.f32 v9;
	v12 =	vld [tilespmem:s29+$0x4470];
	[tilespmem:s23+$0xC400] =	vst v4;
	v9 =	vadd.f32 v48, v0  }
0x3bb: {  	(erf) = vrcp.f32 v11;
	v4 =	vadd.f32 v54, v59;
	[tilespmem:$0x1F300] =	vst v60;
	v48 =	vld [tilespmem:s29+$0x4000]  }
0x3bc: {  	v61 =	vpop (erf);
	(erf) = vrcp.f32 v13;
	v0 =	vld [tilespmem:$0x1FFF0];
	[tilespmem:s23+$0xC410] =	vst v9;
	v9 =	vadd.f32 v50, v53  }
0x3bd: {  	(erf) = vrcp.f32 v10;
	v10 =	vpop (erf);
	v11 =	vadd.f32 v5, v16;
	v54 =	vld [tilespmem:s29+$0x4010];
	[tilespmem:s23+$0xC420] =	vst v4  }
0x3be: {  	(erf) = vrcp.f32 v8;
	v5 =	vpop (erf);
	v8 =	vadd.f32 v7, v56;
	v55 =	vld [tilespmem:s29+$0x4020];
	[tilespmem:s23+$0xC430] =	vst v9  }
0x3bf: {  	v6 =	vadd.f32 v6, v40;
	(erf) = vrcp.f32 v3;
	v3 =	vpop (erf);
	v56 =	vld [tilespmem:s29+$0x4030];
	[tilespmem:s23+$0xC440] =	vst v11  }
0x3c0: {  	v63 =	vadd.f32 $1.000000000e+00, v61;
	v18 =	vpop (erf);
	v59 =	vld [tilespmem:s29+$0x4040];
	[tilespmem:s23+$0xC450] =	vst v8  }
0x3c1: {  	v19 =	vpop (erf);
	v60 =	vld [tilespmem:s29+$0x4050];
	[tilespmem:s24+$0xC460] =	vst v6;
	s24 =	smov.u32 s23;
	s23 =	smov.u32 s25;
	s25 =	smov.u32 s29  }
0x3c2: {  	v14 =	vadd.f32 $1.000000000e+00, v2;
	[tilespmem:$0x1F310] =	vst v63;
	v50 =	vpop (erf);
	v63 =	vld [tilespmem:s25+$0x4060]  }
0x3c3: {  	[tilespmem:$0x1F490] =	vst v37;
	v17 =	vadd.f32 $1.000000000e+00, v5;
	vm0 =	vlt.f32 v12, v1;
	v20 =	vpop (erf);
	v21 =	vld [tilespmem:s25+$0x4070]  }
0x3c4: {  	v53 =	vadd.f32 $1.000000000e+00, v3;
	(erf) = vrcp.f32 v14;
	vm1 =	vlt.f32 v12, v62;
	[tilespmem:$0x1F350] =	vst v20;
	v22 =	vpop (erf);
	v20 =	vld [tilespmem:s25+$0x4400]  }
0x3c5: {  	v36 =	vmovc v24;
	v4 =	vadd.f32 $1.000000000e+00, v10;
	v3 =	vsel vm0, v62, v1;
	v8 =	vsel vm0, v1, v58;
	[tilespmem:$0x1F360] =	vst v22;
	v22 =	vld [tilespmem:s25+$0x4410]  }
0x3c6: {  	[tilespmem:$0x1F340] =	vst v19;
	vm12 =	vlt.f32 v48, v1;
	v23 =	vsel vm1, v0, v3;
	v57 =	vsel vm1, v62, v8;
	v30 =	vpop (erf);
	v26 =	vld [tilespmem:s25+$0x4420]  }
0x3c7: {  	v19 =	vsel vm12, v62, v1;
	v8 =	vadd.f32 v12, v12;
	v3 =	vadd.f32 v57, v23;
	[tilespmem:$0x1F380] =	vst v30;
	v30 =	vld [tilespmem:s25+$0x4430]  }
0x3c8: {  	v37 =	vmovc v44;
	v14 =	vsel vm12, v1, v58;
	vm13 =	vlt.f32 v54, v1;
	v39 =	vld [tilespmem:s25+$0x4440];
	vm2 =	vlt.f32 v55, v1  }
0x3c9: {  	v38 =	vmovc v43;
	v40 =	vld [tilespmem:s25+$0x4450];
	v42 =	vsel vm13, v62, v1;
	v7 =	vsel vm13, v1, v58;
	v3 =	vsub.f32 v3, v8  }
0x3ca: {  	[tilespmem:$0x1F3A0] =	vst v51;
	v51 =	vld [tilespmem:s25+$0x4460];
	vm3 =	vlt.f32 v56, v1;
	v41 =	vsel vm2, v1, v58;
	vm4 =	vlt.f32 v59, v1  }
0x3cb: {  	v29 =	vpop (erf);
	v8 =	vld [tilespmem:$0x1F8C0];
	v5 =	vsel vm3, v1, v58;
	vm14 =	vlt.f32 v60, v1;
	v3 =	vmul.f32 $5.000000000e+01, v3  }
0x3cc: {  	[tilespmem:$0x1F4B0] =	vst v36;
	v31 =	vpop (erf);
	v49 =	vsel vm4, v1, v58;
	vm15 =	vlt.f32 v63, v1;
	vm8 =	vlt.f32 v21, v1  }
0x3cd: {  	[tilespmem:$0x1F4F0] =	vst v37;
	v33 =	vpop (erf);
	vm9 =	vlt.f32 v20, v1;
	vm10 =	vlt.f32 v22, v1;
	v3 =	vadd.f32 $0.0e+00, v3  }
0x3ce: {  	[tilespmem:$0x1F3B0] =	vst v33;
	v24 =	vsel vm14, v62, v1;
	vm5 =	vlt.f32 v26, v1;
	v33 =	vsel vm14, v1, v58  }
0x3cf: {  	v44 =	vmovc v45;
	[tilespmem:$0x1F320] =	vst v4;
	vm11 =	vlt.f32 v30, v1;
	vm12 =	vlt.f32 v39, v1;
	v4 =	vmul.f32 $1.442695020e+00, v3  }
0x3d0: {  	vm13 =	vlt.f32 v40, v1;
	vm14 =	vlt.f32 v51, v1;
	v36 =	vsel vm15, v1, v58;
	v15 =	vmovc v8;
	v8 =	vld [tilespmem:$0x1F760]  }
0x3d1: {  	[tilespmem:$0x1F530] =	vst v44;
	v34 =	vpop (erf);
	v37 =	vsel vm8, v1, v58;
	v43 =	vsel vm9, v1, v58;
	(erf) = vpow2.f32 v4  }
0x3d2: {  	[tilespmem:$0x1F330] =	vst v17;
	v44 =	vsel vm10, v1, v58;
	v17 =	vsel vm5, v1, v58;
	v2 =	vsel vm11, v1, v58  }
0x3d3: {  	[tilespmem:$0x1F3D0] =	vst v18;
	v11 =	vsel vm12, v1, v58;
	v12 =	vsel vm13, v1, v58;
	v18 =	vsel vm14, v1, v58;
	v58 =	vld [tilespmem:$0x1F8D0]  }
0x3d4: {  	[tilespmem:$0x1F510] =	vst v38  }
0x3d5: {  	[tilespmem:$0x1F6F0] =	vst v15;
	v3 =	vmov v32;
	v15 =	vmov v8  }
0x3d6: {  	v45 =	vmov v52;
	[tilespmem:$0x1F580] =	vst v3;
	v3 =	vld [tilespmem:$0x1F860]  }
0x3d7: {  	[tilespmem:$0x1F6A0] =	vst v45  }
0x3d8: {  	v4 =	vmov v46;
	[tilespmem:$0x1F6D0] =	vst v15;
	v15 =	vmov v58  }
0x3d9: {  	[tilespmem:$0x1F4D0] =	vst v15;
	v15 =	vld [tilespmem:$0x1F780]  }
0x3da: {  	[tilespmem:$0x1F390] =	vst v31;
	v8 =	vpop (erf)  }
0x3db: {  	v38 =	vmovc v47;
	v47 =	vmov v25;
	[tilespmem:$0x1F570] =	vst v4;
	v4 =	vmov v3;
	v8 =	vadd.f32 $1.000000000e+00, v8  }
0x3dc: {  	v9 =	vsel vm2, v62, v1;
	v28 =	vsel vm3, v62, v1;
	v31 =	vsel vm4, v62, v1;
	[tilespmem:$0x1F6C0] =	vst v4;
	v4 =	vld [tilespmem:$0x1F890]  }
0x3dd: {  	v6 =	vmovc v27;
	[tilespmem:$0x1F3C0] =	vst v34;
	vm7 =	vlt.f32 v21, v62;
	vm4 =	vlt.f32 v20, v62;
	(erf) = vrcp.f32 v8  }
0x3de: {  	vm3 =	vlt.f32 v26, v62;
	vm6 =	vlt.f32 v30, v62;
	vm1 =	vlt.f32 v40, v62;
	v25 =	vmovc v15  }
0x3df: {  	v34 =	vsel vm15, v62, v1;
	v52 =	vsel vm10, v62, v1;
	v45 =	vsel vm5, v62, v1;
	[tilespmem:$0x1F4E0] =	vst v25;
	v25 =	vld [tilespmem:$0x1F8E0]  }
0x3e0: {  	[tilespmem:$0x1F550] =	vst v6;
	v61 =	vsel vm11, v62, v1;
	v13 =	vsel vm12, v62, v1;
	v16 =	vsel vm14, v62, v1  }
0x3e1: {  	vm11 =	vlt.f32 v55, v62;
	vm12 =	vlt.f32 v56, v62;
	vm10 =	vlt.f32 v59, v62;
	v6 =	vmovc v4  }
0x3e2: {  	v32 =	vsel vm9, v62, v1;
	vm9 =	vlt.f32 v63, v62;
	[tilespmem:$0x1F730] =	vst v6;
	v6 =	vsel vm7, v62, v37;
	v37 =	vld [tilespmem:$0x1F300]  }
0x3e3: {  	v46 =	vsel vm8, v62, v1;
	v3 =	vsel vm13, v62, v1;
	v1 =	vsel vm4, v62, v43;
	v43 =	vld [tilespmem:$0x1F310]  }
0x3e4: {  	v27 =	vsel vm9, v0, v34;
	v34 =	vsel vm6, v62, v2;
	v4 =	vsel vm9, v62, v36;
	v15 =	vmovc v25  }
0x3e5: {  	v36 =	vsub.f32 v57, v23;
	[tilespmem:$0x1F780] =	vst v15;
	v15 =	vsel vm11, v0, v9;
	v9 =	vsel vm12, v62, v5  }
0x3e6: {  	v5 =	vsel vm10, v62, v49;
	v49 =	vsel vm3, v62, v17;
	v17 =	vsel vm1, v0, v3;
	v3 =	vpop (erf)  }
0x3e7: {  	v46 =	vsel vm7, v0, v46;
	(erf) = vrcp.f32 v37;
	v2 =	vmul.f32 v3, v36;
	v3 =	vld [tilespmem:$0x1F7C0]  }
0x3e8: {  	v30 =	vadd.f32 v30, v30;
	[tilespmem:$0x1F450] =	vst v6;
	(erf) = vrcp.f32 v43;
	v43 =	vadd.f32 v6, v46;
	v6 =	vld [tilespmem:$0x1F340]  }
0x3e9: {  	vm2 =	vlt.f32 v39, v62;
	v39 =	vadd.f32 v39, v39;
	v40 =	vadd.f32 v40, v40  }
0x3ea: {  	vm14 =	vlt.f32 v54, v62;
	vm5 =	vlt.f32 v22, v62;
	vm15 =	vlt.f32 v51, v62  }
0x3eb: {  	v51 =	vadd.f32 v51, v51;
	v7 =	vsel vm14, v62, v7;
	v52 =	vsel vm5, v0, v52  }
0x3ec: {  	[tilespmem:$0x1F760] =	vst v47;
	v47 =	vsel vm3, v0, v45;
	v18 =	vsel vm15, v62, v18;
	vm8 =	vlt.f32 v60, v62  }
0x3ed: {  	vm13 =	vlt.f32 v48, v62;
	v57 =	vsel vm15, v0, v16;
	v16 =	vmul.f32 v6, v3;
	v3 =	vld [tilespmem:$0x1F7E0]  }
0x3ee: {  	v32 =	vsel vm4, v0, v32;
	v24 =	vsel vm8, v0, v24;
	v58 =	vsel vm13, v0, v19  }
0x3ef: {  	v10 =	vsel vm13, v62, v14;
	v19 =	vsel vm11, v62, v41;
	v14 =	vsel vm12, v0, v28  }
0x3f0: {  	v41 =	vsel vm8, v62, v33;
	v33 =	vsel vm2, v62, v11;
	[tilespmem:$0x1F3E0] =	vst v10;
	v11 =	vadd.f32 v10, v58;
	v10 =	vld [tilespmem:$0x1F350]  }
0x3f1: {  	v8 =	vsel vm10, v0, v31;
	v25 =	vsel vm14, v0, v42;
	v42 =	vsel vm5, v62, v44;
	v44 =	vld [tilespmem:$0x1F320]  }
0x3f2: {  	[tilespmem:$0x1F400] =	vst v9;
	v2 =	vadd.f32 v2, v23;
	v23 =	vadd.f32 v9, v14;
	v9 =	vmul.f32 v50, v3;
	v3 =	vld [tilespmem:$0x1F800]  }
0x3f3: {  	v45 =	vld [tilespmem:$0x1F330];
	v31 =	vsel vm6, v0, v61;
	v61 =	vsel vm2, v0, v13;
	v13 =	vadd.f32 v7, v25  }
0x3f4: {  	[tilespmem:$0x1F3F0] =	vst v7;
	v28 =	vsel vm1, v62, v12;
	v0 =	vadd.f32 v18, v57;
	v12 =	vadd.f32 v19, v15  }
0x3f5: {  	[tilespmem:$0x1F430] =	vst v41;
	v37 =	vadd.f32 v41, v24;
	v41 =	vadd.f32 v4, v27  }
0x3f6: {  	[tilespmem:$0x1F420] =	vst v5;
	v36 =	vadd.f32 v5, v8;
	v5 =	vadd.f32 v34, v31  }
0x3f7: {  	[tilespmem:$0x1F410] =	vst v8;
	v8 =	vadd.f32 v33, v61;
	(erf) = vrcp.f32 v44;
	v7 =	vmul.f32 v10, v3;
	v3 =	vld [tilespmem:$0x1F810]  }
0x3f8: {  	v44 =	vadd.f32 v1, v32;
	(erf) = vrcp.f32 v45;
	v45 =	vadd.f32 v42, v52;
	v10 =	vld [tilespmem:$0x1F360]  }
0x3f9: {  	v30 =	vsub.f32 v5, v30;
	v39 =	vsub.f32 v8, v39  }
0x3fa: {  	v6 =	vadd.f32 v48, v48;
	v48 =	vadd.f32 v54, v54  }
0x3fb: {  	(erf) = vrcp.f32 v53;
	v53 =	vld [tilespmem:$0x1F7A0];
	[tilespmem:s25+$0xC470] =	vst v2;
	v54 =	vadd.f32 v56, v56;
	v56 =	vadd.f32 v60, v60  }
0x3fc: {  	v2 =	vadd.f32 v49, v47;
	v60 =	vadd.f32 v63, v63;
	[tilespmem:$0x1F480] =	vst v16;
	v16 =	vld [tilespmem:$0x1F3D0]  }
0x3fd: {  	[tilespmem:$0x1F440] =	vst v4;
	v63 =	vadd.f32 v20, v20;
	v37 =	vsub.f32 v37, v56;
	v4 =	vmul.f32 v10, v3;
	v3 =	vld [tilespmem:$0x1F370]  }
0x3fe: {  	v39 =	vmul.f32 $5.000000000e+01, v39;
	v56 =	vsub.f32 v41, v60;
	v10 =	vadd.f32 v21, v21;
	v21 =	vld [tilespmem:$0x1F380]  }
0x3ff: {  	v60 =	vsub.f32 v44, v63;
	v63 =	vsub.f32 v0, v51;
	v51 =	vld [tilespmem:$0x1F400]  }
0x400: {  	v39 =	vadd.f32 $0.0e+00, v39;
	v50 =	vadd.f32 v55, v55;
	[tilespmem:$0x1F500] =	vst v4;
	v4 =	vmul.f32 v29, v35;
	v35 =	vld [tilespmem:$0x1F820]  }
0x401: {  	v55 =	vadd.f32 v59, v59;
	v29 =	vadd.f32 v26, v26;
	v26 =	vld [tilespmem:$0x1F3B0]  }
0x402: {  	(erf) = vrcp.f32 v53;
	v53 =	vadd.f32 v28, v17;
	[tilespmem:$0x1F4A0] =	vst v9;
	v9 =	vsub.f32 v12, v50;
	v50 =	vld [tilespmem:$0x1F840]  }
0x403: {  	v41 =	vmul.f32 $5.000000000e+01, v60;
	v36 =	vsub.f32 v36, v55;
	v55 =	vld [tilespmem:$0x1F430];
	v3 =	vmul.f32 v21, v3  }
0x404: {  	v30 =	vmul.f32 $5.000000000e+01, v30;
	v8 =	vmul.f32 $1.442695020e+00, v39;
	v40 =	vsub.f32 v53, v40;
	[tilespmem:$0x1F540] =	vst v4;
	v4 =	vld [tilespmem:$0x1F3A0]  }
0x405: {  	v37 =	vmul.f32 $5.000000000e+01, v37;
	v41 =	vadd.f32 $0.0e+00, v41;
	[tilespmem:$0x1F520] =	vst v3;
	v3 =	vadd.f32 v22, v22;
	v22 =	vld [tilespmem:$0x1F390]  }
0x406: {  	v21 =	vmul.f32 v26, v35;
	v35 =	vsub.f32 v11, v6;
	v11 =	vsub.f32 v23, v54;
	v23 =	vld [tilespmem:$0x1F3E0]  }
0x407: {  	[tilespmem:$0x1F460] =	vst v1;
	v59 =	vpop (erf);
	v37 =	vadd.f32 $0.0e+00, v37;
	v0 =	vadd.f32 $1.000000000e+00, v16;
	v16 =	vmul.f32 $1.442695020e+00, v41;
	v41 =	vld [tilespmem:$0x1F3F0]  }
0x408: {  	[tilespmem:$0x1F4C0] =	vst v7;
	v7 =	vsub.f32 v13, v48;
	v48 =	vmul.f32 v59, v50;
	v59 =	vmovc v38;
	v38 =	vmul.f32 $5.000000000e+01, v56;
	v56 =	vld [tilespmem:$0x1F440]  }
0x409: {  	v40 =	vmul.f32 $5.000000000e+01, v40;
	v9 =	vmul.f32 $5.000000000e+01, v9;
	v50 =	vsub.f32 v19, v15;
	v19 =	vld [tilespmem:$0x1F460]  }
0x40a: {  	v10 =	vsub.f32 v43, v10;
	v43 =	vmul.f32 $5.000000000e+01, v63;
	v63 =	vld [tilespmem:$0x1F450];
	v4 =	vmul.f32 v22, v4  }
0x40b: {  	v37 =	vmul.f32 $1.442695020e+00, v37;
	[tilespmem:$0x1F7A0] =	vst v0;
	v6 =	vld [tilespmem:$0x1F3C0];
	v35 =	vmul.f32 $5.000000000e+01, v35;
	v0 =	vsub.f32 v23, v58  }
0x40c: {  	v36 =	vmul.f32 $5.000000000e+01, v36;
	v9 =	vadd.f32 $0.0e+00, v9;
	v43 =	vadd.f32 $0.0e+00, v43;
	[tilespmem:$0x1F560] =	vst v4;
	v4 =	vld [tilespmem:$0x1F830]  }
0x40d: {  	v1 =	vpop (erf);
	v7 =	vmul.f32 $5.000000000e+01, v7;
	v35 =	vadd.f32 $0.0e+00, v35;
	[tilespmem:$0x1F7C0] =	vst v0;
	v0 =	vsub.f32 v41, v25;
	v41 =	vld [tilespmem:$0x1F870]  }
0x40e: {  	v20 =	vpop (erf);
	v36 =	vadd.f32 $0.0e+00, v36;
	v39 =	vmul.f32 $1.442695020e+00, v43;
	v43 =	vld [tilespmem:$0x1F410];
	v23 =	vsub.f32 v42, v52  }
0x40f: {  	v9 =	vmul.f32 $1.442695020e+00, v9;
	v7 =	vadd.f32 $0.0e+00, v7;
	v54 =	vld [tilespmem:$0x1F420];
	v22 =	vpop (erf);
	v35 =	vmul.f32 $1.442695020e+00, v35  }
0x410: {  	v11 =	vmul.f32 $5.000000000e+01, v11;
	v3 =	vsub.f32 v45, v3;
	v45 =	vmov v24;
	v26 =	vpop (erf);
	[tilespmem:$0x1F840] =	vst v23;
	v23 =	vld [tilespmem:$0x1F4F0]  }
0x411: {  	v4 =	vmul.f32 v6, v4;
	v6 =	vpop (erf);
	(erf) = vpow2.f32 v35;
	v35 =	vsub.f32 v55, v45;
	v55 =	vld [tilespmem:$0x1F4A0]  }
0x412: {  	v30 =	vadd.f32 $0.0e+00, v30;
	[tilespmem:$0x1F800] =	vst v50;
	v7 =	vmul.f32 $1.442695020e+00, v7;
	v50 =	vmul.f32 v20, v41;
	v20 =	vld [tilespmem:$0x1F4D0]  }
0x413: {  	v36 =	vmul.f32 $1.442695020e+00, v36;
	v29 =	vsub.f32 v2, v29;
	v11 =	vadd.f32 $0.0e+00, v11;
	v41 =	vld [tilespmem:$0x1F540]  }
0x414: {  	v10 =	vmul.f32 $5.000000000e+01, v10;
	(erf) = vpow2.f32 v7;
	v7 =	vsub.f32 v49, v47;
	v49 =	vld [tilespmem:$0x1F490]  }
0x415: {  	[tilespmem:$0x1F860] =	vst v31;
	v11 =	vmul.f32 $1.442695020e+00, v11;
	(erf) = vpow2.f32 v9;
	v9 =	vsub.f32 v34, v31;
	v34 =	vld [tilespmem:$0x1F850]  }
0x416: {  	[tilespmem:$0x1F8C0] =	vst v17;
	v38 =	vadd.f32 $0.0e+00, v38;
	v29 =	vmul.f32 $5.000000000e+01, v29;
	v31 =	vsub.f32 v28, v17;
	v17 =	vld [tilespmem:$0x1F4B0]  }
0x417: {  	[tilespmem:$0x1F890] =	vst v61;
	v10 =	vadd.f32 $0.0e+00, v10;
	(erf) = vpow2.f32 v11;
	v11 =	vsub.f32 v33, v61;
	v61 =	vld [tilespmem:$0x1F8A0]  }
0x418: {  	v38 =	vmul.f32 $1.442695020e+00, v38;
	[tilespmem:$0x1F7E0] =	vst v0;
	v0 =	vsub.f32 v51, v14;
	v33 =	vsub.f32 v18, v57;
	v18 =	vld [tilespmem:$0x1F4C0]  }
0x419: {  	v29 =	vadd.f32 $0.0e+00, v29;
	v10 =	vmul.f32 $1.442695020e+00, v10;
	(erf) = vpow2.f32 v36;
	[tilespmem:$0x1F8D0] =	vst v31;
	v31 =	vld [tilespmem:$0x1F500]  }
0x41a: {  	v3 =	vmul.f32 $5.000000000e+01, v3;
	[tilespmem:$0x1F810] =	vst v0;
	v0 =	vsub.f32 v63, v46;
	v36 =	vmovc v7;
	(erf) = vpow2.f32 v37;
	v37 =	vld [tilespmem:$0x1F470]  }
0x41b: {  	v40 =	vadd.f32 $0.0e+00, v40;
	v13 =	vmul.f32 $1.442695020e+00, v29;
	v29 =	vmul.f32 $1.442695020e+00, v30;
	[tilespmem:$0x1F850] =	vst v36;
	v36 =	vld [tilespmem:$0x1F520]  }
0x41c: {  	v3 =	vadd.f32 $0.0e+00, v3;
	[tilespmem:$0x1F820] =	vst v0;
	v0 =	vsub.f32 v19, v32;
	(erf) = vpow2.f32 v38;
	v38 =	vld [tilespmem:$0x1F480]  }
0x41d: {  	v44 =	vmovc v14;
	v30 =	vmul.f32 $1.442695020e+00, v40;
	v60 =	vsub.f32 v54, v43;
	v14 =	vadd.f32 v55, v49;
	v49 =	vld [tilespmem:$0x1F550]  }
0x41e: {  	v3 =	vmul.f32 $1.442695020e+00, v3;
	v51 =	vsub.f32 v56, v27;
	[tilespmem:$0x1F830] =	vst v0;
	v55 =	vld [tilespmem:$0x1F560];
	(erf) = vpow2.f32 v10  }
0x41f: {  	v24 =	vmovc v15;
	v63 =	vmovc v58;
	v42 =	vmov v9;
	[tilespmem:$0x1F8E0] =	vst v33;
	v54 =	vmul.f32 v1, v34;
	v34 =	vld [tilespmem:$0x1F510];
	(erf) = vpow2.f32 v16  }
0x420: {  	[tilespmem:$0x1F870] =	vst v42;
	v5 =	vmul.f32 v22, v61;
	v16 =	vmov v11;
	v19 =	vadd.f32 v18, v17;
	v22 =	vld [tilespmem:$0x1F4E0];
	v10 =	vpop (erf)  }
0x421: {  	[tilespmem:s23+$0xC010] =	vst v14;
	(erf) = vpow2.f32 v3;
	v3 =	vadd.f32 $1.000000000e+00, v10;
	v10 =	vpop (erf);
	v7 =	vadd.f32 v38, v37;
	v38 =	vld [tilespmem:$0x1F530]  }
0x422: {  	v61 =	vld [tilespmem:$0x1F580];
	[tilespmem:$0x1F8A0] =	vst v16;
	v33 =	vadd.f32 v31, v23;
	(erf) = vpow2.f32 v13;
	v12 =	vadd.f32 $1.000000000e+00, v10;
	v9 =	vpop (erf)  }
0x423: {  	p0 =	sne.s32 s28, $0x3F00;
	[tilespmem:s23+$0xC020] =	vst v19;
	v37 =	vmovc v25;
	v25 =	vmovc v57;
	(erf) = vpow2.f32 v29;
	v15 =	vadd.f32 v55, v49;
	v57 =	vld [tilespmem:$0x1F570];
	v9 =	vadd.f32 $1.000000000e+00, v9  }
.Ltmp6:
0x424: {  	v10 =	vpop (erf);
	(erf) = vpow2.f32 v8;
	v8 =	vadd.f32 v36, v34;
	[tilespmem:s23+$0xC000] =	vst v7;
	v7 =	vmul.f32 v26, v20;
	(pc) =	sbr.rel @p0 .LBB2_9-.Ltmp6, $4  }
0x425: {  	v53 =	vld [tilespmem:$0x1F6C0];
	[tilespmem:s23+$0xC030] =	vst v33;
	v6 =	vmul.f32 v6, v22;
	v11 =	vadd.f32 $1.000000000e+00, v10;
	v10 =	vpop (erf);
	(erf) = vpow2.f32 v30  }
0x426: {  	v40 =	vld [tilespmem:$0x1F6D0];
	[tilespmem:s23+$0xC060] =	vst v15;
	v13 =	vadd.f32 $1.000000000e+00, v10;
	v10 =	vpop (erf);
	(erf) = vpow2.f32 v39;
	v42 =	vadd.f32 v41, v38  }
0x427: {  	s26 =	sadd.s32 $0x80, s26;
	v56 =	vld [tilespmem:$0x1F6F0];
	v4 =	vadd.f32 v4, v61;
	[tilespmem:s23+$0xC040] =	vst v8;
	v10 =	vadd.f32 $1.000000000e+00, v10;
	(erf) = vrcp.f32 v3;
	v3 =	vpop (erf)  }
0x428: {  	s30 =	sand.u32 $0x380, s26;
	s29 =	sand.u32 $0x3800, s28;
	s28 =	sadd.s32 $0x100, s28;
	v58 =	vld [tilespmem:$0x1FFE0];
	v14 =	vadd.f32 v21, v57;
	v8 =	vadd.f32 $1.000000000e+00, v3;
	(erf) = vrcp.f32 v12;
	v12 =	vpop (erf);
	[tilespmem:s23+$0xC050] =	vst v42  }
0x429: {  	_ = 	snop  }
0x42a: {  	s26 =	sor.u32 s30, s29;
	v1 =	vld [tilespmem:$0x1FFD0];
	[tilespmem:s23+$0xC070] =	vst v14  }
0x42b: {  	v2 =	vld [tilespmem:s26+$0x4470];
	_ =	sdelay $0x1  }
0x42c: {  	v0 =	vld [tilespmem:$0x1FFF0];
	_ =	sdelay $0x2  }
0x42d: {  	vm0 =	vlt.f32 v2, v1  }
0x42e: {  	vm1 =	vlt.f32 v2, v62;
	v3 =	vsel vm0, v62, v1;
	v36 =	vsel vm0, v1, v58  }
0x42f: {  	v3 =	vsel vm1, v0, v3;
	v14 =	vsel vm1, v62, v36  }
0x430: {  	v2 =	vadd.f32 v2, v2;
	v15 =	vadd.f32 v14, v3  }
0x431: {  	v49 =	vld [tilespmem:$0x1F6A0]  }
0x432: {  	v2 =	vsub.f32 v15, v2;
	_ =	sdelay $0x1  }
0x433: {  	(erf) = vrcp.f32 v9;
	v38 =	vpop (erf);
	v57 =	vld [tilespmem:$0x1F730];
	v2 =	vmul.f32 $5.000000000e+01, v2  }
0x434: {  	v12 =	vadd.f32 $1.000000000e+00, v12;
	(erf) = vrcp.f32 v11;
	v39 =	vpop (erf)  }
0x435: {  	[tilespmem:$0x1F2E0] =	vst v32;
	(erf) = vrcp.f32 v13;
	v41 =	vpop (erf);
	v19 =	vadd.f32 v48, v49;
	v2 =	vadd.f32 $0.0e+00, v2  }
0x436: {  	v22 =	vadd.f32 v54, v59;
	v54 =	vld [tilespmem:$0x1F7E0];
	v9 =	vadd.f32 $1.000000000e+00, v38;
	[tilespmem:s23+$0xC400] =	vst v4;
	(erf) = vrcp.f32 v10;
	v10 =	vpop (erf)  }
0x437: {  	v26 =	vadd.f32 v50, v53;
	v21 =	vld [tilespmem:s26+$0x4000];
	(erf) = vrcp.f32 v8;
	[tilespmem:s23+$0xC410] =	vst v19;
	v15 =	vpop (erf);
	v2 =	vmul.f32 $1.442695020e+00, v2  }
0x438: {  	(erf) = vrcp.f32 v12;
	v5 =	vadd.f32 v5, v57;
	v29 =	vld [tilespmem:s26+$0x4010];
	[tilespmem:s23+$0xC420] =	vst v22;
	v12 =	vpop (erf)  }
0x439: {  	v7 =	vadd.f32 v7, v56;
	(erf) = vrcp.f32 v9;
	v33 =	vld [tilespmem:s26+$0x4020];
	[tilespmem:s23+$0xC430] =	vst v26;
	v42 =	vpop (erf)  }
0x43a: {  	v59 =	vadd.f32 v6, v40;
	v8 =	vld [tilespmem:s26+$0x4030];
	[tilespmem:s23+$0xC440] =	vst v5;
	v9 =	vpop (erf);
	(erf) = vpow2.f32 v2  }
0x43b: {  	v61 =	vadd.f32 $1.000000000e+00, v39;
	v34 =	vld [tilespmem:s26+$0x4040];
	[tilespmem:s23+$0xC450] =	vst v7;
	v2 =	vpop (erf)  }
0x43c: {  	v32 =	vadd.f32 $1.000000000e+00, v41;
	v10 =	vadd.f32 $1.000000000e+00, v10;
	vm8 =	vlt.f32 v21, v1;
	v39 =	vld [tilespmem:s26+$0x4050];
	[tilespmem:s24+$0xC460] =	vst v59;
	v16 =	vpop (erf)  }
0x43d: {  	vm13 =	vlt.f32 v21, v62;
	v49 =	vsel vm8, v1, v58;
	v48 =	vsub.f32 v14, v3;
	v14 =	vld [tilespmem:s26+$0x4400];
	v17 =	vpop (erf)  }
0x43e: {  	vm9 =	vlt.f32 v29, v1;
	vm14 =	vlt.f32 v29, v62;
	v36 =	vadd.f32 $1.000000000e+00, v15;
	v15 =	vld [tilespmem:s26+$0x4070];
	v18 =	vpop (erf)  }
0x43f: {  	v29 =	vadd.f32 v29, v29;
	vm2 =	vlt.f32 v33, v1;
	v38 =	vadd.f32 $1.000000000e+00, v12;
	v12 =	vld [tilespmem:s26+$0x4060];
	v20 =	vpop (erf)  }
0x440: {  	v59 =	vsel vm9, v62, v1;
	v28 =	vsel vm9, v1, v58;
	vm15 =	vlt.f32 v33, v62;
	[tilespmem:$0x1F2F0] =	vst v42;
	v42 =	vld [tilespmem:s26+$0x4410];
	v4 =	vpop (erf)  }
0x441: {  	v56 =	vld [tilespmem:$0x1F810];
	vm3 =	vlt.f32 v8, v1;
	v30 =	vsel vm2, v62, v1;
	vm6 =	vlt.f32 v8, v62;
	v23 =	vpop (erf)  }
0x442: {  	vm10 =	vlt.f32 v34, v1;
	v11 =	vsel vm3, v1, v58;
	vm4 =	vlt.f32 v39, v1;
	v31 =	vpop (erf)  }
0x443: {  	v40 =	vsel vm10, v1, v58;
	vm9 =	vlt.f32 v39, v62;
	vm12 =	vlt.f32 v14, v1;
	v55 =	vpop (erf)  }
0x444: {  	v41 =	vsel vm4, v62, v1;
	vm11 =	vlt.f32 v15, v1;
	v19 =	vadd.f32 $1.000000000e+00, v55  }
0x445: {  	vm5 =	vlt.f32 v12, v1;
	vm0 =	vlt.f32 v42, v1;
	v54 =	vmul.f32 v2, v54  }
0x446: {  	v2 =	vsel vm5, v62, v1;
	v5 =	vmul.f32 v17, v56;
	(erf) = vrcp.f32 v19  }
0x447: {  	[tilespmem:$0x1F2D0] =	vst v27;
	v17 =	vsel vm11, v62, v1;
	v27 =	vmul.f32 v18, v60;
	v26 =	vmul.f32 v20, v35  }
0x448: {  	v35 =	vsel vm6, v62, v11;
	v56 =	vmul.f32 v4, v51;
	v51 =	vsel vm12, v1, v58;
	v55 =	vld [tilespmem:$0x1F800]  }
0x449: {  	v50 =	vld [tilespmem:$0x1F7A0];
	v19 =	vsel vm8, v62, v1;
	vm8 =	vlt.f32 v34, v62;
	(erf) = vrcp.f32 v61  }
0x44a: {  	v61 =	vsel vm3, v62, v1;
	v22 =	vsel vm13, v0, v19;
	(erf) = vrcp.f32 v32  }
0x44b: {  	v19 =	vsel vm14, v0, v59;
	v59 =	vadd.f32 v21, v21;
	(erf) = vrcp.f32 v10  }
0x44c: {  	v32 =	vsel vm2, v1, v58;
	v20 =	vsel vm6, v0, v61;
	(erf) = vrcp.f32 v36  }
0x44d: {  	v36 =	vadd.f32 v8, v8;
	(erf) = vrcp.f32 v38;
	v38 =	vmul.f32 v16, v55;
	v55 =	vld [tilespmem:$0x1F830]  }
0x44e: {  	v53 =	vld [tilespmem:$0x1F7C0];
	v16 =	vsel vm5, v1, v58;
	(erf) = vrcp.f32 v50;
	v50 =	vsel vm13, v62, v49  }
0x44f: {  	v49 =	vsel vm12, v62, v1;
	vm12 =	vlt.f32 v14, v62;
	vm13 =	vlt.f32 v42, v62;
	v57 =	vpop (erf)  }
0x450: {  	[tilespmem:$0x1F2C0] =	vst v45;
	v45 =	vsel vm12, v62, v51;
	v13 =	vmul.f32 v57, v48;
	v57 =	vadd.f32 v50, v22  }
0x451: {  	v48 =	vsel vm11, v1, v58;
	vm11 =	vlt.f32 v15, v62;
	v15 =	vadd.f32 v15, v15  }
0x452: {  	v10 =	vmul.f32 v31, v55;
	v55 =	vadd.f32 v42, v42;
	v3 =	vadd.f32 v13, v3  }
0x453: {  	v13 =	vmul.f32 v9, v53;
	v9 =	vsel vm4, v1, v58;
	v53 =	vsel vm14, v62, v28  }
0x454: {  	v28 =	vsel vm15, v0, v30;
	v30 =	vsel vm15, v62, v32;
	v6 =	vsub.f32 v57, v59  }
0x455: {  	v32 =	vadd.f32 v33, v33;
	v33 =	vadd.f32 v35, v20;
	v57 =	vsel vm9, v0, v41  }
0x456: {  	v59 =	vmovc v44;
	v44 =	vsel vm11, v62, v48;
	v48 =	vsel vm0, v1, v58;
	v60 =	vadd.f32 v53, v19  }
0x457: {  	v61 =	vadd.f32 v30, v28;
	v48 =	vsel vm13, v62, v48;
	[tilespmem:$0x1F2B0] =	vst v3;
	v3 =	vsel vm10, v62, v1  }
0x458: {  	v4 =	vsub.f32 v33, v36;
	vm10 =	vlt.f32 v12, v62;
	v12 =	vadd.f32 v12, v12  }
0x459: {  	v6 =	vmul.f32 $5.000000000e+01, v6;
	v33 =	vsel vm11, v0, v17;
	v7 =	vsub.f32 v60, v29  }
0x45a: {  	v8 =	vmovc v24;
	v18 =	vsub.f32 v61, v32;
	v36 =	vsel vm8, v0, v3;
	v24 =	vsel vm10, v0, v2  }
0x45b: {  	v41 =	vsel vm10, v62, v16;
	v2 =	vld [tilespmem:$0x1F820];
	v3 =	vadd.f32 v34, v34;
	v61 =	vadd.f32 v39, v39  }
0x45c: {  	v17 =	vadd.f32 v44, v33;
	v6 =	vadd.f32 $0.0e+00, v6;
	v4 =	vmul.f32 $5.000000000e+01, v4  }
0x45d: {  	v16 =	vld [tilespmem:s26+$0x4440];
	v60 =	vmovc v43;
	v43 =	vsel vm8, v62, v40;
	v40 =	vsel vm9, v62, v9;
	v7 =	vmul.f32 $5.000000000e+01, v7  }
0x45e: {  	v15 =	vsub.f32 v17, v15;
	v32 =	vmul.f32 $5.000000000e+01, v18;
	v9 =	vadd.f32 v40, v57  }
0x45f: {  	v17 =	vld [tilespmem:s26+$0x4420];
	v6 =	vmul.f32 $1.442695020e+00, v6;
	v4 =	vadd.f32 $0.0e+00, v4;
	v39 =	vadd.f32 $0.0e+00, v7  }
0x460: {  	v18 =	vld [tilespmem:s26+$0x4430];
	v51 =	vadd.f32 $0.0e+00, v32;
	v11 =	vmul.f32 v23, v2;
	v2 =	vadd.f32 v43, v36  }
0x461: {  	v29 =	vpop (erf);
	v9 =	vsub.f32 v9, v61;
	v23 =	vsel vm0, v62, v1;
	(erf) = vpow2.f32 v6  }
0x462: {  	v4 =	vmul.f32 $1.442695020e+00, v4;
	vm8 =	vlt.f32 v16, v1;
	vm11 =	vlt.f32 v16, v62  }
0x463: {  	v31 =	vld [tilespmem:$0x1F840];
	v16 =	vadd.f32 v16, v16;
	v34 =	vsel vm13, v0, v23;
	v2 =	vsub.f32 v2, v3  }
0x464: {  	v6 =	vmul.f32 $1.442695020e+00, v39;
	v3 =	vadd.f32 v41, v24;
	v61 =	vadd.f32 v48, v34  }
0x465: {  	vm14 =	vlt.f32 v17, v1;
	vm15 =	vlt.f32 v18, v1;
	vm9 =	vlt.f32 v17, v62  }
0x466: {  	vm10 =	vlt.f32 v18, v62;
	v9 =	vmul.f32 $5.000000000e+01, v9;
	v18 =	vadd.f32 v18, v18  }
0x467: {  	(erf) = vpow2.f32 v6;
	v32 =	vsel vm14, v1, v58;
	v39 =	vsel vm15, v62, v1  }
0x468: {  	v3 =	vsub.f32 v3, v12;
	v12 =	vmul.f32 v29, v31;
	v31 =	vsel vm12, v0, v49  }
0x469: {  	v49 =	vadd.f32 v14, v14;
	v14 =	vmul.f32 $1.442695020e+00, v51;
	v23 =	vsub.f32 v61, v55  }
0x46a: {  	[tilespmem:$0x1F2A0] =	vst v5;
	v5 =	vmovc v46;
	v29 =	vsel vm14, v62, v1;
	v46 =	vsel vm10, v0, v39;
	v2 =	vmul.f32 $5.000000000e+01, v2  }
0x46b: {  	v51 =	vsel vm8, v62, v1;
	v55 =	vsel vm8, v1, v58;
	v9 =	vadd.f32 $0.0e+00, v9  }
0x46c: {  	v21 =	vadd.f32 v45, v31;
	v42 =	vsel vm9, v0, v29;
	v29 =	vsel vm9, v62, v32  }
0x46d: {  	v7 =	vsel vm11, v62, v55;
	(erf) = vpow2.f32 v14;
	v14 =	vadd.f32 v17, v17  }
0x46e: {  	v61 =	vmovc v47;
	v47 =	vsel vm11, v0, v51;
	v2 =	vadd.f32 $0.0e+00, v2;
	v17 =	vld [tilespmem:s26+$0x4450];
	v39 =	vadd.f32 v29, v42  }
0x46f: {  	v51 =	vld [tilespmem:s26+$0x4460];
	v9 =	vmul.f32 $1.442695020e+00, v9;
	v21 =	vsub.f32 v21, v49;
	v49 =	vsel vm15, v1, v58  }
0x470: {  	v3 =	vmul.f32 $5.000000000e+01, v3;
	v6 =	vsel vm10, v62, v49;
	v2 =	vmul.f32 $1.442695020e+00, v2  }
0x471: {  	(erf) = vpow2.f32 v4;
	v32 =	vadd.f32 v7, v47;
	v49 =	vadd.f32 v6, v46  }
0x472: {  	v14 =	vsub.f32 v39, v14;
	v3 =	vadd.f32 $0.0e+00, v3;
	(erf) = vpow2.f32 v2  }
0x473: {  	v2 =	vsub.f32 v32, v16;
	v18 =	vsub.f32 v49, v18;
	(erf) = vpow2.f32 v9  }
0x474: {  	vm12 =	vlt.f32 v17, v1;
	vm13 =	vlt.f32 v51, v1;
	vm14 =	vlt.f32 v17, v62  }
0x475: {  	v4 =	vmovc v52;
	vm15 =	vlt.f32 v51, v62;
	v49 =	vsel vm12, v62, v1;
	v52 =	vsel vm12, v1, v58  }
0x476: {  	v32 =	vsel vm13, v1, v58;
	v9 =	vsel vm14, v0, v49;
	v49 =	vsel vm14, v62, v52  }
0x477: {  	v16 =	vadd.f32 v17, v17;
	v39 =	vsel vm15, v62, v32;
	v32 =	vadd.f32 v49, v9  }
0x478: {  	v15 =	vmul.f32 $5.000000000e+01, v15;
	v3 =	vmul.f32 $1.442695020e+00, v3;
	v55 =	vsel vm13, v62, v1  }
0x479: {  	v52 =	vsel vm15, v0, v55;
	v55 =	vmul.f32 $5.000000000e+01, v21;
	v16 =	vsub.f32 v32, v16;
	v32 =	vld [tilespmem:$0x1F850]  }
0x47a: {  	v15 =	vadd.f32 $0.0e+00, v15  }
0x47b: {  	(erf) = vpow2.f32 v3;
	v3 =	vadd.f32 $0.0e+00, v55  }
0x47c: {  	v13 =	vadd.f32 v13, v63;
	v63 =	vld [tilespmem:$0x1F870];
	v15 =	vmul.f32 $1.442695020e+00, v15  }
0x47d: {  	v14 =	vmul.f32 $5.000000000e+01, v14;
	v21 =	vadd.f32 v51, v51;
	v55 =	vpop (erf);
	v3 =	vmul.f32 $1.442695020e+00, v3  }
0x47e: {  	v17 =	vadd.f32 v39, v52;
	v51 =	vmul.f32 v55, v32;
	v32 =	vmul.f32 $5.000000000e+01, v23  }
0x47f: {  	v2 =	vmul.f32 $5.000000000e+01, v2;
	(erf) = vpow2.f32 v15  }
0x480: {  	v15 =	vsub.f32 v17, v21;
	v55 =	vpop (erf);
	(erf) = vpow2.f32 v3;
	v17 =	vadd.f32 $0.0e+00, v32  }
0x481: {  	v14 =	vadd.f32 $0.0e+00, v14;
	v3 =	vmul.f32 $5.000000000e+01, v18;
	v21 =	vmul.f32 v55, v63;
	v55 =	vld [tilespmem:$0x1F8A0]  }
0x482: {  	v2 =	vadd.f32 $0.0e+00, v2;
	v17 =	vmul.f32 $1.442695020e+00, v17  }
0x483: {  	v14 =	vmul.f32 $1.442695020e+00, v14;
	v16 =	vmul.f32 $5.000000000e+01, v16;
	v3 =	vadd.f32 $0.0e+00, v3  }
0x484: {  	v2 =	vmul.f32 $1.442695020e+00, v2;
	v15 =	vmul.f32 $5.000000000e+01, v15  }
0x485: {  	v16 =	vadd.f32 $0.0e+00, v16;
	v32 =	vpop (erf);
	v3 =	vmul.f32 $1.442695020e+00, v3;
	(erf) = vpow2.f32 v17  }
0x486: {  	v63 =	vadd.f32 $0.0e+00, v15;
	v18 =	vmul.f32 v32, v55;
	v17 =	vpop (erf);
	(erf) = vpow2.f32 v14  }
0x487: {  	v27 =	vadd.f32 v27, v60;
	v32 =	vpop (erf);
	(erf) = vpow2.f32 v3;
	v3 =	vmul.f32 $1.442695020e+00, v16  }
0x488: {  	v60 =	vld [tilespmem:$0x1F2B0];
	v23 =	vadd.f32 v54, v37;
	v54 =	vpop (erf);
	(erf) = vpow2.f32 v2;
	v2 =	vmul.f32 $1.442695020e+00, v63  }
0x489: {  	v37 =	vld [tilespmem:$0x1F780];
	v55 =	vpop (erf);
	(erf) = vpow2.f32 v3;
	v3 =	vadd.f32 $1.000000000e+00, v54  }
0x48a: {  	v63 =	vpop (erf);
	(erf) = vpow2.f32 v2;
	v2 =	vadd.f32 $1.000000000e+00, v55;
	v55 =	vld [tilespmem:$0x1F2A0]  }
0x48b: {  	v54 =	vpop (erf);
	v16 =	vadd.f32 $1.000000000e+00, v63;
	v63 =	vld [tilespmem:$0x1F2C0]  }
0x48c: {  	v14 =	vadd.f32 $1.000000000e+00, v54;
	v54 =	vld [tilespmem:$0x1F2D0]  }
0x48d: {  	v38 =	vadd.f32 v38, v8;
	(erf) = vrcp.f32 v3;
	v3 =	vpop (erf)  }
0x48e: {  	v11 =	vadd.f32 v11, v5;
	[tilespmem:s25+$0xC040] =	vst v27;
	v27 =	vld [tilespmem:$0x1F890];
	(erf) = vrcp.f32 v2;
	v2 =	vpop (erf);
	v3 =	vadd.f32 $1.000000000e+00, v3  }
0x48f: {  	v12 =	vadd.f32 v12, v4;
	v1 =	vld [tilespmem:$0x1F8D0];
	v2 =	vadd.f32 $1.000000000e+00, v2  }
0x490: {  	v15 =	vmul.f32 v32, v37;
	(erf) = vrcp.f32 v16;
	v32 =	vadd.f32 v55, v59;
	v37 =	vpop (erf)  }
0x491: {  	[tilespmem:s26+$0xC470] =	vst v60;
	(erf) = vrcp.f32 v14;
	v26 =	vadd.f32 v26, v63;
	v55 =	vadd.f32 v56, v54;
	v56 =	vpop (erf)  }
0x492: {  	[tilespmem:s25+$0xC000] =	vst v13;
	v59 =	vld [tilespmem:$0x1F2E0];
	v16 =	vadd.f32 $1.000000000e+00, v37;
	v63 =	vadd.f32 v51, v61;
	(erf) = vrcp.f32 v3;
	v3 =	vpop (erf)  }
0x493: {  	[tilespmem:s25+$0xC030] =	vst v32;
	v32 =	vadd.f32 v18, v27;
	(erf) = vrcp.f32 v2;
	v2 =	vpop (erf);
	v3 =	vadd.f32 $1.000000000e+00, v3  }
0x494: {  	v17 =	vmul.f32 v17, v1;
	v37 =	vld [tilespmem:$0x1F8C0];
	v14 =	vadd.f32 $1.000000000e+00, v56;
	[tilespmem:s25+$0xC050] =	vst v26;
	v2 =	vadd.f32 $1.000000000e+00, v2  }
0x495: {  	v61 =	vsub.f32 v53, v19;
	v54 =	vld [tilespmem:$0x1F760];
	[tilespmem:s25+$0xC420] =	vst v63;
	v63 =	vsub.f32 v30, v28;
	(erf) = vrcp.f32 v16;
	v60 =	vpop (erf)  }
0x496: {  	v26 =	vld [tilespmem:$0x1F860];
	[tilespmem:s25+$0xC440] =	vst v32;
	v32 =	vsub.f32 v40, v57;
	v40 =	vsub.f32 v41, v24;
	(erf) = vrcp.f32 v14;
	v8 =	vpop (erf)  }
0x497: {  	[tilespmem:s25+$0xC020] =	vst v38;
	v56 =	vld [tilespmem:$0x1F2F0];
	v41 =	vsub.f32 v44, v33;
	v10 =	vadd.f32 v10, v59;
	(erf) = vrcp.f32 v3;
	v3 =	vpop (erf)  }
0x498: {  	[tilespmem:s25+$0xC070] =	vst v11;
	v16 =	vadd.f32 $1.000000000e+00, v60;
	(erf) = vrcp.f32 v2;
	v2 =	vpop (erf);
	v3 =	vadd.f32 $1.000000000e+00, v3  }
0x499: {  	[tilespmem:s25+$0xC410] =	vst v12;
	v14 =	vadd.f32 $1.000000000e+00, v8;
	v2 =	vadd.f32 $1.000000000e+00, v2  }
0x49a: {  	[tilespmem:s25+$0xC060] =	vst v55;
	v38 =	vadd.f32 v17, v37;
	v60 =	vsub.f32 v50, v22;
	(erf) = vrcp.f32 v16;
	v51 =	vpop (erf)  }
0x49b: {  	[tilespmem:s25+$0xC400] =	vst v10;
	v10 =	vadd.f32 v15, v54;
	v21 =	vadd.f32 v21, v26;
	(erf) = vrcp.f32 v14;
	v55 =	vpop (erf)  }
0x49c: {  	[tilespmem:s25+$0xC010] =	vst v23;
	v59 =	vadd.f32 $1.000000000e+00, v56;
	(erf) = vrcp.f32 v3;
	v18 =	vmul.f32 v55, v60;
	v3 =	vpop (erf)  }
0x49d: {  	[tilespmem:s25+$0xC430] =	vst v21;
	v21 =	vsub.f32 v35, v20;
	(erf) = vrcp.f32 v2;
	v2 =	vpop (erf);
	v3 =	vmul.f32 v3, v61  }
0x49e: {  	v26 =	vsub.f32 v43, v36;
	[tilespmem:s25+$0xC450] =	vst v38;
	v8 =	vadd.f32 v18, v22;
	v2 =	vmul.f32 v2, v63;
	v23 =	vpop (erf)  }
0x49f: {  	[tilespmem:s23+$0xC460] =	vst v10;
	v38 =	vadd.f32 $1.000000000e+00, v51;
	v27 =	vmul.f32 v23, v21;
	v30 =	vpop (erf);
	v3 =	vadd.f32 v3, v19  }
0x4a0: {  	(erf) = vrcp.f32 v59;
	[tilespmem:s26+$0xC000] =	vst v8;
	v35 =	vmul.f32 v30, v26;
	v37 =	vpop (erf);
	v2 =	vadd.f32 v2, v28  }
0x4a1: {  	(erf) = vrcp.f32 v38;
	v12 =	vmul.f32 v37, v32;
	[tilespmem:s26+$0xC010] =	vst v3;
	v3 =	vadd.f32 v27, v20;
	v43 =	vpop (erf)  }
0x4a2: {  	v5 =	vmul.f32 v43, v40;
	[tilespmem:s26+$0xC020] =	vst v2;
	v2 =	vsub.f32 v45, v31;
	v10 =	vadd.f32 v35, v36;
	v44 =	vpop (erf)  }
0x4a3: {  	v8 =	vmul.f32 v44, v41;
	[tilespmem:s26+$0xC030] =	vst v3;
	v3 =	vsub.f32 v48, v34;
	v45 =	vadd.f32 v12, v57;
	v48 =	vpop (erf)  }
0x4a4: {  	v50 =	vsub.f32 v29, v42;
	v2 =	vmul.f32 v48, v2;
	[tilespmem:s26+$0xC040] =	vst v10;
	v5 =	vadd.f32 v5, v24;
	v51 =	vpop (erf)  }
0x4a5: {  	v6 =	vsub.f32 v6, v46;
	v61 =	vld [tilespmem:$0x1F8E0];
	v3 =	vmul.f32 v51, v3;
	[tilespmem:s26+$0xC050] =	vst v45;
	v8 =	vadd.f32 v8, v33;
	v53 =	vpop (erf)  }
0x4a6: {  	v54 =	vsub.f32 v7, v47;
	v4 =	vmul.f32 v53, v50;
	[tilespmem:s26+$0xC060] =	vst v5;
	v2 =	vadd.f32 v2, v31;
	v55 =	vpop (erf)  }
0x4a7: {  	v56 =	vsub.f32 v49, v9;
	v6 =	vmul.f32 v55, v6;
	[tilespmem:s26+$0xC070] =	vst v8;
	v3 =	vadd.f32 v3, v34;
	v57 =	vpop (erf)  }
0x4a8: {  	v5 =	vmul.f32 v57, v54;
	[tilespmem:s26+$0xC400] =	vst v2;
	v2 =	vadd.f32 v4, v42;
	v59 =	vpop (erf)  }
0x4a9: {  	v4 =	vmul.f32 v59, v56;
	[tilespmem:s26+$0xC410] =	vst v3;
	v3 =	vsub.f32 v39, v52;
	v6 =	vadd.f32 v6, v46;
	v60 =	vpop (erf)  }
0x4aa: {  	v7 =	vmul.f32 v60, v61;
	[tilespmem:s26+$0xC420] =	vst v2;
	v2 =	vadd.f32 v5, v47;
	v63 =	vpop (erf)  }
0x4ab: {  	p0 =	seq.s32 s21, $0x14;
	[tilespmem:s26+$0xC430] =	vst v6;
	v4 =	vadd.f32 v4, v9;
	v3 =	vmul.f32 v63, v3  }
.Ltmp7:
0x4ac: {  	[tilespmem:s26+$0xC440] =	vst v2;
	v2 =	vadd.f32 v7, v25;
	(pc) =	sbr.rel @p0 .LBB2_12-.Ltmp7, $4  }
0x4ad: {  	[tilespmem:s26+$0xC450] =	vst v4;
	v3 =	vadd.f32 v3, v52  }
0x4ae: {  	[tilespmem:s25+$0xC460] =	vst v2  }
0x4af: {  	s31 =	sadd.s32 s22, s8;
	[tilespmem:s26+$0xC460] =	vst v3  }
0x4b0: {  	[hbm4b:s31+s3] =	stream.linear.scatter [tilespmem:s18], [sflag:$0x4], $0x4000, $0x38;
	[tilespmem:$0x10080] =	vst v63  }
.Ltmp8:
0x4b1: {  	(pc) =	sbr.rel .LBB2_2-.Ltmp8, $3  }
0x4b2: {  	_ =	sdelay $0x1  }
0x4b3: {  	s22 =	sadd.s32 s22, s9;
	s21 =	sadd.s32 $0x1, s21  }
0x4b4: {  	v2 =	vmov v0;
	[tilespmem:s13], [sflag:$0x2] =	stream.linear.gather [hbm4b:s22+s3], $0x4000, $0x38;
	[tilespmem:$0x10080] =	vst v63  }
.LBB2_13:
0x4b5: {  	_ =	sfence.sel $0x180000  }
0x4b6: {  	[bflag:$0x0] =	sbarrier.arrive $0xFFFF  }
0x4b7: {  	p0 =	sne.s32 s2, $0x0;
	_ =	strace $0x90000047  }
0x4b8: {  	s0 =	sadd.s32 @!p0 $0x100000, s0;
	[bflag:$0x2] =	sbarrier.arrive $0xFFFF  }
0x4b9: {  	[sflag:s0] =	ssyncadd.tile.s32 @!p0 $0x1;
	_ =	shalt  }
.Lfunc_end2:
_tile_overlayer_lowered:
.L_overlay_start_2:
0x4ba: {  	(tag) =	ssettag $0x2  }
0x4bb: {  	s0 =	rddreg [dreg:$0x0];
	s2 =	stileid.u32  }
0x4bc: {  	s1 =	rddreg [dreg:$0x1];
	p0 =	sne.s32 s2, $0x0  }
0x4bd: {  	s3 =	rddreg [dreg:$0x2];
	[bflag:$0x3] =	sbarrier.arrive $0xFFFF;
	s2 =	simm.s32 @!p0 $0x1C05  }
0x4be: {  	[timem:s3], [sflag:s2] =	dma.local @!p0 [hbm:s0], s1  }
0x4bf: {  	s0 =	simm.s32 @!p0 $0x5  }
0x4c0: {  	_ =	swait.ge @!p0 [sflag:s0], s1  }
0x4c1: {  	s1 =	ssub.s32 @!p0 $0x0, s1;
	[sflag:s0] =	ssyncset.done @!p0 $0x0  }
0x4c2: {  	[sflag:s0] =	ssyncadd.s32 @!p0 s1  }
0x4c3: {  	[bflag:$0x3] =	sbarrier.arrive $0xFFFF  }
0x4c4: {  	_ =	shalt  }

</sc_bundles>
